<compile_context>
chip_gen: v7x
topology: tpu7x:2x2x1
jax: 0.10.2.dev20260603
libtpu: 0.0.44.dev20260713+nightly
codegen_flags: <defaults>
</compile_context>

<pallas_src>
import functools

import jax
import jax.numpy as jnp
from jax import lax
from jax.experimental import pallas as pl
from jax.experimental.pallas import tpu as pltpu
from jax.experimental.pallas import tpu_sc as plsc

_B = 16384
_D = 32
_H = 50
_HP = 64
_GNRP = 32
_NGNR = 20
_GD = 128
_POOL_PIVOT = 0.6
_LANES = 16
_G = 16
_NW = 32
_BW = _B // _NW
_GROUPS = _BW // _G

_OFF_UE, _OFF_IE, _OFF_UP, _OFF_IP = 0, 32, 64, 96
_OFF_URM, _OFF_IRM, _OFF_GNR = 128, 129, 130
_OFF_YR, _OFF_TS, _OFF_GNM = 150, 151, 152
_OFF_UEIE, _OFF_UEIP, _OFF_IEUP, _OFF_TSIE = 280, 312, 344, 376


def _splat(x):
    return jnp.full((_LANES,), x, dtype=jnp.int32)


@functools.lru_cache(maxsize=2)
def _build(n_users_p1, n_items_p1):
    f32, i32 = jnp.float32, jnp.int32
    pad_user = n_users_p1 - 1
    pad_item = n_items_p1 - 1
    mesh = plsc.VectorSubcoreMesh(core_axis_name="c", subcore_axis_name="s")
    num_cores = mesh.num_cores

    def body(uids_h, mids_h, ts_h, uemb_h, iemb_h, uh_h, ur_h, ih_h, ir_h,
             gnr_h, yr_h, gnm_h, hw_h, hb_h, out_h,
             uids_v, mids_v, ts_v, hw_v, hb_v, out_v,
             ue_v, ie_v, uid_v, urt_v, iid_v, irt_v,
             urow_v, irow_v, gnr_v, gnm_v, yr_v, sem1, sem2):
        wid = lax.axis_index("s") * num_cores + lax.axis_index("c")
        base0 = wid * _BW
        pltpu.sync_copy(uids_h.at[pl.ds(wid * _GROUPS, _GROUPS)], uids_v)
        pltpu.sync_copy(mids_h.at[pl.ds(wid * _GROUPS, _GROUPS)], mids_v)
        pltpu.sync_copy(ts_h.at[pl.ds(base0, _BW)], ts_v)
        pltpu.sync_copy(hw_h, hw_v)
        pltpu.sync_copy(hb_h, hb_v)

        lane = jnp.arange(_LANES, dtype=i32)

        def hw_at(i):
            return plsc.load_gather(hw_v, [_splat(i)])

        def pool_side(id_ref, rt_ref, row_ref, other_ref, pad_id,
                      off_pool, off_cross, off_rm):
            def jbody(j, carry):
                accs, absw, rsum, cnt = carry
                jv = _splat(j)
                idv = plsc.load_gather(id_ref, [lane, jv])
                rv = plsc.load_gather(rt_ref, [lane, jv])
                valid = jnp.where(idv == pad_id, 0.0, 1.0).astype(f32)
                w = (rv - _POOL_PIVOT) * valid
                ridx = lane * _HP + jv
                nacc = tuple(
                    accs[d] + w * plsc.load_gather(row_ref, [ridx, _splat(d)])
                    for d in range(_D))
                return (nacc, absw + jnp.abs(w), rsum + rv * valid, cnt + valid)

            z = jnp.zeros((_LANES,), f32)
            init = (tuple(z for _ in range(_D)), z, z, z)
            accs, absw, rsum, cnt = lax.fori_loop(0, _H, jbody, init)
            recip = 1.0 / jnp.maximum(absw, 1e-6)
            ratmean = rsum / jnp.maximum(cnt, 1.0)
            part = jnp.zeros((_LANES,), f32)
            for d in range(_D):
                oe = plsc.load_gather(other_ref, [lane, _splat(d)])
                part = part + accs[d] * (hw_at(off_pool + d) +
                                         oe * hw_at(off_cross + d))
            return recip * part + ratmean * hw_at(off_rm)

        def group(g, carry):
            gb = g * _G
            uidx = uids_v.at[g]
            midx = mids_v.at[g]
            s1 = [
                (uemb_h.at[uidx], ue_v), (iemb_h.at[midx], ie_v),
                (uh_h.at[uidx], uid_v), (ur_h.at[uidx], urt_v),
                (ih_h.at[midx], iid_v), (ir_h.at[midx], irt_v),
                (gnr_h.at[midx], gnr_v), (gnm_h.at[midx], gnm_v),
                (yr_h.at[midx], yr_v),
            ]
            for a in range(0, len(s1), 5):
                wave = [pltpu.async_copy(src, dst, sem1)
                        for src, dst in s1[a:a + 5]]
                for c in wave:
                    c.wait()

            def s2body(t, c2):
                cps = []
                for k in range(4):
                    s = t * 4 + k
                    cps.append(
                        pltpu.async_copy(iemb_h.at[uid_v.at[s]],
                                         urow_v.at[pl.ds(s * _HP, _HP)],
                                         sem2))
                    cps.append(
                        pltpu.async_copy(uemb_h.at[iid_v.at[s]],
                                         irow_v.at[pl.ds(s * _HP, _HP)],
                                         sem2))
                for c in cps:
                    c.wait()
                return c2

            lax.fori_loop(0, _G // 4, s2body, 0)

            tsv = ts_v[pl.ds(gb, _G)]
            logit = hb_v[...]
            logit = logit + pool_side(uid_v, urt_v, urow_v, ie_v, pad_item,
                                      _OFF_UP, _OFF_IEUP, _OFF_URM)
            logit = logit + pool_side(iid_v, irt_v, irow_v, ue_v, pad_user,
                                      _OFF_IP, _OFF_UEIP, _OFF_IRM)
            for d in range(_D):
                ue_d = plsc.load_gather(ue_v, [lane, _splat(d)])
                ie_d = plsc.load_gather(ie_v, [lane, _splat(d)])
                logit = logit + ue_d * (hw_at(_OFF_UE + d) +
                                        ie_d * hw_at(_OFF_UEIE + d))
                logit = logit + ie_d * (hw_at(_OFF_IE + d) +
                                        tsv * hw_at(_OFF_TSIE + d))
            for d in range(_NGNR):
                logit = logit + (plsc.load_gather(gnr_v, [lane, _splat(d)]) *
                                 hw_at(_OFF_GNR + d))

            def gbody(d, acc):
                dv = _splat(d)
                return acc + (plsc.load_gather(gnm_v, [lane, dv]) *
                              plsc.load_gather(hw_v, [dv + _OFF_GNM]))
            logit = lax.fori_loop(0, _GD, gbody, logit)

            yrv = plsc.load_gather(yr_v, [lane, _splat(0)])
            logit = logit + yrv * hw_at(_OFF_YR) + tsv * hw_at(_OFF_TS)
            out_v[pl.ds(gb, _G)] = 1.0 / (1.0 + jnp.exp(-logit))
            return carry

        lax.fori_loop(0, _GROUPS, group, 0)
        pltpu.sync_copy(out_v, out_h.at[pl.ds(base0, _BW)])

    return pl.kernel(
        body,
        out_type=jax.ShapeDtypeStruct((_B,), jnp.float32),
        mesh=mesh,
        compiler_params=pltpu.CompilerParams(needs_layout_passes=False,
                                             use_tc_tiling_on_sc=False),
        scratch_types=[
            pltpu.VMEM((_GROUPS, _G), i32),
            pltpu.VMEM((_GROUPS, _G), i32),
            pltpu.VMEM((_BW,), f32),
            pltpu.VMEM((408,), f32),
            pltpu.VMEM((_LANES,), f32),
            pltpu.VMEM((_BW,), f32),
            pltpu.VMEM((_G, _D), f32),
            pltpu.VMEM((_G, _D), f32),
            pltpu.VMEM((_G, _HP), i32),
            pltpu.VMEM((_G, _HP), f32),
            pltpu.VMEM((_G, _HP), i32),
            pltpu.VMEM((_G, _HP), f32),
            pltpu.VMEM((_G * _HP, _D), f32),
            pltpu.VMEM((_G * _HP, _D), f32),
            pltpu.VMEM((_G, _GNRP), f32),
            pltpu.VMEM((_G, _GD), f32),
            pltpu.VMEM((_G, 16), f32),
            pltpu.SemaphoreType.DMA,
            pltpu.SemaphoreType.DMA,
        ],
    )


def kernel(uids, mids, ts, user_embed_w, item_embed_w, user_hist,
           user_hist_rat, item_hist, item_hist_rat, movie_genres, movie_year,
           genome, head_w, head_b):
    k = _build(user_embed_w.shape[0], item_embed_w.shape[0])
    n = movie_year.shape[0]
    hpad = ((0, 0), (0, _HP - _H))
    return k(uids.astype(jnp.int32).reshape(_B // _G, _G),
             mids.astype(jnp.int32).reshape(_B // _G, _G), ts,
             user_embed_w, item_embed_w,
             jnp.pad(user_hist.astype(jnp.int32), hpad),
             jnp.pad(user_hist_rat, hpad),
             jnp.pad(item_hist.astype(jnp.int32), hpad),
             jnp.pad(item_hist_rat, hpad),
             jnp.pad(movie_genres, ((0, 0), (0, _GNRP - _NGNR))),
             jnp.broadcast_to(movie_year[:, None], (n, 16)), genome,
             head_w.reshape(-1), jnp.broadcast_to(head_b, (_LANES,)))

# --- scband reference (transcript-rebuilt; emitter-appended) ---
"""Pipeline reference for scband-linear-baseline-52467320487994 (READ-ONLY COPY).

The authoritative reference and input builder live on the scoring server;
editing this copy changes nothing except your own understanding.
"""

import jax, jax.numpy as jnp
import numpy as np

POOL_PIVOT = 0.6
NUM_USERS = 100000
NUM_ITEMS = 100000
NUM_GENRES = 20
GENOME_DIM = 128
D = 32
HIST = 50
B = 16384
PAD_IDX = NUM_ITEMS
USER_PAD_IDX = NUM_USERS


def _pool_rating_centered(embed, ratings, valid):
    # mode 'rating_centered' from _pool_history (no decay): w = (ratings - pivot) * valid
    w = (ratings - POOL_PIVOT) * valid
    denom = jnp.clip(jnp.sum(jnp.abs(w), axis=1, keepdims=True), 1e-06, None)
    return jnp.sum(embed * w[..., None], axis=1) / denom


def setup_inputs(seed: int = 0):
    key = jax.random.key(seed)
    ks = jax.random.split(key, 14)
    uids = jax.random.randint(ks[0], (B,), 0, NUM_USERS)
    mids = jax.random.randint(ks[1], (B,), 0, NUM_ITEMS)
    ts = jax.random.uniform(ks[2], (B,), dtype=jnp.float32)
    user_embed_w = jax.random.normal(ks[3], (NUM_USERS + 1, D), dtype=jnp.float32) * 0.02
    user_embed_w = user_embed_w.at[USER_PAD_IDX].set(0.0)  # padding_idx row
    item_embed_w = jax.random.normal(ks[4], (NUM_ITEMS + 1, D), dtype=jnp.float32) * 0.02
    item_embed_w = item_embed_w.at[PAD_IDX].set(0.0)  # padding_idx row
    user_hist = jax.random.randint(ks[5], (NUM_USERS + 1, HIST), 0, NUM_ITEMS + 1)
    user_hist_rat = jax.random.uniform(ks[6], (NUM_USERS + 1, HIST), dtype=jnp.float32)
    item_hist = jax.random.randint(ks[7], (NUM_ITEMS + 1, HIST), 0, NUM_USERS + 1)
    item_hist_rat = jax.random.uniform(ks[8], (NUM_ITEMS + 1, HIST), dtype=jnp.float32)
    movie_genres = (jax.random.uniform(ks[9], (NUM_ITEMS + 1, NUM_GENRES)) < 0.15).astype(jnp.float32)
    movie_year = jax.random.uniform(ks[10], (NUM_ITEMS + 1,), dtype=jnp.float32)
    genome = jax.random.uniform(ks[11], (NUM_ITEMS + 1, GENOME_DIM), dtype=jnp.float32)
    in_dim = 4 * D + 2 + NUM_GENRES + 2 + GENOME_DIM + 3 * D + D  # = 408 with CROSS_FIELDS=1, CROSS_TS_ITEM=1
    head_w = jax.random.normal(ks[12], (in_dim, 1), dtype=jnp.float32) * 0.02
    head_b = jnp.zeros((1,), dtype=jnp.float32)
    return {"uids": uids, "mids": mids, "ts": ts,
            "user_embed_w": user_embed_w, "item_embed_w": item_embed_w,
            "user_hist": user_hist, "user_hist_rat": user_hist_rat,
            "item_hist": item_hist, "item_hist_rat": item_hist_rat,
            "movie_genres": movie_genres, "movie_year": movie_year,
            "genome": genome, "head_w": head_w, "head_b": head_b}


def reference(uids, mids, ts, user_embed_w, item_embed_w, user_hist, user_hist_rat,
              item_hist, item_hist_rat, movie_genres, movie_year, genome, head_w, head_b):
    u_e = jnp.take(user_embed_w, uids, axis=0)
    i_e = jnp.take(item_embed_w, mids, axis=0)
    # user-side history of items
    u_h = jnp.take(user_hist, uids, axis=0)
    u_r = jnp.take(user_hist_rat, uids, axis=0)
    u_h_e = jnp.take(item_embed_w, u_h, axis=0)
    u_valid = (u_h != PAD_IDX).astype(jnp.float32)
    u_count = jnp.clip(jnp.sum(u_valid, axis=1), 1.0, None)
    u_pool = _pool_rating_centered(u_h_e, u_r, u_valid)
    u_rat_mean = (jnp.sum(u_r * u_valid, axis=1) / u_count)[:, None]
    # item-side history of users
    i_h = jnp.take(item_hist, mids, axis=0)
    i_r = jnp.take(item_hist_rat, mids, axis=0)
    i_h_e = jnp.take(user_embed_w, i_h, axis=0)
    i_valid = (i_h != USER_PAD_IDX).astype(jnp.float32)
    i_count = jnp.clip(jnp.sum(i_valid, axis=1), 1.0, None)
    i_pool = _pool_rating_centered(i_h_e, i_r, i_valid)
    i_rat_mean = (jnp.sum(i_r * i_valid, axis=1) / i_count)[:, None]
    genres = jnp.take(movie_genres, mids, axis=0)
    year = jnp.take(movie_year, mids, axis=0)[:, None]
    gen = jnp.take(genome, mids, axis=0)
    ts_f = ts[:, None]
    feats = jnp.concatenate([
        u_e, i_e, u_pool, i_pool,            # 4*D
        u_rat_mean, i_rat_mean,              # +2
        genres,                              # +num_genres
        year, ts_f,                          # +2
        gen,                                 # +genome_dim
        u_e * i_e, u_e * i_pool, i_e * u_pool,  # CROSS_FIELDS: +3*D
        ts_f * i_e,                          # CROSS_TS_ITEM: +D
    ], axis=-1)
    logit = feats @ head_w + head_b
    return jax.nn.sigmoid(logit)[:, 0]

if __name__ == "__main__":
    import jax
    _d = setup_inputs()
    print(jax.jit(kernel)(*tuple(_d.values())))

</pallas_src>

<mosaic_0001>
#map = affine_map<(d0, d1) -> (0, 0)>
#map1 = affine_map<(d0, d1) -> (0)>
module attributes {stable_mosaic.version = 14 : i64} {
  func.func @body(%arg0: i32, %arg1: i32, %arg2: memref<1024x16xi32, #tpu.memory_space<hbm>>, %arg3: memref<1024x16xi32, #tpu.memory_space<hbm>>, %arg4: memref<16384xf32, #tpu.memory_space<hbm>>, %arg5: memref<100001x32xf32, #tpu.memory_space<hbm>>, %arg6: memref<100001x32xf32, #tpu.memory_space<hbm>>, %arg7: memref<100001x64xi32, #tpu.memory_space<hbm>>, %arg8: memref<100001x64xf32, #tpu.memory_space<hbm>>, %arg9: memref<100001x64xi32, #tpu.memory_space<hbm>>, %arg10: memref<100001x64xf32, #tpu.memory_space<hbm>>, %arg11: memref<100001x32xf32, #tpu.memory_space<hbm>>, %arg12: memref<100001x16xf32, #tpu.memory_space<hbm>>, %arg13: memref<100001x128xf32, #tpu.memory_space<hbm>>, %arg14: memref<408xf32, #tpu.memory_space<hbm>>, %arg15: memref<16xf32, #tpu.memory_space<hbm>>, %arg16: memref<16384xf32, #tpu.memory_space<hbm>>, %arg17: memref<32x16xi32, #tpu.memory_space<vmem>>, %arg18: memref<32x16xi32, #tpu.memory_space<vmem>>, %arg19: memref<512xf32, #tpu.memory_space<vmem>>, %arg20: memref<408xf32, #tpu.memory_space<vmem>>, %arg21: memref<16xf32, #tpu.memory_space<vmem>>, %arg22: memref<512xf32, #tpu.memory_space<vmem>>, %arg23: memref<16x32xf32, #tpu.memory_space<vmem>>, %arg24: memref<16x32xf32, #tpu.memory_space<vmem>>, %arg25: memref<16x64xi32, #tpu.memory_space<vmem>>, %arg26: memref<16x64xf32, #tpu.memory_space<vmem>>, %arg27: memref<16x64xi32, #tpu.memory_space<vmem>>, %arg28: memref<16x64xf32, #tpu.memory_space<vmem>>, %arg29: memref<1024x32xf32, #tpu.memory_space<vmem>>, %arg30: memref<1024x32xf32, #tpu.memory_space<vmem>>, %arg31: memref<16x32xf32, #tpu.memory_space<vmem>>, %arg32: memref<16x128xf32, #tpu.memory_space<vmem>>, %arg33: memref<16x16xf32, #tpu.memory_space<vmem>>, %arg34: memref<!tpu.dma_semaphore, #tpu.memory_space<semaphore_mem>>, %arg35: memref<!tpu.dma_semaphore, #tpu.memory_space<semaphore_mem>>) attributes {dimension_semantics = [#tpu.dimension_semantics<core_parallel>, #tpu.dimension_semantics<subcore_parallel>], iteration_bounds = array<i64: 2, 16>, scalar_prefetch = 0 : i64, scratch_operands = 19 : i64, tpu.core_type = #tpu.core_type<sc_vector_subcore>, window_params = [{transform_indices = #map}, {transform_indices = #map}, {transform_indices = #map1}, {transform_indices = #map}, {transform_indices = #map}, {transform_indices = #map}, {transform_indices = #map}, {transform_indices = #map}, {transform_indices = #map}, {transform_indices = #map}, {transform_indices = #map}, {transform_indices = #map}, {transform_indices = #map1}, {transform_indices = #map1}, {transform_indices = #map1}]} {
    %mul3A = arith.constant 2 : i32
    %mul3A_0 = arith.muli %arg1, %mul3A : i32
    %add3A = arith.addi %mul3A_0, %arg0 : i32
    %mul3A_1 = arith.constant 512 : i32
    %mul3A_2 = arith.muli %add3A, %mul3A_1 : i32
    %mul3A_3 = arith.constant 32 : i32
    %mul3A_4 = arith.muli %add3A, %mul3A_3 : i32
    "tpu.region"() ({
      %run_scoped3A = tpu.sem_alloc : memref<!tpu.dma_semaphore, #tpu.memory_space<semaphore_mem>>
      %dma_start3A = arith.constant 0 : i32
      %dma_start3A_12 = tpu.memref_slice %arg2[%mul3A_4, %dma_start3A] : memref<1024x16xi32, #tpu.memory_space<hbm>> -> memref<32x16xi32, #tpu.memory_space<hbm>>
      %dma_start3A_13 = arith.constant 0 : i32
      %dma_start3A_14 = tpu.memref_slice %arg2[%mul3A_4, %dma_start3A_13] : memref<1024x16xi32, #tpu.memory_space<hbm>> -> memref<32x16xi32, #tpu.memory_space<hbm>>
      tpu.enqueue_dma source(%dma_start3A_14 : memref<32x16xi32, #tpu.memory_space<hbm>>) target(%arg17 : memref<32x16xi32, #tpu.memory_space<vmem>>) target_semaphore(%run_scoped3A : memref<!tpu.dma_semaphore, #tpu.memory_space<semaphore_mem>>)
      %dma_wait3A = arith.constant 0 : i32
      %dma_wait3A_15 = tpu.memref_slice %arg2[%mul3A_4, %dma_wait3A] : memref<1024x16xi32, #tpu.memory_space<hbm>> -> memref<32x16xi32, #tpu.memory_space<hbm>>
      %dma_wait3A_16 = arith.constant 0 : i32
      %dma_wait3A_17 = tpu.memref_slice %arg2[%mul3A_4, %dma_wait3A_16] : memref<1024x16xi32, #tpu.memory_space<hbm>> -> memref<32x16xi32, #tpu.memory_space<hbm>>
      tpu.wait_dma2 semaphore(%run_scoped3A : memref<!tpu.dma_semaphore, #tpu.memory_space<semaphore_mem>>) src(%dma_wait3A_17 : memref<32x16xi32, #tpu.memory_space<hbm>>) dst(%arg17 : memref<32x16xi32, #tpu.memory_space<vmem>>)
      tpu.yield
    }) : () -> ()
    %mul3A_5 = arith.constant 32 : i32
    %mul3A_6 = arith.muli %add3A, %mul3A_5 : i32
    "tpu.region"() ({
      %run_scoped3A = tpu.sem_alloc : memref<!tpu.dma_semaphore, #tpu.memory_space<semaphore_mem>>
      %dma_start3A = arith.constant 0 : i32
      %dma_start3A_12 = tpu.memref_slice %arg3[%mul3A_6, %dma_start3A] : memref<1024x16xi32, #tpu.memory_space<hbm>> -> memref<32x16xi32, #tpu.memory_space<hbm>>
      %dma_start3A_13 = arith.constant 0 : i32
      %dma_start3A_14 = tpu.memref_slice %arg3[%mul3A_6, %dma_start3A_13] : memref<1024x16xi32, #tpu.memory_space<hbm>> -> memref<32x16xi32, #tpu.memory_space<hbm>>
      tpu.enqueue_dma source(%dma_start3A_14 : memref<32x16xi32, #tpu.memory_space<hbm>>) target(%arg18 : memref<32x16xi32, #tpu.memory_space<vmem>>) target_semaphore(%run_scoped3A : memref<!tpu.dma_semaphore, #tpu.memory_space<semaphore_mem>>)
      %dma_wait3A = arith.constant 0 : i32
      %dma_wait3A_15 = tpu.memref_slice %arg3[%mul3A_6, %dma_wait3A] : memref<1024x16xi32, #tpu.memory_space<hbm>> -> memref<32x16xi32, #tpu.memory_space<hbm>>
      %dma_wait3A_16 = arith.constant 0 : i32
      %dma_wait3A_17 = tpu.memref_slice %arg3[%mul3A_6, %dma_wait3A_16] : memref<1024x16xi32, #tpu.memory_space<hbm>> -> memref<32x16xi32, #tpu.memory_space<hbm>>
      tpu.wait_dma2 semaphore(%run_scoped3A : memref<!tpu.dma_semaphore, #tpu.memory_space<semaphore_mem>>) src(%dma_wait3A_17 : memref<32x16xi32, #tpu.memory_space<hbm>>) dst(%arg18 : memref<32x16xi32, #tpu.memory_space<vmem>>)
      tpu.yield
    }) : () -> ()
    "tpu.region"() ({
      %run_scoped3A = tpu.sem_alloc : memref<!tpu.dma_semaphore, #tpu.memory_space<semaphore_mem>>
      %dma_start3A = tpu.memref_slice %arg4[%mul3A_2] : memref<16384xf32, #tpu.memory_space<hbm>> -> memref<512xf32, #tpu.memory_space<hbm>>
      %dma_start3A_12 = tpu.memref_slice %arg4[%mul3A_2] : memref<16384xf32, #tpu.memory_space<hbm>> -> memref<512xf32, #tpu.memory_space<hbm>>
      tpu.enqueue_dma source(%dma_start3A_12 : memref<512xf32, #tpu.memory_space<hbm>>) target(%arg19 : memref<512xf32, #tpu.memory_space<vmem>>) target_semaphore(%run_scoped3A : memref<!tpu.dma_semaphore, #tpu.memory_space<semaphore_mem>>)
      %dma_wait3A = tpu.memref_slice %arg4[%mul3A_2] : memref<16384xf32, #tpu.memory_space<hbm>> -> memref<512xf32, #tpu.memory_space<hbm>>
      %dma_wait3A_13 = tpu.memref_slice %arg4[%mul3A_2] : memref<16384xf32, #tpu.memory_space<hbm>> -> memref<512xf32, #tpu.memory_space<hbm>>
      tpu.wait_dma2 semaphore(%run_scoped3A : memref<!tpu.dma_semaphore, #tpu.memory_space<semaphore_mem>>) src(%dma_wait3A_13 : memref<512xf32, #tpu.memory_space<hbm>>) dst(%arg19 : memref<512xf32, #tpu.memory_space<vmem>>)
      tpu.yield
    }) : () -> ()
    "tpu.region"() ({
      %run_scoped3A = tpu.sem_alloc : memref<!tpu.dma_semaphore, #tpu.memory_space<semaphore_mem>>
      tpu.enqueue_dma source(%arg14 : memref<408xf32, #tpu.memory_space<hbm>>) target(%arg20 : memref<408xf32, #tpu.memory_space<vmem>>) target_semaphore(%run_scoped3A : memref<!tpu.dma_semaphore, #tpu.memory_space<semaphore_mem>>)
      tpu.wait_dma2 semaphore(%run_scoped3A : memref<!tpu.dma_semaphore, #tpu.memory_space<semaphore_mem>>) src(%arg14 : memref<408xf32, #tpu.memory_space<hbm>>) dst(%arg20 : memref<408xf32, #tpu.memory_space<vmem>>)
      tpu.yield
    }) : () -> ()
    "tpu.region"() ({
      %run_scoped3A = tpu.sem_alloc : memref<!tpu.dma_semaphore, #tpu.memory_space<semaphore_mem>>
      tpu.enqueue_dma source(%arg15 : memref<16xf32, #tpu.memory_space<hbm>>) target(%arg21 : memref<16xf32, #tpu.memory_space<vmem>>) target_semaphore(%run_scoped3A : memref<!tpu.dma_semaphore, #tpu.memory_space<semaphore_mem>>)
      tpu.wait_dma2 semaphore(%run_scoped3A : memref<!tpu.dma_semaphore, #tpu.memory_space<semaphore_mem>>) src(%arg15 : memref<16xf32, #tpu.memory_space<hbm>>) dst(%arg21 : memref<16xf32, #tpu.memory_space<vmem>>)
      tpu.yield
    }) : () -> ()
    %iota3A = tpu.iota {dimensions = array<i32: 0>} : vector<16xi32>
    %scan3A = arith.constant 0 : i32
    %scan3A_7 = arith.constant 0 : i32
    %scan3A_8 = arith.constant 32 : i32
    %scan3A_9 = arith.addi %scan3A_7, %scan3A_8 : i32
    %scan3A_10 = arith.constant 1 : i32
    scf.for %scan3A_12 = %scan3A_7 to %scan3A_9 step %scan3A_10  : i32 {
      %mul3A_13 = arith.constant 16 : i32
      %mul3A_14 = arith.muli %scan3A_12, %mul3A_13 : i32
      %dma_start3A = arith.constant 0 : i32
      %dma_start3A_15 = tpu.memref_slice %arg17[%scan3A_12, %dma_start3A] : memref<32x16xi32, #tpu.memory_space<vmem>> -> memref<1x16xi32, #tpu.memory_space<vmem>>
      %dma_start3A_16 = tpu.memref_squeeze %dma_start3A_15 : memref<1x16xi32, #tpu.memory_space<vmem>> -> memref<16xi32, #tpu.memory_space<vmem>>
      %dma_start3A_17 = arith.constant 0 : i32
      %dma_start3A_18 = arith.constant 0 : i32
      %dma_start3A_19 = tpu.memref_slice %arg5[%dma_start3A_17, %dma_start3A_18] : memref<100001x32xf32, #tpu.memory_space<hbm>> -> memref<100001x32xf32, #tpu.memory_space<hbm>>
      tpu.enqueue_indirect_dma source(%dma_start3A_19 : memref<100001x32xf32, #tpu.memory_space<hbm>>) target(%arg23 : memref<16x32xf32, #tpu.memory_space<vmem>>) offsets(%dma_start3A_16 : memref<16xi32, #tpu.memory_space<vmem>>) semaphore(%arg34 : memref<!tpu.dma_semaphore, #tpu.memory_space<semaphore_mem>>)
      %dma_start3A_20 = arith.constant 0 : i32
      %dma_start3A_21 = tpu.memref_slice %arg18[%scan3A_12, %dma_start3A_20] : memref<32x16xi32, #tpu.memory_space<vmem>> -> memref<1x16xi32, #tpu.memory_space<vmem>>
      %dma_start3A_22 = tpu.memref_squeeze %dma_start3A_21 : memref<1x16xi32, #tpu.memory_space<vmem>> -> memref<16xi32, #tpu.memory_space<vmem>>
      %dma_start3A_23 = arith.constant 0 : i32
      %dma_start3A_24 = arith.constant 0 : i32
      %dma_start3A_25 = tpu.memref_slice %arg6[%dma_start3A_23, %dma_start3A_24] : memref<100001x32xf32, #tpu.memory_space<hbm>> -> memref<100001x32xf32, #tpu.memory_space<hbm>>
      tpu.enqueue_indirect_dma source(%dma_start3A_25 : memref<100001x32xf32, #tpu.memory_space<hbm>>) target(%arg24 : memref<16x32xf32, #tpu.memory_space<vmem>>) offsets(%dma_start3A_22 : memref<16xi32, #tpu.memory_space<vmem>>) semaphore(%arg34 : memref<!tpu.dma_semaphore, #tpu.memory_space<semaphore_mem>>)
      %dma_start3A_26 = arith.constant 0 : i32
      %dma_start3A_27 = tpu.memref_slice %arg17[%scan3A_12, %dma_start3A_26] : memref<32x16xi32, #tpu.memory_space<vmem>> -> memref<1x16xi32, #tpu.memory_space<vmem>>
      %dma_start3A_28 = tpu.memref_squeeze %dma_start3A_27 : memref<1x16xi32, #tpu.memory_space<vmem>> -> memref<16xi32, #tpu.memory_space<vmem>>
      %dma_start3A_29 = arith.constant 0 : i32
      %dma_start3A_30 = arith.constant 0 : i32
      %dma_start3A_31 = tpu.memref_slice %arg7[%dma_start3A_29, %dma_start3A_30] : memref<100001x64xi32, #tpu.memory_space<hbm>> -> memref<100001x64xi32, #tpu.memory_space<hbm>>
      tpu.enqueue_indirect_dma source(%dma_start3A_31 : memref<100001x64xi32, #tpu.memory_space<hbm>>) target(%arg25 : memref<16x64xi32, #tpu.memory_space<vmem>>) offsets(%dma_start3A_28 : memref<16xi32, #tpu.memory_space<vmem>>) semaphore(%arg34 : memref<!tpu.dma_semaphore, #tpu.memory_space<semaphore_mem>>)
      %dma_start3A_32 = arith.constant 0 : i32
      %dma_start3A_33 = tpu.memref_slice %arg17[%scan3A_12, %dma_start3A_32] : memref<32x16xi32, #tpu.memory_space<vmem>> -> memref<1x16xi32, #tpu.memory_space<vmem>>
      %dma_start3A_34 = tpu.memref_squeeze %dma_start3A_33 : memref<1x16xi32, #tpu.memory_space<vmem>> -> memref<16xi32, #tpu.memory_space<vmem>>
      %dma_start3A_35 = arith.constant 0 : i32
      %dma_start3A_36 = arith.constant 0 : i32
      %dma_start3A_37 = tpu.memref_slice %arg8[%dma_start3A_35, %dma_start3A_36] : memref<100001x64xf32, #tpu.memory_space<hbm>> -> memref<100001x64xf32, #tpu.memory_space<hbm>>
      tpu.enqueue_indirect_dma source(%dma_start3A_37 : memref<100001x64xf32, #tpu.memory_space<hbm>>) target(%arg26 : memref<16x64xf32, #tpu.memory_space<vmem>>) offsets(%dma_start3A_34 : memref<16xi32, #tpu.memory_space<vmem>>) semaphore(%arg34 : memref<!tpu.dma_semaphore, #tpu.memory_space<semaphore_mem>>)
      %dma_start3A_38 = arith.constant 0 : i32
      %dma_start3A_39 = tpu.memref_slice %arg18[%scan3A_12, %dma_start3A_38] : memref<32x16xi32, #tpu.memory_space<vmem>> -> memref<1x16xi32, #tpu.memory_space<vmem>>
      %dma_start3A_40 = tpu.memref_squeeze %dma_start3A_39 : memref<1x16xi32, #tpu.memory_space<vmem>> -> memref<16xi32, #tpu.memory_space<vmem>>
      %dma_start3A_41 = arith.constant 0 : i32
      %dma_start3A_42 = arith.constant 0 : i32
      %dma_start3A_43 = tpu.memref_slice %arg9[%dma_start3A_41, %dma_start3A_42] : memref<100001x64xi32, #tpu.memory_space<hbm>> -> memref<100001x64xi32, #tpu.memory_space<hbm>>
      tpu.enqueue_indirect_dma source(%dma_start3A_43 : memref<100001x64xi32, #tpu.memory_space<hbm>>) target(%arg27 : memref<16x64xi32, #tpu.memory_space<vmem>>) offsets(%dma_start3A_40 : memref<16xi32, #tpu.memory_space<vmem>>) semaphore(%arg34 : memref<!tpu.dma_semaphore, #tpu.memory_space<semaphore_mem>>)
      %dma_wait3A = arith.constant 0 : i32
      %dma_wait3A_44 = tpu.memref_slice %arg17[%scan3A_12, %dma_wait3A] : memref<32x16xi32, #tpu.memory_space<vmem>> -> memref<1x16xi32, #tpu.memory_space<vmem>>
      %dma_wait3A_45 = tpu.memref_squeeze %dma_wait3A_44 : memref<1x16xi32, #tpu.memory_space<vmem>> -> memref<16xi32, #tpu.memory_space<vmem>>
      %dma_wait3A_46 = arith.constant 0 : i32
      %dma_wait3A_47 = arith.constant 0 : i32
      %dma_wait3A_48 = tpu.memref_slice %arg5[%dma_wait3A_46, %dma_wait3A_47] : memref<100001x32xf32, #tpu.memory_space<hbm>> -> memref<100001x32xf32, #tpu.memory_space<hbm>>
      tpu.wait_indirect_dma semaphore(%arg34 : memref<!tpu.dma_semaphore, #tpu.memory_space<semaphore_mem>>) src(%dma_wait3A_48 : memref<100001x32xf32, #tpu.memory_space<hbm>>) dst(%arg23 : memref<16x32xf32, #tpu.memory_space<vmem>>)
      %dma_wait3A_49 = arith.constant 0 : i32
      %dma_wait3A_50 = tpu.memref_slice %arg18[%scan3A_12, %dma_wait3A_49] : memref<32x16xi32, #tpu.memory_space<vmem>> -> memref<1x16xi32, #tpu.memory_space<vmem>>
      %dma_wait3A_51 = tpu.memref_squeeze %dma_wait3A_50 : memref<1x16xi32, #tpu.memory_space<vmem>> -> memref<16xi32, #tpu.memory_space<vmem>>
      %dma_wait3A_52 = arith.constant 0 : i32
      %dma_wait3A_53 = arith.constant 0 : i32
      %dma_wait3A_54 = tpu.memref_slice %arg6[%dma_wait3A_52, %dma_wait3A_53] : memref<100001x32xf32, #tpu.memory_space<hbm>> -> memref<100001x32xf32, #tpu.memory_space<hbm>>
      tpu.wait_indirect_dma semaphore(%arg34 : memref<!tpu.dma_semaphore, #tpu.memory_space<semaphore_mem>>) src(%dma_wait3A_54 : memref<100001x32xf32, #tpu.memory_space<hbm>>) dst(%arg24 : memref<16x32xf32, #tpu.memory_space<vmem>>)
      %dma_wait3A_55 = arith.constant 0 : i32
      %dma_wait3A_56 = tpu.memref_slice %arg17[%scan3A_12, %dma_wait3A_55] : memref<32x16xi32, #tpu.memory_space<vmem>> -> memref<1x16xi32, #tpu.memory_space<vmem>>
      %dma_wait3A_57 = tpu.memref_squeeze %dma_wait3A_56 : memref<1x16xi32, #tpu.memory_space<vmem>> -> memref<16xi32, #tpu.memory_space<vmem>>
      %dma_wait3A_58 = arith.constant 0 : i32
      %dma_wait3A_59 = arith.constant 0 : i32
      %dma_wait3A_60 = tpu.memref_slice %arg7[%dma_wait3A_58, %dma_wait3A_59] : memref<100001x64xi32, #tpu.memory_space<hbm>> -> memref<100001x64xi32, #tpu.memory_space<hbm>>
      tpu.wait_indirect_dma semaphore(%arg34 : memref<!tpu.dma_semaphore, #tpu.memory_space<semaphore_mem>>) src(%dma_wait3A_60 : memref<100001x64xi32, #tpu.memory_space<hbm>>) dst(%arg25 : memref<16x64xi32, #tpu.memory_space<vmem>>)
      %dma_wait3A_61 = arith.constant 0 : i32
      %dma_wait3A_62 = tpu.memref_slice %arg17[%scan3A_12, %dma_wait3A_61] : memref<32x16xi32, #tpu.memory_space<vmem>> -> memref<1x16xi32, #tpu.memory_space<vmem>>
      %dma_wait3A_63 = tpu.memref_squeeze %dma_wait3A_62 : memref<1x16xi32, #tpu.memory_space<vmem>> -> memref<16xi32, #tpu.memory_space<vmem>>
      %dma_wait3A_64 = arith.constant 0 : i32
      %dma_wait3A_65 = arith.constant 0 : i32
      %dma_wait3A_66 = tpu.memref_slice %arg8[%dma_wait3A_64, %dma_wait3A_65] : memref<100001x64xf32, #tpu.memory_space<hbm>> -> memref<100001x64xf32, #tpu.memory_space<hbm>>
      tpu.wait_indirect_dma semaphore(%arg34 : memref<!tpu.dma_semaphore, #tpu.memory_space<semaphore_mem>>) src(%dma_wait3A_66 : memref<100001x64xf32, #tpu.memory_space<hbm>>) dst(%arg26 : memref<16x64xf32, #tpu.memory_space<vmem>>)
      %dma_wait3A_67 = arith.constant 0 : i32
      %dma_wait3A_68 = tpu.memref_slice %arg18[%scan3A_12, %dma_wait3A_67] : memref<32x16xi32, #tpu.memory_space<vmem>> -> memref<1x16xi32, #tpu.memory_space<vmem>>
      %dma_wait3A_69 = tpu.memref_squeeze %dma_wait3A_68 : memref<1x16xi32, #tpu.memory_space<vmem>> -> memref<16xi32, #tpu.memory_space<vmem>>
      %dma_wait3A_70 = arith.constant 0 : i32
      %dma_wait3A_71 = arith.constant 0 : i32
      %dma_wait3A_72 = tpu.memref_slice %arg9[%dma_wait3A_70, %dma_wait3A_71] : memref<100001x64xi32, #tpu.memory_space<hbm>> -> memref<100001x64xi32, #tpu.memory_space<hbm>>
      tpu.wait_indirect_dma semaphore(%arg34 : memref<!tpu.dma_semaphore, #tpu.memory_space<semaphore_mem>>) src(%dma_wait3A_72 : memref<100001x64xi32, #tpu.memory_space<hbm>>) dst(%arg27 : memref<16x64xi32, #tpu.memory_space<vmem>>)
      %dma_start3A_73 = arith.constant 0 : i32
      %dma_start3A_74 = tpu.memref_slice %arg18[%scan3A_12, %dma_start3A_73] : memref<32x16xi32, #tpu.memory_space<vmem>> -> memref<1x16xi32, #tpu.memory_space<vmem>>
      %dma_start3A_75 = tpu.memref_squeeze %dma_start3A_74 : memref<1x16xi32, #tpu.memory_space<vmem>> -> memref<16xi32, #tpu.memory_space<vmem>>
      %dma_start3A_76 = arith.constant 0 : i32
      %dma_start3A_77 = arith.constant 0 : i32
      %dma_start3A_78 = tpu.memref_slice %arg10[%dma_start3A_76, %dma_start3A_77] : memref<100001x64xf32, #tpu.memory_space<hbm>> -> memref<100001x64xf32, #tpu.memory_space<hbm>>
      tpu.enqueue_indirect_dma source(%dma_start3A_78 : memref<100001x64xf32, #tpu.memory_space<hbm>>) target(%arg28 : memref<16x64xf32, #tpu.memory_space<vmem>>) offsets(%dma_start3A_75 : memref<16xi32, #tpu.memory_space<vmem>>) semaphore(%arg34 : memref<!tpu.dma_semaphore, #tpu.memory_space<semaphore_mem>>)
      %dma_start3A_79 = arith.constant 0 : i32
      %dma_start3A_80 = tpu.memref_slice %arg18[%scan3A_12, %dma_start3A_79] : memref<32x16xi32, #tpu.memory_space<vmem>> -> memref<1x16xi32, #tpu.memory_space<vmem>>
      %dma_start3A_81 = tpu.memref_squeeze %dma_start3A_80 : memref<1x16xi32, #tpu.memory_space<vmem>> -> memref<16xi32, #tpu.memory_space<vmem>>
      %dma_start3A_82 = arith.constant 0 : i32
      %dma_start3A_83 = arith.constant 0 : i32
      %dma_start3A_84 = tpu.memref_slice %arg11[%dma_start3A_82, %dma_start3A_83] : memref<100001x32xf32, #tpu.memory_space<hbm>> -> memref<100001x32xf32, #tpu.memory_space<hbm>>
      tpu.enqueue_indirect_dma source(%dma_start3A_84 : memref<100001x32xf32, #tpu.memory_space<hbm>>) target(%arg31 : memref<16x32xf32, #tpu.memory_space<vmem>>) offsets(%dma_start3A_81 : memref<16xi32, #tpu.memory_space<vmem>>) semaphore(%arg34 : memref<!tpu.dma_semaphore, #tpu.memory_space<semaphore_mem>>)
      %dma_start3A_85 = arith.constant 0 : i32
      %dma_start3A_86 = tpu.memref_slice %arg18[%scan3A_12, %dma_start3A_85] : memref<32x16xi32, #tpu.memory_space<vmem>> -> memref<1x16xi32, #tpu.memory_space<vmem>>
      %dma_start3A_87 = tpu.memref_squeeze %dma_start3A_86 : memref<1x16xi32, #tpu.memory_space<vmem>> -> memref<16xi32, #tpu.memory_space<vmem>>
      %dma_start3A_88 = arith.constant 0 : i32
      %dma_start3A_89 = arith.constant 0 : i32
      %dma_start3A_90 = tpu.memref_slice %arg13[%dma_start3A_88, %dma_start3A_89] : memref<100001x128xf32, #tpu.memory_space<hbm>> -> memref<100001x128xf32, #tpu.memory_space<hbm>>
      tpu.enqueue_indirect_dma source(%dma_start3A_90 : memref<100001x128xf32, #tpu.memory_space<hbm>>) target(%arg32 : memref<16x128xf32, #tpu.memory_space<vmem>>) offsets(%dma_start3A_87 : memref<16xi32, #tpu.memory_space<vmem>>) semaphore(%arg34 : memref<!tpu.dma_semaphore, #tpu.memory_space<semaphore_mem>>)
      %dma_start3A_91 = arith.constant 0 : i32
      %dma_start3A_92 = tpu.memref_slice %arg18[%scan3A_12, %dma_start3A_91] : memref<32x16xi32, #tpu.memory_space<vmem>> -> memref<1x16xi32, #tpu.memory_space<vmem>>
      %dma_start3A_93 = tpu.memref_squeeze %dma_start3A_92 : memref<1x16xi32, #tpu.memory_space<vmem>> -> memref<16xi32, #tpu.memory_space<vmem>>
      %dma_start3A_94 = arith.constant 0 : i32
      %dma_start3A_95 = arith.constant 0 : i32
      %dma_start3A_96 = tpu.memref_slice %arg12[%dma_start3A_94, %dma_start3A_95] : memref<100001x16xf32, #tpu.memory_space<hbm>> -> memref<100001x16xf32, #tpu.memory_space<hbm>>
      tpu.enqueue_indirect_dma source(%dma_start3A_96 : memref<100001x16xf32, #tpu.memory_space<hbm>>) target(%arg33 : memref<16x16xf32, #tpu.memory_space<vmem>>) offsets(%dma_start3A_93 : memref<16xi32, #tpu.memory_space<vmem>>) semaphore(%arg34 : memref<!tpu.dma_semaphore, #tpu.memory_space<semaphore_mem>>)
      %dma_wait3A_97 = arith.constant 0 : i32
      %dma_wait3A_98 = tpu.memref_slice %arg18[%scan3A_12, %dma_wait3A_97] : memref<32x16xi32, #tpu.memory_space<vmem>> -> memref<1x16xi32, #tpu.memory_space<vmem>>
      %dma_wait3A_99 = tpu.memref_squeeze %dma_wait3A_98 : memref<1x16xi32, #tpu.memory_space<vmem>> -> memref<16xi32, #tpu.memory_space<vmem>>
      %dma_wait3A_100 = arith.constant 0 : i32
      %dma_wait3A_101 = arith.constant 0 : i32
      %dma_wait3A_102 = tpu.memref_slice %arg10[%dma_wait3A_100, %dma_wait3A_101] : memref<100001x64xf32, #tpu.memory_space<hbm>> -> memref<100001x64xf32, #tpu.memory_space<hbm>>
      tpu.wait_indirect_dma semaphore(%arg34 : memref<!tpu.dma_semaphore, #tpu.memory_space<semaphore_mem>>) src(%dma_wait3A_102 : memref<100001x64xf32, #tpu.memory_space<hbm>>) dst(%arg28 : memref<16x64xf32, #tpu.memory_space<vmem>>)
      %dma_wait3A_103 = arith.constant 0 : i32
      %dma_wait3A_104 = tpu.memref_slice %arg18[%scan3A_12, %dma_wait3A_103] : memref<32x16xi32, #tpu.memory_space<vmem>> -> memref<1x16xi32, #tpu.memory_space<vmem>>
      %dma_wait3A_105 = tpu.memref_squeeze %dma_wait3A_104 : memref<1x16xi32, #tpu.memory_space<vmem>> -> memref<16xi32, #tpu.memory_space<vmem>>
      %dma_wait3A_106 = arith.constant 0 : i32
      %dma_wait3A_107 = arith.constant 0 : i32
      %dma_wait3A_108 = tpu.memref_slice %arg11[%dma_wait3A_106, %dma_wait3A_107] : memref<100001x32xf32, #tpu.memory_space<hbm>> -> memref<100001x32xf32, #tpu.memory_space<hbm>>
      tpu.wait_indirect_dma semaphore(%arg34 : memref<!tpu.dma_semaphore, #tpu.memory_space<semaphore_mem>>) src(%dma_wait3A_108 : memref<100001x32xf32, #tpu.memory_space<hbm>>) dst(%arg31 : memref<16x32xf32, #tpu.memory_space<vmem>>)
      %dma_wait3A_109 = arith.constant 0 : i32
      %dma_wait3A_110 = tpu.memref_slice %arg18[%scan3A_12, %dma_wait3A_109] : memref<32x16xi32, #tpu.memory_space<vmem>> -> memref<1x16xi32, #tpu.memory_space<vmem>>
      %dma_wait3A_111 = tpu.memref_squeeze %dma_wait3A_110 : memref<1x16xi32, #tpu.memory_space<vmem>> -> memref<16xi32, #tpu.memory_space<vmem>>
      %dma_wait3A_112 = arith.constant 0 : i32
      %dma_wait3A_113 = arith.constant 0 : i32
      %dma_wait3A_114 = tpu.memref_slice %arg13[%dma_wait3A_112, %dma_wait3A_113] : memref<100001x128xf32, #tpu.memory_space<hbm>> -> memref<100001x128xf32, #tpu.memory_space<hbm>>
      tpu.wait_indirect_dma semaphore(%arg34 : memref<!tpu.dma_semaphore, #tpu.memory_space<semaphore_mem>>) src(%dma_wait3A_114 : memref<100001x128xf32, #tpu.memory_space<hbm>>) dst(%arg32 : memref<16x128xf32, #tpu.memory_space<vmem>>)
      %dma_wait3A_115 = arith.constant 0 : i32
      %dma_wait3A_116 = tpu.memref_slice %arg18[%scan3A_12, %dma_wait3A_115] : memref<32x16xi32, #tpu.memory_space<vmem>> -> memref<1x16xi32, #tpu.memory_space<vmem>>
      %dma_wait3A_117 = tpu.memref_squeeze %dma_wait3A_116 : memref<1x16xi32, #tpu.memory_space<vmem>> -> memref<16xi32, #tpu.memory_space<vmem>>
      %dma_wait3A_118 = arith.constant 0 : i32
      %dma_wait3A_119 = arith.constant 0 : i32
      %dma_wait3A_120 = tpu.memref_slice %arg12[%dma_wait3A_118, %dma_wait3A_119] : memref<100001x16xf32, #tpu.memory_space<hbm>> -> memref<100001x16xf32, #tpu.memory_space<hbm>>
      tpu.wait_indirect_dma semaphore(%arg34 : memref<!tpu.dma_semaphore, #tpu.memory_space<semaphore_mem>>) src(%dma_wait3A_120 : memref<100001x16xf32, #tpu.memory_space<hbm>>) dst(%arg33 : memref<16x16xf32, #tpu.memory_space<vmem>>)
      %scan3A_121 = arith.constant 0 : i32
      %scan3A_122 = arith.constant 0 : i32
      %scan3A_123 = arith.constant 4 : i32
      %scan3A_124 = arith.addi %scan3A_122, %scan3A_123 : i32
      %scan3A_125 = arith.constant 1 : i32
      scf.for %scan3A_2032 = %scan3A_122 to %scan3A_124 step %scan3A_125  : i32 {
        %mul3A_2033 = arith.constant 4 : i32
        %mul3A_2034 = arith.muli %scan3A_2032, %mul3A_2033 : i32
        %add3A_2035 = arith.constant 0 : i32
        %add3A_2036 = arith.addi %mul3A_2034, %add3A_2035 : i32
        %mul3A_2037 = arith.constant 64 : i32
        %mul3A_2038 = arith.muli %add3A_2036, %mul3A_2037 : i32
        %dma_start3A_2039 = arith.constant 0 : i32
        %dma_start3A_2040 = tpu.memref_slice %arg29[%mul3A_2038, %dma_start3A_2039] : memref<1024x32xf32, #tpu.memory_space<vmem>> -> memref<64x32xf32, #tpu.memory_space<vmem>>
        %dma_start3A_2041 = arith.constant 0 : i32
        %dma_start3A_2042 = tpu.memref_slice %arg25[%add3A_2036, %dma_start3A_2041] : memref<16x64xi32, #tpu.memory_space<vmem>> -> memref<1x64xi32, #tpu.memory_space<vmem>>
        %dma_start3A_2043 = tpu.memref_squeeze %dma_start3A_2042 : memref<1x64xi32, #tpu.memory_space<vmem>> -> memref<64xi32, #tpu.memory_space<vmem>>
        %dma_start3A_2044 = arith.constant 0 : i32
        %dma_start3A_2045 = arith.constant 0 : i32
        %dma_start3A_2046 = tpu.memref_slice %arg6[%dma_start3A_2044, %dma_start3A_2045] : memref<100001x32xf32, #tpu.memory_space<hbm>> -> memref<100001x32xf32, #tpu.memory_space<hbm>>
        tpu.enqueue_indirect_dma source(%dma_start3A_2046 : memref<100001x32xf32, #tpu.memory_space<hbm>>) target(%dma_start3A_2040 : memref<64x32xf32, #tpu.memory_space<vmem>>) offsets(%dma_start3A_2043 : memref<64xi32, #tpu.memory_space<vmem>>) semaphore(%arg35 : memref<!tpu.dma_semaphore, #tpu.memory_space<semaphore_mem>>)
        %mul3A_2047 = arith.constant 64 : i32
        %mul3A_2048 = arith.muli %add3A_2036, %mul3A_2047 : i32
        %dma_start3A_2049 = arith.constant 0 : i32
        %dma_start3A_2050 = tpu.memref_slice %arg30[%mul3A_2048, %dma_start3A_2049] : memref<1024x32xf32, #tpu.memory_space<vmem>> -> memref<64x32xf32, #tpu.memory_space<vmem>>
        %dma_start3A_2051 = arith.constant 0 : i32
        %dma_start3A_2052 = tpu.memref_slice %arg27[%add3A_2036, %dma_start3A_2051] : memref<16x64xi32, #tpu.memory_space<vmem>> -> memref<1x64xi32, #tpu.memory_space<vmem>>
        %dma_start3A_2053 = tpu.memref_squeeze %dma_start3A_2052 : memref<1x64xi32, #tpu.memory_space<vmem>> -> memref<64xi32, #tpu.memory_space<vmem>>
        %dma_start3A_2054 = arith.constant 0 : i32
        %dma_start3A_2055 = arith.constant 0 : i32
        %dma_start3A_2056 = tpu.memref_slice %arg5[%dma_start3A_2054, %dma_start3A_2055] : memref<100001x32xf32, #tpu.memory_space<hbm>> -> memref<100001x32xf32, #tpu.memory_space<hbm>>
        tpu.enqueue_indirect_dma source(%dma_start3A_2056 : memref<100001x32xf32, #tpu.memory_space<hbm>>) target(%dma_start3A_2050 : memref<64x32xf32, #tpu.memory_space<vmem>>) offsets(%dma_start3A_2053 : memref<64xi32, #tpu.memory_space<vmem>>) semaphore(%arg35 : memref<!tpu.dma_semaphore, #tpu.memory_space<semaphore_mem>>)
        %mul3A_2057 = arith.constant 4 : i32
        %mul3A_2058 = arith.muli %scan3A_2032, %mul3A_2057 : i32
        %add3A_2059 = arith.constant 1 : i32
        %add3A_2060 = arith.addi %mul3A_2058, %add3A_2059 : i32
        %mul3A_2061 = arith.constant 64 : i32
        %mul3A_2062 = arith.muli %add3A_2060, %mul3A_2061 : i32
        %dma_start3A_2063 = arith.constant 0 : i32
        %dma_start3A_2064 = tpu.memref_slice %arg29[%mul3A_2062, %dma_start3A_2063] : memref<1024x32xf32, #tpu.memory_space<vmem>> -> memref<64x32xf32, #tpu.memory_space<vmem>>
        %dma_start3A_2065 = arith.constant 0 : i32
        %dma_start3A_2066 = tpu.memref_slice %arg25[%add3A_2060, %dma_start3A_2065] : memref<16x64xi32, #tpu.memory_space<vmem>> -> memref<1x64xi32, #tpu.memory_space<vmem>>
        %dma_start3A_2067 = tpu.memref_squeeze %dma_start3A_2066 : memref<1x64xi32, #tpu.memory_space<vmem>> -> memref<64xi32, #tpu.memory_space<vmem>>
        %dma_start3A_2068 = arith.constant 0 : i32
        %dma_start3A_2069 = arith.constant 0 : i32
        %dma_start3A_2070 = tpu.memref_slice %arg6[%dma_start3A_2068, %dma_start3A_2069] : memref<100001x32xf32, #tpu.memory_space<hbm>> -> memref<100001x32xf32, #tpu.memory_space<hbm>>
        tpu.enqueue_indirect_dma source(%dma_start3A_2070 : memref<100001x32xf32, #tpu.memory_space<hbm>>) target(%dma_start3A_2064 : memref<64x32xf32, #tpu.memory_space<vmem>>) offsets(%dma_start3A_2067 : memref<64xi32, #tpu.memory_space<vmem>>) semaphore(%arg35 : memref<!tpu.dma_semaphore, #tpu.memory_space<semaphore_mem>>)
        %mul3A_2071 = arith.constant 64 : i32
        %mul3A_2072 = arith.muli %add3A_2060, %mul3A_2071 : i32
        %dma_start3A_2073 = arith.constant 0 : i32
        %dma_start3A_2074 = tpu.memref_slice %arg30[%mul3A_2072, %dma_start3A_2073] : memref<1024x32xf32, #tpu.memory_space<vmem>> -> memref<64x32xf32, #tpu.memory_space<vmem>>
        %dma_start3A_2075 = arith.constant 0 : i32
        %dma_start3A_2076 = tpu.memref_slice %arg27[%add3A_2060, %dma_start3A_2075] : memref<16x64xi32, #tpu.memory_space<vmem>> -> memref<1x64xi32, #tpu.memory_space<vmem>>
        %dma_start3A_2077 = tpu.memref_squeeze %dma_start3A_2076 : memref<1x64xi32, #tpu.memory_space<vmem>> -> memref<64xi32, #tpu.memory_space<vmem>>
        %dma_start3A_2078 = arith.constant 0 : i32
        %dma_start3A_2079 = arith.constant 0 : i32
        %dma_start3A_2080 = tpu.memref_slice %arg5[%dma_start3A_2078, %dma_start3A_2079] : memref<100001x32xf32, #tpu.memory_space<hbm>> -> memref<100001x32xf32, #tpu.memory_space<hbm>>
        tpu.enqueue_indirect_dma source(%dma_start3A_2080 : memref<100001x32xf32, #tpu.memory_space<hbm>>) target(%dma_start3A_2074 : memref<64x32xf32, #tpu.memory_space<vmem>>) offsets(%dma_start3A_2077 : memref<64xi32, #tpu.memory_space<vmem>>) semaphore(%arg35 : memref<!tpu.dma_semaphore, #tpu.memory_space<semaphore_mem>>)
        %mul3A_2081 = arith.constant 4 : i32
        %mul3A_2082 = arith.muli %scan3A_2032, %mul3A_2081 : i32
        %add3A_2083 = arith.constant 2 : i32
        %add3A_2084 = arith.addi %mul3A_2082, %add3A_2083 : i32
        %mul3A_2085 = arith.constant 64 : i32
        %mul3A_2086 = arith.muli %add3A_2084, %mul3A_2085 : i32
        %dma_start3A_2087 = arith.constant 0 : i32
        %dma_start3A_2088 = tpu.memref_slice %arg29[%mul3A_2086, %dma_start3A_2087] : memref<1024x32xf32, #tpu.memory_space<vmem>> -> memref<64x32xf32, #tpu.memory_space<vmem>>
        %dma_start3A_2089 = arith.constant 0 : i32
        %dma_start3A_2090 = tpu.memref_slice %arg25[%add3A_2084, %dma_start3A_2089] : memref<16x64xi32, #tpu.memory_space<vmem>> -> memref<1x64xi32, #tpu.memory_space<vmem>>
        %dma_start3A_2091 = tpu.memref_squeeze %dma_start3A_2090 : memref<1x64xi32, #tpu.memory_space<vmem>> -> memref<64xi32, #tpu.memory_space<vmem>>
        %dma_start3A_2092 = arith.constant 0 : i32
        %dma_start3A_2093 = arith.constant 0 : i32
        %dma_start3A_2094 = tpu.memref_slice %arg6[%dma_start3A_2092, %dma_start3A_2093] : memref<100001x32xf32, #tpu.memory_space<hbm>> -> memref<100001x32xf32, #tpu.memory_space<hbm>>
        tpu.enqueue_indirect_dma source(%dma_start3A_2094 : memref<100001x32xf32, #tpu.memory_space<hbm>>) target(%dma_start3A_2088 : memref<64x32xf32, #tpu.memory_space<vmem>>) offsets(%dma_start3A_2091 : memref<64xi32, #tpu.memory_space<vmem>>) semaphore(%arg35 : memref<!tpu.dma_semaphore, #tpu.memory_space<semaphore_mem>>)
        %mul3A_2095 = arith.constant 64 : i32
        %mul3A_2096 = arith.muli %add3A_2084, %mul3A_2095 : i32
        %dma_start3A_2097 = arith.constant 0 : i32
        %dma_start3A_2098 = tpu.memref_slice %arg30[%mul3A_2096, %dma_start3A_2097] : memref<1024x32xf32, #tpu.memory_space<vmem>> -> memref<64x32xf32, #tpu.memory_space<vmem>>
        %dma_start3A_2099 = arith.constant 0 : i32
        %dma_start3A_2100 = tpu.memref_slice %arg27[%add3A_2084, %dma_start3A_2099] : memref<16x64xi32, #tpu.memory_space<vmem>> -> memref<1x64xi32, #tpu.memory_space<vmem>>
        %dma_start3A_2101 = tpu.memref_squeeze %dma_start3A_2100 : memref<1x64xi32, #tpu.memory_space<vmem>> -> memref<64xi32, #tpu.memory_space<vmem>>
        %dma_start3A_2102 = arith.constant 0 : i32
        %dma_start3A_2103 = arith.constant 0 : i32
        %dma_start3A_2104 = tpu.memref_slice %arg5[%dma_start3A_2102, %dma_start3A_2103] : memref<100001x32xf32, #tpu.memory_space<hbm>> -> memref<100001x32xf32, #tpu.memory_space<hbm>>
        tpu.enqueue_indirect_dma source(%dma_start3A_2104 : memref<100001x32xf32, #tpu.memory_space<hbm>>) target(%dma_start3A_2098 : memref<64x32xf32, #tpu.memory_space<vmem>>) offsets(%dma_start3A_2101 : memref<64xi32, #tpu.memory_space<vmem>>) semaphore(%arg35 : memref<!tpu.dma_semaphore, #tpu.memory_space<semaphore_mem>>)
        %mul3A_2105 = arith.constant 4 : i32
        %mul3A_2106 = arith.muli %scan3A_2032, %mul3A_2105 : i32
        %add3A_2107 = arith.constant 3 : i32
        %add3A_2108 = arith.addi %mul3A_2106, %add3A_2107 : i32
        %mul3A_2109 = arith.constant 64 : i32
        %mul3A_2110 = arith.muli %add3A_2108, %mul3A_2109 : i32
        %dma_start3A_2111 = arith.constant 0 : i32
        %dma_start3A_2112 = tpu.memref_slice %arg29[%mul3A_2110, %dma_start3A_2111] : memref<1024x32xf32, #tpu.memory_space<vmem>> -> memref<64x32xf32, #tpu.memory_space<vmem>>
        %dma_start3A_2113 = arith.constant 0 : i32
        %dma_start3A_2114 = tpu.memref_slice %arg25[%add3A_2108, %dma_start3A_2113] : memref<16x64xi32, #tpu.memory_space<vmem>> -> memref<1x64xi32, #tpu.memory_space<vmem>>
        %dma_start3A_2115 = tpu.memref_squeeze %dma_start3A_2114 : memref<1x64xi32, #tpu.memory_space<vmem>> -> memref<64xi32, #tpu.memory_space<vmem>>
        %dma_start3A_2116 = arith.constant 0 : i32
        %dma_start3A_2117 = arith.constant 0 : i32
        %dma_start3A_2118 = tpu.memref_slice %arg6[%dma_start3A_2116, %dma_start3A_2117] : memref<100001x32xf32, #tpu.memory_space<hbm>> -> memref<100001x32xf32, #tpu.memory_space<hbm>>
        tpu.enqueue_indirect_dma source(%dma_start3A_2118 : memref<100001x32xf32, #tpu.memory_space<hbm>>) target(%dma_start3A_2112 : memref<64x32xf32, #tpu.memory_space<vmem>>) offsets(%dma_start3A_2115 : memref<64xi32, #tpu.memory_space<vmem>>) semaphore(%arg35 : memref<!tpu.dma_semaphore, #tpu.memory_space<semaphore_mem>>)
        %mul3A_2119 = arith.constant 64 : i32
        %mul3A_2120 = arith.muli %add3A_2108, %mul3A_2119 : i32
        %dma_start3A_2121 = arith.constant 0 : i32
        %dma_start3A_2122 = tpu.memref_slice %arg30[%mul3A_2120, %dma_start3A_2121] : memref<1024x32xf32, #tpu.memory_space<vmem>> -> memref<64x32xf32, #tpu.memory_space<vmem>>
        %dma_start3A_2123 = arith.constant 0 : i32
        %dma_start3A_2124 = tpu.memref_slice %arg27[%add3A_2108, %dma_start3A_2123] : memref<16x64xi32, #tpu.memory_space<vmem>> -> memref<1x64xi32, #tpu.memory_space<vmem>>
        %dma_start3A_2125 = tpu.memref_squeeze %dma_start3A_2124 : memref<1x64xi32, #tpu.memory_space<vmem>> -> memref<64xi32, #tpu.memory_space<vmem>>
        %dma_start3A_2126 = arith.constant 0 : i32
        %dma_start3A_2127 = arith.constant 0 : i32
        %dma_start3A_2128 = tpu.memref_slice %arg5[%dma_start3A_2126, %dma_start3A_2127] : memref<100001x32xf32, #tpu.memory_space<hbm>> -> memref<100001x32xf32, #tpu.memory_space<hbm>>
        tpu.enqueue_indirect_dma source(%dma_start3A_2128 : memref<100001x32xf32, #tpu.memory_space<hbm>>) target(%dma_start3A_2122 : memref<64x32xf32, #tpu.memory_space<vmem>>) offsets(%dma_start3A_2125 : memref<64xi32, #tpu.memory_space<vmem>>) semaphore(%arg35 : memref<!tpu.dma_semaphore, #tpu.memory_space<semaphore_mem>>)
        %dma_wait3A_2129 = arith.constant 0 : i32
        %dma_wait3A_2130 = tpu.memref_slice %arg29[%mul3A_2038, %dma_wait3A_2129] : memref<1024x32xf32, #tpu.memory_space<vmem>> -> memref<64x32xf32, #tpu.memory_space<vmem>>
        %dma_wait3A_2131 = arith.constant 0 : i32
        %dma_wait3A_2132 = tpu.memref_slice %arg25[%add3A_2036, %dma_wait3A_2131] : memref<16x64xi32, #tpu.memory_space<vmem>> -> memref<1x64xi32, #tpu.memory_space<vmem>>
        %dma_wait3A_2133 = tpu.memref_squeeze %dma_wait3A_2132 : memref<1x64xi32, #tpu.memory_space<vmem>> -> memref<64xi32, #tpu.memory_space<vmem>>
        %dma_wait3A_2134 = arith.constant 0 : i32
        %dma_wait3A_2135 = arith.constant 0 : i32
        %dma_wait3A_2136 = tpu.memref_slice %arg6[%dma_wait3A_2134, %dma_wait3A_2135] : memref<100001x32xf32, #tpu.memory_space<hbm>> -> memref<100001x32xf32, #tpu.memory_space<hbm>>
        tpu.wait_indirect_dma semaphore(%arg35 : memref<!tpu.dma_semaphore, #tpu.memory_space<semaphore_mem>>) src(%dma_wait3A_2136 : memref<100001x32xf32, #tpu.memory_space<hbm>>) dst(%dma_wait3A_2130 : memref<64x32xf32, #tpu.memory_space<vmem>>)
        %dma_wait3A_2137 = arith.constant 0 : i32
        %dma_wait3A_2138 = tpu.memref_slice %arg30[%mul3A_2048, %dma_wait3A_2137] : memref<1024x32xf32, #tpu.memory_space<vmem>> -> memref<64x32xf32, #tpu.memory_space<vmem>>
        %dma_wait3A_2139 = arith.constant 0 : i32
        %dma_wait3A_2140 = tpu.memref_slice %arg27[%add3A_2036, %dma_wait3A_2139] : memref<16x64xi32, #tpu.memory_space<vmem>> -> memref<1x64xi32, #tpu.memory_space<vmem>>
        %dma_wait3A_2141 = tpu.memref_squeeze %dma_wait3A_2140 : memref<1x64xi32, #tpu.memory_space<vmem>> -> memref<64xi32, #tpu.memory_space<vmem>>
        %dma_wait3A_2142 = arith.constant 0 : i32
        %dma_wait3A_2143 = arith.constant 0 : i32
        %dma_wait3A_2144 = tpu.memref_slice %arg5[%dma_wait3A_2142, %dma_wait3A_2143] : memref<100001x32xf32, #tpu.memory_space<hbm>> -> memref<100001x32xf32, #tpu.memory_space<hbm>>
        tpu.wait_indirect_dma semaphore(%arg35 : memref<!tpu.dma_semaphore, #tpu.memory_space<semaphore_mem>>) src(%dma_wait3A_2144 : memref<100001x32xf32, #tpu.memory_space<hbm>>) dst(%dma_wait3A_2138 : memref<64x32xf32, #tpu.memory_space<vmem>>)
        %dma_wait3A_2145 = arith.constant 0 : i32
        %dma_wait3A_2146 = tpu.memref_slice %arg29[%mul3A_2062, %dma_wait3A_2145] : memref<1024x32xf32, #tpu.memory_space<vmem>> -> memref<64x32xf32, #tpu.memory_space<vmem>>
        %dma_wait3A_2147 = arith.constant 0 : i32
        %dma_wait3A_2148 = tpu.memref_slice %arg25[%add3A_2060, %dma_wait3A_2147] : memref<16x64xi32, #tpu.memory_space<vmem>> -> memref<1x64xi32, #tpu.memory_space<vmem>>
        %dma_wait3A_2149 = tpu.memref_squeeze %dma_wait3A_2148 : memref<1x64xi32, #tpu.memory_space<vmem>> -> memref<64xi32, #tpu.memory_space<vmem>>
        %dma_wait3A_2150 = arith.constant 0 : i32
        %dma_wait3A_2151 = arith.constant 0 : i32
        %dma_wait3A_2152 = tpu.memref_slice %arg6[%dma_wait3A_2150, %dma_wait3A_2151] : memref<100001x32xf32, #tpu.memory_space<hbm>> -> memref<100001x32xf32, #tpu.memory_space<hbm>>
        tpu.wait_indirect_dma semaphore(%arg35 : memref<!tpu.dma_semaphore, #tpu.memory_space<semaphore_mem>>) src(%dma_wait3A_2152 : memref<100001x32xf32, #tpu.memory_space<hbm>>) dst(%dma_wait3A_2146 : memref<64x32xf32, #tpu.memory_space<vmem>>)
        %dma_wait3A_2153 = arith.constant 0 : i32
        %dma_wait3A_2154 = tpu.memref_slice %arg30[%mul3A_2072, %dma_wait3A_2153] : memref<1024x32xf32, #tpu.memory_space<vmem>> -> memref<64x32xf32, #tpu.memory_space<vmem>>
        %dma_wait3A_2155 = arith.constant 0 : i32
        %dma_wait3A_2156 = tpu.memref_slice %arg27[%add3A_2060, %dma_wait3A_2155] : memref<16x64xi32, #tpu.memory_space<vmem>> -> memref<1x64xi32, #tpu.memory_space<vmem>>
        %dma_wait3A_2157 = tpu.memref_squeeze %dma_wait3A_2156 : memref<1x64xi32, #tpu.memory_space<vmem>> -> memref<64xi32, #tpu.memory_space<vmem>>
        %dma_wait3A_2158 = arith.constant 0 : i32
        %dma_wait3A_2159 = arith.constant 0 : i32
        %dma_wait3A_2160 = tpu.memref_slice %arg5[%dma_wait3A_2158, %dma_wait3A_2159] : memref<100001x32xf32, #tpu.memory_space<hbm>> -> memref<100001x32xf32, #tpu.memory_space<hbm>>
        tpu.wait_indirect_dma semaphore(%arg35 : memref<!tpu.dma_semaphore, #tpu.memory_space<semaphore_mem>>) src(%dma_wait3A_2160 : memref<100001x32xf32, #tpu.memory_space<hbm>>) dst(%dma_wait3A_2154 : memref<64x32xf32, #tpu.memory_space<vmem>>)
        %dma_wait3A_2161 = arith.constant 0 : i32
        %dma_wait3A_2162 = tpu.memref_slice %arg29[%mul3A_2086, %dma_wait3A_2161] : memref<1024x32xf32, #tpu.memory_space<vmem>> -> memref<64x32xf32, #tpu.memory_space<vmem>>
        %dma_wait3A_2163 = arith.constant 0 : i32
        %dma_wait3A_2164 = tpu.memref_slice %arg25[%add3A_2084, %dma_wait3A_2163] : memref<16x64xi32, #tpu.memory_space<vmem>> -> memref<1x64xi32, #tpu.memory_space<vmem>>
        %dma_wait3A_2165 = tpu.memref_squeeze %dma_wait3A_2164 : memref<1x64xi32, #tpu.memory_space<vmem>> -> memref<64xi32, #tpu.memory_space<vmem>>
        %dma_wait3A_2166 = arith.constant 0 : i32
        %dma_wait3A_2167 = arith.constant 0 : i32
        %dma_wait3A_2168 = tpu.memref_slice %arg6[%dma_wait3A_2166, %dma_wait3A_2167] : memref<100001x32xf32, #tpu.memory_space<hbm>> -> memref<100001x32xf32, #tpu.memory_space<hbm>>
        tpu.wait_indirect_dma semaphore(%arg35 : memref<!tpu.dma_semaphore, #tpu.memory_space<semaphore_mem>>) src(%dma_wait3A_2168 : memref<100001x32xf32, #tpu.memory_space<hbm>>) dst(%dma_wait3A_2162 : memref<64x32xf32, #tpu.memory_space<vmem>>)
        %dma_wait3A_2169 = arith.constant 0 : i32
        %dma_wait3A_2170 = tpu.memref_slice %arg30[%mul3A_2096, %dma_wait3A_2169] : memref<1024x32xf32, #tpu.memory_space<vmem>> -> memref<64x32xf32, #tpu.memory_space<vmem>>
        %dma_wait3A_2171 = arith.constant 0 : i32
        %dma_wait3A_2172 = tpu.memref_slice %arg27[%add3A_2084, %dma_wait3A_2171] : memref<16x64xi32, #tpu.memory_space<vmem>> -> memref<1x64xi32, #tpu.memory_space<vmem>>
        %dma_wait3A_2173 = tpu.memref_squeeze %dma_wait3A_2172 : memref<1x64xi32, #tpu.memory_space<vmem>> -> memref<64xi32, #tpu.memory_space<vmem>>
        %dma_wait3A_2174 = arith.constant 0 : i32
        %dma_wait3A_2175 = arith.constant 0 : i32
        %dma_wait3A_2176 = tpu.memref_slice %arg5[%dma_wait3A_2174, %dma_wait3A_2175] : memref<100001x32xf32, #tpu.memory_space<hbm>> -> memref<100001x32xf32, #tpu.memory_space<hbm>>
        tpu.wait_indirect_dma semaphore(%arg35 : memref<!tpu.dma_semaphore, #tpu.memory_space<semaphore_mem>>) src(%dma_wait3A_2176 : memref<100001x32xf32, #tpu.memory_space<hbm>>) dst(%dma_wait3A_2170 : memref<64x32xf32, #tpu.memory_space<vmem>>)
        %dma_wait3A_2177 = arith.constant 0 : i32
        %dma_wait3A_2178 = tpu.memref_slice %arg29[%mul3A_2110, %dma_wait3A_2177] : memref<1024x32xf32, #tpu.memory_space<vmem>> -> memref<64x32xf32, #tpu.memory_space<vmem>>
        %dma_wait3A_2179 = arith.constant 0 : i32
        %dma_wait3A_2180 = tpu.memref_slice %arg25[%add3A_2108, %dma_wait3A_2179] : memref<16x64xi32, #tpu.memory_space<vmem>> -> memref<1x64xi32, #tpu.memory_space<vmem>>
        %dma_wait3A_2181 = tpu.memref_squeeze %dma_wait3A_2180 : memref<1x64xi32, #tpu.memory_space<vmem>> -> memref<64xi32, #tpu.memory_space<vmem>>
        %dma_wait3A_2182 = arith.constant 0 : i32
        %dma_wait3A_2183 = arith.constant 0 : i32
        %dma_wait3A_2184 = tpu.memref_slice %arg6[%dma_wait3A_2182, %dma_wait3A_2183] : memref<100001x32xf32, #tpu.memory_space<hbm>> -> memref<100001x32xf32, #tpu.memory_space<hbm>>
        tpu.wait_indirect_dma semaphore(%arg35 : memref<!tpu.dma_semaphore, #tpu.memory_space<semaphore_mem>>) src(%dma_wait3A_2184 : memref<100001x32xf32, #tpu.memory_space<hbm>>) dst(%dma_wait3A_2178 : memref<64x32xf32, #tpu.memory_space<vmem>>)
        %dma_wait3A_2185 = arith.constant 0 : i32
        %dma_wait3A_2186 = tpu.memref_slice %arg30[%mul3A_2120, %dma_wait3A_2185] : memref<1024x32xf32, #tpu.memory_space<vmem>> -> memref<64x32xf32, #tpu.memory_space<vmem>>
        %dma_wait3A_2187 = arith.constant 0 : i32
        %dma_wait3A_2188 = tpu.memref_slice %arg27[%add3A_2108, %dma_wait3A_2187] : memref<16x64xi32, #tpu.memory_space<vmem>> -> memref<1x64xi32, #tpu.memory_space<vmem>>
        %dma_wait3A_2189 = tpu.memref_squeeze %dma_wait3A_2188 : memref<1x64xi32, #tpu.memory_space<vmem>> -> memref<64xi32, #tpu.memory_space<vmem>>
        %dma_wait3A_2190 = arith.constant 0 : i32
        %dma_wait3A_2191 = arith.constant 0 : i32
        %dma_wait3A_2192 = tpu.memref_slice %arg5[%dma_wait3A_2190, %dma_wait3A_2191] : memref<100001x32xf32, #tpu.memory_space<hbm>> -> memref<100001x32xf32, #tpu.memory_space<hbm>>
        tpu.wait_indirect_dma semaphore(%arg35 : memref<!tpu.dma_semaphore, #tpu.memory_space<semaphore_mem>>) src(%dma_wait3A_2192 : memref<100001x32xf32, #tpu.memory_space<hbm>>) dst(%dma_wait3A_2186 : memref<64x32xf32, #tpu.memory_space<vmem>>)
      }
      %scan3A_126 = arith.constant 4 : i32
      %get3A = arith.index_cast %mul3A_14 : i32 to index
      %get3A_127 = tpu.vector_load %arg19[%get3A] {strides = array<i32>} : memref<512xf32, #tpu.memory_space<vmem>>, vector<16xf32>,
      %get3A_128 = arith.constant 0 : index
      %get3A_129 = tpu.vector_load %arg21[%get3A_128] {strides = array<i32>} : memref<16xf32, #tpu.memory_space<vmem>>, vector<16xf32>,
      %broadcast_in_dim3A = arith.constant 0.000000e+00 : f32
      %broadcast_in_dim3A_130 = vector.broadcast %broadcast_in_dim3A : f32 to vector<16xf32>
      %scan3A_131 = arith.constant 0 : i32
      %scan3A_132 = arith.constant 50 : i32
      %scan3A_133 = arith.addi %scan3A_131, %scan3A_132 : i32
      %scan3A_134 = arith.constant 1 : i32
      %scan3A_135:35 = scf.for %scan3A_2032 = %scan3A_131 to %scan3A_133 step %scan3A_134 iter_args(%scan3A_2033 = %broadcast_in_dim3A_130, %scan3A_2034 = %broadcast_in_dim3A_130, %scan3A_2035 = %broadcast_in_dim3A_130, %scan3A_2036 = %broadcast_in_dim3A_130, %scan3A_2037 = %broadcast_in_dim3A_130, %scan3A_2038 = %broadcast_in_dim3A_130, %scan3A_2039 = %broadcast_in_dim3A_130, %scan3A_2040 = %broadcast_in_dim3A_130, %scan3A_2041 = %broadcast_in_dim3A_130, %scan3A_2042 = %broadcast_in_dim3A_130, %scan3A_2043 = %broadcast_in_dim3A_130, %scan3A_2044 = %broadcast_in_dim3A_130, %scan3A_2045 = %broadcast_in_dim3A_130, %scan3A_2046 = %broadcast_in_dim3A_130, %scan3A_2047 = %broadcast_in_dim3A_130, %scan3A_2048 = %broadcast_in_dim3A_130, %scan3A_2049 = %broadcast_in_dim3A_130, %scan3A_2050 = %broadcast_in_dim3A_130, %scan3A_2051 = %broadcast_in_dim3A_130, %scan3A_2052 = %broadcast_in_dim3A_130, %scan3A_2053 = %broadcast_in_dim3A_130, %scan3A_2054 = %broadcast_in_dim3A_130, %scan3A_2055 = %broadcast_in_dim3A_130, %scan3A_2056 = %broadcast_in_dim3A_130, %scan3A_2057 = %broadcast_in_dim3A_130, %scan3A_2058 = %broadcast_in_dim3A_130, %scan3A_2059 = %broadcast_in_dim3A_130, %scan3A_2060 = %broadcast_in_dim3A_130, %scan3A_2061 = %broadcast_in_dim3A_130, %scan3A_2062 = %broadcast_in_dim3A_130, %scan3A_2063 = %broadcast_in_dim3A_130, %scan3A_2064 = %broadcast_in_dim3A_130, %scan3A_2065 = %broadcast_in_dim3A_130, %scan3A_2066 = %broadcast_in_dim3A_130, %scan3A_2067 = %broadcast_in_dim3A_130) -> (vector<16xf32>, vector<16xf32>, vector<16xf32>, vector<16xf32>, vector<16xf32>, vector<16xf32>, vector<16xf32>, vector<16xf32>, vector<16xf32>, vector<16xf32>, vector<16xf32>, vector<16xf32>, vector<16xf32>, vector<16xf32>, vector<16xf32>, vector<16xf32>, vector<16xf32>, vector<16xf32>, vector<16xf32>, vector<16xf32>, vector<16xf32>, vector<16xf32>, vector<16xf32>, vector<16xf32>, vector<16xf32>, vector<16xf32>, vector<16xf32>, vector<16xf32>, vector<16xf32>, vector<16xf32>, vector<16xf32>, vector<16xf32>, vector<16xf32>, vector<16xf32>, vector<16xf32>)  : i32 {
        %broadcast_in_dim3A_2068 = vector.broadcast %scan3A_2032 : i32 to vector<16xi32>
        %gather3A_2069 = tpu.vector_load_idx %arg25[%iota3A, %broadcast_in_dim3A_2068] : memref<16x64xi32, #tpu.memory_space<vmem>>[vector<16xi32>, vector<16xi32>], vector<16xi32>,
        %gather3A_2070 = tpu.vector_load_idx %arg26[%iota3A, %broadcast_in_dim3A_2068] : memref<16x64xf32, #tpu.memory_space<vmem>>[vector<16xi32>, vector<16xi32>], vector<16xf32>,
        %eq3A = arith.constant 100000 : i32
        %eq3A_2071 = vector.broadcast %eq3A : i32 to vector<16xi32>
        %eq3A_2072 = arith.cmpi eq, %gather3A_2069, %eq3A_2071 : vector<16xi32>
        %jit3A = arith.constant 0.000000e+00 : f32
        %jit3A_2073 = arith.constant 1.000000e+00 : f32
        %broadcast_in_dim3A_2074 = vector.broadcast %jit3A : f32 to vector<16xf32>
        %broadcast_in_dim3A_2075 = vector.broadcast %jit3A_2073 : f32 to vector<16xf32>
        %select_n3A = arith.select %eq3A_2072, %broadcast_in_dim3A_2074, %broadcast_in_dim3A_2075 : vector<16xi1>, vector<16xf32>
        %sub3A = arith.constant 6.000000e-01 : f32
        %sub3A_2076 = vector.broadcast %sub3A : f32 to vector<16xf32>
        %sub3A_2077 = arith.subf %gather3A_2070, %sub3A_2076 : vector<16xf32>
        %mul3A_2078 = arith.mulf %sub3A_2077, %select_n3A : vector<16xf32>
        %mul3A_2079 = arith.constant 64 : i32
        %mul3A_2080 = vector.broadcast %mul3A_2079 : i32 to vector<16xi32>
        %mul3A_2081 = arith.muli %iota3A, %mul3A_2080 : vector<16xi32>
        %add3A_2082 = arith.addi %mul3A_2081, %broadcast_in_dim3A_2068 : vector<16xi32>
        %broadcast_in_dim3A_2083 = arith.constant 0 : i32
        %broadcast_in_dim3A_2084 = vector.broadcast %broadcast_in_dim3A_2083 : i32 to vector<16xi32>
        %gather3A_2085 = tpu.vector_load_idx %arg29[%add3A_2082, %broadcast_in_dim3A_2084] : memref<1024x32xf32, #tpu.memory_space<vmem>>[vector<16xi32>, vector<16xi32>], vector<16xf32>,
        %mul3A_2086 = arith.mulf %mul3A_2078, %gather3A_2085 : vector<16xf32>
        %add3A_2087 = arith.addf %scan3A_2033, %mul3A_2086 : vector<16xf32>
        %broadcast_in_dim3A_2088 = arith.constant 1 : i32
        %broadcast_in_dim3A_2089 = vector.broadcast %broadcast_in_dim3A_2088 : i32 to vector<16xi32>
        %gather3A_2090 = tpu.vector_load_idx %arg29[%add3A_2082, %broadcast_in_dim3A_2089] : memref<1024x32xf32, #tpu.memory_space<vmem>>[vector<16xi32>, vector<16xi32>], vector<16xf32>,
        %mul3A_2091 = arith.mulf %mul3A_2078, %gather3A_2090 : vector<16xf32>
        %add3A_2092 = arith.addf %scan3A_2034, %mul3A_2091 : vector<16xf32>
        %broadcast_in_dim3A_2093 = arith.constant 2 : i32
        %broadcast_in_dim3A_2094 = vector.broadcast %broadcast_in_dim3A_2093 : i32 to vector<16xi32>
        %gather3A_2095 = tpu.vector_load_idx %arg29[%add3A_2082, %broadcast_in_dim3A_2094] : memref<1024x32xf32, #tpu.memory_space<vmem>>[vector<16xi32>, vector<16xi32>], vector<16xf32>,
        %mul3A_2096 = arith.mulf %mul3A_2078, %gather3A_2095 : vector<16xf32>
        %add3A_2097 = arith.addf %scan3A_2035, %mul3A_2096 : vector<16xf32>
        %broadcast_in_dim3A_2098 = arith.constant 3 : i32
        %broadcast_in_dim3A_2099 = vector.broadcast %broadcast_in_dim3A_2098 : i32 to vector<16xi32>
        %gather3A_2100 = tpu.vector_load_idx %arg29[%add3A_2082, %broadcast_in_dim3A_2099] : memref<1024x32xf32, #tpu.memory_space<vmem>>[vector<16xi32>, vector<16xi32>], vector<16xf32>,
        %mul3A_2101 = arith.mulf %mul3A_2078, %gather3A_2100 : vector<16xf32>
        %add3A_2102 = arith.addf %scan3A_2036, %mul3A_2101 : vector<16xf32>
        %broadcast_in_dim3A_2103 = arith.constant 4 : i32
        %broadcast_in_dim3A_2104 = vector.broadcast %broadcast_in_dim3A_2103 : i32 to vector<16xi32>
        %gather3A_2105 = tpu.vector_load_idx %arg29[%add3A_2082, %broadcast_in_dim3A_2104] : memref<1024x32xf32, #tpu.memory_space<vmem>>[vector<16xi32>, vector<16xi32>], vector<16xf32>,
        %mul3A_2106 = arith.mulf %mul3A_2078, %gather3A_2105 : vector<16xf32>
        %add3A_2107 = arith.addf %scan3A_2037, %mul3A_2106 : vector<16xf32>
        %broadcast_in_dim3A_2108 = arith.constant 5 : i32
        %broadcast_in_dim3A_2109 = vector.broadcast %broadcast_in_dim3A_2108 : i32 to vector<16xi32>
        %gather3A_2110 = tpu.vector_load_idx %arg29[%add3A_2082, %broadcast_in_dim3A_2109] : memref<1024x32xf32, #tpu.memory_space<vmem>>[vector<16xi32>, vector<16xi32>], vector<16xf32>,
        %mul3A_2111 = arith.mulf %mul3A_2078, %gather3A_2110 : vector<16xf32>
        %add3A_2112 = arith.addf %scan3A_2038, %mul3A_2111 : vector<16xf32>
        %broadcast_in_dim3A_2113 = arith.constant 6 : i32
        %broadcast_in_dim3A_2114 = vector.broadcast %broadcast_in_dim3A_2113 : i32 to vector<16xi32>
        %gather3A_2115 = tpu.vector_load_idx %arg29[%add3A_2082, %broadcast_in_dim3A_2114] : memref<1024x32xf32, #tpu.memory_space<vmem>>[vector<16xi32>, vector<16xi32>], vector<16xf32>,
        %mul3A_2116 = arith.mulf %mul3A_2078, %gather3A_2115 : vector<16xf32>
        %add3A_2117 = arith.addf %scan3A_2039, %mul3A_2116 : vector<16xf32>
        %broadcast_in_dim3A_2118 = arith.constant 7 : i32
        %broadcast_in_dim3A_2119 = vector.broadcast %broadcast_in_dim3A_2118 : i32 to vector<16xi32>
        %gather3A_2120 = tpu.vector_load_idx %arg29[%add3A_2082, %broadcast_in_dim3A_2119] : memref<1024x32xf32, #tpu.memory_space<vmem>>[vector<16xi32>, vector<16xi32>], vector<16xf32>,
        %mul3A_2121 = arith.mulf %mul3A_2078, %gather3A_2120 : vector<16xf32>
        %add3A_2122 = arith.addf %scan3A_2040, %mul3A_2121 : vector<16xf32>
        %broadcast_in_dim3A_2123 = arith.constant 8 : i32
        %broadcast_in_dim3A_2124 = vector.broadcast %broadcast_in_dim3A_2123 : i32 to vector<16xi32>
        %gather3A_2125 = tpu.vector_load_idx %arg29[%add3A_2082, %broadcast_in_dim3A_2124] : memref<1024x32xf32, #tpu.memory_space<vmem>>[vector<16xi32>, vector<16xi32>], vector<16xf32>,
        %mul3A_2126 = arith.mulf %mul3A_2078, %gather3A_2125 : vector<16xf32>
        %add3A_2127 = arith.addf %scan3A_2041, %mul3A_2126 : vector<16xf32>
        %broadcast_in_dim3A_2128 = arith.constant 9 : i32
        %broadcast_in_dim3A_2129 = vector.broadcast %broadcast_in_dim3A_2128 : i32 to vector<16xi32>
        %gather3A_2130 = tpu.vector_load_idx %arg29[%add3A_2082, %broadcast_in_dim3A_2129] : memref<1024x32xf32, #tpu.memory_space<vmem>>[vector<16xi32>, vector<16xi32>], vector<16xf32>,
        %mul3A_2131 = arith.mulf %mul3A_2078, %gather3A_2130 : vector<16xf32>
        %add3A_2132 = arith.addf %scan3A_2042, %mul3A_2131 : vector<16xf32>
        %broadcast_in_dim3A_2133 = arith.constant 10 : i32
        %broadcast_in_dim3A_2134 = vector.broadcast %broadcast_in_dim3A_2133 : i32 to vector<16xi32>
        %gather3A_2135 = tpu.vector_load_idx %arg29[%add3A_2082, %broadcast_in_dim3A_2134] : memref<1024x32xf32, #tpu.memory_space<vmem>>[vector<16xi32>, vector<16xi32>], vector<16xf32>,
        %mul3A_2136 = arith.mulf %mul3A_2078, %gather3A_2135 : vector<16xf32>
        %add3A_2137 = arith.addf %scan3A_2043, %mul3A_2136 : vector<16xf32>
        %broadcast_in_dim3A_2138 = arith.constant 11 : i32
        %broadcast_in_dim3A_2139 = vector.broadcast %broadcast_in_dim3A_2138 : i32 to vector<16xi32>
        %gather3A_2140 = tpu.vector_load_idx %arg29[%add3A_2082, %broadcast_in_dim3A_2139] : memref<1024x32xf32, #tpu.memory_space<vmem>>[vector<16xi32>, vector<16xi32>], vector<16xf32>,
        %mul3A_2141 = arith.mulf %mul3A_2078, %gather3A_2140 : vector<16xf32>
        %add3A_2142 = arith.addf %scan3A_2044, %mul3A_2141 : vector<16xf32>
        %broadcast_in_dim3A_2143 = arith.constant 12 : i32
        %broadcast_in_dim3A_2144 = vector.broadcast %broadcast_in_dim3A_2143 : i32 to vector<16xi32>
        %gather3A_2145 = tpu.vector_load_idx %arg29[%add3A_2082, %broadcast_in_dim3A_2144] : memref<1024x32xf32, #tpu.memory_space<vmem>>[vector<16xi32>, vector<16xi32>], vector<16xf32>,
        %mul3A_2146 = arith.mulf %mul3A_2078, %gather3A_2145 : vector<16xf32>
        %add3A_2147 = arith.addf %scan3A_2045, %mul3A_2146 : vector<16xf32>
        %broadcast_in_dim3A_2148 = arith.constant 13 : i32
        %broadcast_in_dim3A_2149 = vector.broadcast %broadcast_in_dim3A_2148 : i32 to vector<16xi32>
        %gather3A_2150 = tpu.vector_load_idx %arg29[%add3A_2082, %broadcast_in_dim3A_2149] : memref<1024x32xf32, #tpu.memory_space<vmem>>[vector<16xi32>, vector<16xi32>], vector<16xf32>,
        %mul3A_2151 = arith.mulf %mul3A_2078, %gather3A_2150 : vector<16xf32>
        %add3A_2152 = arith.addf %scan3A_2046, %mul3A_2151 : vector<16xf32>
        %broadcast_in_dim3A_2153 = arith.constant 14 : i32
        %broadcast_in_dim3A_2154 = vector.broadcast %broadcast_in_dim3A_2153 : i32 to vector<16xi32>
        %gather3A_2155 = tpu.vector_load_idx %arg29[%add3A_2082, %broadcast_in_dim3A_2154] : memref<1024x32xf32, #tpu.memory_space<vmem>>[vector<16xi32>, vector<16xi32>], vector<16xf32>,
        %mul3A_2156 = arith.mulf %mul3A_2078, %gather3A_2155 : vector<16xf32>
        %add3A_2157 = arith.addf %scan3A_2047, %mul3A_2156 : vector<16xf32>
        %broadcast_in_dim3A_2158 = arith.constant 15 : i32
        %broadcast_in_dim3A_2159 = vector.broadcast %broadcast_in_dim3A_2158 : i32 to vector<16xi32>
        %gather3A_2160 = tpu.vector_load_idx %arg29[%add3A_2082, %broadcast_in_dim3A_2159] : memref<1024x32xf32, #tpu.memory_space<vmem>>[vector<16xi32>, vector<16xi32>], vector<16xf32>,
        %mul3A_2161 = arith.mulf %mul3A_2078, %gather3A_2160 : vector<16xf32>
        %add3A_2162 = arith.addf %scan3A_2048, %mul3A_2161 : vector<16xf32>
        %broadcast_in_dim3A_2163 = arith.constant 16 : i32
        %broadcast_in_dim3A_2164 = vector.broadcast %broadcast_in_dim3A_2163 : i32 to vector<16xi32>
        %gather3A_2165 = tpu.vector_load_idx %arg29[%add3A_2082, %broadcast_in_dim3A_2164] : memref<1024x32xf32, #tpu.memory_space<vmem>>[vector<16xi32>, vector<16xi32>], vector<16xf32>,
        %mul3A_2166 = arith.mulf %mul3A_2078, %gather3A_2165 : vector<16xf32>
        %add3A_2167 = arith.addf %scan3A_2049, %mul3A_2166 : vector<16xf32>
        %broadcast_in_dim3A_2168 = arith.constant 17 : i32
        %broadcast_in_dim3A_2169 = vector.broadcast %broadcast_in_dim3A_2168 : i32 to vector<16xi32>
        %gather3A_2170 = tpu.vector_load_idx %arg29[%add3A_2082, %broadcast_in_dim3A_2169] : memref<1024x32xf32, #tpu.memory_space<vmem>>[vector<16xi32>, vector<16xi32>], vector<16xf32>,
        %mul3A_2171 = arith.mulf %mul3A_2078, %gather3A_2170 : vector<16xf32>
        %add3A_2172 = arith.addf %scan3A_2050, %mul3A_2171 : vector<16xf32>
        %broadcast_in_dim3A_2173 = arith.constant 18 : i32
        %broadcast_in_dim3A_2174 = vector.broadcast %broadcast_in_dim3A_2173 : i32 to vector<16xi32>
        %gather3A_2175 = tpu.vector_load_idx %arg29[%add3A_2082, %broadcast_in_dim3A_2174] : memref<1024x32xf32, #tpu.memory_space<vmem>>[vector<16xi32>, vector<16xi32>], vector<16xf32>,
        %mul3A_2176 = arith.mulf %mul3A_2078, %gather3A_2175 : vector<16xf32>
        %add3A_2177 = arith.addf %scan3A_2051, %mul3A_2176 : vector<16xf32>
        %broadcast_in_dim3A_2178 = arith.constant 19 : i32
        %broadcast_in_dim3A_2179 = vector.broadcast %broadcast_in_dim3A_2178 : i32 to vector<16xi32>
        %gather3A_2180 = tpu.vector_load_idx %arg29[%add3A_2082, %broadcast_in_dim3A_2179] : memref<1024x32xf32, #tpu.memory_space<vmem>>[vector<16xi32>, vector<16xi32>], vector<16xf32>,
        %mul3A_2181 = arith.mulf %mul3A_2078, %gather3A_2180 : vector<16xf32>
        %add3A_2182 = arith.addf %scan3A_2052, %mul3A_2181 : vector<16xf32>
        %broadcast_in_dim3A_2183 = arith.constant 20 : i32
        %broadcast_in_dim3A_2184 = vector.broadcast %broadcast_in_dim3A_2183 : i32 to vector<16xi32>
        %gather3A_2185 = tpu.vector_load_idx %arg29[%add3A_2082, %broadcast_in_dim3A_2184] : memref<1024x32xf32, #tpu.memory_space<vmem>>[vector<16xi32>, vector<16xi32>], vector<16xf32>,
        %mul3A_2186 = arith.mulf %mul3A_2078, %gather3A_2185 : vector<16xf32>
        %add3A_2187 = arith.addf %scan3A_2053, %mul3A_2186 : vector<16xf32>
        %broadcast_in_dim3A_2188 = arith.constant 21 : i32
        %broadcast_in_dim3A_2189 = vector.broadcast %broadcast_in_dim3A_2188 : i32 to vector<16xi32>
        %gather3A_2190 = tpu.vector_load_idx %arg29[%add3A_2082, %broadcast_in_dim3A_2189] : memref<1024x32xf32, #tpu.memory_space<vmem>>[vector<16xi32>, vector<16xi32>], vector<16xf32>,
        %mul3A_2191 = arith.mulf %mul3A_2078, %gather3A_2190 : vector<16xf32>
        %add3A_2192 = arith.addf %scan3A_2054, %mul3A_2191 : vector<16xf32>
        %broadcast_in_dim3A_2193 = arith.constant 22 : i32
        %broadcast_in_dim3A_2194 = vector.broadcast %broadcast_in_dim3A_2193 : i32 to vector<16xi32>
        %gather3A_2195 = tpu.vector_load_idx %arg29[%add3A_2082, %broadcast_in_dim3A_2194] : memref<1024x32xf32, #tpu.memory_space<vmem>>[vector<16xi32>, vector<16xi32>], vector<16xf32>,
        %mul3A_2196 = arith.mulf %mul3A_2078, %gather3A_2195 : vector<16xf32>
        %add3A_2197 = arith.addf %scan3A_2055, %mul3A_2196 : vector<16xf32>
        %broadcast_in_dim3A_2198 = arith.constant 23 : i32
        %broadcast_in_dim3A_2199 = vector.broadcast %broadcast_in_dim3A_2198 : i32 to vector<16xi32>
        %gather3A_2200 = tpu.vector_load_idx %arg29[%add3A_2082, %broadcast_in_dim3A_2199] : memref<1024x32xf32, #tpu.memory_space<vmem>>[vector<16xi32>, vector<16xi32>], vector<16xf32>,
        %mul3A_2201 = arith.mulf %mul3A_2078, %gather3A_2200 : vector<16xf32>
        %add3A_2202 = arith.addf %scan3A_2056, %mul3A_2201 : vector<16xf32>
        %broadcast_in_dim3A_2203 = arith.constant 24 : i32
        %broadcast_in_dim3A_2204 = vector.broadcast %broadcast_in_dim3A_2203 : i32 to vector<16xi32>
        %gather3A_2205 = tpu.vector_load_idx %arg29[%add3A_2082, %broadcast_in_dim3A_2204] : memref<1024x32xf32, #tpu.memory_space<vmem>>[vector<16xi32>, vector<16xi32>], vector<16xf32>,
        %mul3A_2206 = arith.mulf %mul3A_2078, %gather3A_2205 : vector<16xf32>
        %add3A_2207 = arith.addf %scan3A_2057, %mul3A_2206 : vector<16xf32>
        %broadcast_in_dim3A_2208 = arith.constant 25 : i32
        %broadcast_in_dim3A_2209 = vector.broadcast %broadcast_in_dim3A_2208 : i32 to vector<16xi32>
        %gather3A_2210 = tpu.vector_load_idx %arg29[%add3A_2082, %broadcast_in_dim3A_2209] : memref<1024x32xf32, #tpu.memory_space<vmem>>[vector<16xi32>, vector<16xi32>], vector<16xf32>,
        %mul3A_2211 = arith.mulf %mul3A_2078, %gather3A_2210 : vector<16xf32>
        %add3A_2212 = arith.addf %scan3A_2058, %mul3A_2211 : vector<16xf32>
        %broadcast_in_dim3A_2213 = arith.constant 26 : i32
        %broadcast_in_dim3A_2214 = vector.broadcast %broadcast_in_dim3A_2213 : i32 to vector<16xi32>
        %gather3A_2215 = tpu.vector_load_idx %arg29[%add3A_2082, %broadcast_in_dim3A_2214] : memref<1024x32xf32, #tpu.memory_space<vmem>>[vector<16xi32>, vector<16xi32>], vector<16xf32>,
        %mul3A_2216 = arith.mulf %mul3A_2078, %gather3A_2215 : vector<16xf32>
        %add3A_2217 = arith.addf %scan3A_2059, %mul3A_2216 : vector<16xf32>
        %broadcast_in_dim3A_2218 = arith.constant 27 : i32
        %broadcast_in_dim3A_2219 = vector.broadcast %broadcast_in_dim3A_2218 : i32 to vector<16xi32>
        %gather3A_2220 = tpu.vector_load_idx %arg29[%add3A_2082, %broadcast_in_dim3A_2219] : memref<1024x32xf32, #tpu.memory_space<vmem>>[vector<16xi32>, vector<16xi32>], vector<16xf32>,
        %mul3A_2221 = arith.mulf %mul3A_2078, %gather3A_2220 : vector<16xf32>
        %add3A_2222 = arith.addf %scan3A_2060, %mul3A_2221 : vector<16xf32>
        %broadcast_in_dim3A_2223 = arith.constant 28 : i32
        %broadcast_in_dim3A_2224 = vector.broadcast %broadcast_in_dim3A_2223 : i32 to vector<16xi32>
        %gather3A_2225 = tpu.vector_load_idx %arg29[%add3A_2082, %broadcast_in_dim3A_2224] : memref<1024x32xf32, #tpu.memory_space<vmem>>[vector<16xi32>, vector<16xi32>], vector<16xf32>,
        %mul3A_2226 = arith.mulf %mul3A_2078, %gather3A_2225 : vector<16xf32>
        %add3A_2227 = arith.addf %scan3A_2061, %mul3A_2226 : vector<16xf32>
        %broadcast_in_dim3A_2228 = arith.constant 29 : i32
        %broadcast_in_dim3A_2229 = vector.broadcast %broadcast_in_dim3A_2228 : i32 to vector<16xi32>
        %gather3A_2230 = tpu.vector_load_idx %arg29[%add3A_2082, %broadcast_in_dim3A_2229] : memref<1024x32xf32, #tpu.memory_space<vmem>>[vector<16xi32>, vector<16xi32>], vector<16xf32>,
        %mul3A_2231 = arith.mulf %mul3A_2078, %gather3A_2230 : vector<16xf32>
        %add3A_2232 = arith.addf %scan3A_2062, %mul3A_2231 : vector<16xf32>
        %broadcast_in_dim3A_2233 = arith.constant 30 : i32
        %broadcast_in_dim3A_2234 = vector.broadcast %broadcast_in_dim3A_2233 : i32 to vector<16xi32>
        %gather3A_2235 = tpu.vector_load_idx %arg29[%add3A_2082, %broadcast_in_dim3A_2234] : memref<1024x32xf32, #tpu.memory_space<vmem>>[vector<16xi32>, vector<16xi32>], vector<16xf32>,
        %mul3A_2236 = arith.mulf %mul3A_2078, %gather3A_2235 : vector<16xf32>
        %add3A_2237 = arith.addf %scan3A_2063, %mul3A_2236 : vector<16xf32>
        %broadcast_in_dim3A_2238 = arith.constant 31 : i32
        %broadcast_in_dim3A_2239 = vector.broadcast %broadcast_in_dim3A_2238 : i32 to vector<16xi32>
        %gather3A_2240 = tpu.vector_load_idx %arg29[%add3A_2082, %broadcast_in_dim3A_2239] : memref<1024x32xf32, #tpu.memory_space<vmem>>[vector<16xi32>, vector<16xi32>], vector<16xf32>,
        %mul3A_2241 = arith.mulf %mul3A_2078, %gather3A_2240 : vector<16xf32>
        %add3A_2242 = arith.addf %scan3A_2064, %mul3A_2241 : vector<16xf32>
        %abs3A = math.absf %mul3A_2078 : vector<16xf32>
        %add3A_2243 = arith.addf %scan3A_2065, %abs3A : vector<16xf32>
        %mul3A_2244 = arith.mulf %gather3A_2070, %select_n3A : vector<16xf32>
        %add3A_2245 = arith.addf %scan3A_2066, %mul3A_2244 : vector<16xf32>
        %add3A_2246 = arith.addf %scan3A_2067, %select_n3A : vector<16xf32>
        scf.yield %add3A_2087, %add3A_2092, %add3A_2097, %add3A_2102, %add3A_2107, %add3A_2112, %add3A_2117, %add3A_2122, %add3A_2127, %add3A_2132, %add3A_2137, %add3A_2142, %add3A_2147, %add3A_2152, %add3A_2157, %add3A_2162, %add3A_2167, %add3A_2172, %add3A_2177, %add3A_2182, %add3A_2187, %add3A_2192, %add3A_2197, %add3A_2202, %add3A_2207, %add3A_2212, %add3A_2217, %add3A_2222, %add3A_2227, %add3A_2232, %add3A_2237, %add3A_2242, %add3A_2243, %add3A_2245, %add3A_2246 : vector<16xf32>, vector<16xf32>, vector<16xf32>, vector<16xf32>, vector<16xf32>, vector<16xf32>, vector<16xf32>, vector<16xf32>, vector<16xf32>, vector<16xf32>, vector<16xf32>, vector<16xf32>, vector<16xf32>, vector<16xf32>, vector<16xf32>, vector<16xf32>, vector<16xf32>, vector<16xf32>, vector<16xf32>, vector<16xf32>, vector<16xf32>, vector<16xf32>, vector<16xf32>, vector<16xf32>, vector<16xf32>, vector<16xf32>, vector<16xf32>, vector<16xf32>, vector<16xf32>, vector<16xf32>, vector<16xf32>, vector<16xf32>, vector<16xf32>, vector<16xf32>, vector<16xf32>
      }
      %scan3A_136 = arith.constant 50 : i32
      %max3A = arith.constant 9.99999997E-7 : f32
      %max3A_137 = vector.broadcast %max3A : f32 to vector<16xf32>
      %max3A_138 = arith.maximumf %scan3A_135#32, %max3A_137 : vector<16xf32>
      %div3A = arith.constant 1.000000e+00 : f32
      %div3A_139 = vector.broadcast %div3A : f32 to vector<16xf32>
      %div3A_140 = arith.divf %div3A_139, %max3A_138 : vector<16xf32>
      %max3A_141 = arith.constant 1.000000e+00 : f32
      %max3A_142 = vector.broadcast %max3A_141 : f32 to vector<16xf32>
      %max3A_143 = arith.maximumf %scan3A_135#34, %max3A_142 : vector<16xf32>
      %div3A_144 = arith.divf %scan3A_135#33, %max3A_143 : vector<16xf32>
      %broadcast_in_dim3A_145 = arith.constant 0.000000e+00 : f32
      %broadcast_in_dim3A_146 = vector.broadcast %broadcast_in_dim3A_145 : f32 to vector<16xf32>
      %broadcast_in_dim3A_147 = arith.constant 0 : i32
      %broadcast_in_dim3A_148 = vector.broadcast %broadcast_in_dim3A_147 : i32 to vector<16xi32>
      %gather3A = tpu.vector_load_idx %arg24[%iota3A, %broadcast_in_dim3A_148] : memref<16x32xf32, #tpu.memory_space<vmem>>[vector<16xi32>, vector<16xi32>], vector<16xf32>,
      %broadcast_in_dim3A_149 = arith.constant 64 : i32
      %broadcast_in_dim3A_150 = vector.broadcast %broadcast_in_dim3A_149 : i32 to vector<16xi32>
      %gather3A_151 = tpu.vector_load_idx %arg20[%broadcast_in_dim3A_150] : memref<408xf32, #tpu.memory_space<vmem>>[vector<16xi32>], vector<16xf32>,
      %broadcast_in_dim3A_152 = arith.constant 344 : i32
      %broadcast_in_dim3A_153 = vector.broadcast %broadcast_in_dim3A_152 : i32 to vector<16xi32>
      %gather3A_154 = tpu.vector_load_idx %arg20[%broadcast_in_dim3A_153] : memref<408xf32, #tpu.memory_space<vmem>>[vector<16xi32>], vector<16xf32>,
      %mul3A_155 = arith.mulf %gather3A, %gather3A_154 : vector<16xf32>
      %add3A_156 = arith.addf %gather3A_151, %mul3A_155 : vector<16xf32>
      %mul3A_157 = arith.mulf %scan3A_135#0, %add3A_156 : vector<16xf32>
      %add3A_158 = arith.addf %broadcast_in_dim3A_146, %mul3A_157 : vector<16xf32>
      %broadcast_in_dim3A_159 = arith.constant 1 : i32
      %broadcast_in_dim3A_160 = vector.broadcast %broadcast_in_dim3A_159 : i32 to vector<16xi32>
      %gather3A_161 = tpu.vector_load_idx %arg24[%iota3A, %broadcast_in_dim3A_160] : memref<16x32xf32, #tpu.memory_space<vmem>>[vector<16xi32>, vector<16xi32>], vector<16xf32>,
      %broadcast_in_dim3A_162 = arith.constant 65 : i32
      %broadcast_in_dim3A_163 = vector.broadcast %broadcast_in_dim3A_162 : i32 to vector<16xi32>
      %gather3A_164 = tpu.vector_load_idx %arg20[%broadcast_in_dim3A_163] : memref<408xf32, #tpu.memory_space<vmem>>[vector<16xi32>], vector<16xf32>,
      %broadcast_in_dim3A_165 = arith.constant 345 : i32
      %broadcast_in_dim3A_166 = vector.broadcast %broadcast_in_dim3A_165 : i32 to vector<16xi32>
      %gather3A_167 = tpu.vector_load_idx %arg20[%broadcast_in_dim3A_166] : memref<408xf32, #tpu.memory_space<vmem>>[vector<16xi32>], vector<16xf32>,
      %mul3A_168 = arith.mulf %gather3A_161, %gather3A_167 : vector<16xf32>
      %add3A_169 = arith.addf %gather3A_164, %mul3A_168 : vector<16xf32>
      %mul3A_170 = arith.mulf %scan3A_135#1, %add3A_169 : vector<16xf32>
      %add3A_171 = arith.addf %add3A_158, %mul3A_170 : vector<16xf32>
      %broadcast_in_dim3A_172 = arith.constant 2 : i32
      %broadcast_in_dim3A_173 = vector.broadcast %broadcast_in_dim3A_172 : i32 to vector<16xi32>
      %gather3A_174 = tpu.vector_load_idx %arg24[%iota3A, %broadcast_in_dim3A_173] : memref<16x32xf32, #tpu.memory_space<vmem>>[vector<16xi32>, vector<16xi32>], vector<16xf32>,
      %broadcast_in_dim3A_175 = arith.constant 66 : i32
      %broadcast_in_dim3A_176 = vector.broadcast %broadcast_in_dim3A_175 : i32 to vector<16xi32>
      %gather3A_177 = tpu.vector_load_idx %arg20[%broadcast_in_dim3A_176] : memref<408xf32, #tpu.memory_space<vmem>>[vector<16xi32>], vector<16xf32>,
      %broadcast_in_dim3A_178 = arith.constant 346 : i32
      %broadcast_in_dim3A_179 = vector.broadcast %broadcast_in_dim3A_178 : i32 to vector<16xi32>
      %gather3A_180 = tpu.vector_load_idx %arg20[%broadcast_in_dim3A_179] : memref<408xf32, #tpu.memory_space<vmem>>[vector<16xi32>], vector<16xf32>,
      %mul3A_181 = arith.mulf %gather3A_174, %gather3A_180 : vector<16xf32>
      %add3A_182 = arith.addf %gather3A_177, %mul3A_181 : vector<16xf32>
      %mul3A_183 = arith.mulf %scan3A_135#2, %add3A_182 : vector<16xf32>
      %add3A_184 = arith.addf %add3A_171, %mul3A_183 : vector<16xf32>
      %broadcast_in_dim3A_185 = arith.constant 3 : i32
      %broadcast_in_dim3A_186 = vector.broadcast %broadcast_in_dim3A_185 : i32 to vector<16xi32>
      %gather3A_187 = tpu.vector_load_idx %arg24[%iota3A, %broadcast_in_dim3A_186] : memref<16x32xf32, #tpu.memory_space<vmem>>[vector<16xi32>, vector<16xi32>], vector<16xf32>,
      %broadcast_in_dim3A_188 = arith.constant 67 : i32
      %broadcast_in_dim3A_189 = vector.broadcast %broadcast_in_dim3A_188 : i32 to vector<16xi32>
      %gather3A_190 = tpu.vector_load_idx %arg20[%broadcast_in_dim3A_189] : memref<408xf32, #tpu.memory_space<vmem>>[vector<16xi32>], vector<16xf32>,
      %broadcast_in_dim3A_191 = arith.constant 347 : i32
      %broadcast_in_dim3A_192 = vector.broadcast %broadcast_in_dim3A_191 : i32 to vector<16xi32>
      %gather3A_193 = tpu.vector_load_idx %arg20[%broadcast_in_dim3A_192] : memref<408xf32, #tpu.memory_space<vmem>>[vector<16xi32>], vector<16xf32>,
      %mul3A_194 = arith.mulf %gather3A_187, %gather3A_193 : vector<16xf32>
      %add3A_195 = arith.addf %gather3A_190, %mul3A_194 : vector<16xf32>
      %mul3A_196 = arith.mulf %scan3A_135#3, %add3A_195 : vector<16xf32>
      %add3A_197 = arith.addf %add3A_184, %mul3A_196 : vector<16xf32>
      %broadcast_in_dim3A_198 = arith.constant 4 : i32
      %broadcast_in_dim3A_199 = vector.broadcast %broadcast_in_dim3A_198 : i32 to vector<16xi32>
      %gather3A_200 = tpu.vector_load_idx %arg24[%iota3A, %broadcast_in_dim3A_199] : memref<16x32xf32, #tpu.memory_space<vmem>>[vector<16xi32>, vector<16xi32>], vector<16xf32>,
      %broadcast_in_dim3A_201 = arith.constant 68 : i32
      %broadcast_in_dim3A_202 = vector.broadcast %broadcast_in_dim3A_201 : i32 to vector<16xi32>
      %gather3A_203 = tpu.vector_load_idx %arg20[%broadcast_in_dim3A_202] : memref<408xf32, #tpu.memory_space<vmem>>[vector<16xi32>], vector<16xf32>,
      %broadcast_in_dim3A_204 = arith.constant 348 : i32
      %broadcast_in_dim3A_205 = vector.broadcast %broadcast_in_dim3A_204 : i32 to vector<16xi32>
      %gather3A_206 = tpu.vector_load_idx %arg20[%broadcast_in_dim3A_205] : memref<408xf32, #tpu.memory_space<vmem>>[vector<16xi32>], vector<16xf32>,
      %mul3A_207 = arith.mulf %gather3A_200, %gather3A_206 : vector<16xf32>
      %add3A_208 = arith.addf %gather3A_203, %mul3A_207 : vector<16xf32>
      %mul3A_209 = arith.mulf %scan3A_135#4, %add3A_208 : vector<16xf32>
      %add3A_210 = arith.addf %add3A_197, %mul3A_209 : vector<16xf32>
      %broadcast_in_dim3A_211 = arith.constant 5 : i32
      %broadcast_in_dim3A_212 = vector.broadcast %broadcast_in_dim3A_211 : i32 to vector<16xi32>
      %gather3A_213 = tpu.vector_load_idx %arg24[%iota3A, %broadcast_in_dim3A_212] : memref<16x32xf32, #tpu.memory_space<vmem>>[vector<16xi32>, vector<16xi32>], vector<16xf32>,
      %broadcast_in_dim3A_214 = arith.constant 69 : i32
      %broadcast_in_dim3A_215 = vector.broadcast %broadcast_in_dim3A_214 : i32 to vector<16xi32>
      %gather3A_216 = tpu.vector_load_idx %arg20[%broadcast_in_dim3A_215] : memref<408xf32, #tpu.memory_space<vmem>>[vector<16xi32>], vector<16xf32>,
      %broadcast_in_dim3A_217 = arith.constant 349 : i32
      %broadcast_in_dim3A_218 = vector.broadcast %broadcast_in_dim3A_217 : i32 to vector<16xi32>
      %gather3A_219 = tpu.vector_load_idx %arg20[%broadcast_in_dim3A_218] : memref<408xf32, #tpu.memory_space<vmem>>[vector<16xi32>], vector<16xf32>,
      %mul3A_220 = arith.mulf %gather3A_213, %gather3A_219 : vector<16xf32>
      %add3A_221 = arith.addf %gather3A_216, %mul3A_220 : vector<16xf32>
      %mul3A_222 = arith.mulf %scan3A_135#5, %add3A_221 : vector<16xf32>
      %add3A_223 = arith.addf %add3A_210, %mul3A_222 : vector<16xf32>
      %broadcast_in_dim3A_224 = arith.constant 6 : i32
      %broadcast_in_dim3A_225 = vector.broadcast %broadcast_in_dim3A_224 : i32 to vector<16xi32>
      %gather3A_226 = tpu.vector_load_idx %arg24[%iota3A, %broadcast_in_dim3A_225] : memref<16x32xf32, #tpu.memory_space<vmem>>[vector<16xi32>, vector<16xi32>], vector<16xf32>,
      %broadcast_in_dim3A_227 = arith.constant 70 : i32
      %broadcast_in_dim3A_228 = vector.broadcast %broadcast_in_dim3A_227 : i32 to vector<16xi32>
      %gather3A_229 = tpu.vector_load_idx %arg20[%broadcast_in_dim3A_228] : memref<408xf32, #tpu.memory_space<vmem>>[vector<16xi32>], vector<16xf32>,
      %broadcast_in_dim3A_230 = arith.constant 350 : i32
      %broadcast_in_dim3A_231 = vector.broadcast %broadcast_in_dim3A_230 : i32 to vector<16xi32>
      %gather3A_232 = tpu.vector_load_idx %arg20[%broadcast_in_dim3A_231] : memref<408xf32, #tpu.memory_space<vmem>>[vector<16xi32>], vector<16xf32>,
      %mul3A_233 = arith.mulf %gather3A_226, %gather3A_232 : vector<16xf32>
      %add3A_234 = arith.addf %gather3A_229, %mul3A_233 : vector<16xf32>
      %mul3A_235 = arith.mulf %scan3A_135#6, %add3A_234 : vector<16xf32>
      %add3A_236 = arith.addf %add3A_223, %mul3A_235 : vector<16xf32>
      %broadcast_in_dim3A_237 = arith.constant 7 : i32
      %broadcast_in_dim3A_238 = vector.broadcast %broadcast_in_dim3A_237 : i32 to vector<16xi32>
      %gather3A_239 = tpu.vector_load_idx %arg24[%iota3A, %broadcast_in_dim3A_238] : memref<16x32xf32, #tpu.memory_space<vmem>>[vector<16xi32>, vector<16xi32>], vector<16xf32>,
      %broadcast_in_dim3A_240 = arith.constant 71 : i32
      %broadcast_in_dim3A_241 = vector.broadcast %broadcast_in_dim3A_240 : i32 to vector<16xi32>
      %gather3A_242 = tpu.vector_load_idx %arg20[%broadcast_in_dim3A_241] : memref<408xf32, #tpu.memory_space<vmem>>[vector<16xi32>], vector<16xf32>,
      %broadcast_in_dim3A_243 = arith.constant 351 : i32
      %broadcast_in_dim3A_244 = vector.broadcast %broadcast_in_dim3A_243 : i32 to vector<16xi32>
      %gather3A_245 = tpu.vector_load_idx %arg20[%broadcast_in_dim3A_244] : memref<408xf32, #tpu.memory_space<vmem>>[vector<16xi32>], vector<16xf32>,
      %mul3A_246 = arith.mulf %gather3A_239, %gather3A_245 : vector<16xf32>
      %add3A_247 = arith.addf %gather3A_242, %mul3A_246 : vector<16xf32>
      %mul3A_248 = arith.mulf %scan3A_135#7, %add3A_247 : vector<16xf32>
      %add3A_249 = arith.addf %add3A_236, %mul3A_248 : vector<16xf32>
      %broadcast_in_dim3A_250 = arith.constant 8 : i32
      %broadcast_in_dim3A_251 = vector.broadcast %broadcast_in_dim3A_250 : i32 to vector<16xi32>
      %gather3A_252 = tpu.vector_load_idx %arg24[%iota3A, %broadcast_in_dim3A_251] : memref<16x32xf32, #tpu.memory_space<vmem>>[vector<16xi32>, vector<16xi32>], vector<16xf32>,
      %broadcast_in_dim3A_253 = arith.constant 72 : i32
      %broadcast_in_dim3A_254 = vector.broadcast %broadcast_in_dim3A_253 : i32 to vector<16xi32>
      %gather3A_255 = tpu.vector_load_idx %arg20[%broadcast_in_dim3A_254] : memref<408xf32, #tpu.memory_space<vmem>>[vector<16xi32>], vector<16xf32>,
      %broadcast_in_dim3A_256 = arith.constant 352 : i32
      %broadcast_in_dim3A_257 = vector.broadcast %broadcast_in_dim3A_256 : i32 to vector<16xi32>
      %gather3A_258 = tpu.vector_load_idx %arg20[%broadcast_in_dim3A_257] : memref<408xf32, #tpu.memory_space<vmem>>[vector<16xi32>], vector<16xf32>,
      %mul3A_259 = arith.mulf %gather3A_252, %gather3A_258 : vector<16xf32>
      %add3A_260 = arith.addf %gather3A_255, %mul3A_259 : vector<16xf32>
      %mul3A_261 = arith.mulf %scan3A_135#8, %add3A_260 : vector<16xf32>
      %add3A_262 = arith.addf %add3A_249, %mul3A_261 : vector<16xf32>
      %broadcast_in_dim3A_263 = arith.constant 9 : i32
      %broadcast_in_dim3A_264 = vector.broadcast %broadcast_in_dim3A_263 : i32 to vector<16xi32>
      %gather3A_265 = tpu.vector_load_idx %arg24[%iota3A, %broadcast_in_dim3A_264] : memref<16x32xf32, #tpu.memory_space<vmem>>[vector<16xi32>, vector<16xi32>], vector<16xf32>,
      %broadcast_in_dim3A_266 = arith.constant 73 : i32
      %broadcast_in_dim3A_267 = vector.broadcast %broadcast_in_dim3A_266 : i32 to vector<16xi32>
      %gather3A_268 = tpu.vector_load_idx %arg20[%broadcast_in_dim3A_267] : memref<408xf32, #tpu.memory_space<vmem>>[vector<16xi32>], vector<16xf32>,
      %broadcast_in_dim3A_269 = arith.constant 353 : i32
      %broadcast_in_dim3A_270 = vector.broadcast %broadcast_in_dim3A_269 : i32 to vector<16xi32>
      %gather3A_271 = tpu.vector_load_idx %arg20[%broadcast_in_dim3A_270] : memref<408xf32, #tpu.memory_space<vmem>>[vector<16xi32>], vector<16xf32>,
      %mul3A_272 = arith.mulf %gather3A_265, %gather3A_271 : vector<16xf32>
      %add3A_273 = arith.addf %gather3A_268, %mul3A_272 : vector<16xf32>
      %mul3A_274 = arith.mulf %scan3A_135#9, %add3A_273 : vector<16xf32>
      %add3A_275 = arith.addf %add3A_262, %mul3A_274 : vector<16xf32>
      %broadcast_in_dim3A_276 = arith.constant 10 : i32
      %broadcast_in_dim3A_277 = vector.broadcast %broadcast_in_dim3A_276 : i32 to vector<16xi32>
      %gather3A_278 = tpu.vector_load_idx %arg24[%iota3A, %broadcast_in_dim3A_277] : memref<16x32xf32, #tpu.memory_space<vmem>>[vector<16xi32>, vector<16xi32>], vector<16xf32>,
      %broadcast_in_dim3A_279 = arith.constant 74 : i32
      %broadcast_in_dim3A_280 = vector.broadcast %broadcast_in_dim3A_279 : i32 to vector<16xi32>
      %gather3A_281 = tpu.vector_load_idx %arg20[%broadcast_in_dim3A_280] : memref<408xf32, #tpu.memory_space<vmem>>[vector<16xi32>], vector<16xf32>,
      %broadcast_in_dim3A_282 = arith.constant 354 : i32
      %broadcast_in_dim3A_283 = vector.broadcast %broadcast_in_dim3A_282 : i32 to vector<16xi32>
      %gather3A_284 = tpu.vector_load_idx %arg20[%broadcast_in_dim3A_283] : memref<408xf32, #tpu.memory_space<vmem>>[vector<16xi32>], vector<16xf32>,
      %mul3A_285 = arith.mulf %gather3A_278, %gather3A_284 : vector<16xf32>
      %add3A_286 = arith.addf %gather3A_281, %mul3A_285 : vector<16xf32>
      %mul3A_287 = arith.mulf %scan3A_135#10, %add3A_286 : vector<16xf32>
      %add3A_288 = arith.addf %add3A_275, %mul3A_287 : vector<16xf32>
      %broadcast_in_dim3A_289 = arith.constant 11 : i32
      %broadcast_in_dim3A_290 = vector.broadcast %broadcast_in_dim3A_289 : i32 to vector<16xi32>
      %gather3A_291 = tpu.vector_load_idx %arg24[%iota3A, %broadcast_in_dim3A_290] : memref<16x32xf32, #tpu.memory_space<vmem>>[vector<16xi32>, vector<16xi32>], vector<16xf32>,
      %broadcast_in_dim3A_292 = arith.constant 75 : i32
      %broadcast_in_dim3A_293 = vector.broadcast %broadcast_in_dim3A_292 : i32 to vector<16xi32>
      %gather3A_294 = tpu.vector_load_idx %arg20[%broadcast_in_dim3A_293] : memref<408xf32, #tpu.memory_space<vmem>>[vector<16xi32>], vector<16xf32>,
      %broadcast_in_dim3A_295 = arith.constant 355 : i32
      %broadcast_in_dim3A_296 = vector.broadcast %broadcast_in_dim3A_295 : i32 to vector<16xi32>
      %gather3A_297 = tpu.vector_load_idx %arg20[%broadcast_in_dim3A_296] : memref<408xf32, #tpu.memory_space<vmem>>[vector<16xi32>], vector<16xf32>,
      %mul3A_298 = arith.mulf %gather3A_291, %gather3A_297 : vector<16xf32>
      %add3A_299 = arith.addf %gather3A_294, %mul3A_298 : vector<16xf32>
      %mul3A_300 = arith.mulf %scan3A_135#11, %add3A_299 : vector<16xf32>
      %add3A_301 = arith.addf %add3A_288, %mul3A_300 : vector<16xf32>
      %broadcast_in_dim3A_302 = arith.constant 12 : i32
      %broadcast_in_dim3A_303 = vector.broadcast %broadcast_in_dim3A_302 : i32 to vector<16xi32>
      %gather3A_304 = tpu.vector_load_idx %arg24[%iota3A, %broadcast_in_dim3A_303] : memref<16x32xf32, #tpu.memory_space<vmem>>[vector<16xi32>, vector<16xi32>], vector<16xf32>,
      %broadcast_in_dim3A_305 = arith.constant 76 : i32
      %broadcast_in_dim3A_306 = vector.broadcast %broadcast_in_dim3A_305 : i32 to vector<16xi32>
      %gather3A_307 = tpu.vector_load_idx %arg20[%broadcast_in_dim3A_306] : memref<408xf32, #tpu.memory_space<vmem>>[vector<16xi32>], vector<16xf32>,
      %broadcast_in_dim3A_308 = arith.constant 356 : i32
      %broadcast_in_dim3A_309 = vector.broadcast %broadcast_in_dim3A_308 : i32 to vector<16xi32>
      %gather3A_310 = tpu.vector_load_idx %arg20[%broadcast_in_dim3A_309] : memref<408xf32, #tpu.memory_space<vmem>>[vector<16xi32>], vector<16xf32>,
      %mul3A_311 = arith.mulf %gather3A_304, %gather3A_310 : vector<16xf32>
      %add3A_312 = arith.addf %gather3A_307, %mul3A_311 : vector<16xf32>
      %mul3A_313 = arith.mulf %scan3A_135#12, %add3A_312 : vector<16xf32>
      %add3A_314 = arith.addf %add3A_301, %mul3A_313 : vector<16xf32>
      %broadcast_in_dim3A_315 = arith.constant 13 : i32
      %broadcast_in_dim3A_316 = vector.broadcast %broadcast_in_dim3A_315 : i32 to vector<16xi32>
      %gather3A_317 = tpu.vector_load_idx %arg24[%iota3A, %broadcast_in_dim3A_316] : memref<16x32xf32, #tpu.memory_space<vmem>>[vector<16xi32>, vector<16xi32>], vector<16xf32>,
      %broadcast_in_dim3A_318 = arith.constant 77 : i32
      %broadcast_in_dim3A_319 = vector.broadcast %broadcast_in_dim3A_318 : i32 to vector<16xi32>
      %gather3A_320 = tpu.vector_load_idx %arg20[%broadcast_in_dim3A_319] : memref<408xf32, #tpu.memory_space<vmem>>[vector<16xi32>], vector<16xf32>,
      %broadcast_in_dim3A_321 = arith.constant 357 : i32
      %broadcast_in_dim3A_322 = vector.broadcast %broadcast_in_dim3A_321 : i32 to vector<16xi32>
      %gather3A_323 = tpu.vector_load_idx %arg20[%broadcast_in_dim3A_322] : memref<408xf32, #tpu.memory_space<vmem>>[vector<16xi32>], vector<16xf32>,
      %mul3A_324 = arith.mulf %gather3A_317, %gather3A_323 : vector<16xf32>
      %add3A_325 = arith.addf %gather3A_320, %mul3A_324 : vector<16xf32>
      %mul3A_326 = arith.mulf %scan3A_135#13, %add3A_325 : vector<16xf32>
      %add3A_327 = arith.addf %add3A_314, %mul3A_326 : vector<16xf32>
      %broadcast_in_dim3A_328 = arith.constant 14 : i32
      %broadcast_in_dim3A_329 = vector.broadcast %broadcast_in_dim3A_328 : i32 to vector<16xi32>
      %gather3A_330 = tpu.vector_load_idx %arg24[%iota3A, %broadcast_in_dim3A_329] : memref<16x32xf32, #tpu.memory_space<vmem>>[vector<16xi32>, vector<16xi32>], vector<16xf32>,
      %broadcast_in_dim3A_331 = arith.constant 78 : i32
      %broadcast_in_dim3A_332 = vector.broadcast %broadcast_in_dim3A_331 : i32 to vector<16xi32>
      %gather3A_333 = tpu.vector_load_idx %arg20[%broadcast_in_dim3A_332] : memref<408xf32, #tpu.memory_space<vmem>>[vector<16xi32>], vector<16xf32>,
      %broadcast_in_dim3A_334 = arith.constant 358 : i32
      %broadcast_in_dim3A_335 = vector.broadcast %broadcast_in_dim3A_334 : i32 to vector<16xi32>
      %gather3A_336 = tpu.vector_load_idx %arg20[%broadcast_in_dim3A_335] : memref<408xf32, #tpu.memory_space<vmem>>[vector<16xi32>], vector<16xf32>,
      %mul3A_337 = arith.mulf %gather3A_330, %gather3A_336 : vector<16xf32>
      %add3A_338 = arith.addf %gather3A_333, %mul3A_337 : vector<16xf32>
      %mul3A_339 = arith.mulf %scan3A_135#14, %add3A_338 : vector<16xf32>
      %add3A_340 = arith.addf %add3A_327, %mul3A_339 : vector<16xf32>
      %broadcast_in_dim3A_341 = arith.constant 15 : i32
      %broadcast_in_dim3A_342 = vector.broadcast %broadcast_in_dim3A_341 : i32 to vector<16xi32>
      %gather3A_343 = tpu.vector_load_idx %arg24[%iota3A, %broadcast_in_dim3A_342] : memref<16x32xf32, #tpu.memory_space<vmem>>[vector<16xi32>, vector<16xi32>], vector<16xf32>,
      %broadcast_in_dim3A_344 = arith.constant 79 : i32
      %broadcast_in_dim3A_345 = vector.broadcast %broadcast_in_dim3A_344 : i32 to vector<16xi32>
      %gather3A_346 = tpu.vector_load_idx %arg20[%broadcast_in_dim3A_345] : memref<408xf32, #tpu.memory_space<vmem>>[vector<16xi32>], vector<16xf32>,
      %broadcast_in_dim3A_347 = arith.constant 359 : i32
      %broadcast_in_dim3A_348 = vector.broadcast %broadcast_in_dim3A_347 : i32 to vector<16xi32>
      %gather3A_349 = tpu.vector_load_idx %arg20[%broadcast_in_dim3A_348] : memref<408xf32, #tpu.memory_space<vmem>>[vector<16xi32>], vector<16xf32>,
      %mul3A_350 = arith.mulf %gather3A_343, %gather3A_349 : vector<16xf32>
      %add3A_351 = arith.addf %gather3A_346, %mul3A_350 : vector<16xf32>
      %mul3A_352 = arith.mulf %scan3A_135#15, %add3A_351 : vector<16xf32>
      %add3A_353 = arith.addf %add3A_340, %mul3A_352 : vector<16xf32>
      %broadcast_in_dim3A_354 = arith.constant 16 : i32
      %broadcast_in_dim3A_355 = vector.broadcast %broadcast_in_dim3A_354 : i32 to vector<16xi32>
      %gather3A_356 = tpu.vector_load_idx %arg24[%iota3A, %broadcast_in_dim3A_355] : memref<16x32xf32, #tpu.memory_space<vmem>>[vector<16xi32>, vector<16xi32>], vector<16xf32>,
      %broadcast_in_dim3A_357 = arith.constant 80 : i32
      %broadcast_in_dim3A_358 = vector.broadcast %broadcast_in_dim3A_357 : i32 to vector<16xi32>
      %gather3A_359 = tpu.vector_load_idx %arg20[%broadcast_in_dim3A_358] : memref<408xf32, #tpu.memory_space<vmem>>[vector<16xi32>], vector<16xf32>,
      %broadcast_in_dim3A_360 = arith.constant 360 : i32
      %broadcast_in_dim3A_361 = vector.broadcast %broadcast_in_dim3A_360 : i32 to vector<16xi32>
      %gather3A_362 = tpu.vector_load_idx %arg20[%broadcast_in_dim3A_361] : memref<408xf32, #tpu.memory_space<vmem>>[vector<16xi32>], vector<16xf32>,
      %mul3A_363 = arith.mulf %gather3A_356, %gather3A_362 : vector<16xf32>
      %add3A_364 = arith.addf %gather3A_359, %mul3A_363 : vector<16xf32>
      %mul3A_365 = arith.mulf %scan3A_135#16, %add3A_364 : vector<16xf32>
      %add3A_366 = arith.addf %add3A_353, %mul3A_365 : vector<16xf32>
      %broadcast_in_dim3A_367 = arith.constant 17 : i32
      %broadcast_in_dim3A_368 = vector.broadcast %broadcast_in_dim3A_367 : i32 to vector<16xi32>
      %gather3A_369 = tpu.vector_load_idx %arg24[%iota3A, %broadcast_in_dim3A_368] : memref<16x32xf32, #tpu.memory_space<vmem>>[vector<16xi32>, vector<16xi32>], vector<16xf32>,
      %broadcast_in_dim3A_370 = arith.constant 81 : i32
      %broadcast_in_dim3A_371 = vector.broadcast %broadcast_in_dim3A_370 : i32 to vector<16xi32>
      %gather3A_372 = tpu.vector_load_idx %arg20[%broadcast_in_dim3A_371] : memref<408xf32, #tpu.memory_space<vmem>>[vector<16xi32>], vector<16xf32>,
      %broadcast_in_dim3A_373 = arith.constant 361 : i32
      %broadcast_in_dim3A_374 = vector.broadcast %broadcast_in_dim3A_373 : i32 to vector<16xi32>
      %gather3A_375 = tpu.vector_load_idx %arg20[%broadcast_in_dim3A_374] : memref<408xf32, #tpu.memory_space<vmem>>[vector<16xi32>], vector<16xf32>,
      %mul3A_376 = arith.mulf %gather3A_369, %gather3A_375 : vector<16xf32>
      %add3A_377 = arith.addf %gather3A_372, %mul3A_376 : vector<16xf32>
      %mul3A_378 = arith.mulf %scan3A_135#17, %add3A_377 : vector<16xf32>
      %add3A_379 = arith.addf %add3A_366, %mul3A_378 : vector<16xf32>
      %broadcast_in_dim3A_380 = arith.constant 18 : i32
      %broadcast_in_dim3A_381 = vector.broadcast %broadcast_in_dim3A_380 : i32 to vector<16xi32>
      %gather3A_382 = tpu.vector_load_idx %arg24[%iota3A, %broadcast_in_dim3A_381] : memref<16x32xf32, #tpu.memory_space<vmem>>[vector<16xi32>, vector<16xi32>], vector<16xf32>,
      %broadcast_in_dim3A_383 = arith.constant 82 : i32
      %broadcast_in_dim3A_384 = vector.broadcast %broadcast_in_dim3A_383 : i32 to vector<16xi32>
      %gather3A_385 = tpu.vector_load_idx %arg20[%broadcast_in_dim3A_384] : memref<408xf32, #tpu.memory_space<vmem>>[vector<16xi32>], vector<16xf32>,
      %broadcast_in_dim3A_386 = arith.constant 362 : i32
      %broadcast_in_dim3A_387 = vector.broadcast %broadcast_in_dim3A_386 : i32 to vector<16xi32>
      %gather3A_388 = tpu.vector_load_idx %arg20[%broadcast_in_dim3A_387] : memref<408xf32, #tpu.memory_space<vmem>>[vector<16xi32>], vector<16xf32>,
      %mul3A_389 = arith.mulf %gather3A_382, %gather3A_388 : vector<16xf32>
      %add3A_390 = arith.addf %gather3A_385, %mul3A_389 : vector<16xf32>
      %mul3A_391 = arith.mulf %scan3A_135#18, %add3A_390 : vector<16xf32>
      %add3A_392 = arith.addf %add3A_379, %mul3A_391 : vector<16xf32>
      %broadcast_in_dim3A_393 = arith.constant 19 : i32
      %broadcast_in_dim3A_394 = vector.broadcast %broadcast_in_dim3A_393 : i32 to vector<16xi32>
      %gather3A_395 = tpu.vector_load_idx %arg24[%iota3A, %broadcast_in_dim3A_394] : memref<16x32xf32, #tpu.memory_space<vmem>>[vector<16xi32>, vector<16xi32>], vector<16xf32>,
      %broadcast_in_dim3A_396 = arith.constant 83 : i32
      %broadcast_in_dim3A_397 = vector.broadcast %broadcast_in_dim3A_396 : i32 to vector<16xi32>
      %gather3A_398 = tpu.vector_load_idx %arg20[%broadcast_in_dim3A_397] : memref<408xf32, #tpu.memory_space<vmem>>[vector<16xi32>], vector<16xf32>,
      %broadcast_in_dim3A_399 = arith.constant 363 : i32
      %broadcast_in_dim3A_400 = vector.broadcast %broadcast_in_dim3A_399 : i32 to vector<16xi32>
      %gather3A_401 = tpu.vector_load_idx %arg20[%broadcast_in_dim3A_400] : memref<408xf32, #tpu.memory_space<vmem>>[vector<16xi32>], vector<16xf32>,
      %mul3A_402 = arith.mulf %gather3A_395, %gather3A_401 : vector<16xf32>
      %add3A_403 = arith.addf %gather3A_398, %mul3A_402 : vector<16xf32>
      %mul3A_404 = arith.mulf %scan3A_135#19, %add3A_403 : vector<16xf32>
      %add3A_405 = arith.addf %add3A_392, %mul3A_404 : vector<16xf32>
      %broadcast_in_dim3A_406 = arith.constant 20 : i32
      %broadcast_in_dim3A_407 = vector.broadcast %broadcast_in_dim3A_406 : i32 to vector<16xi32>
      %gather3A_408 = tpu.vector_load_idx %arg24[%iota3A, %broadcast_in_dim3A_407] : memref<16x32xf32, #tpu.memory_space<vmem>>[vector<16xi32>, vector<16xi32>], vector<16xf32>,
      %broadcast_in_dim3A_409 = arith.constant 84 : i32
      %broadcast_in_dim3A_410 = vector.broadcast %broadcast_in_dim3A_409 : i32 to vector<16xi32>
      %gather3A_411 = tpu.vector_load_idx %arg20[%broadcast_in_dim3A_410] : memref<408xf32, #tpu.memory_space<vmem>>[vector<16xi32>], vector<16xf32>,
      %broadcast_in_dim3A_412 = arith.constant 364 : i32
      %broadcast_in_dim3A_413 = vector.broadcast %broadcast_in_dim3A_412 : i32 to vector<16xi32>
      %gather3A_414 = tpu.vector_load_idx %arg20[%broadcast_in_dim3A_413] : memref<408xf32, #tpu.memory_space<vmem>>[vector<16xi32>], vector<16xf32>,
      %mul3A_415 = arith.mulf %gather3A_408, %gather3A_414 : vector<16xf32>
      %add3A_416 = arith.addf %gather3A_411, %mul3A_415 : vector<16xf32>
      %mul3A_417 = arith.mulf %scan3A_135#20, %add3A_416 : vector<16xf32>
      %add3A_418 = arith.addf %add3A_405, %mul3A_417 : vector<16xf32>
      %broadcast_in_dim3A_419 = arith.constant 21 : i32
      %broadcast_in_dim3A_420 = vector.broadcast %broadcast_in_dim3A_419 : i32 to vector<16xi32>
      %gather3A_421 = tpu.vector_load_idx %arg24[%iota3A, %broadcast_in_dim3A_420] : memref<16x32xf32, #tpu.memory_space<vmem>>[vector<16xi32>, vector<16xi32>], vector<16xf32>,
      %broadcast_in_dim3A_422 = arith.constant 85 : i32
      %broadcast_in_dim3A_423 = vector.broadcast %broadcast_in_dim3A_422 : i32 to vector<16xi32>
      %gather3A_424 = tpu.vector_load_idx %arg20[%broadcast_in_dim3A_423] : memref<408xf32, #tpu.memory_space<vmem>>[vector<16xi32>], vector<16xf32>,
      %broadcast_in_dim3A_425 = arith.constant 365 : i32
      %broadcast_in_dim3A_426 = vector.broadcast %broadcast_in_dim3A_425 : i32 to vector<16xi32>
      %gather3A_427 = tpu.vector_load_idx %arg20[%broadcast_in_dim3A_426] : memref<408xf32, #tpu.memory_space<vmem>>[vector<16xi32>], vector<16xf32>,
      %mul3A_428 = arith.mulf %gather3A_421, %gather3A_427 : vector<16xf32>
      %add3A_429 = arith.addf %gather3A_424, %mul3A_428 : vector<16xf32>
      %mul3A_430 = arith.mulf %scan3A_135#21, %add3A_429 : vector<16xf32>
      %add3A_431 = arith.addf %add3A_418, %mul3A_430 : vector<16xf32>
      %broadcast_in_dim3A_432 = arith.constant 22 : i32
      %broadcast_in_dim3A_433 = vector.broadcast %broadcast_in_dim3A_432 : i32 to vector<16xi32>
      %gather3A_434 = tpu.vector_load_idx %arg24[%iota3A, %broadcast_in_dim3A_433] : memref<16x32xf32, #tpu.memory_space<vmem>>[vector<16xi32>, vector<16xi32>], vector<16xf32>,
      %broadcast_in_dim3A_435 = arith.constant 86 : i32
      %broadcast_in_dim3A_436 = vector.broadcast %broadcast_in_dim3A_435 : i32 to vector<16xi32>
      %gather3A_437 = tpu.vector_load_idx %arg20[%broadcast_in_dim3A_436] : memref<408xf32, #tpu.memory_space<vmem>>[vector<16xi32>], vector<16xf32>,
      %broadcast_in_dim3A_438 = arith.constant 366 : i32
      %broadcast_in_dim3A_439 = vector.broadcast %broadcast_in_dim3A_438 : i32 to vector<16xi32>
      %gather3A_440 = tpu.vector_load_idx %arg20[%broadcast_in_dim3A_439] : memref<408xf32, #tpu.memory_space<vmem>>[vector<16xi32>], vector<16xf32>,
      %mul3A_441 = arith.mulf %gather3A_434, %gather3A_440 : vector<16xf32>
      %add3A_442 = arith.addf %gather3A_437, %mul3A_441 : vector<16xf32>
      %mul3A_443 = arith.mulf %scan3A_135#22, %add3A_442 : vector<16xf32>
      %add3A_444 = arith.addf %add3A_431, %mul3A_443 : vector<16xf32>
      %broadcast_in_dim3A_445 = arith.constant 23 : i32
      %broadcast_in_dim3A_446 = vector.broadcast %broadcast_in_dim3A_445 : i32 to vector<16xi32>
      %gather3A_447 = tpu.vector_load_idx %arg24[%iota3A, %broadcast_in_dim3A_446] : memref<16x32xf32, #tpu.memory_space<vmem>>[vector<16xi32>, vector<16xi32>], vector<16xf32>,
      %broadcast_in_dim3A_448 = arith.constant 87 : i32
      %broadcast_in_dim3A_449 = vector.broadcast %broadcast_in_dim3A_448 : i32 to vector<16xi32>
      %gather3A_450 = tpu.vector_load_idx %arg20[%broadcast_in_dim3A_449] : memref<408xf32, #tpu.memory_space<vmem>>[vector<16xi32>], vector<16xf32>,
      %broadcast_in_dim3A_451 = arith.constant 367 : i32
      %broadcast_in_dim3A_452 = vector.broadcast %broadcast_in_dim3A_451 : i32 to vector<16xi32>
      %gather3A_453 = tpu.vector_load_idx %arg20[%broadcast_in_dim3A_452] : memref<408xf32, #tpu.memory_space<vmem>>[vector<16xi32>], vector<16xf32>,
      %mul3A_454 = arith.mulf %gather3A_447, %gather3A_453 : vector<16xf32>
      %add3A_455 = arith.addf %gather3A_450, %mul3A_454 : vector<16xf32>
      %mul3A_456 = arith.mulf %scan3A_135#23, %add3A_455 : vector<16xf32>
      %add3A_457 = arith.addf %add3A_444, %mul3A_456 : vector<16xf32>
      %broadcast_in_dim3A_458 = arith.constant 24 : i32
      %broadcast_in_dim3A_459 = vector.broadcast %broadcast_in_dim3A_458 : i32 to vector<16xi32>
      %gather3A_460 = tpu.vector_load_idx %arg24[%iota3A, %broadcast_in_dim3A_459] : memref<16x32xf32, #tpu.memory_space<vmem>>[vector<16xi32>, vector<16xi32>], vector<16xf32>,
      %broadcast_in_dim3A_461 = arith.constant 88 : i32
      %broadcast_in_dim3A_462 = vector.broadcast %broadcast_in_dim3A_461 : i32 to vector<16xi32>
      %gather3A_463 = tpu.vector_load_idx %arg20[%broadcast_in_dim3A_462] : memref<408xf32, #tpu.memory_space<vmem>>[vector<16xi32>], vector<16xf32>,
      %broadcast_in_dim3A_464 = arith.constant 368 : i32
      %broadcast_in_dim3A_465 = vector.broadcast %broadcast_in_dim3A_464 : i32 to vector<16xi32>
      %gather3A_466 = tpu.vector_load_idx %arg20[%broadcast_in_dim3A_465] : memref<408xf32, #tpu.memory_space<vmem>>[vector<16xi32>], vector<16xf32>,
      %mul3A_467 = arith.mulf %gather3A_460, %gather3A_466 : vector<16xf32>
      %add3A_468 = arith.addf %gather3A_463, %mul3A_467 : vector<16xf32>
      %mul3A_469 = arith.mulf %scan3A_135#24, %add3A_468 : vector<16xf32>
      %add3A_470 = arith.addf %add3A_457, %mul3A_469 : vector<16xf32>
      %broadcast_in_dim3A_471 = arith.constant 25 : i32
      %broadcast_in_dim3A_472 = vector.broadcast %broadcast_in_dim3A_471 : i32 to vector<16xi32>
      %gather3A_473 = tpu.vector_load_idx %arg24[%iota3A, %broadcast_in_dim3A_472] : memref<16x32xf32, #tpu.memory_space<vmem>>[vector<16xi32>, vector<16xi32>], vector<16xf32>,
      %broadcast_in_dim3A_474 = arith.constant 89 : i32
      %broadcast_in_dim3A_475 = vector.broadcast %broadcast_in_dim3A_474 : i32 to vector<16xi32>
      %gather3A_476 = tpu.vector_load_idx %arg20[%broadcast_in_dim3A_475] : memref<408xf32, #tpu.memory_space<vmem>>[vector<16xi32>], vector<16xf32>,
      %broadcast_in_dim3A_477 = arith.constant 369 : i32
      %broadcast_in_dim3A_478 = vector.broadcast %broadcast_in_dim3A_477 : i32 to vector<16xi32>
      %gather3A_479 = tpu.vector_load_idx %arg20[%broadcast_in_dim3A_478] : memref<408xf32, #tpu.memory_space<vmem>>[vector<16xi32>], vector<16xf32>,
      %mul3A_480 = arith.mulf %gather3A_473, %gather3A_479 : vector<16xf32>
      %add3A_481 = arith.addf %gather3A_476, %mul3A_480 : vector<16xf32>
      %mul3A_482 = arith.mulf %scan3A_135#25, %add3A_481 : vector<16xf32>
      %add3A_483 = arith.addf %add3A_470, %mul3A_482 : vector<16xf32>
      %broadcast_in_dim3A_484 = arith.constant 26 : i32
      %broadcast_in_dim3A_485 = vector.broadcast %broadcast_in_dim3A_484 : i32 to vector<16xi32>
      %gather3A_486 = tpu.vector_load_idx %arg24[%iota3A, %broadcast_in_dim3A_485] : memref<16x32xf32, #tpu.memory_space<vmem>>[vector<16xi32>, vector<16xi32>], vector<16xf32>,
      %broadcast_in_dim3A_487 = arith.constant 90 : i32
      %broadcast_in_dim3A_488 = vector.broadcast %broadcast_in_dim3A_487 : i32 to vector<16xi32>
      %gather3A_489 = tpu.vector_load_idx %arg20[%broadcast_in_dim3A_488] : memref<408xf32, #tpu.memory_space<vmem>>[vector<16xi32>], vector<16xf32>,
      %broadcast_in_dim3A_490 = arith.constant 370 : i32
      %broadcast_in_dim3A_491 = vector.broadcast %broadcast_in_dim3A_490 : i32 to vector<16xi32>
      %gather3A_492 = tpu.vector_load_idx %arg20[%broadcast_in_dim3A_491] : memref<408xf32, #tpu.memory_space<vmem>>[vector<16xi32>], vector<16xf32>,
      %mul3A_493 = arith.mulf %gather3A_486, %gather3A_492 : vector<16xf32>
      %add3A_494 = arith.addf %gather3A_489, %mul3A_493 : vector<16xf32>
      %mul3A_495 = arith.mulf %scan3A_135#26, %add3A_494 : vector<16xf32>
      %add3A_496 = arith.addf %add3A_483, %mul3A_495 : vector<16xf32>
      %broadcast_in_dim3A_497 = arith.constant 27 : i32
      %broadcast_in_dim3A_498 = vector.broadcast %broadcast_in_dim3A_497 : i32 to vector<16xi32>
      %gather3A_499 = tpu.vector_load_idx %arg24[%iota3A, %broadcast_in_dim3A_498] : memref<16x32xf32, #tpu.memory_space<vmem>>[vector<16xi32>, vector<16xi32>], vector<16xf32>,
      %broadcast_in_dim3A_500 = arith.constant 91 : i32
      %broadcast_in_dim3A_501 = vector.broadcast %broadcast_in_dim3A_500 : i32 to vector<16xi32>
      %gather3A_502 = tpu.vector_load_idx %arg20[%broadcast_in_dim3A_501] : memref<408xf32, #tpu.memory_space<vmem>>[vector<16xi32>], vector<16xf32>,
      %broadcast_in_dim3A_503 = arith.constant 371 : i32
      %broadcast_in_dim3A_504 = vector.broadcast %broadcast_in_dim3A_503 : i32 to vector<16xi32>
      %gather3A_505 = tpu.vector_load_idx %arg20[%broadcast_in_dim3A_504] : memref<408xf32, #tpu.memory_space<vmem>>[vector<16xi32>], vector<16xf32>,
      %mul3A_506 = arith.mulf %gather3A_499, %gather3A_505 : vector<16xf32>
      %add3A_507 = arith.addf %gather3A_502, %mul3A_506 : vector<16xf32>
      %mul3A_508 = arith.mulf %scan3A_135#27, %add3A_507 : vector<16xf32>
      %add3A_509 = arith.addf %add3A_496, %mul3A_508 : vector<16xf32>
      %broadcast_in_dim3A_510 = arith.constant 28 : i32
      %broadcast_in_dim3A_511 = vector.broadcast %broadcast_in_dim3A_510 : i32 to vector<16xi32>
      %gather3A_512 = tpu.vector_load_idx %arg24[%iota3A, %broadcast_in_dim3A_511] : memref<16x32xf32, #tpu.memory_space<vmem>>[vector<16xi32>, vector<16xi32>], vector<16xf32>,
      %broadcast_in_dim3A_513 = arith.constant 92 : i32
      %broadcast_in_dim3A_514 = vector.broadcast %broadcast_in_dim3A_513 : i32 to vector<16xi32>
      %gather3A_515 = tpu.vector_load_idx %arg20[%broadcast_in_dim3A_514] : memref<408xf32, #tpu.memory_space<vmem>>[vector<16xi32>], vector<16xf32>,
      %broadcast_in_dim3A_516 = arith.constant 372 : i32
      %broadcast_in_dim3A_517 = vector.broadcast %broadcast_in_dim3A_516 : i32 to vector<16xi32>
      %gather3A_518 = tpu.vector_load_idx %arg20[%broadcast_in_dim3A_517] : memref<408xf32, #tpu.memory_space<vmem>>[vector<16xi32>], vector<16xf32>,
      %mul3A_519 = arith.mulf %gather3A_512, %gather3A_518 : vector<16xf32>
      %add3A_520 = arith.addf %gather3A_515, %mul3A_519 : vector<16xf32>
      %mul3A_521 = arith.mulf %scan3A_135#28, %add3A_520 : vector<16xf32>
      %add3A_522 = arith.addf %add3A_509, %mul3A_521 : vector<16xf32>
      %broadcast_in_dim3A_523 = arith.constant 29 : i32
      %broadcast_in_dim3A_524 = vector.broadcast %broadcast_in_dim3A_523 : i32 to vector<16xi32>
      %gather3A_525 = tpu.vector_load_idx %arg24[%iota3A, %broadcast_in_dim3A_524] : memref<16x32xf32, #tpu.memory_space<vmem>>[vector<16xi32>, vector<16xi32>], vector<16xf32>,
      %broadcast_in_dim3A_526 = arith.constant 93 : i32
      %broadcast_in_dim3A_527 = vector.broadcast %broadcast_in_dim3A_526 : i32 to vector<16xi32>
      %gather3A_528 = tpu.vector_load_idx %arg20[%broadcast_in_dim3A_527] : memref<408xf32, #tpu.memory_space<vmem>>[vector<16xi32>], vector<16xf32>,
      %broadcast_in_dim3A_529 = arith.constant 373 : i32
      %broadcast_in_dim3A_530 = vector.broadcast %broadcast_in_dim3A_529 : i32 to vector<16xi32>
      %gather3A_531 = tpu.vector_load_idx %arg20[%broadcast_in_dim3A_530] : memref<408xf32, #tpu.memory_space<vmem>>[vector<16xi32>], vector<16xf32>,
      %mul3A_532 = arith.mulf %gather3A_525, %gather3A_531 : vector<16xf32>
      %add3A_533 = arith.addf %gather3A_528, %mul3A_532 : vector<16xf32>
      %mul3A_534 = arith.mulf %scan3A_135#29, %add3A_533 : vector<16xf32>
      %add3A_535 = arith.addf %add3A_522, %mul3A_534 : vector<16xf32>
      %broadcast_in_dim3A_536 = arith.constant 30 : i32
      %broadcast_in_dim3A_537 = vector.broadcast %broadcast_in_dim3A_536 : i32 to vector<16xi32>
      %gather3A_538 = tpu.vector_load_idx %arg24[%iota3A, %broadcast_in_dim3A_537] : memref<16x32xf32, #tpu.memory_space<vmem>>[vector<16xi32>, vector<16xi32>], vector<16xf32>,
      %broadcast_in_dim3A_539 = arith.constant 94 : i32
      %broadcast_in_dim3A_540 = vector.broadcast %broadcast_in_dim3A_539 : i32 to vector<16xi32>
      %gather3A_541 = tpu.vector_load_idx %arg20[%broadcast_in_dim3A_540] : memref<408xf32, #tpu.memory_space<vmem>>[vector<16xi32>], vector<16xf32>,
      %broadcast_in_dim3A_542 = arith.constant 374 : i32
      %broadcast_in_dim3A_543 = vector.broadcast %broadcast_in_dim3A_542 : i32 to vector<16xi32>
      %gather3A_544 = tpu.vector_load_idx %arg20[%broadcast_in_dim3A_543] : memref<408xf32, #tpu.memory_space<vmem>>[vector<16xi32>], vector<16xf32>,
      %mul3A_545 = arith.mulf %gather3A_538, %gather3A_544 : vector<16xf32>
      %add3A_546 = arith.addf %gather3A_541, %mul3A_545 : vector<16xf32>
      %mul3A_547 = arith.mulf %scan3A_135#30, %add3A_546 : vector<16xf32>
      %add3A_548 = arith.addf %add3A_535, %mul3A_547 : vector<16xf32>
      %broadcast_in_dim3A_549 = arith.constant 31 : i32
      %broadcast_in_dim3A_550 = vector.broadcast %broadcast_in_dim3A_549 : i32 to vector<16xi32>
      %gather3A_551 = tpu.vector_load_idx %arg24[%iota3A, %broadcast_in_dim3A_550] : memref<16x32xf32, #tpu.memory_space<vmem>>[vector<16xi32>, vector<16xi32>], vector<16xf32>,
      %broadcast_in_dim3A_552 = arith.constant 95 : i32
      %broadcast_in_dim3A_553 = vector.broadcast %broadcast_in_dim3A_552 : i32 to vector<16xi32>
      %gather3A_554 = tpu.vector_load_idx %arg20[%broadcast_in_dim3A_553] : memref<408xf32, #tpu.memory_space<vmem>>[vector<16xi32>], vector<16xf32>,
      %broadcast_in_dim3A_555 = arith.constant 375 : i32
      %broadcast_in_dim3A_556 = vector.broadcast %broadcast_in_dim3A_555 : i32 to vector<16xi32>
      %gather3A_557 = tpu.vector_load_idx %arg20[%broadcast_in_dim3A_556] : memref<408xf32, #tpu.memory_space<vmem>>[vector<16xi32>], vector<16xf32>,
      %mul3A_558 = arith.mulf %gather3A_551, %gather3A_557 : vector<16xf32>
      %add3A_559 = arith.addf %gather3A_554, %mul3A_558 : vector<16xf32>
      %mul3A_560 = arith.mulf %scan3A_135#31, %add3A_559 : vector<16xf32>
      %add3A_561 = arith.addf %add3A_548, %mul3A_560 : vector<16xf32>
      %mul3A_562 = arith.mulf %div3A_140, %add3A_561 : vector<16xf32>
      %broadcast_in_dim3A_563 = arith.constant 128 : i32
      %broadcast_in_dim3A_564 = vector.broadcast %broadcast_in_dim3A_563 : i32 to vector<16xi32>
      %gather3A_565 = tpu.vector_load_idx %arg20[%broadcast_in_dim3A_564] : memref<408xf32, #tpu.memory_space<vmem>>[vector<16xi32>], vector<16xf32>,
      %mul3A_566 = arith.mulf %div3A_144, %gather3A_565 : vector<16xf32>
      %add3A_567 = arith.addf %mul3A_562, %mul3A_566 : vector<16xf32>
      %add3A_568 = arith.addf %get3A_129, %add3A_567 : vector<16xf32>
      %broadcast_in_dim3A_569 = arith.constant 0.000000e+00 : f32
      %broadcast_in_dim3A_570 = vector.broadcast %broadcast_in_dim3A_569 : f32 to vector<16xf32>
      %scan3A_571 = arith.constant 0 : i32
      %scan3A_572 = arith.constant 50 : i32
      %scan3A_573 = arith.addi %scan3A_571, %scan3A_572 : i32
      %scan3A_574 = arith.constant 1 : i32
      %scan3A_575:35 = scf.for %scan3A_2032 = %scan3A_571 to %scan3A_573 step %scan3A_574 iter_args(%scan3A_2033 = %broadcast_in_dim3A_570, %scan3A_2034 = %broadcast_in_dim3A_570, %scan3A_2035 = %broadcast_in_dim3A_570, %scan3A_2036 = %broadcast_in_dim3A_570, %scan3A_2037 = %broadcast_in_dim3A_570, %scan3A_2038 = %broadcast_in_dim3A_570, %scan3A_2039 = %broadcast_in_dim3A_570, %scan3A_2040 = %broadcast_in_dim3A_570, %scan3A_2041 = %broadcast_in_dim3A_570, %scan3A_2042 = %broadcast_in_dim3A_570, %scan3A_2043 = %broadcast_in_dim3A_570, %scan3A_2044 = %broadcast_in_dim3A_570, %scan3A_2045 = %broadcast_in_dim3A_570, %scan3A_2046 = %broadcast_in_dim3A_570, %scan3A_2047 = %broadcast_in_dim3A_570, %scan3A_2048 = %broadcast_in_dim3A_570, %scan3A_2049 = %broadcast_in_dim3A_570, %scan3A_2050 = %broadcast_in_dim3A_570, %scan3A_2051 = %broadcast_in_dim3A_570, %scan3A_2052 = %broadcast_in_dim3A_570, %scan3A_2053 = %broadcast_in_dim3A_570, %scan3A_2054 = %broadcast_in_dim3A_570, %scan3A_2055 = %broadcast_in_dim3A_570, %scan3A_2056 = %broadcast_in_dim3A_570, %scan3A_2057 = %broadcast_in_dim3A_570, %scan3A_2058 = %broadcast_in_dim3A_570, %scan3A_2059 = %broadcast_in_dim3A_570, %scan3A_2060 = %broadcast_in_dim3A_570, %scan3A_2061 = %broadcast_in_dim3A_570, %scan3A_2062 = %broadcast_in_dim3A_570, %scan3A_2063 = %broadcast_in_dim3A_570, %scan3A_2064 = %broadcast_in_dim3A_570, %scan3A_2065 = %broadcast_in_dim3A_570, %scan3A_2066 = %broadcast_in_dim3A_570, %scan3A_2067 = %broadcast_in_dim3A_570) -> (vector<16xf32>, vector<16xf32>, vector<16xf32>, vector<16xf32>, vector<16xf32>, vector<16xf32>, vector<16xf32>, vector<16xf32>, vector<16xf32>, vector<16xf32>, vector<16xf32>, vector<16xf32>, vector<16xf32>, vector<16xf32>, vector<16xf32>, vector<16xf32>, vector<16xf32>, vector<16xf32>, vector<16xf32>, vector<16xf32>, vector<16xf32>, vector<16xf32>, vector<16xf32>, vector<16xf32>, vector<16xf32>, vector<16xf32>, vector<16xf32>, vector<16xf32>, vector<16xf32>, vector<16xf32>, vector<16xf32>, vector<16xf32>, vector<16xf32>, vector<16xf32>, vector<16xf32>)  : i32 {
        %broadcast_in_dim3A_2068 = vector.broadcast %scan3A_2032 : i32 to vector<16xi32>
        %gather3A_2069 = tpu.vector_load_idx %arg27[%iota3A, %broadcast_in_dim3A_2068] : memref<16x64xi32, #tpu.memory_space<vmem>>[vector<16xi32>, vector<16xi32>], vector<16xi32>,
        %gather3A_2070 = tpu.vector_load_idx %arg28[%iota3A, %broadcast_in_dim3A_2068] : memref<16x64xf32, #tpu.memory_space<vmem>>[vector<16xi32>, vector<16xi32>], vector<16xf32>,
        %eq3A = arith.constant 100000 : i32
        %eq3A_2071 = vector.broadcast %eq3A : i32 to vector<16xi32>
        %eq3A_2072 = arith.cmpi eq, %gather3A_2069, %eq3A_2071 : vector<16xi32>
        %jit3A = arith.constant 0.000000e+00 : f32
        %jit3A_2073 = arith.constant 1.000000e+00 : f32
        %broadcast_in_dim3A_2074 = vector.broadcast %jit3A : f32 to vector<16xf32>
        %broadcast_in_dim3A_2075 = vector.broadcast %jit3A_2073 : f32 to vector<16xf32>
        %select_n3A = arith.select %eq3A_2072, %broadcast_in_dim3A_2074, %broadcast_in_dim3A_2075 : vector<16xi1>, vector<16xf32>
        %sub3A = arith.constant 6.000000e-01 : f32
        %sub3A_2076 = vector.broadcast %sub3A : f32 to vector<16xf32>
        %sub3A_2077 = arith.subf %gather3A_2070, %sub3A_2076 : vector<16xf32>
        %mul3A_2078 = arith.mulf %sub3A_2077, %select_n3A : vector<16xf32>
        %mul3A_2079 = arith.constant 64 : i32
        %mul3A_2080 = vector.broadcast %mul3A_2079 : i32 to vector<16xi32>
        %mul3A_2081 = arith.muli %iota3A, %mul3A_2080 : vector<16xi32>
        %add3A_2082 = arith.addi %mul3A_2081, %broadcast_in_dim3A_2068 : vector<16xi32>
        %broadcast_in_dim3A_2083 = arith.constant 0 : i32
        %broadcast_in_dim3A_2084 = vector.broadcast %broadcast_in_dim3A_2083 : i32 to vector<16xi32>
        %gather3A_2085 = tpu.vector_load_idx %arg30[%add3A_2082, %broadcast_in_dim3A_2084] : memref<1024x32xf32, #tpu.memory_space<vmem>>[vector<16xi32>, vector<16xi32>], vector<16xf32>,
        %mul3A_2086 = arith.mulf %mul3A_2078, %gather3A_2085 : vector<16xf32>
        %add3A_2087 = arith.addf %scan3A_2033, %mul3A_2086 : vector<16xf32>
        %broadcast_in_dim3A_2088 = arith.constant 1 : i32
        %broadcast_in_dim3A_2089 = vector.broadcast %broadcast_in_dim3A_2088 : i32 to vector<16xi32>
        %gather3A_2090 = tpu.vector_load_idx %arg30[%add3A_2082, %broadcast_in_dim3A_2089] : memref<1024x32xf32, #tpu.memory_space<vmem>>[vector<16xi32>, vector<16xi32>], vector<16xf32>,
        %mul3A_2091 = arith.mulf %mul3A_2078, %gather3A_2090 : vector<16xf32>
        %add3A_2092 = arith.addf %scan3A_2034, %mul3A_2091 : vector<16xf32>
        %broadcast_in_dim3A_2093 = arith.constant 2 : i32
        %broadcast_in_dim3A_2094 = vector.broadcast %broadcast_in_dim3A_2093 : i32 to vector<16xi32>
        %gather3A_2095 = tpu.vector_load_idx %arg30[%add3A_2082, %broadcast_in_dim3A_2094] : memref<1024x32xf32, #tpu.memory_space<vmem>>[vector<16xi32>, vector<16xi32>], vector<16xf32>,
        %mul3A_2096 = arith.mulf %mul3A_2078, %gather3A_2095 : vector<16xf32>
        %add3A_2097 = arith.addf %scan3A_2035, %mul3A_2096 : vector<16xf32>
        %broadcast_in_dim3A_2098 = arith.constant 3 : i32
        %broadcast_in_dim3A_2099 = vector.broadcast %broadcast_in_dim3A_2098 : i32 to vector<16xi32>
        %gather3A_2100 = tpu.vector_load_idx %arg30[%add3A_2082, %broadcast_in_dim3A_2099] : memref<1024x32xf32, #tpu.memory_space<vmem>>[vector<16xi32>, vector<16xi32>], vector<16xf32>,
        %mul3A_2101 = arith.mulf %mul3A_2078, %gather3A_2100 : vector<16xf32>
        %add3A_2102 = arith.addf %scan3A_2036, %mul3A_2101 : vector<16xf32>
        %broadcast_in_dim3A_2103 = arith.constant 4 : i32
        %broadcast_in_dim3A_2104 = vector.broadcast %broadcast_in_dim3A_2103 : i32 to vector<16xi32>
        %gather3A_2105 = tpu.vector_load_idx %arg30[%add3A_2082, %broadcast_in_dim3A_2104] : memref<1024x32xf32, #tpu.memory_space<vmem>>[vector<16xi32>, vector<16xi32>], vector<16xf32>,
        %mul3A_2106 = arith.mulf %mul3A_2078, %gather3A_2105 : vector<16xf32>
        %add3A_2107 = arith.addf %scan3A_2037, %mul3A_2106 : vector<16xf32>
        %broadcast_in_dim3A_2108 = arith.constant 5 : i32
        %broadcast_in_dim3A_2109 = vector.broadcast %broadcast_in_dim3A_2108 : i32 to vector<16xi32>
        %gather3A_2110 = tpu.vector_load_idx %arg30[%add3A_2082, %broadcast_in_dim3A_2109] : memref<1024x32xf32, #tpu.memory_space<vmem>>[vector<16xi32>, vector<16xi32>], vector<16xf32>,
        %mul3A_2111 = arith.mulf %mul3A_2078, %gather3A_2110 : vector<16xf32>
        %add3A_2112 = arith.addf %scan3A_2038, %mul3A_2111 : vector<16xf32>
        %broadcast_in_dim3A_2113 = arith.constant 6 : i32
        %broadcast_in_dim3A_2114 = vector.broadcast %broadcast_in_dim3A_2113 : i32 to vector<16xi32>
        %gather3A_2115 = tpu.vector_load_idx %arg30[%add3A_2082, %broadcast_in_dim3A_2114] : memref<1024x32xf32, #tpu.memory_space<vmem>>[vector<16xi32>, vector<16xi32>], vector<16xf32>,
        %mul3A_2116 = arith.mulf %mul3A_2078, %gather3A_2115 : vector<16xf32>
        %add3A_2117 = arith.addf %scan3A_2039, %mul3A_2116 : vector<16xf32>
        %broadcast_in_dim3A_2118 = arith.constant 7 : i32
        %broadcast_in_dim3A_2119 = vector.broadcast %broadcast_in_dim3A_2118 : i32 to vector<16xi32>
        %gather3A_2120 = tpu.vector_load_idx %arg30[%add3A_2082, %broadcast_in_dim3A_2119] : memref<1024x32xf32, #tpu.memory_space<vmem>>[vector<16xi32>, vector<16xi32>], vector<16xf32>,
        %mul3A_2121 = arith.mulf %mul3A_2078, %gather3A_2120 : vector<16xf32>
        %add3A_2122 = arith.addf %scan3A_2040, %mul3A_2121 : vector<16xf32>
        %broadcast_in_dim3A_2123 = arith.constant 8 : i32
        %broadcast_in_dim3A_2124 = vector.broadcast %broadcast_in_dim3A_2123 : i32 to vector<16xi32>
        %gather3A_2125 = tpu.vector_load_idx %arg30[%add3A_2082, %broadcast_in_dim3A_2124] : memref<1024x32xf32, #tpu.memory_space<vmem>>[vector<16xi32>, vector<16xi32>], vector<16xf32>,
        %mul3A_2126 = arith.mulf %mul3A_2078, %gather3A_2125 : vector<16xf32>
        %add3A_2127 = arith.addf %scan3A_2041, %mul3A_2126 : vector<16xf32>
        %broadcast_in_dim3A_2128 = arith.constant 9 : i32
        %broadcast_in_dim3A_2129 = vector.broadcast %broadcast_in_dim3A_2128 : i32 to vector<16xi32>
        %gather3A_2130 = tpu.vector_load_idx %arg30[%add3A_2082, %broadcast_in_dim3A_2129] : memref<1024x32xf32, #tpu.memory_space<vmem>>[vector<16xi32>, vector<16xi32>], vector<16xf32>,
        %mul3A_2131 = arith.mulf %mul3A_2078, %gather3A_2130 : vector<16xf32>
        %add3A_2132 = arith.addf %scan3A_2042, %mul3A_2131 : vector<16xf32>
        %broadcast_in_dim3A_2133 = arith.constant 10 : i32
        %broadcast_in_dim3A_2134 = vector.broadcast %broadcast_in_dim3A_2133 : i32 to vector<16xi32>
        %gather3A_2135 = tpu.vector_load_idx %arg30[%add3A_2082, %broadcast_in_dim3A_2134] : memref<1024x32xf32, #tpu.memory_space<vmem>>[vector<16xi32>, vector<16xi32>], vector<16xf32>,
        %mul3A_2136 = arith.mulf %mul3A_2078, %gather3A_2135 : vector<16xf32>
        %add3A_2137 = arith.addf %scan3A_2043, %mul3A_2136 : vector<16xf32>
        %broadcast_in_dim3A_2138 = arith.constant 11 : i32
        %broadcast_in_dim3A_2139 = vector.broadcast %broadcast_in_dim3A_2138 : i32 to vector<16xi32>
        %gather3A_2140 = tpu.vector_load_idx %arg30[%add3A_2082, %broadcast_in_dim3A_2139] : memref<1024x32xf32, #tpu.memory_space<vmem>>[vector<16xi32>, vector<16xi32>], vector<16xf32>,
        %mul3A_2141 = arith.mulf %mul3A_2078, %gather3A_2140 : vector<16xf32>
        %add3A_2142 = arith.addf %scan3A_2044, %mul3A_2141 : vector<16xf32>
        %broadcast_in_dim3A_2143 = arith.constant 12 : i32
        %broadcast_in_dim3A_2144 = vector.broadcast %broadcast_in_dim3A_2143 : i32 to vector<16xi32>
        %gather3A_2145 = tpu.vector_load_idx %arg30[%add3A_2082, %broadcast_in_dim3A_2144] : memref<1024x32xf32, #tpu.memory_space<vmem>>[vector<16xi32>, vector<16xi32>], vector<16xf32>,
        %mul3A_2146 = arith.mulf %mul3A_2078, %gather3A_2145 : vector<16xf32>
        %add3A_2147 = arith.addf %scan3A_2045, %mul3A_2146 : vector<16xf32>
        %broadcast_in_dim3A_2148 = arith.constant 13 : i32
        %broadcast_in_dim3A_2149 = vector.broadcast %broadcast_in_dim3A_2148 : i32 to vector<16xi32>
        %gather3A_2150 = tpu.vector_load_idx %arg30[%add3A_2082, %broadcast_in_dim3A_2149] : memref<1024x32xf32, #tpu.memory_space<vmem>>[vector<16xi32>, vector<16xi32>], vector<16xf32>,
        %mul3A_2151 = arith.mulf %mul3A_2078, %gather3A_2150 : vector<16xf32>
        %add3A_2152 = arith.addf %scan3A_2046, %mul3A_2151 : vector<16xf32>
        %broadcast_in_dim3A_2153 = arith.constant 14 : i32
        %broadcast_in_dim3A_2154 = vector.broadcast %broadcast_in_dim3A_2153 : i32 to vector<16xi32>
        %gather3A_2155 = tpu.vector_load_idx %arg30[%add3A_2082, %broadcast_in_dim3A_2154] : memref<1024x32xf32, #tpu.memory_space<vmem>>[vector<16xi32>, vector<16xi32>], vector<16xf32>,
        %mul3A_2156 = arith.mulf %mul3A_2078, %gather3A_2155 : vector<16xf32>
        %add3A_2157 = arith.addf %scan3A_2047, %mul3A_2156 : vector<16xf32>
        %broadcast_in_dim3A_2158 = arith.constant 15 : i32
        %broadcast_in_dim3A_2159 = vector.broadcast %broadcast_in_dim3A_2158 : i32 to vector<16xi32>
        %gather3A_2160 = tpu.vector_load_idx %arg30[%add3A_2082, %broadcast_in_dim3A_2159] : memref<1024x32xf32, #tpu.memory_space<vmem>>[vector<16xi32>, vector<16xi32>], vector<16xf32>,
        %mul3A_2161 = arith.mulf %mul3A_2078, %gather3A_2160 : vector<16xf32>
        %add3A_2162 = arith.addf %scan3A_2048, %mul3A_2161 : vector<16xf32>
        %broadcast_in_dim3A_2163 = arith.constant 16 : i32
        %broadcast_in_dim3A_2164 = vector.broadcast %broadcast_in_dim3A_2163 : i32 to vector<16xi32>
        %gather3A_2165 = tpu.vector_load_idx %arg30[%add3A_2082, %broadcast_in_dim3A_2164] : memref<1024x32xf32, #tpu.memory_space<vmem>>[vector<16xi32>, vector<16xi32>], vector<16xf32>,
        %mul3A_2166 = arith.mulf %mul3A_2078, %gather3A_2165 : vector<16xf32>
        %add3A_2167 = arith.addf %scan3A_2049, %mul3A_2166 : vector<16xf32>
        %broadcast_in_dim3A_2168 = arith.constant 17 : i32
        %broadcast_in_dim3A_2169 = vector.broadcast %broadcast_in_dim3A_2168 : i32 to vector<16xi32>
        %gather3A_2170 = tpu.vector_load_idx %arg30[%add3A_2082, %broadcast_in_dim3A_2169] : memref<1024x32xf32, #tpu.memory_space<vmem>>[vector<16xi32>, vector<16xi32>], vector<16xf32>,
        %mul3A_2171 = arith.mulf %mul3A_2078, %gather3A_2170 : vector<16xf32>
        %add3A_2172 = arith.addf %scan3A_2050, %mul3A_2171 : vector<16xf32>
        %broadcast_in_dim3A_2173 = arith.constant 18 : i32
        %broadcast_in_dim3A_2174 = vector.broadcast %broadcast_in_dim3A_2173 : i32 to vector<16xi32>
        %gather3A_2175 = tpu.vector_load_idx %arg30[%add3A_2082, %broadcast_in_dim3A_2174] : memref<1024x32xf32, #tpu.memory_space<vmem>>[vector<16xi32>, vector<16xi32>], vector<16xf32>,
        %mul3A_2176 = arith.mulf %mul3A_2078, %gather3A_2175 : vector<16xf32>
        %add3A_2177 = arith.addf %scan3A_2051, %mul3A_2176 : vector<16xf32>
        %broadcast_in_dim3A_2178 = arith.constant 19 : i32
        %broadcast_in_dim3A_2179 = vector.broadcast %broadcast_in_dim3A_2178 : i32 to vector<16xi32>
        %gather3A_2180 = tpu.vector_load_idx %arg30[%add3A_2082, %broadcast_in_dim3A_2179] : memref<1024x32xf32, #tpu.memory_space<vmem>>[vector<16xi32>, vector<16xi32>], vector<16xf32>,
        %mul3A_2181 = arith.mulf %mul3A_2078, %gather3A_2180 : vector<16xf32>
        %add3A_2182 = arith.addf %scan3A_2052, %mul3A_2181 : vector<16xf32>
        %broadcast_in_dim3A_2183 = arith.constant 20 : i32
        %broadcast_in_dim3A_2184 = vector.broadcast %broadcast_in_dim3A_2183 : i32 to vector<16xi32>
        %gather3A_2185 = tpu.vector_load_idx %arg30[%add3A_2082, %broadcast_in_dim3A_2184] : memref<1024x32xf32, #tpu.memory_space<vmem>>[vector<16xi32>, vector<16xi32>], vector<16xf32>,
        %mul3A_2186 = arith.mulf %mul3A_2078, %gather3A_2185 : vector<16xf32>
        %add3A_2187 = arith.addf %scan3A_2053, %mul3A_2186 : vector<16xf32>
        %broadcast_in_dim3A_2188 = arith.constant 21 : i32
        %broadcast_in_dim3A_2189 = vector.broadcast %broadcast_in_dim3A_2188 : i32 to vector<16xi32>
        %gather3A_2190 = tpu.vector_load_idx %arg30[%add3A_2082, %broadcast_in_dim3A_2189] : memref<1024x32xf32, #tpu.memory_space<vmem>>[vector<16xi32>, vector<16xi32>], vector<16xf32>,
        %mul3A_2191 = arith.mulf %mul3A_2078, %gather3A_2190 : vector<16xf32>
        %add3A_2192 = arith.addf %scan3A_2054, %mul3A_2191 : vector<16xf32>
        %broadcast_in_dim3A_2193 = arith.constant 22 : i32
        %broadcast_in_dim3A_2194 = vector.broadcast %broadcast_in_dim3A_2193 : i32 to vector<16xi32>
        %gather3A_2195 = tpu.vector_load_idx %arg30[%add3A_2082, %broadcast_in_dim3A_2194] : memref<1024x32xf32, #tpu.memory_space<vmem>>[vector<16xi32>, vector<16xi32>], vector<16xf32>,
        %mul3A_2196 = arith.mulf %mul3A_2078, %gather3A_2195 : vector<16xf32>
        %add3A_2197 = arith.addf %scan3A_2055, %mul3A_2196 : vector<16xf32>
        %broadcast_in_dim3A_2198 = arith.constant 23 : i32
        %broadcast_in_dim3A_2199 = vector.broadcast %broadcast_in_dim3A_2198 : i32 to vector<16xi32>
        %gather3A_2200 = tpu.vector_load_idx %arg30[%add3A_2082, %broadcast_in_dim3A_2199] : memref<1024x32xf32, #tpu.memory_space<vmem>>[vector<16xi32>, vector<16xi32>], vector<16xf32>,
        %mul3A_2201 = arith.mulf %mul3A_2078, %gather3A_2200 : vector<16xf32>
        %add3A_2202 = arith.addf %scan3A_2056, %mul3A_2201 : vector<16xf32>
        %broadcast_in_dim3A_2203 = arith.constant 24 : i32
        %broadcast_in_dim3A_2204 = vector.broadcast %broadcast_in_dim3A_2203 : i32 to vector<16xi32>
        %gather3A_2205 = tpu.vector_load_idx %arg30[%add3A_2082, %broadcast_in_dim3A_2204] : memref<1024x32xf32, #tpu.memory_space<vmem>>[vector<16xi32>, vector<16xi32>], vector<16xf32>,
        %mul3A_2206 = arith.mulf %mul3A_2078, %gather3A_2205 : vector<16xf32>
        %add3A_2207 = arith.addf %scan3A_2057, %mul3A_2206 : vector<16xf32>
        %broadcast_in_dim3A_2208 = arith.constant 25 : i32
        %broadcast_in_dim3A_2209 = vector.broadcast %broadcast_in_dim3A_2208 : i32 to vector<16xi32>
        %gather3A_2210 = tpu.vector_load_idx %arg30[%add3A_2082, %broadcast_in_dim3A_2209] : memref<1024x32xf32, #tpu.memory_space<vmem>>[vector<16xi32>, vector<16xi32>], vector<16xf32>,
        %mul3A_2211 = arith.mulf %mul3A_2078, %gather3A_2210 : vector<16xf32>
        %add3A_2212 = arith.addf %scan3A_2058, %mul3A_2211 : vector<16xf32>
        %broadcast_in_dim3A_2213 = arith.constant 26 : i32
        %broadcast_in_dim3A_2214 = vector.broadcast %broadcast_in_dim3A_2213 : i32 to vector<16xi32>
        %gather3A_2215 = tpu.vector_load_idx %arg30[%add3A_2082, %broadcast_in_dim3A_2214] : memref<1024x32xf32, #tpu.memory_space<vmem>>[vector<16xi32>, vector<16xi32>], vector<16xf32>,
        %mul3A_2216 = arith.mulf %mul3A_2078, %gather3A_2215 : vector<16xf32>
        %add3A_2217 = arith.addf %scan3A_2059, %mul3A_2216 : vector<16xf32>
        %broadcast_in_dim3A_2218 = arith.constant 27 : i32
        %broadcast_in_dim3A_2219 = vector.broadcast %broadcast_in_dim3A_2218 : i32 to vector<16xi32>
        %gather3A_2220 = tpu.vector_load_idx %arg30[%add3A_2082, %broadcast_in_dim3A_2219] : memref<1024x32xf32, #tpu.memory_space<vmem>>[vector<16xi32>, vector<16xi32>], vector<16xf32>,
        %mul3A_2221 = arith.mulf %mul3A_2078, %gather3A_2220 : vector<16xf32>
        %add3A_2222 = arith.addf %scan3A_2060, %mul3A_2221 : vector<16xf32>
        %broadcast_in_dim3A_2223 = arith.constant 28 : i32
        %broadcast_in_dim3A_2224 = vector.broadcast %broadcast_in_dim3A_2223 : i32 to vector<16xi32>
        %gather3A_2225 = tpu.vector_load_idx %arg30[%add3A_2082, %broadcast_in_dim3A_2224] : memref<1024x32xf32, #tpu.memory_space<vmem>>[vector<16xi32>, vector<16xi32>], vector<16xf32>,
        %mul3A_2226 = arith.mulf %mul3A_2078, %gather3A_2225 : vector<16xf32>
        %add3A_2227 = arith.addf %scan3A_2061, %mul3A_2226 : vector<16xf32>
        %broadcast_in_dim3A_2228 = arith.constant 29 : i32
        %broadcast_in_dim3A_2229 = vector.broadcast %broadcast_in_dim3A_2228 : i32 to vector<16xi32>
        %gather3A_2230 = tpu.vector_load_idx %arg30[%add3A_2082, %broadcast_in_dim3A_2229] : memref<1024x32xf32, #tpu.memory_space<vmem>>[vector<16xi32>, vector<16xi32>], vector<16xf32>,
        %mul3A_2231 = arith.mulf %mul3A_2078, %gather3A_2230 : vector<16xf32>
        %add3A_2232 = arith.addf %scan3A_2062, %mul3A_2231 : vector<16xf32>
        %broadcast_in_dim3A_2233 = arith.constant 30 : i32
        %broadcast_in_dim3A_2234 = vector.broadcast %broadcast_in_dim3A_2233 : i32 to vector<16xi32>
        %gather3A_2235 = tpu.vector_load_idx %arg30[%add3A_2082, %broadcast_in_dim3A_2234] : memref<1024x32xf32, #tpu.memory_space<vmem>>[vector<16xi32>, vector<16xi32>], vector<16xf32>,
        %mul3A_2236 = arith.mulf %mul3A_2078, %gather3A_2235 : vector<16xf32>
        %add3A_2237 = arith.addf %scan3A_2063, %mul3A_2236 : vector<16xf32>
        %broadcast_in_dim3A_2238 = arith.constant 31 : i32
        %broadcast_in_dim3A_2239 = vector.broadcast %broadcast_in_dim3A_2238 : i32 to vector<16xi32>
        %gather3A_2240 = tpu.vector_load_idx %arg30[%add3A_2082, %broadcast_in_dim3A_2239] : memref<1024x32xf32, #tpu.memory_space<vmem>>[vector<16xi32>, vector<16xi32>], vector<16xf32>,
        %mul3A_2241 = arith.mulf %mul3A_2078, %gather3A_2240 : vector<16xf32>
        %add3A_2242 = arith.addf %scan3A_2064, %mul3A_2241 : vector<16xf32>
        %abs3A = math.absf %mul3A_2078 : vector<16xf32>
        %add3A_2243 = arith.addf %scan3A_2065, %abs3A : vector<16xf32>
        %mul3A_2244 = arith.mulf %gather3A_2070, %select_n3A : vector<16xf32>
        %add3A_2245 = arith.addf %scan3A_2066, %mul3A_2244 : vector<16xf32>
        %add3A_2246 = arith.addf %scan3A_2067, %select_n3A : vector<16xf32>
        scf.yield %add3A_2087, %add3A_2092, %add3A_2097, %add3A_2102, %add3A_2107, %add3A_2112, %add3A_2117, %add3A_2122, %add3A_2127, %add3A_2132, %add3A_2137, %add3A_2142, %add3A_2147, %add3A_2152, %add3A_2157, %add3A_2162, %add3A_2167, %add3A_2172, %add3A_2177, %add3A_2182, %add3A_2187, %add3A_2192, %add3A_2197, %add3A_2202, %add3A_2207, %add3A_2212, %add3A_2217, %add3A_2222, %add3A_2227, %add3A_2232, %add3A_2237, %add3A_2242, %add3A_2243, %add3A_2245, %add3A_2246 : vector<16xf32>, vector<16xf32>, vector<16xf32>, vector<16xf32>, vector<16xf32>, vector<16xf32>, vector<16xf32>, vector<16xf32>, vector<16xf32>, vector<16xf32>, vector<16xf32>, vector<16xf32>, vector<16xf32>, vector<16xf32>, vector<16xf32>, vector<16xf32>, vector<16xf32>, vector<16xf32>, vector<16xf32>, vector<16xf32>, vector<16xf32>, vector<16xf32>, vector<16xf32>, vector<16xf32>, vector<16xf32>, vector<16xf32>, vector<16xf32>, vector<16xf32>, vector<16xf32>, vector<16xf32>, vector<16xf32>, vector<16xf32>, vector<16xf32>, vector<16xf32>, vector<16xf32>
      }
      %scan3A_576 = arith.constant 50 : i32
      %max3A_577 = arith.constant 9.99999997E-7 : f32
      %max3A_578 = vector.broadcast %max3A_577 : f32 to vector<16xf32>
      %max3A_579 = arith.maximumf %scan3A_575#32, %max3A_578 : vector<16xf32>
      %div3A_580 = arith.constant 1.000000e+00 : f32
      %div3A_581 = vector.broadcast %div3A_580 : f32 to vector<16xf32>
      %div3A_582 = arith.divf %div3A_581, %max3A_579 : vector<16xf32>
      %max3A_583 = arith.constant 1.000000e+00 : f32
      %max3A_584 = vector.broadcast %max3A_583 : f32 to vector<16xf32>
      %max3A_585 = arith.maximumf %scan3A_575#34, %max3A_584 : vector<16xf32>
      %div3A_586 = arith.divf %scan3A_575#33, %max3A_585 : vector<16xf32>
      %broadcast_in_dim3A_587 = arith.constant 0.000000e+00 : f32
      %broadcast_in_dim3A_588 = vector.broadcast %broadcast_in_dim3A_587 : f32 to vector<16xf32>
      %broadcast_in_dim3A_589 = arith.constant 0 : i32
      %broadcast_in_dim3A_590 = vector.broadcast %broadcast_in_dim3A_589 : i32 to vector<16xi32>
      %gather3A_591 = tpu.vector_load_idx %arg23[%iota3A, %broadcast_in_dim3A_590] : memref<16x32xf32, #tpu.memory_space<vmem>>[vector<16xi32>, vector<16xi32>], vector<16xf32>,
      %broadcast_in_dim3A_592 = arith.constant 96 : i32
      %broadcast_in_dim3A_593 = vector.broadcast %broadcast_in_dim3A_592 : i32 to vector<16xi32>
      %gather3A_594 = tpu.vector_load_idx %arg20[%broadcast_in_dim3A_593] : memref<408xf32, #tpu.memory_space<vmem>>[vector<16xi32>], vector<16xf32>,
      %broadcast_in_dim3A_595 = arith.constant 312 : i32
      %broadcast_in_dim3A_596 = vector.broadcast %broadcast_in_dim3A_595 : i32 to vector<16xi32>
      %gather3A_597 = tpu.vector_load_idx %arg20[%broadcast_in_dim3A_596] : memref<408xf32, #tpu.memory_space<vmem>>[vector<16xi32>], vector<16xf32>,
      %mul3A_598 = arith.mulf %gather3A_591, %gather3A_597 : vector<16xf32>
      %add3A_599 = arith.addf %gather3A_594, %mul3A_598 : vector<16xf32>
      %mul3A_600 = arith.mulf %scan3A_575#0, %add3A_599 : vector<16xf32>
      %add3A_601 = arith.addf %broadcast_in_dim3A_588, %mul3A_600 : vector<16xf32>
      %broadcast_in_dim3A_602 = arith.constant 1 : i32
      %broadcast_in_dim3A_603 = vector.broadcast %broadcast_in_dim3A_602 : i32 to vector<16xi32>
      %gather3A_604 = tpu.vector_load_idx %arg23[%iota3A, %broadcast_in_dim3A_603] : memref<16x32xf32, #tpu.memory_space<vmem>>[vector<16xi32>, vector<16xi32>], vector<16xf32>,
      %broadcast_in_dim3A_605 = arith.constant 97 : i32
      %broadcast_in_dim3A_606 = vector.broadcast %broadcast_in_dim3A_605 : i32 to vector<16xi32>
      %gather3A_607 = tpu.vector_load_idx %arg20[%broadcast_in_dim3A_606] : memref<408xf32, #tpu.memory_space<vmem>>[vector<16xi32>], vector<16xf32>,
      %broadcast_in_dim3A_608 = arith.constant 313 : i32
      %broadcast_in_dim3A_609 = vector.broadcast %broadcast_in_dim3A_608 : i32 to vector<16xi32>
      %gather3A_610 = tpu.vector_load_idx %arg20[%broadcast_in_dim3A_609] : memref<408xf32, #tpu.memory_space<vmem>>[vector<16xi32>], vector<16xf32>,
      %mul3A_611 = arith.mulf %gather3A_604, %gather3A_610 : vector<16xf32>
      %add3A_612 = arith.addf %gather3A_607, %mul3A_611 : vector<16xf32>
      %mul3A_613 = arith.mulf %scan3A_575#1, %add3A_612 : vector<16xf32>
      %add3A_614 = arith.addf %add3A_601, %mul3A_613 : vector<16xf32>
      %broadcast_in_dim3A_615 = arith.constant 2 : i32
      %broadcast_in_dim3A_616 = vector.broadcast %broadcast_in_dim3A_615 : i32 to vector<16xi32>
      %gather3A_617 = tpu.vector_load_idx %arg23[%iota3A, %broadcast_in_dim3A_616] : memref<16x32xf32, #tpu.memory_space<vmem>>[vector<16xi32>, vector<16xi32>], vector<16xf32>,
      %broadcast_in_dim3A_618 = arith.constant 98 : i32
      %broadcast_in_dim3A_619 = vector.broadcast %broadcast_in_dim3A_618 : i32 to vector<16xi32>
      %gather3A_620 = tpu.vector_load_idx %arg20[%broadcast_in_dim3A_619] : memref<408xf32, #tpu.memory_space<vmem>>[vector<16xi32>], vector<16xf32>,
      %broadcast_in_dim3A_621 = arith.constant 314 : i32
      %broadcast_in_dim3A_622 = vector.broadcast %broadcast_in_dim3A_621 : i32 to vector<16xi32>
      %gather3A_623 = tpu.vector_load_idx %arg20[%broadcast_in_dim3A_622] : memref<408xf32, #tpu.memory_space<vmem>>[vector<16xi32>], vector<16xf32>,
      %mul3A_624 = arith.mulf %gather3A_617, %gather3A_623 : vector<16xf32>
      %add3A_625 = arith.addf %gather3A_620, %mul3A_624 : vector<16xf32>
      %mul3A_626 = arith.mulf %scan3A_575#2, %add3A_625 : vector<16xf32>
      %add3A_627 = arith.addf %add3A_614, %mul3A_626 : vector<16xf32>
      %broadcast_in_dim3A_628 = arith.constant 3 : i32
      %broadcast_in_dim3A_629 = vector.broadcast %broadcast_in_dim3A_628 : i32 to vector<16xi32>
      %gather3A_630 = tpu.vector_load_idx %arg23[%iota3A, %broadcast_in_dim3A_629] : memref<16x32xf32, #tpu.memory_space<vmem>>[vector<16xi32>, vector<16xi32>], vector<16xf32>,
      %broadcast_in_dim3A_631 = arith.constant 99 : i32
      %broadcast_in_dim3A_632 = vector.broadcast %broadcast_in_dim3A_631 : i32 to vector<16xi32>
      %gather3A_633 = tpu.vector_load_idx %arg20[%broadcast_in_dim3A_632] : memref<408xf32, #tpu.memory_space<vmem>>[vector<16xi32>], vector<16xf32>,
      %broadcast_in_dim3A_634 = arith.constant 315 : i32
      %broadcast_in_dim3A_635 = vector.broadcast %broadcast_in_dim3A_634 : i32 to vector<16xi32>
      %gather3A_636 = tpu.vector_load_idx %arg20[%broadcast_in_dim3A_635] : memref<408xf32, #tpu.memory_space<vmem>>[vector<16xi32>], vector<16xf32>,
      %mul3A_637 = arith.mulf %gather3A_630, %gather3A_636 : vector<16xf32>
      %add3A_638 = arith.addf %gather3A_633, %mul3A_637 : vector<16xf32>
      %mul3A_639 = arith.mulf %scan3A_575#3, %add3A_638 : vector<16xf32>
      %add3A_640 = arith.addf %add3A_627, %mul3A_639 : vector<16xf32>
      %broadcast_in_dim3A_641 = arith.constant 4 : i32
      %broadcast_in_dim3A_642 = vector.broadcast %broadcast_in_dim3A_641 : i32 to vector<16xi32>
      %gather3A_643 = tpu.vector_load_idx %arg23[%iota3A, %broadcast_in_dim3A_642] : memref<16x32xf32, #tpu.memory_space<vmem>>[vector<16xi32>, vector<16xi32>], vector<16xf32>,
      %broadcast_in_dim3A_644 = arith.constant 100 : i32
      %broadcast_in_dim3A_645 = vector.broadcast %broadcast_in_dim3A_644 : i32 to vector<16xi32>
      %gather3A_646 = tpu.vector_load_idx %arg20[%broadcast_in_dim3A_645] : memref<408xf32, #tpu.memory_space<vmem>>[vector<16xi32>], vector<16xf32>,
      %broadcast_in_dim3A_647 = arith.constant 316 : i32
      %broadcast_in_dim3A_648 = vector.broadcast %broadcast_in_dim3A_647 : i32 to vector<16xi32>
      %gather3A_649 = tpu.vector_load_idx %arg20[%broadcast_in_dim3A_648] : memref<408xf32, #tpu.memory_space<vmem>>[vector<16xi32>], vector<16xf32>,
      %mul3A_650 = arith.mulf %gather3A_643, %gather3A_649 : vector<16xf32>
      %add3A_651 = arith.addf %gather3A_646, %mul3A_650 : vector<16xf32>
      %mul3A_652 = arith.mulf %scan3A_575#4, %add3A_651 : vector<16xf32>
      %add3A_653 = arith.addf %add3A_640, %mul3A_652 : vector<16xf32>
      %broadcast_in_dim3A_654 = arith.constant 5 : i32
      %broadcast_in_dim3A_655 = vector.broadcast %broadcast_in_dim3A_654 : i32 to vector<16xi32>
      %gather3A_656 = tpu.vector_load_idx %arg23[%iota3A, %broadcast_in_dim3A_655] : memref<16x32xf32, #tpu.memory_space<vmem>>[vector<16xi32>, vector<16xi32>], vector<16xf32>,
      %broadcast_in_dim3A_657 = arith.constant 101 : i32
      %broadcast_in_dim3A_658 = vector.broadcast %broadcast_in_dim3A_657 : i32 to vector<16xi32>
      %gather3A_659 = tpu.vector_load_idx %arg20[%broadcast_in_dim3A_658] : memref<408xf32, #tpu.memory_space<vmem>>[vector<16xi32>], vector<16xf32>,
      %broadcast_in_dim3A_660 = arith.constant 317 : i32
      %broadcast_in_dim3A_661 = vector.broadcast %broadcast_in_dim3A_660 : i32 to vector<16xi32>
      %gather3A_662 = tpu.vector_load_idx %arg20[%broadcast_in_dim3A_661] : memref<408xf32, #tpu.memory_space<vmem>>[vector<16xi32>], vector<16xf32>,
      %mul3A_663 = arith.mulf %gather3A_656, %gather3A_662 : vector<16xf32>
      %add3A_664 = arith.addf %gather3A_659, %mul3A_663 : vector<16xf32>
      %mul3A_665 = arith.mulf %scan3A_575#5, %add3A_664 : vector<16xf32>
      %add3A_666 = arith.addf %add3A_653, %mul3A_665 : vector<16xf32>
      %broadcast_in_dim3A_667 = arith.constant 6 : i32
      %broadcast_in_dim3A_668 = vector.broadcast %broadcast_in_dim3A_667 : i32 to vector<16xi32>
      %gather3A_669 = tpu.vector_load_idx %arg23[%iota3A, %broadcast_in_dim3A_668] : memref<16x32xf32, #tpu.memory_space<vmem>>[vector<16xi32>, vector<16xi32>], vector<16xf32>,
      %broadcast_in_dim3A_670 = arith.constant 102 : i32
      %broadcast_in_dim3A_671 = vector.broadcast %broadcast_in_dim3A_670 : i32 to vector<16xi32>
      %gather3A_672 = tpu.vector_load_idx %arg20[%broadcast_in_dim3A_671] : memref<408xf32, #tpu.memory_space<vmem>>[vector<16xi32>], vector<16xf32>,
      %broadcast_in_dim3A_673 = arith.constant 318 : i32
      %broadcast_in_dim3A_674 = vector.broadcast %broadcast_in_dim3A_673 : i32 to vector<16xi32>
      %gather3A_675 = tpu.vector_load_idx %arg20[%broadcast_in_dim3A_674] : memref<408xf32, #tpu.memory_space<vmem>>[vector<16xi32>], vector<16xf32>,
      %mul3A_676 = arith.mulf %gather3A_669, %gather3A_675 : vector<16xf32>
      %add3A_677 = arith.addf %gather3A_672, %mul3A_676 : vector<16xf32>
      %mul3A_678 = arith.mulf %scan3A_575#6, %add3A_677 : vector<16xf32>
      %add3A_679 = arith.addf %add3A_666, %mul3A_678 : vector<16xf32>
      %broadcast_in_dim3A_680 = arith.constant 7 : i32
      %broadcast_in_dim3A_681 = vector.broadcast %broadcast_in_dim3A_680 : i32 to vector<16xi32>
      %gather3A_682 = tpu.vector_load_idx %arg23[%iota3A, %broadcast_in_dim3A_681] : memref<16x32xf32, #tpu.memory_space<vmem>>[vector<16xi32>, vector<16xi32>], vector<16xf32>,
      %broadcast_in_dim3A_683 = arith.constant 103 : i32
      %broadcast_in_dim3A_684 = vector.broadcast %broadcast_in_dim3A_683 : i32 to vector<16xi32>
      %gather3A_685 = tpu.vector_load_idx %arg20[%broadcast_in_dim3A_684] : memref<408xf32, #tpu.memory_space<vmem>>[vector<16xi32>], vector<16xf32>,
      %broadcast_in_dim3A_686 = arith.constant 319 : i32
      %broadcast_in_dim3A_687 = vector.broadcast %broadcast_in_dim3A_686 : i32 to vector<16xi32>
      %gather3A_688 = tpu.vector_load_idx %arg20[%broadcast_in_dim3A_687] : memref<408xf32, #tpu.memory_space<vmem>>[vector<16xi32>], vector<16xf32>,
      %mul3A_689 = arith.mulf %gather3A_682, %gather3A_688 : vector<16xf32>
      %add3A_690 = arith.addf %gather3A_685, %mul3A_689 : vector<16xf32>
      %mul3A_691 = arith.mulf %scan3A_575#7, %add3A_690 : vector<16xf32>
      %add3A_692 = arith.addf %add3A_679, %mul3A_691 : vector<16xf32>
      %broadcast_in_dim3A_693 = arith.constant 8 : i32
      %broadcast_in_dim3A_694 = vector.broadcast %broadcast_in_dim3A_693 : i32 to vector<16xi32>
      %gather3A_695 = tpu.vector_load_idx %arg23[%iota3A, %broadcast_in_dim3A_694] : memref<16x32xf32, #tpu.memory_space<vmem>>[vector<16xi32>, vector<16xi32>], vector<16xf32>,
      %broadcast_in_dim3A_696 = arith.constant 104 : i32
      %broadcast_in_dim3A_697 = vector.broadcast %broadcast_in_dim3A_696 : i32 to vector<16xi32>
      %gather3A_698 = tpu.vector_load_idx %arg20[%broadcast_in_dim3A_697] : memref<408xf32, #tpu.memory_space<vmem>>[vector<16xi32>], vector<16xf32>,
      %broadcast_in_dim3A_699 = arith.constant 320 : i32
      %broadcast_in_dim3A_700 = vector.broadcast %broadcast_in_dim3A_699 : i32 to vector<16xi32>
      %gather3A_701 = tpu.vector_load_idx %arg20[%broadcast_in_dim3A_700] : memref<408xf32, #tpu.memory_space<vmem>>[vector<16xi32>], vector<16xf32>,
      %mul3A_702 = arith.mulf %gather3A_695, %gather3A_701 : vector<16xf32>
      %add3A_703 = arith.addf %gather3A_698, %mul3A_702 : vector<16xf32>
      %mul3A_704 = arith.mulf %scan3A_575#8, %add3A_703 : vector<16xf32>
      %add3A_705 = arith.addf %add3A_692, %mul3A_704 : vector<16xf32>
      %broadcast_in_dim3A_706 = arith.constant 9 : i32
      %broadcast_in_dim3A_707 = vector.broadcast %broadcast_in_dim3A_706 : i32 to vector<16xi32>
      %gather3A_708 = tpu.vector_load_idx %arg23[%iota3A, %broadcast_in_dim3A_707] : memref<16x32xf32, #tpu.memory_space<vmem>>[vector<16xi32>, vector<16xi32>], vector<16xf32>,
      %broadcast_in_dim3A_709 = arith.constant 105 : i32
      %broadcast_in_dim3A_710 = vector.broadcast %broadcast_in_dim3A_709 : i32 to vector<16xi32>
      %gather3A_711 = tpu.vector_load_idx %arg20[%broadcast_in_dim3A_710] : memref<408xf32, #tpu.memory_space<vmem>>[vector<16xi32>], vector<16xf32>,
      %broadcast_in_dim3A_712 = arith.constant 321 : i32
      %broadcast_in_dim3A_713 = vector.broadcast %broadcast_in_dim3A_712 : i32 to vector<16xi32>
      %gather3A_714 = tpu.vector_load_idx %arg20[%broadcast_in_dim3A_713] : memref<408xf32, #tpu.memory_space<vmem>>[vector<16xi32>], vector<16xf32>,
      %mul3A_715 = arith.mulf %gather3A_708, %gather3A_714 : vector<16xf32>
      %add3A_716 = arith.addf %gather3A_711, %mul3A_715 : vector<16xf32>
      %mul3A_717 = arith.mulf %scan3A_575#9, %add3A_716 : vector<16xf32>
      %add3A_718 = arith.addf %add3A_705, %mul3A_717 : vector<16xf32>
      %broadcast_in_dim3A_719 = arith.constant 10 : i32
      %broadcast_in_dim3A_720 = vector.broadcast %broadcast_in_dim3A_719 : i32 to vector<16xi32>
      %gather3A_721 = tpu.vector_load_idx %arg23[%iota3A, %broadcast_in_dim3A_720] : memref<16x32xf32, #tpu.memory_space<vmem>>[vector<16xi32>, vector<16xi32>], vector<16xf32>,
      %broadcast_in_dim3A_722 = arith.constant 106 : i32
      %broadcast_in_dim3A_723 = vector.broadcast %broadcast_in_dim3A_722 : i32 to vector<16xi32>
      %gather3A_724 = tpu.vector_load_idx %arg20[%broadcast_in_dim3A_723] : memref<408xf32, #tpu.memory_space<vmem>>[vector<16xi32>], vector<16xf32>,
      %broadcast_in_dim3A_725 = arith.constant 322 : i32
      %broadcast_in_dim3A_726 = vector.broadcast %broadcast_in_dim3A_725 : i32 to vector<16xi32>
      %gather3A_727 = tpu.vector_load_idx %arg20[%broadcast_in_dim3A_726] : memref<408xf32, #tpu.memory_space<vmem>>[vector<16xi32>], vector<16xf32>,
      %mul3A_728 = arith.mulf %gather3A_721, %gather3A_727 : vector<16xf32>
      %add3A_729 = arith.addf %gather3A_724, %mul3A_728 : vector<16xf32>
      %mul3A_730 = arith.mulf %scan3A_575#10, %add3A_729 : vector<16xf32>
      %add3A_731 = arith.addf %add3A_718, %mul3A_730 : vector<16xf32>
      %broadcast_in_dim3A_732 = arith.constant 11 : i32
      %broadcast_in_dim3A_733 = vector.broadcast %broadcast_in_dim3A_732 : i32 to vector<16xi32>
      %gather3A_734 = tpu.vector_load_idx %arg23[%iota3A, %broadcast_in_dim3A_733] : memref<16x32xf32, #tpu.memory_space<vmem>>[vector<16xi32>, vector<16xi32>], vector<16xf32>,
      %broadcast_in_dim3A_735 = arith.constant 107 : i32
      %broadcast_in_dim3A_736 = vector.broadcast %broadcast_in_dim3A_735 : i32 to vector<16xi32>
      %gather3A_737 = tpu.vector_load_idx %arg20[%broadcast_in_dim3A_736] : memref<408xf32, #tpu.memory_space<vmem>>[vector<16xi32>], vector<16xf32>,
      %broadcast_in_dim3A_738 = arith.constant 323 : i32
      %broadcast_in_dim3A_739 = vector.broadcast %broadcast_in_dim3A_738 : i32 to vector<16xi32>
      %gather3A_740 = tpu.vector_load_idx %arg20[%broadcast_in_dim3A_739] : memref<408xf32, #tpu.memory_space<vmem>>[vector<16xi32>], vector<16xf32>,
      %mul3A_741 = arith.mulf %gather3A_734, %gather3A_740 : vector<16xf32>
      %add3A_742 = arith.addf %gather3A_737, %mul3A_741 : vector<16xf32>
      %mul3A_743 = arith.mulf %scan3A_575#11, %add3A_742 : vector<16xf32>
      %add3A_744 = arith.addf %add3A_731, %mul3A_743 : vector<16xf32>
      %broadcast_in_dim3A_745 = arith.constant 12 : i32
      %broadcast_in_dim3A_746 = vector.broadcast %broadcast_in_dim3A_745 : i32 to vector<16xi32>
      %gather3A_747 = tpu.vector_load_idx %arg23[%iota3A, %broadcast_in_dim3A_746] : memref<16x32xf32, #tpu.memory_space<vmem>>[vector<16xi32>, vector<16xi32>], vector<16xf32>,
      %broadcast_in_dim3A_748 = arith.constant 108 : i32
      %broadcast_in_dim3A_749 = vector.broadcast %broadcast_in_dim3A_748 : i32 to vector<16xi32>
      %gather3A_750 = tpu.vector_load_idx %arg20[%broadcast_in_dim3A_749] : memref<408xf32, #tpu.memory_space<vmem>>[vector<16xi32>], vector<16xf32>,
      %broadcast_in_dim3A_751 = arith.constant 324 : i32
      %broadcast_in_dim3A_752 = vector.broadcast %broadcast_in_dim3A_751 : i32 to vector<16xi32>
      %gather3A_753 = tpu.vector_load_idx %arg20[%broadcast_in_dim3A_752] : memref<408xf32, #tpu.memory_space<vmem>>[vector<16xi32>], vector<16xf32>,
      %mul3A_754 = arith.mulf %gather3A_747, %gather3A_753 : vector<16xf32>
      %add3A_755 = arith.addf %gather3A_750, %mul3A_754 : vector<16xf32>
      %mul3A_756 = arith.mulf %scan3A_575#12, %add3A_755 : vector<16xf32>
      %add3A_757 = arith.addf %add3A_744, %mul3A_756 : vector<16xf32>
      %broadcast_in_dim3A_758 = arith.constant 13 : i32
      %broadcast_in_dim3A_759 = vector.broadcast %broadcast_in_dim3A_758 : i32 to vector<16xi32>
      %gather3A_760 = tpu.vector_load_idx %arg23[%iota3A, %broadcast_in_dim3A_759] : memref<16x32xf32, #tpu.memory_space<vmem>>[vector<16xi32>, vector<16xi32>], vector<16xf32>,
      %broadcast_in_dim3A_761 = arith.constant 109 : i32
      %broadcast_in_dim3A_762 = vector.broadcast %broadcast_in_dim3A_761 : i32 to vector<16xi32>
      %gather3A_763 = tpu.vector_load_idx %arg20[%broadcast_in_dim3A_762] : memref<408xf32, #tpu.memory_space<vmem>>[vector<16xi32>], vector<16xf32>,
      %broadcast_in_dim3A_764 = arith.constant 325 : i32
      %broadcast_in_dim3A_765 = vector.broadcast %broadcast_in_dim3A_764 : i32 to vector<16xi32>
      %gather3A_766 = tpu.vector_load_idx %arg20[%broadcast_in_dim3A_765] : memref<408xf32, #tpu.memory_space<vmem>>[vector<16xi32>], vector<16xf32>,
      %mul3A_767 = arith.mulf %gather3A_760, %gather3A_766 : vector<16xf32>
      %add3A_768 = arith.addf %gather3A_763, %mul3A_767 : vector<16xf32>
      %mul3A_769 = arith.mulf %scan3A_575#13, %add3A_768 : vector<16xf32>
      %add3A_770 = arith.addf %add3A_757, %mul3A_769 : vector<16xf32>
      %broadcast_in_dim3A_771 = arith.constant 14 : i32
      %broadcast_in_dim3A_772 = vector.broadcast %broadcast_in_dim3A_771 : i32 to vector<16xi32>
      %gather3A_773 = tpu.vector_load_idx %arg23[%iota3A, %broadcast_in_dim3A_772] : memref<16x32xf32, #tpu.memory_space<vmem>>[vector<16xi32>, vector<16xi32>], vector<16xf32>,
      %broadcast_in_dim3A_774 = arith.constant 110 : i32
      %broadcast_in_dim3A_775 = vector.broadcast %broadcast_in_dim3A_774 : i32 to vector<16xi32>
      %gather3A_776 = tpu.vector_load_idx %arg20[%broadcast_in_dim3A_775] : memref<408xf32, #tpu.memory_space<vmem>>[vector<16xi32>], vector<16xf32>,
      %broadcast_in_dim3A_777 = arith.constant 326 : i32
      %broadcast_in_dim3A_778 = vector.broadcast %broadcast_in_dim3A_777 : i32 to vector<16xi32>
      %gather3A_779 = tpu.vector_load_idx %arg20[%broadcast_in_dim3A_778] : memref<408xf32, #tpu.memory_space<vmem>>[vector<16xi32>], vector<16xf32>,
      %mul3A_780 = arith.mulf %gather3A_773, %gather3A_779 : vector<16xf32>
      %add3A_781 = arith.addf %gather3A_776, %mul3A_780 : vector<16xf32>
      %mul3A_782 = arith.mulf %scan3A_575#14, %add3A_781 : vector<16xf32>
      %add3A_783 = arith.addf %add3A_770, %mul3A_782 : vector<16xf32>
      %broadcast_in_dim3A_784 = arith.constant 15 : i32
      %broadcast_in_dim3A_785 = vector.broadcast %broadcast_in_dim3A_784 : i32 to vector<16xi32>
      %gather3A_786 = tpu.vector_load_idx %arg23[%iota3A, %broadcast_in_dim3A_785] : memref<16x32xf32, #tpu.memory_space<vmem>>[vector<16xi32>, vector<16xi32>], vector<16xf32>,
      %broadcast_in_dim3A_787 = arith.constant 111 : i32
      %broadcast_in_dim3A_788 = vector.broadcast %broadcast_in_dim3A_787 : i32 to vector<16xi32>
      %gather3A_789 = tpu.vector_load_idx %arg20[%broadcast_in_dim3A_788] : memref<408xf32, #tpu.memory_space<vmem>>[vector<16xi32>], vector<16xf32>,
      %broadcast_in_dim3A_790 = arith.constant 327 : i32
      %broadcast_in_dim3A_791 = vector.broadcast %broadcast_in_dim3A_790 : i32 to vector<16xi32>
      %gather3A_792 = tpu.vector_load_idx %arg20[%broadcast_in_dim3A_791] : memref<408xf32, #tpu.memory_space<vmem>>[vector<16xi32>], vector<16xf32>,
      %mul3A_793 = arith.mulf %gather3A_786, %gather3A_792 : vector<16xf32>
      %add3A_794 = arith.addf %gather3A_789, %mul3A_793 : vector<16xf32>
      %mul3A_795 = arith.mulf %scan3A_575#15, %add3A_794 : vector<16xf32>
      %add3A_796 = arith.addf %add3A_783, %mul3A_795 : vector<16xf32>
      %broadcast_in_dim3A_797 = arith.constant 16 : i32
      %broadcast_in_dim3A_798 = vector.broadcast %broadcast_in_dim3A_797 : i32 to vector<16xi32>
      %gather3A_799 = tpu.vector_load_idx %arg23[%iota3A, %broadcast_in_dim3A_798] : memref<16x32xf32, #tpu.memory_space<vmem>>[vector<16xi32>, vector<16xi32>], vector<16xf32>,
      %broadcast_in_dim3A_800 = arith.constant 112 : i32
      %broadcast_in_dim3A_801 = vector.broadcast %broadcast_in_dim3A_800 : i32 to vector<16xi32>
      %gather3A_802 = tpu.vector_load_idx %arg20[%broadcast_in_dim3A_801] : memref<408xf32, #tpu.memory_space<vmem>>[vector<16xi32>], vector<16xf32>,
      %broadcast_in_dim3A_803 = arith.constant 328 : i32
      %broadcast_in_dim3A_804 = vector.broadcast %broadcast_in_dim3A_803 : i32 to vector<16xi32>
      %gather3A_805 = tpu.vector_load_idx %arg20[%broadcast_in_dim3A_804] : memref<408xf32, #tpu.memory_space<vmem>>[vector<16xi32>], vector<16xf32>,
      %mul3A_806 = arith.mulf %gather3A_799, %gather3A_805 : vector<16xf32>
      %add3A_807 = arith.addf %gather3A_802, %mul3A_806 : vector<16xf32>
      %mul3A_808 = arith.mulf %scan3A_575#16, %add3A_807 : vector<16xf32>
      %add3A_809 = arith.addf %add3A_796, %mul3A_808 : vector<16xf32>
      %broadcast_in_dim3A_810 = arith.constant 17 : i32
      %broadcast_in_dim3A_811 = vector.broadcast %broadcast_in_dim3A_810 : i32 to vector<16xi32>
      %gather3A_812 = tpu.vector_load_idx %arg23[%iota3A, %broadcast_in_dim3A_811] : memref<16x32xf32, #tpu.memory_space<vmem>>[vector<16xi32>, vector<16xi32>], vector<16xf32>,
      %broadcast_in_dim3A_813 = arith.constant 113 : i32
      %broadcast_in_dim3A_814 = vector.broadcast %broadcast_in_dim3A_813 : i32 to vector<16xi32>
      %gather3A_815 = tpu.vector_load_idx %arg20[%broadcast_in_dim3A_814] : memref<408xf32, #tpu.memory_space<vmem>>[vector<16xi32>], vector<16xf32>,
      %broadcast_in_dim3A_816 = arith.constant 329 : i32
      %broadcast_in_dim3A_817 = vector.broadcast %broadcast_in_dim3A_816 : i32 to vector<16xi32>
      %gather3A_818 = tpu.vector_load_idx %arg20[%broadcast_in_dim3A_817] : memref<408xf32, #tpu.memory_space<vmem>>[vector<16xi32>], vector<16xf32>,
      %mul3A_819 = arith.mulf %gather3A_812, %gather3A_818 : vector<16xf32>
      %add3A_820 = arith.addf %gather3A_815, %mul3A_819 : vector<16xf32>
      %mul3A_821 = arith.mulf %scan3A_575#17, %add3A_820 : vector<16xf32>
      %add3A_822 = arith.addf %add3A_809, %mul3A_821 : vector<16xf32>
      %broadcast_in_dim3A_823 = arith.constant 18 : i32
      %broadcast_in_dim3A_824 = vector.broadcast %broadcast_in_dim3A_823 : i32 to vector<16xi32>
      %gather3A_825 = tpu.vector_load_idx %arg23[%iota3A, %broadcast_in_dim3A_824] : memref<16x32xf32, #tpu.memory_space<vmem>>[vector<16xi32>, vector<16xi32>], vector<16xf32>,
      %broadcast_in_dim3A_826 = arith.constant 114 : i32
      %broadcast_in_dim3A_827 = vector.broadcast %broadcast_in_dim3A_826 : i32 to vector<16xi32>
      %gather3A_828 = tpu.vector_load_idx %arg20[%broadcast_in_dim3A_827] : memref<408xf32, #tpu.memory_space<vmem>>[vector<16xi32>], vector<16xf32>,
      %broadcast_in_dim3A_829 = arith.constant 330 : i32
      %broadcast_in_dim3A_830 = vector.broadcast %broadcast_in_dim3A_829 : i32 to vector<16xi32>
      %gather3A_831 = tpu.vector_load_idx %arg20[%broadcast_in_dim3A_830] : memref<408xf32, #tpu.memory_space<vmem>>[vector<16xi32>], vector<16xf32>,
      %mul3A_832 = arith.mulf %gather3A_825, %gather3A_831 : vector<16xf32>
      %add3A_833 = arith.addf %gather3A_828, %mul3A_832 : vector<16xf32>
      %mul3A_834 = arith.mulf %scan3A_575#18, %add3A_833 : vector<16xf32>
      %add3A_835 = arith.addf %add3A_822, %mul3A_834 : vector<16xf32>
      %broadcast_in_dim3A_836 = arith.constant 19 : i32
      %broadcast_in_dim3A_837 = vector.broadcast %broadcast_in_dim3A_836 : i32 to vector<16xi32>
      %gather3A_838 = tpu.vector_load_idx %arg23[%iota3A, %broadcast_in_dim3A_837] : memref<16x32xf32, #tpu.memory_space<vmem>>[vector<16xi32>, vector<16xi32>], vector<16xf32>,
      %broadcast_in_dim3A_839 = arith.constant 115 : i32
      %broadcast_in_dim3A_840 = vector.broadcast %broadcast_in_dim3A_839 : i32 to vector<16xi32>
      %gather3A_841 = tpu.vector_load_idx %arg20[%broadcast_in_dim3A_840] : memref<408xf32, #tpu.memory_space<vmem>>[vector<16xi32>], vector<16xf32>,
      %broadcast_in_dim3A_842 = arith.constant 331 : i32
      %broadcast_in_dim3A_843 = vector.broadcast %broadcast_in_dim3A_842 : i32 to vector<16xi32>
      %gather3A_844 = tpu.vector_load_idx %arg20[%broadcast_in_dim3A_843] : memref<408xf32, #tpu.memory_space<vmem>>[vector<16xi32>], vector<16xf32>,
      %mul3A_845 = arith.mulf %gather3A_838, %gather3A_844 : vector<16xf32>
      %add3A_846 = arith.addf %gather3A_841, %mul3A_845 : vector<16xf32>
      %mul3A_847 = arith.mulf %scan3A_575#19, %add3A_846 : vector<16xf32>
      %add3A_848 = arith.addf %add3A_835, %mul3A_847 : vector<16xf32>
      %broadcast_in_dim3A_849 = arith.constant 20 : i32
      %broadcast_in_dim3A_850 = vector.broadcast %broadcast_in_dim3A_849 : i32 to vector<16xi32>
      %gather3A_851 = tpu.vector_load_idx %arg23[%iota3A, %broadcast_in_dim3A_850] : memref<16x32xf32, #tpu.memory_space<vmem>>[vector<16xi32>, vector<16xi32>], vector<16xf32>,
      %broadcast_in_dim3A_852 = arith.constant 116 : i32
      %broadcast_in_dim3A_853 = vector.broadcast %broadcast_in_dim3A_852 : i32 to vector<16xi32>
      %gather3A_854 = tpu.vector_load_idx %arg20[%broadcast_in_dim3A_853] : memref<408xf32, #tpu.memory_space<vmem>>[vector<16xi32>], vector<16xf32>,
      %broadcast_in_dim3A_855 = arith.constant 332 : i32
      %broadcast_in_dim3A_856 = vector.broadcast %broadcast_in_dim3A_855 : i32 to vector<16xi32>
      %gather3A_857 = tpu.vector_load_idx %arg20[%broadcast_in_dim3A_856] : memref<408xf32, #tpu.memory_space<vmem>>[vector<16xi32>], vector<16xf32>,
      %mul3A_858 = arith.mulf %gather3A_851, %gather3A_857 : vector<16xf32>
      %add3A_859 = arith.addf %gather3A_854, %mul3A_858 : vector<16xf32>
      %mul3A_860 = arith.mulf %scan3A_575#20, %add3A_859 : vector<16xf32>
      %add3A_861 = arith.addf %add3A_848, %mul3A_860 : vector<16xf32>
      %broadcast_in_dim3A_862 = arith.constant 21 : i32
      %broadcast_in_dim3A_863 = vector.broadcast %broadcast_in_dim3A_862 : i32 to vector<16xi32>
      %gather3A_864 = tpu.vector_load_idx %arg23[%iota3A, %broadcast_in_dim3A_863] : memref<16x32xf32, #tpu.memory_space<vmem>>[vector<16xi32>, vector<16xi32>], vector<16xf32>,
      %broadcast_in_dim3A_865 = arith.constant 117 : i32
      %broadcast_in_dim3A_866 = vector.broadcast %broadcast_in_dim3A_865 : i32 to vector<16xi32>
      %gather3A_867 = tpu.vector_load_idx %arg20[%broadcast_in_dim3A_866] : memref<408xf32, #tpu.memory_space<vmem>>[vector<16xi32>], vector<16xf32>,
      %broadcast_in_dim3A_868 = arith.constant 333 : i32
      %broadcast_in_dim3A_869 = vector.broadcast %broadcast_in_dim3A_868 : i32 to vector<16xi32>
      %gather3A_870 = tpu.vector_load_idx %arg20[%broadcast_in_dim3A_869] : memref<408xf32, #tpu.memory_space<vmem>>[vector<16xi32>], vector<16xf32>,
      %mul3A_871 = arith.mulf %gather3A_864, %gather3A_870 : vector<16xf32>
      %add3A_872 = arith.addf %gather3A_867, %mul3A_871 : vector<16xf32>
      %mul3A_873 = arith.mulf %scan3A_575#21, %add3A_872 : vector<16xf32>
      %add3A_874 = arith.addf %add3A_861, %mul3A_873 : vector<16xf32>
      %broadcast_in_dim3A_875 = arith.constant 22 : i32
      %broadcast_in_dim3A_876 = vector.broadcast %broadcast_in_dim3A_875 : i32 to vector<16xi32>
      %gather3A_877 = tpu.vector_load_idx %arg23[%iota3A, %broadcast_in_dim3A_876] : memref<16x32xf32, #tpu.memory_space<vmem>>[vector<16xi32>, vector<16xi32>], vector<16xf32>,
      %broadcast_in_dim3A_878 = arith.constant 118 : i32
      %broadcast_in_dim3A_879 = vector.broadcast %broadcast_in_dim3A_878 : i32 to vector<16xi32>
      %gather3A_880 = tpu.vector_load_idx %arg20[%broadcast_in_dim3A_879] : memref<408xf32, #tpu.memory_space<vmem>>[vector<16xi32>], vector<16xf32>,
      %broadcast_in_dim3A_881 = arith.constant 334 : i32
      %broadcast_in_dim3A_882 = vector.broadcast %broadcast_in_dim3A_881 : i32 to vector<16xi32>
      %gather3A_883 = tpu.vector_load_idx %arg20[%broadcast_in_dim3A_882] : memref<408xf32, #tpu.memory_space<vmem>>[vector<16xi32>], vector<16xf32>,
      %mul3A_884 = arith.mulf %gather3A_877, %gather3A_883 : vector<16xf32>
      %add3A_885 = arith.addf %gather3A_880, %mul3A_884 : vector<16xf32>
      %mul3A_886 = arith.mulf %scan3A_575#22, %add3A_885 : vector<16xf32>
      %add3A_887 = arith.addf %add3A_874, %mul3A_886 : vector<16xf32>
      %broadcast_in_dim3A_888 = arith.constant 23 : i32
      %broadcast_in_dim3A_889 = vector.broadcast %broadcast_in_dim3A_888 : i32 to vector<16xi32>
      %gather3A_890 = tpu.vector_load_idx %arg23[%iota3A, %broadcast_in_dim3A_889] : memref<16x32xf32, #tpu.memory_space<vmem>>[vector<16xi32>, vector<16xi32>], vector<16xf32>,
      %broadcast_in_dim3A_891 = arith.constant 119 : i32
      %broadcast_in_dim3A_892 = vector.broadcast %broadcast_in_dim3A_891 : i32 to vector<16xi32>
      %gather3A_893 = tpu.vector_load_idx %arg20[%broadcast_in_dim3A_892] : memref<408xf32, #tpu.memory_space<vmem>>[vector<16xi32>], vector<16xf32>,
      %broadcast_in_dim3A_894 = arith.constant 335 : i32
      %broadcast_in_dim3A_895 = vector.broadcast %broadcast_in_dim3A_894 : i32 to vector<16xi32>
      %gather3A_896 = tpu.vector_load_idx %arg20[%broadcast_in_dim3A_895] : memref<408xf32, #tpu.memory_space<vmem>>[vector<16xi32>], vector<16xf32>,
      %mul3A_897 = arith.mulf %gather3A_890, %gather3A_896 : vector<16xf32>
      %add3A_898 = arith.addf %gather3A_893, %mul3A_897 : vector<16xf32>
      %mul3A_899 = arith.mulf %scan3A_575#23, %add3A_898 : vector<16xf32>
      %add3A_900 = arith.addf %add3A_887, %mul3A_899 : vector<16xf32>
      %broadcast_in_dim3A_901 = arith.constant 24 : i32
      %broadcast_in_dim3A_902 = vector.broadcast %broadcast_in_dim3A_901 : i32 to vector<16xi32>
      %gather3A_903 = tpu.vector_load_idx %arg23[%iota3A, %broadcast_in_dim3A_902] : memref<16x32xf32, #tpu.memory_space<vmem>>[vector<16xi32>, vector<16xi32>], vector<16xf32>,
      %broadcast_in_dim3A_904 = arith.constant 120 : i32
      %broadcast_in_dim3A_905 = vector.broadcast %broadcast_in_dim3A_904 : i32 to vector<16xi32>
      %gather3A_906 = tpu.vector_load_idx %arg20[%broadcast_in_dim3A_905] : memref<408xf32, #tpu.memory_space<vmem>>[vector<16xi32>], vector<16xf32>,
      %broadcast_in_dim3A_907 = arith.constant 336 : i32
      %broadcast_in_dim3A_908 = vector.broadcast %broadcast_in_dim3A_907 : i32 to vector<16xi32>
      %gather3A_909 = tpu.vector_load_idx %arg20[%broadcast_in_dim3A_908] : memref<408xf32, #tpu.memory_space<vmem>>[vector<16xi32>], vector<16xf32>,
      %mul3A_910 = arith.mulf %gather3A_903, %gather3A_909 : vector<16xf32>
      %add3A_911 = arith.addf %gather3A_906, %mul3A_910 : vector<16xf32>
      %mul3A_912 = arith.mulf %scan3A_575#24, %add3A_911 : vector<16xf32>
      %add3A_913 = arith.addf %add3A_900, %mul3A_912 : vector<16xf32>
      %broadcast_in_dim3A_914 = arith.constant 25 : i32
      %broadcast_in_dim3A_915 = vector.broadcast %broadcast_in_dim3A_914 : i32 to vector<16xi32>
      %gather3A_916 = tpu.vector_load_idx %arg23[%iota3A, %broadcast_in_dim3A_915] : memref<16x32xf32, #tpu.memory_space<vmem>>[vector<16xi32>, vector<16xi32>], vector<16xf32>,
      %broadcast_in_dim3A_917 = arith.constant 121 : i32
      %broadcast_in_dim3A_918 = vector.broadcast %broadcast_in_dim3A_917 : i32 to vector<16xi32>
      %gather3A_919 = tpu.vector_load_idx %arg20[%broadcast_in_dim3A_918] : memref<408xf32, #tpu.memory_space<vmem>>[vector<16xi32>], vector<16xf32>,
      %broadcast_in_dim3A_920 = arith.constant 337 : i32
      %broadcast_in_dim3A_921 = vector.broadcast %broadcast_in_dim3A_920 : i32 to vector<16xi32>
      %gather3A_922 = tpu.vector_load_idx %arg20[%broadcast_in_dim3A_921] : memref<408xf32, #tpu.memory_space<vmem>>[vector<16xi32>], vector<16xf32>,
      %mul3A_923 = arith.mulf %gather3A_916, %gather3A_922 : vector<16xf32>
      %add3A_924 = arith.addf %gather3A_919, %mul3A_923 : vector<16xf32>
      %mul3A_925 = arith.mulf %scan3A_575#25, %add3A_924 : vector<16xf32>
      %add3A_926 = arith.addf %add3A_913, %mul3A_925 : vector<16xf32>
      %broadcast_in_dim3A_927 = arith.constant 26 : i32
      %broadcast_in_dim3A_928 = vector.broadcast %broadcast_in_dim3A_927 : i32 to vector<16xi32>
      %gather3A_929 = tpu.vector_load_idx %arg23[%iota3A, %broadcast_in_dim3A_928] : memref<16x32xf32, #tpu.memory_space<vmem>>[vector<16xi32>, vector<16xi32>], vector<16xf32>,
      %broadcast_in_dim3A_930 = arith.constant 122 : i32
      %broadcast_in_dim3A_931 = vector.broadcast %broadcast_in_dim3A_930 : i32 to vector<16xi32>
      %gather3A_932 = tpu.vector_load_idx %arg20[%broadcast_in_dim3A_931] : memref<408xf32, #tpu.memory_space<vmem>>[vector<16xi32>], vector<16xf32>,
      %broadcast_in_dim3A_933 = arith.constant 338 : i32
      %broadcast_in_dim3A_934 = vector.broadcast %broadcast_in_dim3A_933 : i32 to vector<16xi32>
      %gather3A_935 = tpu.vector_load_idx %arg20[%broadcast_in_dim3A_934] : memref<408xf32, #tpu.memory_space<vmem>>[vector<16xi32>], vector<16xf32>,
      %mul3A_936 = arith.mulf %gather3A_929, %gather3A_935 : vector<16xf32>
      %add3A_937 = arith.addf %gather3A_932, %mul3A_936 : vector<16xf32>
      %mul3A_938 = arith.mulf %scan3A_575#26, %add3A_937 : vector<16xf32>
      %add3A_939 = arith.addf %add3A_926, %mul3A_938 : vector<16xf32>
      %broadcast_in_dim3A_940 = arith.constant 27 : i32
      %broadcast_in_dim3A_941 = vector.broadcast %broadcast_in_dim3A_940 : i32 to vector<16xi32>
      %gather3A_942 = tpu.vector_load_idx %arg23[%iota3A, %broadcast_in_dim3A_941] : memref<16x32xf32, #tpu.memory_space<vmem>>[vector<16xi32>, vector<16xi32>], vector<16xf32>,
      %broadcast_in_dim3A_943 = arith.constant 123 : i32
      %broadcast_in_dim3A_944 = vector.broadcast %broadcast_in_dim3A_943 : i32 to vector<16xi32>
      %gather3A_945 = tpu.vector_load_idx %arg20[%broadcast_in_dim3A_944] : memref<408xf32, #tpu.memory_space<vmem>>[vector<16xi32>], vector<16xf32>,
      %broadcast_in_dim3A_946 = arith.constant 339 : i32
      %broadcast_in_dim3A_947 = vector.broadcast %broadcast_in_dim3A_946 : i32 to vector<16xi32>
      %gather3A_948 = tpu.vector_load_idx %arg20[%broadcast_in_dim3A_947] : memref<408xf32, #tpu.memory_space<vmem>>[vector<16xi32>], vector<16xf32>,
      %mul3A_949 = arith.mulf %gather3A_942, %gather3A_948 : vector<16xf32>
      %add3A_950 = arith.addf %gather3A_945, %mul3A_949 : vector<16xf32>
      %mul3A_951 = arith.mulf %scan3A_575#27, %add3A_950 : vector<16xf32>
      %add3A_952 = arith.addf %add3A_939, %mul3A_951 : vector<16xf32>
      %broadcast_in_dim3A_953 = arith.constant 28 : i32
      %broadcast_in_dim3A_954 = vector.broadcast %broadcast_in_dim3A_953 : i32 to vector<16xi32>
      %gather3A_955 = tpu.vector_load_idx %arg23[%iota3A, %broadcast_in_dim3A_954] : memref<16x32xf32, #tpu.memory_space<vmem>>[vector<16xi32>, vector<16xi32>], vector<16xf32>,
      %broadcast_in_dim3A_956 = arith.constant 124 : i32
      %broadcast_in_dim3A_957 = vector.broadcast %broadcast_in_dim3A_956 : i32 to vector<16xi32>
      %gather3A_958 = tpu.vector_load_idx %arg20[%broadcast_in_dim3A_957] : memref<408xf32, #tpu.memory_space<vmem>>[vector<16xi32>], vector<16xf32>,
      %broadcast_in_dim3A_959 = arith.constant 340 : i32
      %broadcast_in_dim3A_960 = vector.broadcast %broadcast_in_dim3A_959 : i32 to vector<16xi32>
      %gather3A_961 = tpu.vector_load_idx %arg20[%broadcast_in_dim3A_960] : memref<408xf32, #tpu.memory_space<vmem>>[vector<16xi32>], vector<16xf32>,
      %mul3A_962 = arith.mulf %gather3A_955, %gather3A_961 : vector<16xf32>
      %add3A_963 = arith.addf %gather3A_958, %mul3A_962 : vector<16xf32>
      %mul3A_964 = arith.mulf %scan3A_575#28, %add3A_963 : vector<16xf32>
      %add3A_965 = arith.addf %add3A_952, %mul3A_964 : vector<16xf32>
      %broadcast_in_dim3A_966 = arith.constant 29 : i32
      %broadcast_in_dim3A_967 = vector.broadcast %broadcast_in_dim3A_966 : i32 to vector<16xi32>
      %gather3A_968 = tpu.vector_load_idx %arg23[%iota3A, %broadcast_in_dim3A_967] : memref<16x32xf32, #tpu.memory_space<vmem>>[vector<16xi32>, vector<16xi32>], vector<16xf32>,
      %broadcast_in_dim3A_969 = arith.constant 125 : i32
      %broadcast_in_dim3A_970 = vector.broadcast %broadcast_in_dim3A_969 : i32 to vector<16xi32>
      %gather3A_971 = tpu.vector_load_idx %arg20[%broadcast_in_dim3A_970] : memref<408xf32, #tpu.memory_space<vmem>>[vector<16xi32>], vector<16xf32>,
      %broadcast_in_dim3A_972 = arith.constant 341 : i32
      %broadcast_in_dim3A_973 = vector.broadcast %broadcast_in_dim3A_972 : i32 to vector<16xi32>
      %gather3A_974 = tpu.vector_load_idx %arg20[%broadcast_in_dim3A_973] : memref<408xf32, #tpu.memory_space<vmem>>[vector<16xi32>], vector<16xf32>,
      %mul3A_975 = arith.mulf %gather3A_968, %gather3A_974 : vector<16xf32>
      %add3A_976 = arith.addf %gather3A_971, %mul3A_975 : vector<16xf32>
      %mul3A_977 = arith.mulf %scan3A_575#29, %add3A_976 : vector<16xf32>
      %add3A_978 = arith.addf %add3A_965, %mul3A_977 : vector<16xf32>
      %broadcast_in_dim3A_979 = arith.constant 30 : i32
      %broadcast_in_dim3A_980 = vector.broadcast %broadcast_in_dim3A_979 : i32 to vector<16xi32>
      %gather3A_981 = tpu.vector_load_idx %arg23[%iota3A, %broadcast_in_dim3A_980] : memref<16x32xf32, #tpu.memory_space<vmem>>[vector<16xi32>, vector<16xi32>], vector<16xf32>,
      %broadcast_in_dim3A_982 = arith.constant 126 : i32
      %broadcast_in_dim3A_983 = vector.broadcast %broadcast_in_dim3A_982 : i32 to vector<16xi32>
      %gather3A_984 = tpu.vector_load_idx %arg20[%broadcast_in_dim3A_983] : memref<408xf32, #tpu.memory_space<vmem>>[vector<16xi32>], vector<16xf32>,
      %broadcast_in_dim3A_985 = arith.constant 342 : i32
      %broadcast_in_dim3A_986 = vector.broadcast %broadcast_in_dim3A_985 : i32 to vector<16xi32>
      %gather3A_987 = tpu.vector_load_idx %arg20[%broadcast_in_dim3A_986] : memref<408xf32, #tpu.memory_space<vmem>>[vector<16xi32>], vector<16xf32>,
      %mul3A_988 = arith.mulf %gather3A_981, %gather3A_987 : vector<16xf32>
      %add3A_989 = arith.addf %gather3A_984, %mul3A_988 : vector<16xf32>
      %mul3A_990 = arith.mulf %scan3A_575#30, %add3A_989 : vector<16xf32>
      %add3A_991 = arith.addf %add3A_978, %mul3A_990 : vector<16xf32>
      %broadcast_in_dim3A_992 = arith.constant 31 : i32
      %broadcast_in_dim3A_993 = vector.broadcast %broadcast_in_dim3A_992 : i32 to vector<16xi32>
      %gather3A_994 = tpu.vector_load_idx %arg23[%iota3A, %broadcast_in_dim3A_993] : memref<16x32xf32, #tpu.memory_space<vmem>>[vector<16xi32>, vector<16xi32>], vector<16xf32>,
      %broadcast_in_dim3A_995 = arith.constant 127 : i32
      %broadcast_in_dim3A_996 = vector.broadcast %broadcast_in_dim3A_995 : i32 to vector<16xi32>
      %gather3A_997 = tpu.vector_load_idx %arg20[%broadcast_in_dim3A_996] : memref<408xf32, #tpu.memory_space<vmem>>[vector<16xi32>], vector<16xf32>,
      %broadcast_in_dim3A_998 = arith.constant 343 : i32
      %broadcast_in_dim3A_999 = vector.broadcast %broadcast_in_dim3A_998 : i32 to vector<16xi32>
      %gather3A_1000 = tpu.vector_load_idx %arg20[%broadcast_in_dim3A_999] : memref<408xf32, #tpu.memory_space<vmem>>[vector<16xi32>], vector<16xf32>,
      %mul3A_1001 = arith.mulf %gather3A_994, %gather3A_1000 : vector<16xf32>
      %add3A_1002 = arith.addf %gather3A_997, %mul3A_1001 : vector<16xf32>
      %mul3A_1003 = arith.mulf %scan3A_575#31, %add3A_1002 : vector<16xf32>
      %add3A_1004 = arith.addf %add3A_991, %mul3A_1003 : vector<16xf32>
      %mul3A_1005 = arith.mulf %div3A_582, %add3A_1004 : vector<16xf32>
      %broadcast_in_dim3A_1006 = arith.constant 129 : i32
      %broadcast_in_dim3A_1007 = vector.broadcast %broadcast_in_dim3A_1006 : i32 to vector<16xi32>
      %gather3A_1008 = tpu.vector_load_idx %arg20[%broadcast_in_dim3A_1007] : memref<408xf32, #tpu.memory_space<vmem>>[vector<16xi32>], vector<16xf32>,
      %mul3A_1009 = arith.mulf %div3A_586, %gather3A_1008 : vector<16xf32>
      %add3A_1010 = arith.addf %mul3A_1005, %mul3A_1009 : vector<16xf32>
      %add3A_1011 = arith.addf %add3A_568, %add3A_1010 : vector<16xf32>
      %broadcast_in_dim3A_1012 = arith.constant 0 : i32
      %broadcast_in_dim3A_1013 = vector.broadcast %broadcast_in_dim3A_1012 : i32 to vector<16xi32>
      %gather3A_1014 = tpu.vector_load_idx %arg23[%iota3A, %broadcast_in_dim3A_1013] : memref<16x32xf32, #tpu.memory_space<vmem>>[vector<16xi32>, vector<16xi32>], vector<16xf32>,
      %broadcast_in_dim3A_1015 = arith.constant 0 : i32
      %broadcast_in_dim3A_1016 = vector.broadcast %broadcast_in_dim3A_1015 : i32 to vector<16xi32>
      %gather3A_1017 = tpu.vector_load_idx %arg24[%iota3A, %broadcast_in_dim3A_1016] : memref<16x32xf32, #tpu.memory_space<vmem>>[vector<16xi32>, vector<16xi32>], vector<16xf32>,
      %broadcast_in_dim3A_1018 = arith.constant 0 : i32
      %broadcast_in_dim3A_1019 = vector.broadcast %broadcast_in_dim3A_1018 : i32 to vector<16xi32>
      %gather3A_1020 = tpu.vector_load_idx %arg20[%broadcast_in_dim3A_1019] : memref<408xf32, #tpu.memory_space<vmem>>[vector<16xi32>], vector<16xf32>,
      %broadcast_in_dim3A_1021 = arith.constant 280 : i32
      %broadcast_in_dim3A_1022 = vector.broadcast %broadcast_in_dim3A_1021 : i32 to vector<16xi32>
      %gather3A_1023 = tpu.vector_load_idx %arg20[%broadcast_in_dim3A_1022] : memref<408xf32, #tpu.memory_space<vmem>>[vector<16xi32>], vector<16xf32>,
      %mul3A_1024 = arith.mulf %gather3A_1017, %gather3A_1023 : vector<16xf32>
      %add3A_1025 = arith.addf %gather3A_1020, %mul3A_1024 : vector<16xf32>
      %mul3A_1026 = arith.mulf %gather3A_1014, %add3A_1025 : vector<16xf32>
      %add3A_1027 = arith.addf %add3A_1011, %mul3A_1026 : vector<16xf32>
      %broadcast_in_dim3A_1028 = arith.constant 32 : i32
      %broadcast_in_dim3A_1029 = vector.broadcast %broadcast_in_dim3A_1028 : i32 to vector<16xi32>
      %gather3A_1030 = tpu.vector_load_idx %arg20[%broadcast_in_dim3A_1029] : memref<408xf32, #tpu.memory_space<vmem>>[vector<16xi32>], vector<16xf32>,
      %broadcast_in_dim3A_1031 = arith.constant 376 : i32
      %broadcast_in_dim3A_1032 = vector.broadcast %broadcast_in_dim3A_1031 : i32 to vector<16xi32>
      %gather3A_1033 = tpu.vector_load_idx %arg20[%broadcast_in_dim3A_1032] : memref<408xf32, #tpu.memory_space<vmem>>[vector<16xi32>], vector<16xf32>,
      %mul3A_1034 = arith.mulf %get3A_127, %gather3A_1033 : vector<16xf32>
      %add3A_1035 = arith.addf %gather3A_1030, %mul3A_1034 : vector<16xf32>
      %mul3A_1036 = arith.mulf %gather3A_1017, %add3A_1035 : vector<16xf32>
      %add3A_1037 = arith.addf %add3A_1027, %mul3A_1036 : vector<16xf32>
      %broadcast_in_dim3A_1038 = arith.constant 1 : i32
      %broadcast_in_dim3A_1039 = vector.broadcast %broadcast_in_dim3A_1038 : i32 to vector<16xi32>
      %gather3A_1040 = tpu.vector_load_idx %arg23[%iota3A, %broadcast_in_dim3A_1039] : memref<16x32xf32, #tpu.memory_space<vmem>>[vector<16xi32>, vector<16xi32>], vector<16xf32>,
      %broadcast_in_dim3A_1041 = arith.constant 1 : i32
      %broadcast_in_dim3A_1042 = vector.broadcast %broadcast_in_dim3A_1041 : i32 to vector<16xi32>
      %gather3A_1043 = tpu.vector_load_idx %arg24[%iota3A, %broadcast_in_dim3A_1042] : memref<16x32xf32, #tpu.memory_space<vmem>>[vector<16xi32>, vector<16xi32>], vector<16xf32>,
      %broadcast_in_dim3A_1044 = arith.constant 1 : i32
      %broadcast_in_dim3A_1045 = vector.broadcast %broadcast_in_dim3A_1044 : i32 to vector<16xi32>
      %gather3A_1046 = tpu.vector_load_idx %arg20[%broadcast_in_dim3A_1045] : memref<408xf32, #tpu.memory_space<vmem>>[vector<16xi32>], vector<16xf32>,
      %broadcast_in_dim3A_1047 = arith.constant 281 : i32
      %broadcast_in_dim3A_1048 = vector.broadcast %broadcast_in_dim3A_1047 : i32 to vector<16xi32>
      %gather3A_1049 = tpu.vector_load_idx %arg20[%broadcast_in_dim3A_1048] : memref<408xf32, #tpu.memory_space<vmem>>[vector<16xi32>], vector<16xf32>,
      %mul3A_1050 = arith.mulf %gather3A_1043, %gather3A_1049 : vector<16xf32>
      %add3A_1051 = arith.addf %gather3A_1046, %mul3A_1050 : vector<16xf32>
      %mul3A_1052 = arith.mulf %gather3A_1040, %add3A_1051 : vector<16xf32>
      %add3A_1053 = arith.addf %add3A_1037, %mul3A_1052 : vector<16xf32>
      %broadcast_in_dim3A_1054 = arith.constant 33 : i32
      %broadcast_in_dim3A_1055 = vector.broadcast %broadcast_in_dim3A_1054 : i32 to vector<16xi32>
      %gather3A_1056 = tpu.vector_load_idx %arg20[%broadcast_in_dim3A_1055] : memref<408xf32, #tpu.memory_space<vmem>>[vector<16xi32>], vector<16xf32>,
      %broadcast_in_dim3A_1057 = arith.constant 377 : i32
      %broadcast_in_dim3A_1058 = vector.broadcast %broadcast_in_dim3A_1057 : i32 to vector<16xi32>
      %gather3A_1059 = tpu.vector_load_idx %arg20[%broadcast_in_dim3A_1058] : memref<408xf32, #tpu.memory_space<vmem>>[vector<16xi32>], vector<16xf32>,
      %mul3A_1060 = arith.mulf %get3A_127, %gather3A_1059 : vector<16xf32>
      %add3A_1061 = arith.addf %gather3A_1056, %mul3A_1060 : vector<16xf32>
      %mul3A_1062 = arith.mulf %gather3A_1043, %add3A_1061 : vector<16xf32>
      %add3A_1063 = arith.addf %add3A_1053, %mul3A_1062 : vector<16xf32>
      %broadcast_in_dim3A_1064 = arith.constant 2 : i32
      %broadcast_in_dim3A_1065 = vector.broadcast %broadcast_in_dim3A_1064 : i32 to vector<16xi32>
      %gather3A_1066 = tpu.vector_load_idx %arg23[%iota3A, %broadcast_in_dim3A_1065] : memref<16x32xf32, #tpu.memory_space<vmem>>[vector<16xi32>, vector<16xi32>], vector<16xf32>,
      %broadcast_in_dim3A_1067 = arith.constant 2 : i32
      %broadcast_in_dim3A_1068 = vector.broadcast %broadcast_in_dim3A_1067 : i32 to vector<16xi32>
      %gather3A_1069 = tpu.vector_load_idx %arg24[%iota3A, %broadcast_in_dim3A_1068] : memref<16x32xf32, #tpu.memory_space<vmem>>[vector<16xi32>, vector<16xi32>], vector<16xf32>,
      %broadcast_in_dim3A_1070 = arith.constant 2 : i32
      %broadcast_in_dim3A_1071 = vector.broadcast %broadcast_in_dim3A_1070 : i32 to vector<16xi32>
      %gather3A_1072 = tpu.vector_load_idx %arg20[%broadcast_in_dim3A_1071] : memref<408xf32, #tpu.memory_space<vmem>>[vector<16xi32>], vector<16xf32>,
      %broadcast_in_dim3A_1073 = arith.constant 282 : i32
      %broadcast_in_dim3A_1074 = vector.broadcast %broadcast_in_dim3A_1073 : i32 to vector<16xi32>
      %gather3A_1075 = tpu.vector_load_idx %arg20[%broadcast_in_dim3A_1074] : memref<408xf32, #tpu.memory_space<vmem>>[vector<16xi32>], vector<16xf32>,
      %mul3A_1076 = arith.mulf %gather3A_1069, %gather3A_1075 : vector<16xf32>
      %add3A_1077 = arith.addf %gather3A_1072, %mul3A_1076 : vector<16xf32>
      %mul3A_1078 = arith.mulf %gather3A_1066, %add3A_1077 : vector<16xf32>
      %add3A_1079 = arith.addf %add3A_1063, %mul3A_1078 : vector<16xf32>
      %broadcast_in_dim3A_1080 = arith.constant 34 : i32
      %broadcast_in_dim3A_1081 = vector.broadcast %broadcast_in_dim3A_1080 : i32 to vector<16xi32>
      %gather3A_1082 = tpu.vector_load_idx %arg20[%broadcast_in_dim3A_1081] : memref<408xf32, #tpu.memory_space<vmem>>[vector<16xi32>], vector<16xf32>,
      %broadcast_in_dim3A_1083 = arith.constant 378 : i32
      %broadcast_in_dim3A_1084 = vector.broadcast %broadcast_in_dim3A_1083 : i32 to vector<16xi32>
      %gather3A_1085 = tpu.vector_load_idx %arg20[%broadcast_in_dim3A_1084] : memref<408xf32, #tpu.memory_space<vmem>>[vector<16xi32>], vector<16xf32>,
      %mul3A_1086 = arith.mulf %get3A_127, %gather3A_1085 : vector<16xf32>
      %add3A_1087 = arith.addf %gather3A_1082, %mul3A_1086 : vector<16xf32>
      %mul3A_1088 = arith.mulf %gather3A_1069, %add3A_1087 : vector<16xf32>
      %add3A_1089 = arith.addf %add3A_1079, %mul3A_1088 : vector<16xf32>
      %broadcast_in_dim3A_1090 = arith.constant 3 : i32
      %broadcast_in_dim3A_1091 = vector.broadcast %broadcast_in_dim3A_1090 : i32 to vector<16xi32>
      %gather3A_1092 = tpu.vector_load_idx %arg23[%iota3A, %broadcast_in_dim3A_1091] : memref<16x32xf32, #tpu.memory_space<vmem>>[vector<16xi32>, vector<16xi32>], vector<16xf32>,
      %broadcast_in_dim3A_1093 = arith.constant 3 : i32
      %broadcast_in_dim3A_1094 = vector.broadcast %broadcast_in_dim3A_1093 : i32 to vector<16xi32>
      %gather3A_1095 = tpu.vector_load_idx %arg24[%iota3A, %broadcast_in_dim3A_1094] : memref<16x32xf32, #tpu.memory_space<vmem>>[vector<16xi32>, vector<16xi32>], vector<16xf32>,
      %broadcast_in_dim3A_1096 = arith.constant 3 : i32
      %broadcast_in_dim3A_1097 = vector.broadcast %broadcast_in_dim3A_1096 : i32 to vector<16xi32>
      %gather3A_1098 = tpu.vector_load_idx %arg20[%broadcast_in_dim3A_1097] : memref<408xf32, #tpu.memory_space<vmem>>[vector<16xi32>], vector<16xf32>,
      %broadcast_in_dim3A_1099 = arith.constant 283 : i32
      %broadcast_in_dim3A_1100 = vector.broadcast %broadcast_in_dim3A_1099 : i32 to vector<16xi32>
      %gather3A_1101 = tpu.vector_load_idx %arg20[%broadcast_in_dim3A_1100] : memref<408xf32, #tpu.memory_space<vmem>>[vector<16xi32>], vector<16xf32>,
      %mul3A_1102 = arith.mulf %gather3A_1095, %gather3A_1101 : vector<16xf32>
      %add3A_1103 = arith.addf %gather3A_1098, %mul3A_1102 : vector<16xf32>
      %mul3A_1104 = arith.mulf %gather3A_1092, %add3A_1103 : vector<16xf32>
      %add3A_1105 = arith.addf %add3A_1089, %mul3A_1104 : vector<16xf32>
      %broadcast_in_dim3A_1106 = arith.constant 35 : i32
      %broadcast_in_dim3A_1107 = vector.broadcast %broadcast_in_dim3A_1106 : i32 to vector<16xi32>
      %gather3A_1108 = tpu.vector_load_idx %arg20[%broadcast_in_dim3A_1107] : memref<408xf32, #tpu.memory_space<vmem>>[vector<16xi32>], vector<16xf32>,
      %broadcast_in_dim3A_1109 = arith.constant 379 : i32
      %broadcast_in_dim3A_1110 = vector.broadcast %broadcast_in_dim3A_1109 : i32 to vector<16xi32>
      %gather3A_1111 = tpu.vector_load_idx %arg20[%broadcast_in_dim3A_1110] : memref<408xf32, #tpu.memory_space<vmem>>[vector<16xi32>], vector<16xf32>,
      %mul3A_1112 = arith.mulf %get3A_127, %gather3A_1111 : vector<16xf32>
      %add3A_1113 = arith.addf %gather3A_1108, %mul3A_1112 : vector<16xf32>
      %mul3A_1114 = arith.mulf %gather3A_1095, %add3A_1113 : vector<16xf32>
      %add3A_1115 = arith.addf %add3A_1105, %mul3A_1114 : vector<16xf32>
      %broadcast_in_dim3A_1116 = arith.constant 4 : i32
      %broadcast_in_dim3A_1117 = vector.broadcast %broadcast_in_dim3A_1116 : i32 to vector<16xi32>
      %gather3A_1118 = tpu.vector_load_idx %arg23[%iota3A, %broadcast_in_dim3A_1117] : memref<16x32xf32, #tpu.memory_space<vmem>>[vector<16xi32>, vector<16xi32>], vector<16xf32>,
      %broadcast_in_dim3A_1119 = arith.constant 4 : i32
      %broadcast_in_dim3A_1120 = vector.broadcast %broadcast_in_dim3A_1119 : i32 to vector<16xi32>
      %gather3A_1121 = tpu.vector_load_idx %arg24[%iota3A, %broadcast_in_dim3A_1120] : memref<16x32xf32, #tpu.memory_space<vmem>>[vector<16xi32>, vector<16xi32>], vector<16xf32>,
      %broadcast_in_dim3A_1122 = arith.constant 4 : i32
      %broadcast_in_dim3A_1123 = vector.broadcast %broadcast_in_dim3A_1122 : i32 to vector<16xi32>
      %gather3A_1124 = tpu.vector_load_idx %arg20[%broadcast_in_dim3A_1123] : memref<408xf32, #tpu.memory_space<vmem>>[vector<16xi32>], vector<16xf32>,
      %broadcast_in_dim3A_1125 = arith.constant 284 : i32
      %broadcast_in_dim3A_1126 = vector.broadcast %broadcast_in_dim3A_1125 : i32 to vector<16xi32>
      %gather3A_1127 = tpu.vector_load_idx %arg20[%broadcast_in_dim3A_1126] : memref<408xf32, #tpu.memory_space<vmem>>[vector<16xi32>], vector<16xf32>,
      %mul3A_1128 = arith.mulf %gather3A_1121, %gather3A_1127 : vector<16xf32>
      %add3A_1129 = arith.addf %gather3A_1124, %mul3A_1128 : vector<16xf32>
      %mul3A_1130 = arith.mulf %gather3A_1118, %add3A_1129 : vector<16xf32>
      %add3A_1131 = arith.addf %add3A_1115, %mul3A_1130 : vector<16xf32>
      %broadcast_in_dim3A_1132 = arith.constant 36 : i32
      %broadcast_in_dim3A_1133 = vector.broadcast %broadcast_in_dim3A_1132 : i32 to vector<16xi32>
      %gather3A_1134 = tpu.vector_load_idx %arg20[%broadcast_in_dim3A_1133] : memref<408xf32, #tpu.memory_space<vmem>>[vector<16xi32>], vector<16xf32>,
      %broadcast_in_dim3A_1135 = arith.constant 380 : i32
      %broadcast_in_dim3A_1136 = vector.broadcast %broadcast_in_dim3A_1135 : i32 to vector<16xi32>
      %gather3A_1137 = tpu.vector_load_idx %arg20[%broadcast_in_dim3A_1136] : memref<408xf32, #tpu.memory_space<vmem>>[vector<16xi32>], vector<16xf32>,
      %mul3A_1138 = arith.mulf %get3A_127, %gather3A_1137 : vector<16xf32>
      %add3A_1139 = arith.addf %gather3A_1134, %mul3A_1138 : vector<16xf32>
      %mul3A_1140 = arith.mulf %gather3A_1121, %add3A_1139 : vector<16xf32>
      %add3A_1141 = arith.addf %add3A_1131, %mul3A_1140 : vector<16xf32>
      %broadcast_in_dim3A_1142 = arith.constant 5 : i32
      %broadcast_in_dim3A_1143 = vector.broadcast %broadcast_in_dim3A_1142 : i32 to vector<16xi32>
      %gather3A_1144 = tpu.vector_load_idx %arg23[%iota3A, %broadcast_in_dim3A_1143] : memref<16x32xf32, #tpu.memory_space<vmem>>[vector<16xi32>, vector<16xi32>], vector<16xf32>,
      %broadcast_in_dim3A_1145 = arith.constant 5 : i32
      %broadcast_in_dim3A_1146 = vector.broadcast %broadcast_in_dim3A_1145 : i32 to vector<16xi32>
      %gather3A_1147 = tpu.vector_load_idx %arg24[%iota3A, %broadcast_in_dim3A_1146] : memref<16x32xf32, #tpu.memory_space<vmem>>[vector<16xi32>, vector<16xi32>], vector<16xf32>,
      %broadcast_in_dim3A_1148 = arith.constant 5 : i32
      %broadcast_in_dim3A_1149 = vector.broadcast %broadcast_in_dim3A_1148 : i32 to vector<16xi32>
      %gather3A_1150 = tpu.vector_load_idx %arg20[%broadcast_in_dim3A_1149] : memref<408xf32, #tpu.memory_space<vmem>>[vector<16xi32>], vector<16xf32>,
      %broadcast_in_dim3A_1151 = arith.constant 285 : i32
      %broadcast_in_dim3A_1152 = vector.broadcast %broadcast_in_dim3A_1151 : i32 to vector<16xi32>
      %gather3A_1153 = tpu.vector_load_idx %arg20[%broadcast_in_dim3A_1152] : memref<408xf32, #tpu.memory_space<vmem>>[vector<16xi32>], vector<16xf32>,
      %mul3A_1154 = arith.mulf %gather3A_1147, %gather3A_1153 : vector<16xf32>
      %add3A_1155 = arith.addf %gather3A_1150, %mul3A_1154 : vector<16xf32>
      %mul3A_1156 = arith.mulf %gather3A_1144, %add3A_1155 : vector<16xf32>
      %add3A_1157 = arith.addf %add3A_1141, %mul3A_1156 : vector<16xf32>
      %broadcast_in_dim3A_1158 = arith.constant 37 : i32
      %broadcast_in_dim3A_1159 = vector.broadcast %broadcast_in_dim3A_1158 : i32 to vector<16xi32>
      %gather3A_1160 = tpu.vector_load_idx %arg20[%broadcast_in_dim3A_1159] : memref<408xf32, #tpu.memory_space<vmem>>[vector<16xi32>], vector<16xf32>,
      %broadcast_in_dim3A_1161 = arith.constant 381 : i32
      %broadcast_in_dim3A_1162 = vector.broadcast %broadcast_in_dim3A_1161 : i32 to vector<16xi32>
      %gather3A_1163 = tpu.vector_load_idx %arg20[%broadcast_in_dim3A_1162] : memref<408xf32, #tpu.memory_space<vmem>>[vector<16xi32>], vector<16xf32>,
      %mul3A_1164 = arith.mulf %get3A_127, %gather3A_1163 : vector<16xf32>
      %add3A_1165 = arith.addf %gather3A_1160, %mul3A_1164 : vector<16xf32>
      %mul3A_1166 = arith.mulf %gather3A_1147, %add3A_1165 : vector<16xf32>
      %add3A_1167 = arith.addf %add3A_1157, %mul3A_1166 : vector<16xf32>
      %broadcast_in_dim3A_1168 = arith.constant 6 : i32
      %broadcast_in_dim3A_1169 = vector.broadcast %broadcast_in_dim3A_1168 : i32 to vector<16xi32>
      %gather3A_1170 = tpu.vector_load_idx %arg23[%iota3A, %broadcast_in_dim3A_1169] : memref<16x32xf32, #tpu.memory_space<vmem>>[vector<16xi32>, vector<16xi32>], vector<16xf32>,
      %broadcast_in_dim3A_1171 = arith.constant 6 : i32
      %broadcast_in_dim3A_1172 = vector.broadcast %broadcast_in_dim3A_1171 : i32 to vector<16xi32>
      %gather3A_1173 = tpu.vector_load_idx %arg24[%iota3A, %broadcast_in_dim3A_1172] : memref<16x32xf32, #tpu.memory_space<vmem>>[vector<16xi32>, vector<16xi32>], vector<16xf32>,
      %broadcast_in_dim3A_1174 = arith.constant 6 : i32
      %broadcast_in_dim3A_1175 = vector.broadcast %broadcast_in_dim3A_1174 : i32 to vector<16xi32>
      %gather3A_1176 = tpu.vector_load_idx %arg20[%broadcast_in_dim3A_1175] : memref<408xf32, #tpu.memory_space<vmem>>[vector<16xi32>], vector<16xf32>,
      %broadcast_in_dim3A_1177 = arith.constant 286 : i32
      %broadcast_in_dim3A_1178 = vector.broadcast %broadcast_in_dim3A_1177 : i32 to vector<16xi32>
      %gather3A_1179 = tpu.vector_load_idx %arg20[%broadcast_in_dim3A_1178] : memref<408xf32, #tpu.memory_space<vmem>>[vector<16xi32>], vector<16xf32>,
      %mul3A_1180 = arith.mulf %gather3A_1173, %gather3A_1179 : vector<16xf32>
      %add3A_1181 = arith.addf %gather3A_1176, %mul3A_1180 : vector<16xf32>
      %mul3A_1182 = arith.mulf %gather3A_1170, %add3A_1181 : vector<16xf32>
      %add3A_1183 = arith.addf %add3A_1167, %mul3A_1182 : vector<16xf32>
      %broadcast_in_dim3A_1184 = arith.constant 38 : i32
      %broadcast_in_dim3A_1185 = vector.broadcast %broadcast_in_dim3A_1184 : i32 to vector<16xi32>
      %gather3A_1186 = tpu.vector_load_idx %arg20[%broadcast_in_dim3A_1185] : memref<408xf32, #tpu.memory_space<vmem>>[vector<16xi32>], vector<16xf32>,
      %broadcast_in_dim3A_1187 = arith.constant 382 : i32
      %broadcast_in_dim3A_1188 = vector.broadcast %broadcast_in_dim3A_1187 : i32 to vector<16xi32>
      %gather3A_1189 = tpu.vector_load_idx %arg20[%broadcast_in_dim3A_1188] : memref<408xf32, #tpu.memory_space<vmem>>[vector<16xi32>], vector<16xf32>,
      %mul3A_1190 = arith.mulf %get3A_127, %gather3A_1189 : vector<16xf32>
      %add3A_1191 = arith.addf %gather3A_1186, %mul3A_1190 : vector<16xf32>
      %mul3A_1192 = arith.mulf %gather3A_1173, %add3A_1191 : vector<16xf32>
      %add3A_1193 = arith.addf %add3A_1183, %mul3A_1192 : vector<16xf32>
      %broadcast_in_dim3A_1194 = arith.constant 7 : i32
      %broadcast_in_dim3A_1195 = vector.broadcast %broadcast_in_dim3A_1194 : i32 to vector<16xi32>
      %gather3A_1196 = tpu.vector_load_idx %arg23[%iota3A, %broadcast_in_dim3A_1195] : memref<16x32xf32, #tpu.memory_space<vmem>>[vector<16xi32>, vector<16xi32>], vector<16xf32>,
      %broadcast_in_dim3A_1197 = arith.constant 7 : i32
      %broadcast_in_dim3A_1198 = vector.broadcast %broadcast_in_dim3A_1197 : i32 to vector<16xi32>
      %gather3A_1199 = tpu.vector_load_idx %arg24[%iota3A, %broadcast_in_dim3A_1198] : memref<16x32xf32, #tpu.memory_space<vmem>>[vector<16xi32>, vector<16xi32>], vector<16xf32>,
      %broadcast_in_dim3A_1200 = arith.constant 7 : i32
      %broadcast_in_dim3A_1201 = vector.broadcast %broadcast_in_dim3A_1200 : i32 to vector<16xi32>
      %gather3A_1202 = tpu.vector_load_idx %arg20[%broadcast_in_dim3A_1201] : memref<408xf32, #tpu.memory_space<vmem>>[vector<16xi32>], vector<16xf32>,
      %broadcast_in_dim3A_1203 = arith.constant 287 : i32
      %broadcast_in_dim3A_1204 = vector.broadcast %broadcast_in_dim3A_1203 : i32 to vector<16xi32>
      %gather3A_1205 = tpu.vector_load_idx %arg20[%broadcast_in_dim3A_1204] : memref<408xf32, #tpu.memory_space<vmem>>[vector<16xi32>], vector<16xf32>,
      %mul3A_1206 = arith.mulf %gather3A_1199, %gather3A_1205 : vector<16xf32>
      %add3A_1207 = arith.addf %gather3A_1202, %mul3A_1206 : vector<16xf32>
      %mul3A_1208 = arith.mulf %gather3A_1196, %add3A_1207 : vector<16xf32>
      %add3A_1209 = arith.addf %add3A_1193, %mul3A_1208 : vector<16xf32>
      %broadcast_in_dim3A_1210 = arith.constant 39 : i32
      %broadcast_in_dim3A_1211 = vector.broadcast %broadcast_in_dim3A_1210 : i32 to vector<16xi32>
      %gather3A_1212 = tpu.vector_load_idx %arg20[%broadcast_in_dim3A_1211] : memref<408xf32, #tpu.memory_space<vmem>>[vector<16xi32>], vector<16xf32>,
      %broadcast_in_dim3A_1213 = arith.constant 383 : i32
      %broadcast_in_dim3A_1214 = vector.broadcast %broadcast_in_dim3A_1213 : i32 to vector<16xi32>
      %gather3A_1215 = tpu.vector_load_idx %arg20[%broadcast_in_dim3A_1214] : memref<408xf32, #tpu.memory_space<vmem>>[vector<16xi32>], vector<16xf32>,
      %mul3A_1216 = arith.mulf %get3A_127, %gather3A_1215 : vector<16xf32>
      %add3A_1217 = arith.addf %gather3A_1212, %mul3A_1216 : vector<16xf32>
      %mul3A_1218 = arith.mulf %gather3A_1199, %add3A_1217 : vector<16xf32>
      %add3A_1219 = arith.addf %add3A_1209, %mul3A_1218 : vector<16xf32>
      %broadcast_in_dim3A_1220 = arith.constant 8 : i32
      %broadcast_in_dim3A_1221 = vector.broadcast %broadcast_in_dim3A_1220 : i32 to vector<16xi32>
      %gather3A_1222 = tpu.vector_load_idx %arg23[%iota3A, %broadcast_in_dim3A_1221] : memref<16x32xf32, #tpu.memory_space<vmem>>[vector<16xi32>, vector<16xi32>], vector<16xf32>,
      %broadcast_in_dim3A_1223 = arith.constant 8 : i32
      %broadcast_in_dim3A_1224 = vector.broadcast %broadcast_in_dim3A_1223 : i32 to vector<16xi32>
      %gather3A_1225 = tpu.vector_load_idx %arg24[%iota3A, %broadcast_in_dim3A_1224] : memref<16x32xf32, #tpu.memory_space<vmem>>[vector<16xi32>, vector<16xi32>], vector<16xf32>,
      %broadcast_in_dim3A_1226 = arith.constant 8 : i32
      %broadcast_in_dim3A_1227 = vector.broadcast %broadcast_in_dim3A_1226 : i32 to vector<16xi32>
      %gather3A_1228 = tpu.vector_load_idx %arg20[%broadcast_in_dim3A_1227] : memref<408xf32, #tpu.memory_space<vmem>>[vector<16xi32>], vector<16xf32>,
      %broadcast_in_dim3A_1229 = arith.constant 288 : i32
      %broadcast_in_dim3A_1230 = vector.broadcast %broadcast_in_dim3A_1229 : i32 to vector<16xi32>
      %gather3A_1231 = tpu.vector_load_idx %arg20[%broadcast_in_dim3A_1230] : memref<408xf32, #tpu.memory_space<vmem>>[vector<16xi32>], vector<16xf32>,
      %mul3A_1232 = arith.mulf %gather3A_1225, %gather3A_1231 : vector<16xf32>
      %add3A_1233 = arith.addf %gather3A_1228, %mul3A_1232 : vector<16xf32>
      %mul3A_1234 = arith.mulf %gather3A_1222, %add3A_1233 : vector<16xf32>
      %add3A_1235 = arith.addf %add3A_1219, %mul3A_1234 : vector<16xf32>
      %broadcast_in_dim3A_1236 = arith.constant 40 : i32
      %broadcast_in_dim3A_1237 = vector.broadcast %broadcast_in_dim3A_1236 : i32 to vector<16xi32>
      %gather3A_1238 = tpu.vector_load_idx %arg20[%broadcast_in_dim3A_1237] : memref<408xf32, #tpu.memory_space<vmem>>[vector<16xi32>], vector<16xf32>,
      %broadcast_in_dim3A_1239 = arith.constant 384 : i32
      %broadcast_in_dim3A_1240 = vector.broadcast %broadcast_in_dim3A_1239 : i32 to vector<16xi32>
      %gather3A_1241 = tpu.vector_load_idx %arg20[%broadcast_in_dim3A_1240] : memref<408xf32, #tpu.memory_space<vmem>>[vector<16xi32>], vector<16xf32>,
      %mul3A_1242 = arith.mulf %get3A_127, %gather3A_1241 : vector<16xf32>
      %add3A_1243 = arith.addf %gather3A_1238, %mul3A_1242 : vector<16xf32>
      %mul3A_1244 = arith.mulf %gather3A_1225, %add3A_1243 : vector<16xf32>
      %add3A_1245 = arith.addf %add3A_1235, %mul3A_1244 : vector<16xf32>
      %broadcast_in_dim3A_1246 = arith.constant 9 : i32
      %broadcast_in_dim3A_1247 = vector.broadcast %broadcast_in_dim3A_1246 : i32 to vector<16xi32>
      %gather3A_1248 = tpu.vector_load_idx %arg23[%iota3A, %broadcast_in_dim3A_1247] : memref<16x32xf32, #tpu.memory_space<vmem>>[vector<16xi32>, vector<16xi32>], vector<16xf32>,
      %broadcast_in_dim3A_1249 = arith.constant 9 : i32
      %broadcast_in_dim3A_1250 = vector.broadcast %broadcast_in_dim3A_1249 : i32 to vector<16xi32>
      %gather3A_1251 = tpu.vector_load_idx %arg24[%iota3A, %broadcast_in_dim3A_1250] : memref<16x32xf32, #tpu.memory_space<vmem>>[vector<16xi32>, vector<16xi32>], vector<16xf32>,
      %broadcast_in_dim3A_1252 = arith.constant 9 : i32
      %broadcast_in_dim3A_1253 = vector.broadcast %broadcast_in_dim3A_1252 : i32 to vector<16xi32>
      %gather3A_1254 = tpu.vector_load_idx %arg20[%broadcast_in_dim3A_1253] : memref<408xf32, #tpu.memory_space<vmem>>[vector<16xi32>], vector<16xf32>,
      %broadcast_in_dim3A_1255 = arith.constant 289 : i32
      %broadcast_in_dim3A_1256 = vector.broadcast %broadcast_in_dim3A_1255 : i32 to vector<16xi32>
      %gather3A_1257 = tpu.vector_load_idx %arg20[%broadcast_in_dim3A_1256] : memref<408xf32, #tpu.memory_space<vmem>>[vector<16xi32>], vector<16xf32>,
      %mul3A_1258 = arith.mulf %gather3A_1251, %gather3A_1257 : vector<16xf32>
      %add3A_1259 = arith.addf %gather3A_1254, %mul3A_1258 : vector<16xf32>
      %mul3A_1260 = arith.mulf %gather3A_1248, %add3A_1259 : vector<16xf32>
      %add3A_1261 = arith.addf %add3A_1245, %mul3A_1260 : vector<16xf32>
      %broadcast_in_dim3A_1262 = arith.constant 41 : i32
      %broadcast_in_dim3A_1263 = vector.broadcast %broadcast_in_dim3A_1262 : i32 to vector<16xi32>
      %gather3A_1264 = tpu.vector_load_idx %arg20[%broadcast_in_dim3A_1263] : memref<408xf32, #tpu.memory_space<vmem>>[vector<16xi32>], vector<16xf32>,
      %broadcast_in_dim3A_1265 = arith.constant 385 : i32
      %broadcast_in_dim3A_1266 = vector.broadcast %broadcast_in_dim3A_1265 : i32 to vector<16xi32>
      %gather3A_1267 = tpu.vector_load_idx %arg20[%broadcast_in_dim3A_1266] : memref<408xf32, #tpu.memory_space<vmem>>[vector<16xi32>], vector<16xf32>,
      %mul3A_1268 = arith.mulf %get3A_127, %gather3A_1267 : vector<16xf32>
      %add3A_1269 = arith.addf %gather3A_1264, %mul3A_1268 : vector<16xf32>
      %mul3A_1270 = arith.mulf %gather3A_1251, %add3A_1269 : vector<16xf32>
      %add3A_1271 = arith.addf %add3A_1261, %mul3A_1270 : vector<16xf32>
      %broadcast_in_dim3A_1272 = arith.constant 10 : i32
      %broadcast_in_dim3A_1273 = vector.broadcast %broadcast_in_dim3A_1272 : i32 to vector<16xi32>
      %gather3A_1274 = tpu.vector_load_idx %arg23[%iota3A, %broadcast_in_dim3A_1273] : memref<16x32xf32, #tpu.memory_space<vmem>>[vector<16xi32>, vector<16xi32>], vector<16xf32>,
      %broadcast_in_dim3A_1275 = arith.constant 10 : i32
      %broadcast_in_dim3A_1276 = vector.broadcast %broadcast_in_dim3A_1275 : i32 to vector<16xi32>
      %gather3A_1277 = tpu.vector_load_idx %arg24[%iota3A, %broadcast_in_dim3A_1276] : memref<16x32xf32, #tpu.memory_space<vmem>>[vector<16xi32>, vector<16xi32>], vector<16xf32>,
      %broadcast_in_dim3A_1278 = arith.constant 10 : i32
      %broadcast_in_dim3A_1279 = vector.broadcast %broadcast_in_dim3A_1278 : i32 to vector<16xi32>
      %gather3A_1280 = tpu.vector_load_idx %arg20[%broadcast_in_dim3A_1279] : memref<408xf32, #tpu.memory_space<vmem>>[vector<16xi32>], vector<16xf32>,
      %broadcast_in_dim3A_1281 = arith.constant 290 : i32
      %broadcast_in_dim3A_1282 = vector.broadcast %broadcast_in_dim3A_1281 : i32 to vector<16xi32>
      %gather3A_1283 = tpu.vector_load_idx %arg20[%broadcast_in_dim3A_1282] : memref<408xf32, #tpu.memory_space<vmem>>[vector<16xi32>], vector<16xf32>,
      %mul3A_1284 = arith.mulf %gather3A_1277, %gather3A_1283 : vector<16xf32>
      %add3A_1285 = arith.addf %gather3A_1280, %mul3A_1284 : vector<16xf32>
      %mul3A_1286 = arith.mulf %gather3A_1274, %add3A_1285 : vector<16xf32>
      %add3A_1287 = arith.addf %add3A_1271, %mul3A_1286 : vector<16xf32>
      %broadcast_in_dim3A_1288 = arith.constant 42 : i32
      %broadcast_in_dim3A_1289 = vector.broadcast %broadcast_in_dim3A_1288 : i32 to vector<16xi32>
      %gather3A_1290 = tpu.vector_load_idx %arg20[%broadcast_in_dim3A_1289] : memref<408xf32, #tpu.memory_space<vmem>>[vector<16xi32>], vector<16xf32>,
      %broadcast_in_dim3A_1291 = arith.constant 386 : i32
      %broadcast_in_dim3A_1292 = vector.broadcast %broadcast_in_dim3A_1291 : i32 to vector<16xi32>
      %gather3A_1293 = tpu.vector_load_idx %arg20[%broadcast_in_dim3A_1292] : memref<408xf32, #tpu.memory_space<vmem>>[vector<16xi32>], vector<16xf32>,
      %mul3A_1294 = arith.mulf %get3A_127, %gather3A_1293 : vector<16xf32>
      %add3A_1295 = arith.addf %gather3A_1290, %mul3A_1294 : vector<16xf32>
      %mul3A_1296 = arith.mulf %gather3A_1277, %add3A_1295 : vector<16xf32>
      %add3A_1297 = arith.addf %add3A_1287, %mul3A_1296 : vector<16xf32>
      %broadcast_in_dim3A_1298 = arith.constant 11 : i32
      %broadcast_in_dim3A_1299 = vector.broadcast %broadcast_in_dim3A_1298 : i32 to vector<16xi32>
      %gather3A_1300 = tpu.vector_load_idx %arg23[%iota3A, %broadcast_in_dim3A_1299] : memref<16x32xf32, #tpu.memory_space<vmem>>[vector<16xi32>, vector<16xi32>], vector<16xf32>,
      %broadcast_in_dim3A_1301 = arith.constant 11 : i32
      %broadcast_in_dim3A_1302 = vector.broadcast %broadcast_in_dim3A_1301 : i32 to vector<16xi32>
      %gather3A_1303 = tpu.vector_load_idx %arg24[%iota3A, %broadcast_in_dim3A_1302] : memref<16x32xf32, #tpu.memory_space<vmem>>[vector<16xi32>, vector<16xi32>], vector<16xf32>,
      %broadcast_in_dim3A_1304 = arith.constant 11 : i32
      %broadcast_in_dim3A_1305 = vector.broadcast %broadcast_in_dim3A_1304 : i32 to vector<16xi32>
      %gather3A_1306 = tpu.vector_load_idx %arg20[%broadcast_in_dim3A_1305] : memref<408xf32, #tpu.memory_space<vmem>>[vector<16xi32>], vector<16xf32>,
      %broadcast_in_dim3A_1307 = arith.constant 291 : i32
      %broadcast_in_dim3A_1308 = vector.broadcast %broadcast_in_dim3A_1307 : i32 to vector<16xi32>
      %gather3A_1309 = tpu.vector_load_idx %arg20[%broadcast_in_dim3A_1308] : memref<408xf32, #tpu.memory_space<vmem>>[vector<16xi32>], vector<16xf32>,
      %mul3A_1310 = arith.mulf %gather3A_1303, %gather3A_1309 : vector<16xf32>
      %add3A_1311 = arith.addf %gather3A_1306, %mul3A_1310 : vector<16xf32>
      %mul3A_1312 = arith.mulf %gather3A_1300, %add3A_1311 : vector<16xf32>
      %add3A_1313 = arith.addf %add3A_1297, %mul3A_1312 : vector<16xf32>
      %broadcast_in_dim3A_1314 = arith.constant 43 : i32
      %broadcast_in_dim3A_1315 = vector.broadcast %broadcast_in_dim3A_1314 : i32 to vector<16xi32>
      %gather3A_1316 = tpu.vector_load_idx %arg20[%broadcast_in_dim3A_1315] : memref<408xf32, #tpu.memory_space<vmem>>[vector<16xi32>], vector<16xf32>,
      %broadcast_in_dim3A_1317 = arith.constant 387 : i32
      %broadcast_in_dim3A_1318 = vector.broadcast %broadcast_in_dim3A_1317 : i32 to vector<16xi32>
      %gather3A_1319 = tpu.vector_load_idx %arg20[%broadcast_in_dim3A_1318] : memref<408xf32, #tpu.memory_space<vmem>>[vector<16xi32>], vector<16xf32>,
      %mul3A_1320 = arith.mulf %get3A_127, %gather3A_1319 : vector<16xf32>
      %add3A_1321 = arith.addf %gather3A_1316, %mul3A_1320 : vector<16xf32>
      %mul3A_1322 = arith.mulf %gather3A_1303, %add3A_1321 : vector<16xf32>
      %add3A_1323 = arith.addf %add3A_1313, %mul3A_1322 : vector<16xf32>
      %broadcast_in_dim3A_1324 = arith.constant 12 : i32
      %broadcast_in_dim3A_1325 = vector.broadcast %broadcast_in_dim3A_1324 : i32 to vector<16xi32>
      %gather3A_1326 = tpu.vector_load_idx %arg23[%iota3A, %broadcast_in_dim3A_1325] : memref<16x32xf32, #tpu.memory_space<vmem>>[vector<16xi32>, vector<16xi32>], vector<16xf32>,
      %broadcast_in_dim3A_1327 = arith.constant 12 : i32
      %broadcast_in_dim3A_1328 = vector.broadcast %broadcast_in_dim3A_1327 : i32 to vector<16xi32>
      %gather3A_1329 = tpu.vector_load_idx %arg24[%iota3A, %broadcast_in_dim3A_1328] : memref<16x32xf32, #tpu.memory_space<vmem>>[vector<16xi32>, vector<16xi32>], vector<16xf32>,
      %broadcast_in_dim3A_1330 = arith.constant 12 : i32
      %broadcast_in_dim3A_1331 = vector.broadcast %broadcast_in_dim3A_1330 : i32 to vector<16xi32>
      %gather3A_1332 = tpu.vector_load_idx %arg20[%broadcast_in_dim3A_1331] : memref<408xf32, #tpu.memory_space<vmem>>[vector<16xi32>], vector<16xf32>,
      %broadcast_in_dim3A_1333 = arith.constant 292 : i32
      %broadcast_in_dim3A_1334 = vector.broadcast %broadcast_in_dim3A_1333 : i32 to vector<16xi32>
      %gather3A_1335 = tpu.vector_load_idx %arg20[%broadcast_in_dim3A_1334] : memref<408xf32, #tpu.memory_space<vmem>>[vector<16xi32>], vector<16xf32>,
      %mul3A_1336 = arith.mulf %gather3A_1329, %gather3A_1335 : vector<16xf32>
      %add3A_1337 = arith.addf %gather3A_1332, %mul3A_1336 : vector<16xf32>
      %mul3A_1338 = arith.mulf %gather3A_1326, %add3A_1337 : vector<16xf32>
      %add3A_1339 = arith.addf %add3A_1323, %mul3A_1338 : vector<16xf32>
      %broadcast_in_dim3A_1340 = arith.constant 44 : i32
      %broadcast_in_dim3A_1341 = vector.broadcast %broadcast_in_dim3A_1340 : i32 to vector<16xi32>
      %gather3A_1342 = tpu.vector_load_idx %arg20[%broadcast_in_dim3A_1341] : memref<408xf32, #tpu.memory_space<vmem>>[vector<16xi32>], vector<16xf32>,
      %broadcast_in_dim3A_1343 = arith.constant 388 : i32
      %broadcast_in_dim3A_1344 = vector.broadcast %broadcast_in_dim3A_1343 : i32 to vector<16xi32>
      %gather3A_1345 = tpu.vector_load_idx %arg20[%broadcast_in_dim3A_1344] : memref<408xf32, #tpu.memory_space<vmem>>[vector<16xi32>], vector<16xf32>,
      %mul3A_1346 = arith.mulf %get3A_127, %gather3A_1345 : vector<16xf32>
      %add3A_1347 = arith.addf %gather3A_1342, %mul3A_1346 : vector<16xf32>
      %mul3A_1348 = arith.mulf %gather3A_1329, %add3A_1347 : vector<16xf32>
      %add3A_1349 = arith.addf %add3A_1339, %mul3A_1348 : vector<16xf32>
      %broadcast_in_dim3A_1350 = arith.constant 13 : i32
      %broadcast_in_dim3A_1351 = vector.broadcast %broadcast_in_dim3A_1350 : i32 to vector<16xi32>
      %gather3A_1352 = tpu.vector_load_idx %arg23[%iota3A, %broadcast_in_dim3A_1351] : memref<16x32xf32, #tpu.memory_space<vmem>>[vector<16xi32>, vector<16xi32>], vector<16xf32>,
      %broadcast_in_dim3A_1353 = arith.constant 13 : i32
      %broadcast_in_dim3A_1354 = vector.broadcast %broadcast_in_dim3A_1353 : i32 to vector<16xi32>
      %gather3A_1355 = tpu.vector_load_idx %arg24[%iota3A, %broadcast_in_dim3A_1354] : memref<16x32xf32, #tpu.memory_space<vmem>>[vector<16xi32>, vector<16xi32>], vector<16xf32>,
      %broadcast_in_dim3A_1356 = arith.constant 13 : i32
      %broadcast_in_dim3A_1357 = vector.broadcast %broadcast_in_dim3A_1356 : i32 to vector<16xi32>
      %gather3A_1358 = tpu.vector_load_idx %arg20[%broadcast_in_dim3A_1357] : memref<408xf32, #tpu.memory_space<vmem>>[vector<16xi32>], vector<16xf32>,
      %broadcast_in_dim3A_1359 = arith.constant 293 : i32
      %broadcast_in_dim3A_1360 = vector.broadcast %broadcast_in_dim3A_1359 : i32 to vector<16xi32>
      %gather3A_1361 = tpu.vector_load_idx %arg20[%broadcast_in_dim3A_1360] : memref<408xf32, #tpu.memory_space<vmem>>[vector<16xi32>], vector<16xf32>,
      %mul3A_1362 = arith.mulf %gather3A_1355, %gather3A_1361 : vector<16xf32>
      %add3A_1363 = arith.addf %gather3A_1358, %mul3A_1362 : vector<16xf32>
      %mul3A_1364 = arith.mulf %gather3A_1352, %add3A_1363 : vector<16xf32>
      %add3A_1365 = arith.addf %add3A_1349, %mul3A_1364 : vector<16xf32>
      %broadcast_in_dim3A_1366 = arith.constant 45 : i32
      %broadcast_in_dim3A_1367 = vector.broadcast %broadcast_in_dim3A_1366 : i32 to vector<16xi32>
      %gather3A_1368 = tpu.vector_load_idx %arg20[%broadcast_in_dim3A_1367] : memref<408xf32, #tpu.memory_space<vmem>>[vector<16xi32>], vector<16xf32>,
      %broadcast_in_dim3A_1369 = arith.constant 389 : i32
      %broadcast_in_dim3A_1370 = vector.broadcast %broadcast_in_dim3A_1369 : i32 to vector<16xi32>
      %gather3A_1371 = tpu.vector_load_idx %arg20[%broadcast_in_dim3A_1370] : memref<408xf32, #tpu.memory_space<vmem>>[vector<16xi32>], vector<16xf32>,
      %mul3A_1372 = arith.mulf %get3A_127, %gather3A_1371 : vector<16xf32>
      %add3A_1373 = arith.addf %gather3A_1368, %mul3A_1372 : vector<16xf32>
      %mul3A_1374 = arith.mulf %gather3A_1355, %add3A_1373 : vector<16xf32>
      %add3A_1375 = arith.addf %add3A_1365, %mul3A_1374 : vector<16xf32>
      %broadcast_in_dim3A_1376 = arith.constant 14 : i32
      %broadcast_in_dim3A_1377 = vector.broadcast %broadcast_in_dim3A_1376 : i32 to vector<16xi32>
      %gather3A_1378 = tpu.vector_load_idx %arg23[%iota3A, %broadcast_in_dim3A_1377] : memref<16x32xf32, #tpu.memory_space<vmem>>[vector<16xi32>, vector<16xi32>], vector<16xf32>,
      %broadcast_in_dim3A_1379 = arith.constant 14 : i32
      %broadcast_in_dim3A_1380 = vector.broadcast %broadcast_in_dim3A_1379 : i32 to vector<16xi32>
      %gather3A_1381 = tpu.vector_load_idx %arg24[%iota3A, %broadcast_in_dim3A_1380] : memref<16x32xf32, #tpu.memory_space<vmem>>[vector<16xi32>, vector<16xi32>], vector<16xf32>,
      %broadcast_in_dim3A_1382 = arith.constant 14 : i32
      %broadcast_in_dim3A_1383 = vector.broadcast %broadcast_in_dim3A_1382 : i32 to vector<16xi32>
      %gather3A_1384 = tpu.vector_load_idx %arg20[%broadcast_in_dim3A_1383] : memref<408xf32, #tpu.memory_space<vmem>>[vector<16xi32>], vector<16xf32>,
      %broadcast_in_dim3A_1385 = arith.constant 294 : i32
      %broadcast_in_dim3A_1386 = vector.broadcast %broadcast_in_dim3A_1385 : i32 to vector<16xi32>
      %gather3A_1387 = tpu.vector_load_idx %arg20[%broadcast_in_dim3A_1386] : memref<408xf32, #tpu.memory_space<vmem>>[vector<16xi32>], vector<16xf32>,
      %mul3A_1388 = arith.mulf %gather3A_1381, %gather3A_1387 : vector<16xf32>
      %add3A_1389 = arith.addf %gather3A_1384, %mul3A_1388 : vector<16xf32>
      %mul3A_1390 = arith.mulf %gather3A_1378, %add3A_1389 : vector<16xf32>
      %add3A_1391 = arith.addf %add3A_1375, %mul3A_1390 : vector<16xf32>
      %broadcast_in_dim3A_1392 = arith.constant 46 : i32
      %broadcast_in_dim3A_1393 = vector.broadcast %broadcast_in_dim3A_1392 : i32 to vector<16xi32>
      %gather3A_1394 = tpu.vector_load_idx %arg20[%broadcast_in_dim3A_1393] : memref<408xf32, #tpu.memory_space<vmem>>[vector<16xi32>], vector<16xf32>,
      %broadcast_in_dim3A_1395 = arith.constant 390 : i32
      %broadcast_in_dim3A_1396 = vector.broadcast %broadcast_in_dim3A_1395 : i32 to vector<16xi32>
      %gather3A_1397 = tpu.vector_load_idx %arg20[%broadcast_in_dim3A_1396] : memref<408xf32, #tpu.memory_space<vmem>>[vector<16xi32>], vector<16xf32>,
      %mul3A_1398 = arith.mulf %get3A_127, %gather3A_1397 : vector<16xf32>
      %add3A_1399 = arith.addf %gather3A_1394, %mul3A_1398 : vector<16xf32>
      %mul3A_1400 = arith.mulf %gather3A_1381, %add3A_1399 : vector<16xf32>
      %add3A_1401 = arith.addf %add3A_1391, %mul3A_1400 : vector<16xf32>
      %broadcast_in_dim3A_1402 = arith.constant 15 : i32
      %broadcast_in_dim3A_1403 = vector.broadcast %broadcast_in_dim3A_1402 : i32 to vector<16xi32>
      %gather3A_1404 = tpu.vector_load_idx %arg23[%iota3A, %broadcast_in_dim3A_1403] : memref<16x32xf32, #tpu.memory_space<vmem>>[vector<16xi32>, vector<16xi32>], vector<16xf32>,
      %broadcast_in_dim3A_1405 = arith.constant 15 : i32
      %broadcast_in_dim3A_1406 = vector.broadcast %broadcast_in_dim3A_1405 : i32 to vector<16xi32>
      %gather3A_1407 = tpu.vector_load_idx %arg24[%iota3A, %broadcast_in_dim3A_1406] : memref<16x32xf32, #tpu.memory_space<vmem>>[vector<16xi32>, vector<16xi32>], vector<16xf32>,
      %broadcast_in_dim3A_1408 = arith.constant 15 : i32
      %broadcast_in_dim3A_1409 = vector.broadcast %broadcast_in_dim3A_1408 : i32 to vector<16xi32>
      %gather3A_1410 = tpu.vector_load_idx %arg20[%broadcast_in_dim3A_1409] : memref<408xf32, #tpu.memory_space<vmem>>[vector<16xi32>], vector<16xf32>,
      %broadcast_in_dim3A_1411 = arith.constant 295 : i32
      %broadcast_in_dim3A_1412 = vector.broadcast %broadcast_in_dim3A_1411 : i32 to vector<16xi32>
      %gather3A_1413 = tpu.vector_load_idx %arg20[%broadcast_in_dim3A_1412] : memref<408xf32, #tpu.memory_space<vmem>>[vector<16xi32>], vector<16xf32>,
      %mul3A_1414 = arith.mulf %gather3A_1407, %gather3A_1413 : vector<16xf32>
      %add3A_1415 = arith.addf %gather3A_1410, %mul3A_1414 : vector<16xf32>
      %mul3A_1416 = arith.mulf %gather3A_1404, %add3A_1415 : vector<16xf32>
      %add3A_1417 = arith.addf %add3A_1401, %mul3A_1416 : vector<16xf32>
      %broadcast_in_dim3A_1418 = arith.constant 47 : i32
      %broadcast_in_dim3A_1419 = vector.broadcast %broadcast_in_dim3A_1418 : i32 to vector<16xi32>
      %gather3A_1420 = tpu.vector_load_idx %arg20[%broadcast_in_dim3A_1419] : memref<408xf32, #tpu.memory_space<vmem>>[vector<16xi32>], vector<16xf32>,
      %broadcast_in_dim3A_1421 = arith.constant 391 : i32
      %broadcast_in_dim3A_1422 = vector.broadcast %broadcast_in_dim3A_1421 : i32 to vector<16xi32>
      %gather3A_1423 = tpu.vector_load_idx %arg20[%broadcast_in_dim3A_1422] : memref<408xf32, #tpu.memory_space<vmem>>[vector<16xi32>], vector<16xf32>,
      %mul3A_1424 = arith.mulf %get3A_127, %gather3A_1423 : vector<16xf32>
      %add3A_1425 = arith.addf %gather3A_1420, %mul3A_1424 : vector<16xf32>
      %mul3A_1426 = arith.mulf %gather3A_1407, %add3A_1425 : vector<16xf32>
      %add3A_1427 = arith.addf %add3A_1417, %mul3A_1426 : vector<16xf32>
      %broadcast_in_dim3A_1428 = arith.constant 16 : i32
      %broadcast_in_dim3A_1429 = vector.broadcast %broadcast_in_dim3A_1428 : i32 to vector<16xi32>
      %gather3A_1430 = tpu.vector_load_idx %arg23[%iota3A, %broadcast_in_dim3A_1429] : memref<16x32xf32, #tpu.memory_space<vmem>>[vector<16xi32>, vector<16xi32>], vector<16xf32>,
      %broadcast_in_dim3A_1431 = arith.constant 16 : i32
      %broadcast_in_dim3A_1432 = vector.broadcast %broadcast_in_dim3A_1431 : i32 to vector<16xi32>
      %gather3A_1433 = tpu.vector_load_idx %arg24[%iota3A, %broadcast_in_dim3A_1432] : memref<16x32xf32, #tpu.memory_space<vmem>>[vector<16xi32>, vector<16xi32>], vector<16xf32>,
      %broadcast_in_dim3A_1434 = arith.constant 16 : i32
      %broadcast_in_dim3A_1435 = vector.broadcast %broadcast_in_dim3A_1434 : i32 to vector<16xi32>
      %gather3A_1436 = tpu.vector_load_idx %arg20[%broadcast_in_dim3A_1435] : memref<408xf32, #tpu.memory_space<vmem>>[vector<16xi32>], vector<16xf32>,
      %broadcast_in_dim3A_1437 = arith.constant 296 : i32
      %broadcast_in_dim3A_1438 = vector.broadcast %broadcast_in_dim3A_1437 : i32 to vector<16xi32>
      %gather3A_1439 = tpu.vector_load_idx %arg20[%broadcast_in_dim3A_1438] : memref<408xf32, #tpu.memory_space<vmem>>[vector<16xi32>], vector<16xf32>,
      %mul3A_1440 = arith.mulf %gather3A_1433, %gather3A_1439 : vector<16xf32>
      %add3A_1441 = arith.addf %gather3A_1436, %mul3A_1440 : vector<16xf32>
      %mul3A_1442 = arith.mulf %gather3A_1430, %add3A_1441 : vector<16xf32>
      %add3A_1443 = arith.addf %add3A_1427, %mul3A_1442 : vector<16xf32>
      %broadcast_in_dim3A_1444 = arith.constant 48 : i32
      %broadcast_in_dim3A_1445 = vector.broadcast %broadcast_in_dim3A_1444 : i32 to vector<16xi32>
      %gather3A_1446 = tpu.vector_load_idx %arg20[%broadcast_in_dim3A_1445] : memref<408xf32, #tpu.memory_space<vmem>>[vector<16xi32>], vector<16xf32>,
      %broadcast_in_dim3A_1447 = arith.constant 392 : i32
      %broadcast_in_dim3A_1448 = vector.broadcast %broadcast_in_dim3A_1447 : i32 to vector<16xi32>
      %gather3A_1449 = tpu.vector_load_idx %arg20[%broadcast_in_dim3A_1448] : memref<408xf32, #tpu.memory_space<vmem>>[vector<16xi32>], vector<16xf32>,
      %mul3A_1450 = arith.mulf %get3A_127, %gather3A_1449 : vector<16xf32>
      %add3A_1451 = arith.addf %gather3A_1446, %mul3A_1450 : vector<16xf32>
      %mul3A_1452 = arith.mulf %gather3A_1433, %add3A_1451 : vector<16xf32>
      %add3A_1453 = arith.addf %add3A_1443, %mul3A_1452 : vector<16xf32>
      %broadcast_in_dim3A_1454 = arith.constant 17 : i32
      %broadcast_in_dim3A_1455 = vector.broadcast %broadcast_in_dim3A_1454 : i32 to vector<16xi32>
      %gather3A_1456 = tpu.vector_load_idx %arg23[%iota3A, %broadcast_in_dim3A_1455] : memref<16x32xf32, #tpu.memory_space<vmem>>[vector<16xi32>, vector<16xi32>], vector<16xf32>,
      %broadcast_in_dim3A_1457 = arith.constant 17 : i32
      %broadcast_in_dim3A_1458 = vector.broadcast %broadcast_in_dim3A_1457 : i32 to vector<16xi32>
      %gather3A_1459 = tpu.vector_load_idx %arg24[%iota3A, %broadcast_in_dim3A_1458] : memref<16x32xf32, #tpu.memory_space<vmem>>[vector<16xi32>, vector<16xi32>], vector<16xf32>,
      %broadcast_in_dim3A_1460 = arith.constant 17 : i32
      %broadcast_in_dim3A_1461 = vector.broadcast %broadcast_in_dim3A_1460 : i32 to vector<16xi32>
      %gather3A_1462 = tpu.vector_load_idx %arg20[%broadcast_in_dim3A_1461] : memref<408xf32, #tpu.memory_space<vmem>>[vector<16xi32>], vector<16xf32>,
      %broadcast_in_dim3A_1463 = arith.constant 297 : i32
      %broadcast_in_dim3A_1464 = vector.broadcast %broadcast_in_dim3A_1463 : i32 to vector<16xi32>
      %gather3A_1465 = tpu.vector_load_idx %arg20[%broadcast_in_dim3A_1464] : memref<408xf32, #tpu.memory_space<vmem>>[vector<16xi32>], vector<16xf32>,
      %mul3A_1466 = arith.mulf %gather3A_1459, %gather3A_1465 : vector<16xf32>
      %add3A_1467 = arith.addf %gather3A_1462, %mul3A_1466 : vector<16xf32>
      %mul3A_1468 = arith.mulf %gather3A_1456, %add3A_1467 : vector<16xf32>
      %add3A_1469 = arith.addf %add3A_1453, %mul3A_1468 : vector<16xf32>
      %broadcast_in_dim3A_1470 = arith.constant 49 : i32
      %broadcast_in_dim3A_1471 = vector.broadcast %broadcast_in_dim3A_1470 : i32 to vector<16xi32>
      %gather3A_1472 = tpu.vector_load_idx %arg20[%broadcast_in_dim3A_1471] : memref<408xf32, #tpu.memory_space<vmem>>[vector<16xi32>], vector<16xf32>,
      %broadcast_in_dim3A_1473 = arith.constant 393 : i32
      %broadcast_in_dim3A_1474 = vector.broadcast %broadcast_in_dim3A_1473 : i32 to vector<16xi32>
      %gather3A_1475 = tpu.vector_load_idx %arg20[%broadcast_in_dim3A_1474] : memref<408xf32, #tpu.memory_space<vmem>>[vector<16xi32>], vector<16xf32>,
      %mul3A_1476 = arith.mulf %get3A_127, %gather3A_1475 : vector<16xf32>
      %add3A_1477 = arith.addf %gather3A_1472, %mul3A_1476 : vector<16xf32>
      %mul3A_1478 = arith.mulf %gather3A_1459, %add3A_1477 : vector<16xf32>
      %add3A_1479 = arith.addf %add3A_1469, %mul3A_1478 : vector<16xf32>
      %broadcast_in_dim3A_1480 = arith.constant 18 : i32
      %broadcast_in_dim3A_1481 = vector.broadcast %broadcast_in_dim3A_1480 : i32 to vector<16xi32>
      %gather3A_1482 = tpu.vector_load_idx %arg23[%iota3A, %broadcast_in_dim3A_1481] : memref<16x32xf32, #tpu.memory_space<vmem>>[vector<16xi32>, vector<16xi32>], vector<16xf32>,
      %broadcast_in_dim3A_1483 = arith.constant 18 : i32
      %broadcast_in_dim3A_1484 = vector.broadcast %broadcast_in_dim3A_1483 : i32 to vector<16xi32>
      %gather3A_1485 = tpu.vector_load_idx %arg24[%iota3A, %broadcast_in_dim3A_1484] : memref<16x32xf32, #tpu.memory_space<vmem>>[vector<16xi32>, vector<16xi32>], vector<16xf32>,
      %broadcast_in_dim3A_1486 = arith.constant 18 : i32
      %broadcast_in_dim3A_1487 = vector.broadcast %broadcast_in_dim3A_1486 : i32 to vector<16xi32>
      %gather3A_1488 = tpu.vector_load_idx %arg20[%broadcast_in_dim3A_1487] : memref<408xf32, #tpu.memory_space<vmem>>[vector<16xi32>], vector<16xf32>,
      %broadcast_in_dim3A_1489 = arith.constant 298 : i32
      %broadcast_in_dim3A_1490 = vector.broadcast %broadcast_in_dim3A_1489 : i32 to vector<16xi32>
      %gather3A_1491 = tpu.vector_load_idx %arg20[%broadcast_in_dim3A_1490] : memref<408xf32, #tpu.memory_space<vmem>>[vector<16xi32>], vector<16xf32>,
      %mul3A_1492 = arith.mulf %gather3A_1485, %gather3A_1491 : vector<16xf32>
      %add3A_1493 = arith.addf %gather3A_1488, %mul3A_1492 : vector<16xf32>
      %mul3A_1494 = arith.mulf %gather3A_1482, %add3A_1493 : vector<16xf32>
      %add3A_1495 = arith.addf %add3A_1479, %mul3A_1494 : vector<16xf32>
      %broadcast_in_dim3A_1496 = arith.constant 50 : i32
      %broadcast_in_dim3A_1497 = vector.broadcast %broadcast_in_dim3A_1496 : i32 to vector<16xi32>
      %gather3A_1498 = tpu.vector_load_idx %arg20[%broadcast_in_dim3A_1497] : memref<408xf32, #tpu.memory_space<vmem>>[vector<16xi32>], vector<16xf32>,
      %broadcast_in_dim3A_1499 = arith.constant 394 : i32
      %broadcast_in_dim3A_1500 = vector.broadcast %broadcast_in_dim3A_1499 : i32 to vector<16xi32>
      %gather3A_1501 = tpu.vector_load_idx %arg20[%broadcast_in_dim3A_1500] : memref<408xf32, #tpu.memory_space<vmem>>[vector<16xi32>], vector<16xf32>,
      %mul3A_1502 = arith.mulf %get3A_127, %gather3A_1501 : vector<16xf32>
      %add3A_1503 = arith.addf %gather3A_1498, %mul3A_1502 : vector<16xf32>
      %mul3A_1504 = arith.mulf %gather3A_1485, %add3A_1503 : vector<16xf32>
      %add3A_1505 = arith.addf %add3A_1495, %mul3A_1504 : vector<16xf32>
      %broadcast_in_dim3A_1506 = arith.constant 19 : i32
      %broadcast_in_dim3A_1507 = vector.broadcast %broadcast_in_dim3A_1506 : i32 to vector<16xi32>
      %gather3A_1508 = tpu.vector_load_idx %arg23[%iota3A, %broadcast_in_dim3A_1507] : memref<16x32xf32, #tpu.memory_space<vmem>>[vector<16xi32>, vector<16xi32>], vector<16xf32>,
      %broadcast_in_dim3A_1509 = arith.constant 19 : i32
      %broadcast_in_dim3A_1510 = vector.broadcast %broadcast_in_dim3A_1509 : i32 to vector<16xi32>
      %gather3A_1511 = tpu.vector_load_idx %arg24[%iota3A, %broadcast_in_dim3A_1510] : memref<16x32xf32, #tpu.memory_space<vmem>>[vector<16xi32>, vector<16xi32>], vector<16xf32>,
      %broadcast_in_dim3A_1512 = arith.constant 19 : i32
      %broadcast_in_dim3A_1513 = vector.broadcast %broadcast_in_dim3A_1512 : i32 to vector<16xi32>
      %gather3A_1514 = tpu.vector_load_idx %arg20[%broadcast_in_dim3A_1513] : memref<408xf32, #tpu.memory_space<vmem>>[vector<16xi32>], vector<16xf32>,
      %broadcast_in_dim3A_1515 = arith.constant 299 : i32
      %broadcast_in_dim3A_1516 = vector.broadcast %broadcast_in_dim3A_1515 : i32 to vector<16xi32>
      %gather3A_1517 = tpu.vector_load_idx %arg20[%broadcast_in_dim3A_1516] : memref<408xf32, #tpu.memory_space<vmem>>[vector<16xi32>], vector<16xf32>,
      %mul3A_1518 = arith.mulf %gather3A_1511, %gather3A_1517 : vector<16xf32>
      %add3A_1519 = arith.addf %gather3A_1514, %mul3A_1518 : vector<16xf32>
      %mul3A_1520 = arith.mulf %gather3A_1508, %add3A_1519 : vector<16xf32>
      %add3A_1521 = arith.addf %add3A_1505, %mul3A_1520 : vector<16xf32>
      %broadcast_in_dim3A_1522 = arith.constant 51 : i32
      %broadcast_in_dim3A_1523 = vector.broadcast %broadcast_in_dim3A_1522 : i32 to vector<16xi32>
      %gather3A_1524 = tpu.vector_load_idx %arg20[%broadcast_in_dim3A_1523] : memref<408xf32, #tpu.memory_space<vmem>>[vector<16xi32>], vector<16xf32>,
      %broadcast_in_dim3A_1525 = arith.constant 395 : i32
      %broadcast_in_dim3A_1526 = vector.broadcast %broadcast_in_dim3A_1525 : i32 to vector<16xi32>
      %gather3A_1527 = tpu.vector_load_idx %arg20[%broadcast_in_dim3A_1526] : memref<408xf32, #tpu.memory_space<vmem>>[vector<16xi32>], vector<16xf32>,
      %mul3A_1528 = arith.mulf %get3A_127, %gather3A_1527 : vector<16xf32>
      %add3A_1529 = arith.addf %gather3A_1524, %mul3A_1528 : vector<16xf32>
      %mul3A_1530 = arith.mulf %gather3A_1511, %add3A_1529 : vector<16xf32>
      %add3A_1531 = arith.addf %add3A_1521, %mul3A_1530 : vector<16xf32>
      %broadcast_in_dim3A_1532 = arith.constant 20 : i32
      %broadcast_in_dim3A_1533 = vector.broadcast %broadcast_in_dim3A_1532 : i32 to vector<16xi32>
      %gather3A_1534 = tpu.vector_load_idx %arg23[%iota3A, %broadcast_in_dim3A_1533] : memref<16x32xf32, #tpu.memory_space<vmem>>[vector<16xi32>, vector<16xi32>], vector<16xf32>,
      %broadcast_in_dim3A_1535 = arith.constant 20 : i32
      %broadcast_in_dim3A_1536 = vector.broadcast %broadcast_in_dim3A_1535 : i32 to vector<16xi32>
      %gather3A_1537 = tpu.vector_load_idx %arg24[%iota3A, %broadcast_in_dim3A_1536] : memref<16x32xf32, #tpu.memory_space<vmem>>[vector<16xi32>, vector<16xi32>], vector<16xf32>,
      %broadcast_in_dim3A_1538 = arith.constant 20 : i32
      %broadcast_in_dim3A_1539 = vector.broadcast %broadcast_in_dim3A_1538 : i32 to vector<16xi32>
      %gather3A_1540 = tpu.vector_load_idx %arg20[%broadcast_in_dim3A_1539] : memref<408xf32, #tpu.memory_space<vmem>>[vector<16xi32>], vector<16xf32>,
      %broadcast_in_dim3A_1541 = arith.constant 300 : i32
      %broadcast_in_dim3A_1542 = vector.broadcast %broadcast_in_dim3A_1541 : i32 to vector<16xi32>
      %gather3A_1543 = tpu.vector_load_idx %arg20[%broadcast_in_dim3A_1542] : memref<408xf32, #tpu.memory_space<vmem>>[vector<16xi32>], vector<16xf32>,
      %mul3A_1544 = arith.mulf %gather3A_1537, %gather3A_1543 : vector<16xf32>
      %add3A_1545 = arith.addf %gather3A_1540, %mul3A_1544 : vector<16xf32>
      %mul3A_1546 = arith.mulf %gather3A_1534, %add3A_1545 : vector<16xf32>
      %add3A_1547 = arith.addf %add3A_1531, %mul3A_1546 : vector<16xf32>
      %broadcast_in_dim3A_1548 = arith.constant 52 : i32
      %broadcast_in_dim3A_1549 = vector.broadcast %broadcast_in_dim3A_1548 : i32 to vector<16xi32>
      %gather3A_1550 = tpu.vector_load_idx %arg20[%broadcast_in_dim3A_1549] : memref<408xf32, #tpu.memory_space<vmem>>[vector<16xi32>], vector<16xf32>,
      %broadcast_in_dim3A_1551 = arith.constant 396 : i32
      %broadcast_in_dim3A_1552 = vector.broadcast %broadcast_in_dim3A_1551 : i32 to vector<16xi32>
      %gather3A_1553 = tpu.vector_load_idx %arg20[%broadcast_in_dim3A_1552] : memref<408xf32, #tpu.memory_space<vmem>>[vector<16xi32>], vector<16xf32>,
      %mul3A_1554 = arith.mulf %get3A_127, %gather3A_1553 : vector<16xf32>
      %add3A_1555 = arith.addf %gather3A_1550, %mul3A_1554 : vector<16xf32>
      %mul3A_1556 = arith.mulf %gather3A_1537, %add3A_1555 : vector<16xf32>
      %add3A_1557 = arith.addf %add3A_1547, %mul3A_1556 : vector<16xf32>
      %broadcast_in_dim3A_1558 = arith.constant 21 : i32
      %broadcast_in_dim3A_1559 = vector.broadcast %broadcast_in_dim3A_1558 : i32 to vector<16xi32>
      %gather3A_1560 = tpu.vector_load_idx %arg23[%iota3A, %broadcast_in_dim3A_1559] : memref<16x32xf32, #tpu.memory_space<vmem>>[vector<16xi32>, vector<16xi32>], vector<16xf32>,
      %broadcast_in_dim3A_1561 = arith.constant 21 : i32
      %broadcast_in_dim3A_1562 = vector.broadcast %broadcast_in_dim3A_1561 : i32 to vector<16xi32>
      %gather3A_1563 = tpu.vector_load_idx %arg24[%iota3A, %broadcast_in_dim3A_1562] : memref<16x32xf32, #tpu.memory_space<vmem>>[vector<16xi32>, vector<16xi32>], vector<16xf32>,
      %broadcast_in_dim3A_1564 = arith.constant 21 : i32
      %broadcast_in_dim3A_1565 = vector.broadcast %broadcast_in_dim3A_1564 : i32 to vector<16xi32>
      %gather3A_1566 = tpu.vector_load_idx %arg20[%broadcast_in_dim3A_1565] : memref<408xf32, #tpu.memory_space<vmem>>[vector<16xi32>], vector<16xf32>,
      %broadcast_in_dim3A_1567 = arith.constant 301 : i32
      %broadcast_in_dim3A_1568 = vector.broadcast %broadcast_in_dim3A_1567 : i32 to vector<16xi32>
      %gather3A_1569 = tpu.vector_load_idx %arg20[%broadcast_in_dim3A_1568] : memref<408xf32, #tpu.memory_space<vmem>>[vector<16xi32>], vector<16xf32>,
      %mul3A_1570 = arith.mulf %gather3A_1563, %gather3A_1569 : vector<16xf32>
      %add3A_1571 = arith.addf %gather3A_1566, %mul3A_1570 : vector<16xf32>
      %mul3A_1572 = arith.mulf %gather3A_1560, %add3A_1571 : vector<16xf32>
      %add3A_1573 = arith.addf %add3A_1557, %mul3A_1572 : vector<16xf32>
      %broadcast_in_dim3A_1574 = arith.constant 53 : i32
      %broadcast_in_dim3A_1575 = vector.broadcast %broadcast_in_dim3A_1574 : i32 to vector<16xi32>
      %gather3A_1576 = tpu.vector_load_idx %arg20[%broadcast_in_dim3A_1575] : memref<408xf32, #tpu.memory_space<vmem>>[vector<16xi32>], vector<16xf32>,
      %broadcast_in_dim3A_1577 = arith.constant 397 : i32
      %broadcast_in_dim3A_1578 = vector.broadcast %broadcast_in_dim3A_1577 : i32 to vector<16xi32>
      %gather3A_1579 = tpu.vector_load_idx %arg20[%broadcast_in_dim3A_1578] : memref<408xf32, #tpu.memory_space<vmem>>[vector<16xi32>], vector<16xf32>,
      %mul3A_1580 = arith.mulf %get3A_127, %gather3A_1579 : vector<16xf32>
      %add3A_1581 = arith.addf %gather3A_1576, %mul3A_1580 : vector<16xf32>
      %mul3A_1582 = arith.mulf %gather3A_1563, %add3A_1581 : vector<16xf32>
      %add3A_1583 = arith.addf %add3A_1573, %mul3A_1582 : vector<16xf32>
      %broadcast_in_dim3A_1584 = arith.constant 22 : i32
      %broadcast_in_dim3A_1585 = vector.broadcast %broadcast_in_dim3A_1584 : i32 to vector<16xi32>
      %gather3A_1586 = tpu.vector_load_idx %arg23[%iota3A, %broadcast_in_dim3A_1585] : memref<16x32xf32, #tpu.memory_space<vmem>>[vector<16xi32>, vector<16xi32>], vector<16xf32>,
      %broadcast_in_dim3A_1587 = arith.constant 22 : i32
      %broadcast_in_dim3A_1588 = vector.broadcast %broadcast_in_dim3A_1587 : i32 to vector<16xi32>
      %gather3A_1589 = tpu.vector_load_idx %arg24[%iota3A, %broadcast_in_dim3A_1588] : memref<16x32xf32, #tpu.memory_space<vmem>>[vector<16xi32>, vector<16xi32>], vector<16xf32>,
      %broadcast_in_dim3A_1590 = arith.constant 22 : i32
      %broadcast_in_dim3A_1591 = vector.broadcast %broadcast_in_dim3A_1590 : i32 to vector<16xi32>
      %gather3A_1592 = tpu.vector_load_idx %arg20[%broadcast_in_dim3A_1591] : memref<408xf32, #tpu.memory_space<vmem>>[vector<16xi32>], vector<16xf32>,
      %broadcast_in_dim3A_1593 = arith.constant 302 : i32
      %broadcast_in_dim3A_1594 = vector.broadcast %broadcast_in_dim3A_1593 : i32 to vector<16xi32>
      %gather3A_1595 = tpu.vector_load_idx %arg20[%broadcast_in_dim3A_1594] : memref<408xf32, #tpu.memory_space<vmem>>[vector<16xi32>], vector<16xf32>,
      %mul3A_1596 = arith.mulf %gather3A_1589, %gather3A_1595 : vector<16xf32>
      %add3A_1597 = arith.addf %gather3A_1592, %mul3A_1596 : vector<16xf32>
      %mul3A_1598 = arith.mulf %gather3A_1586, %add3A_1597 : vector<16xf32>
      %add3A_1599 = arith.addf %add3A_1583, %mul3A_1598 : vector<16xf32>
      %broadcast_in_dim3A_1600 = arith.constant 54 : i32
      %broadcast_in_dim3A_1601 = vector.broadcast %broadcast_in_dim3A_1600 : i32 to vector<16xi32>
      %gather3A_1602 = tpu.vector_load_idx %arg20[%broadcast_in_dim3A_1601] : memref<408xf32, #tpu.memory_space<vmem>>[vector<16xi32>], vector<16xf32>,
      %broadcast_in_dim3A_1603 = arith.constant 398 : i32
      %broadcast_in_dim3A_1604 = vector.broadcast %broadcast_in_dim3A_1603 : i32 to vector<16xi32>
      %gather3A_1605 = tpu.vector_load_idx %arg20[%broadcast_in_dim3A_1604] : memref<408xf32, #tpu.memory_space<vmem>>[vector<16xi32>], vector<16xf32>,
      %mul3A_1606 = arith.mulf %get3A_127, %gather3A_1605 : vector<16xf32>
      %add3A_1607 = arith.addf %gather3A_1602, %mul3A_1606 : vector<16xf32>
      %mul3A_1608 = arith.mulf %gather3A_1589, %add3A_1607 : vector<16xf32>
      %add3A_1609 = arith.addf %add3A_1599, %mul3A_1608 : vector<16xf32>
      %broadcast_in_dim3A_1610 = arith.constant 23 : i32
      %broadcast_in_dim3A_1611 = vector.broadcast %broadcast_in_dim3A_1610 : i32 to vector<16xi32>
      %gather3A_1612 = tpu.vector_load_idx %arg23[%iota3A, %broadcast_in_dim3A_1611] : memref<16x32xf32, #tpu.memory_space<vmem>>[vector<16xi32>, vector<16xi32>], vector<16xf32>,
      %broadcast_in_dim3A_1613 = arith.constant 23 : i32
      %broadcast_in_dim3A_1614 = vector.broadcast %broadcast_in_dim3A_1613 : i32 to vector<16xi32>
      %gather3A_1615 = tpu.vector_load_idx %arg24[%iota3A, %broadcast_in_dim3A_1614] : memref<16x32xf32, #tpu.memory_space<vmem>>[vector<16xi32>, vector<16xi32>], vector<16xf32>,
      %broadcast_in_dim3A_1616 = arith.constant 23 : i32
      %broadcast_in_dim3A_1617 = vector.broadcast %broadcast_in_dim3A_1616 : i32 to vector<16xi32>
      %gather3A_1618 = tpu.vector_load_idx %arg20[%broadcast_in_dim3A_1617] : memref<408xf32, #tpu.memory_space<vmem>>[vector<16xi32>], vector<16xf32>,
      %broadcast_in_dim3A_1619 = arith.constant 303 : i32
      %broadcast_in_dim3A_1620 = vector.broadcast %broadcast_in_dim3A_1619 : i32 to vector<16xi32>
      %gather3A_1621 = tpu.vector_load_idx %arg20[%broadcast_in_dim3A_1620] : memref<408xf32, #tpu.memory_space<vmem>>[vector<16xi32>], vector<16xf32>,
      %mul3A_1622 = arith.mulf %gather3A_1615, %gather3A_1621 : vector<16xf32>
      %add3A_1623 = arith.addf %gather3A_1618, %mul3A_1622 : vector<16xf32>
      %mul3A_1624 = arith.mulf %gather3A_1612, %add3A_1623 : vector<16xf32>
      %add3A_1625 = arith.addf %add3A_1609, %mul3A_1624 : vector<16xf32>
      %broadcast_in_dim3A_1626 = arith.constant 55 : i32
      %broadcast_in_dim3A_1627 = vector.broadcast %broadcast_in_dim3A_1626 : i32 to vector<16xi32>
      %gather3A_1628 = tpu.vector_load_idx %arg20[%broadcast_in_dim3A_1627] : memref<408xf32, #tpu.memory_space<vmem>>[vector<16xi32>], vector<16xf32>,
      %broadcast_in_dim3A_1629 = arith.constant 399 : i32
      %broadcast_in_dim3A_1630 = vector.broadcast %broadcast_in_dim3A_1629 : i32 to vector<16xi32>
      %gather3A_1631 = tpu.vector_load_idx %arg20[%broadcast_in_dim3A_1630] : memref<408xf32, #tpu.memory_space<vmem>>[vector<16xi32>], vector<16xf32>,
      %mul3A_1632 = arith.mulf %get3A_127, %gather3A_1631 : vector<16xf32>
      %add3A_1633 = arith.addf %gather3A_1628, %mul3A_1632 : vector<16xf32>
      %mul3A_1634 = arith.mulf %gather3A_1615, %add3A_1633 : vector<16xf32>
      %add3A_1635 = arith.addf %add3A_1625, %mul3A_1634 : vector<16xf32>
      %broadcast_in_dim3A_1636 = arith.constant 24 : i32
      %broadcast_in_dim3A_1637 = vector.broadcast %broadcast_in_dim3A_1636 : i32 to vector<16xi32>
      %gather3A_1638 = tpu.vector_load_idx %arg23[%iota3A, %broadcast_in_dim3A_1637] : memref<16x32xf32, #tpu.memory_space<vmem>>[vector<16xi32>, vector<16xi32>], vector<16xf32>,
      %broadcast_in_dim3A_1639 = arith.constant 24 : i32
      %broadcast_in_dim3A_1640 = vector.broadcast %broadcast_in_dim3A_1639 : i32 to vector<16xi32>
      %gather3A_1641 = tpu.vector_load_idx %arg24[%iota3A, %broadcast_in_dim3A_1640] : memref<16x32xf32, #tpu.memory_space<vmem>>[vector<16xi32>, vector<16xi32>], vector<16xf32>,
      %broadcast_in_dim3A_1642 = arith.constant 24 : i32
      %broadcast_in_dim3A_1643 = vector.broadcast %broadcast_in_dim3A_1642 : i32 to vector<16xi32>
      %gather3A_1644 = tpu.vector_load_idx %arg20[%broadcast_in_dim3A_1643] : memref<408xf32, #tpu.memory_space<vmem>>[vector<16xi32>], vector<16xf32>,
      %broadcast_in_dim3A_1645 = arith.constant 304 : i32
      %broadcast_in_dim3A_1646 = vector.broadcast %broadcast_in_dim3A_1645 : i32 to vector<16xi32>
      %gather3A_1647 = tpu.vector_load_idx %arg20[%broadcast_in_dim3A_1646] : memref<408xf32, #tpu.memory_space<vmem>>[vector<16xi32>], vector<16xf32>,
      %mul3A_1648 = arith.mulf %gather3A_1641, %gather3A_1647 : vector<16xf32>
      %add3A_1649 = arith.addf %gather3A_1644, %mul3A_1648 : vector<16xf32>
      %mul3A_1650 = arith.mulf %gather3A_1638, %add3A_1649 : vector<16xf32>
      %add3A_1651 = arith.addf %add3A_1635, %mul3A_1650 : vector<16xf32>
      %broadcast_in_dim3A_1652 = arith.constant 56 : i32
      %broadcast_in_dim3A_1653 = vector.broadcast %broadcast_in_dim3A_1652 : i32 to vector<16xi32>
      %gather3A_1654 = tpu.vector_load_idx %arg20[%broadcast_in_dim3A_1653] : memref<408xf32, #tpu.memory_space<vmem>>[vector<16xi32>], vector<16xf32>,
      %broadcast_in_dim3A_1655 = arith.constant 400 : i32
      %broadcast_in_dim3A_1656 = vector.broadcast %broadcast_in_dim3A_1655 : i32 to vector<16xi32>
      %gather3A_1657 = tpu.vector_load_idx %arg20[%broadcast_in_dim3A_1656] : memref<408xf32, #tpu.memory_space<vmem>>[vector<16xi32>], vector<16xf32>,
      %mul3A_1658 = arith.mulf %get3A_127, %gather3A_1657 : vector<16xf32>
      %add3A_1659 = arith.addf %gather3A_1654, %mul3A_1658 : vector<16xf32>
      %mul3A_1660 = arith.mulf %gather3A_1641, %add3A_1659 : vector<16xf32>
      %add3A_1661 = arith.addf %add3A_1651, %mul3A_1660 : vector<16xf32>
      %broadcast_in_dim3A_1662 = arith.constant 25 : i32
      %broadcast_in_dim3A_1663 = vector.broadcast %broadcast_in_dim3A_1662 : i32 to vector<16xi32>
      %gather3A_1664 = tpu.vector_load_idx %arg23[%iota3A, %broadcast_in_dim3A_1663] : memref<16x32xf32, #tpu.memory_space<vmem>>[vector<16xi32>, vector<16xi32>], vector<16xf32>,
      %broadcast_in_dim3A_1665 = arith.constant 25 : i32
      %broadcast_in_dim3A_1666 = vector.broadcast %broadcast_in_dim3A_1665 : i32 to vector<16xi32>
      %gather3A_1667 = tpu.vector_load_idx %arg24[%iota3A, %broadcast_in_dim3A_1666] : memref<16x32xf32, #tpu.memory_space<vmem>>[vector<16xi32>, vector<16xi32>], vector<16xf32>,
      %broadcast_in_dim3A_1668 = arith.constant 25 : i32
      %broadcast_in_dim3A_1669 = vector.broadcast %broadcast_in_dim3A_1668 : i32 to vector<16xi32>
      %gather3A_1670 = tpu.vector_load_idx %arg20[%broadcast_in_dim3A_1669] : memref<408xf32, #tpu.memory_space<vmem>>[vector<16xi32>], vector<16xf32>,
      %broadcast_in_dim3A_1671 = arith.constant 305 : i32
      %broadcast_in_dim3A_1672 = vector.broadcast %broadcast_in_dim3A_1671 : i32 to vector<16xi32>
      %gather3A_1673 = tpu.vector_load_idx %arg20[%broadcast_in_dim3A_1672] : memref<408xf32, #tpu.memory_space<vmem>>[vector<16xi32>], vector<16xf32>,
      %mul3A_1674 = arith.mulf %gather3A_1667, %gather3A_1673 : vector<16xf32>
      %add3A_1675 = arith.addf %gather3A_1670, %mul3A_1674 : vector<16xf32>
      %mul3A_1676 = arith.mulf %gather3A_1664, %add3A_1675 : vector<16xf32>
      %add3A_1677 = arith.addf %add3A_1661, %mul3A_1676 : vector<16xf32>
      %broadcast_in_dim3A_1678 = arith.constant 57 : i32
      %broadcast_in_dim3A_1679 = vector.broadcast %broadcast_in_dim3A_1678 : i32 to vector<16xi32>
      %gather3A_1680 = tpu.vector_load_idx %arg20[%broadcast_in_dim3A_1679] : memref<408xf32, #tpu.memory_space<vmem>>[vector<16xi32>], vector<16xf32>,
      %broadcast_in_dim3A_1681 = arith.constant 401 : i32
      %broadcast_in_dim3A_1682 = vector.broadcast %broadcast_in_dim3A_1681 : i32 to vector<16xi32>
      %gather3A_1683 = tpu.vector_load_idx %arg20[%broadcast_in_dim3A_1682] : memref<408xf32, #tpu.memory_space<vmem>>[vector<16xi32>], vector<16xf32>,
      %mul3A_1684 = arith.mulf %get3A_127, %gather3A_1683 : vector<16xf32>
      %add3A_1685 = arith.addf %gather3A_1680, %mul3A_1684 : vector<16xf32>
      %mul3A_1686 = arith.mulf %gather3A_1667, %add3A_1685 : vector<16xf32>
      %add3A_1687 = arith.addf %add3A_1677, %mul3A_1686 : vector<16xf32>
      %broadcast_in_dim3A_1688 = arith.constant 26 : i32
      %broadcast_in_dim3A_1689 = vector.broadcast %broadcast_in_dim3A_1688 : i32 to vector<16xi32>
      %gather3A_1690 = tpu.vector_load_idx %arg23[%iota3A, %broadcast_in_dim3A_1689] : memref<16x32xf32, #tpu.memory_space<vmem>>[vector<16xi32>, vector<16xi32>], vector<16xf32>,
      %broadcast_in_dim3A_1691 = arith.constant 26 : i32
      %broadcast_in_dim3A_1692 = vector.broadcast %broadcast_in_dim3A_1691 : i32 to vector<16xi32>
      %gather3A_1693 = tpu.vector_load_idx %arg24[%iota3A, %broadcast_in_dim3A_1692] : memref<16x32xf32, #tpu.memory_space<vmem>>[vector<16xi32>, vector<16xi32>], vector<16xf32>,
      %broadcast_in_dim3A_1694 = arith.constant 26 : i32
      %broadcast_in_dim3A_1695 = vector.broadcast %broadcast_in_dim3A_1694 : i32 to vector<16xi32>
      %gather3A_1696 = tpu.vector_load_idx %arg20[%broadcast_in_dim3A_1695] : memref<408xf32, #tpu.memory_space<vmem>>[vector<16xi32>], vector<16xf32>,
      %broadcast_in_dim3A_1697 = arith.constant 306 : i32
      %broadcast_in_dim3A_1698 = vector.broadcast %broadcast_in_dim3A_1697 : i32 to vector<16xi32>
      %gather3A_1699 = tpu.vector_load_idx %arg20[%broadcast_in_dim3A_1698] : memref<408xf32, #tpu.memory_space<vmem>>[vector<16xi32>], vector<16xf32>,
      %mul3A_1700 = arith.mulf %gather3A_1693, %gather3A_1699 : vector<16xf32>
      %add3A_1701 = arith.addf %gather3A_1696, %mul3A_1700 : vector<16xf32>
      %mul3A_1702 = arith.mulf %gather3A_1690, %add3A_1701 : vector<16xf32>
      %add3A_1703 = arith.addf %add3A_1687, %mul3A_1702 : vector<16xf32>
      %broadcast_in_dim3A_1704 = arith.constant 58 : i32
      %broadcast_in_dim3A_1705 = vector.broadcast %broadcast_in_dim3A_1704 : i32 to vector<16xi32>
      %gather3A_1706 = tpu.vector_load_idx %arg20[%broadcast_in_dim3A_1705] : memref<408xf32, #tpu.memory_space<vmem>>[vector<16xi32>], vector<16xf32>,
      %broadcast_in_dim3A_1707 = arith.constant 402 : i32
      %broadcast_in_dim3A_1708 = vector.broadcast %broadcast_in_dim3A_1707 : i32 to vector<16xi32>
      %gather3A_1709 = tpu.vector_load_idx %arg20[%broadcast_in_dim3A_1708] : memref<408xf32, #tpu.memory_space<vmem>>[vector<16xi32>], vector<16xf32>,
      %mul3A_1710 = arith.mulf %get3A_127, %gather3A_1709 : vector<16xf32>
      %add3A_1711 = arith.addf %gather3A_1706, %mul3A_1710 : vector<16xf32>
      %mul3A_1712 = arith.mulf %gather3A_1693, %add3A_1711 : vector<16xf32>
      %add3A_1713 = arith.addf %add3A_1703, %mul3A_1712 : vector<16xf32>
      %broadcast_in_dim3A_1714 = arith.constant 27 : i32
      %broadcast_in_dim3A_1715 = vector.broadcast %broadcast_in_dim3A_1714 : i32 to vector<16xi32>
      %gather3A_1716 = tpu.vector_load_idx %arg23[%iota3A, %broadcast_in_dim3A_1715] : memref<16x32xf32, #tpu.memory_space<vmem>>[vector<16xi32>, vector<16xi32>], vector<16xf32>,
      %broadcast_in_dim3A_1717 = arith.constant 27 : i32
      %broadcast_in_dim3A_1718 = vector.broadcast %broadcast_in_dim3A_1717 : i32 to vector<16xi32>
      %gather3A_1719 = tpu.vector_load_idx %arg24[%iota3A, %broadcast_in_dim3A_1718] : memref<16x32xf32, #tpu.memory_space<vmem>>[vector<16xi32>, vector<16xi32>], vector<16xf32>,
      %broadcast_in_dim3A_1720 = arith.constant 27 : i32
      %broadcast_in_dim3A_1721 = vector.broadcast %broadcast_in_dim3A_1720 : i32 to vector<16xi32>
      %gather3A_1722 = tpu.vector_load_idx %arg20[%broadcast_in_dim3A_1721] : memref<408xf32, #tpu.memory_space<vmem>>[vector<16xi32>], vector<16xf32>,
      %broadcast_in_dim3A_1723 = arith.constant 307 : i32
      %broadcast_in_dim3A_1724 = vector.broadcast %broadcast_in_dim3A_1723 : i32 to vector<16xi32>
      %gather3A_1725 = tpu.vector_load_idx %arg20[%broadcast_in_dim3A_1724] : memref<408xf32, #tpu.memory_space<vmem>>[vector<16xi32>], vector<16xf32>,
      %mul3A_1726 = arith.mulf %gather3A_1719, %gather3A_1725 : vector<16xf32>
      %add3A_1727 = arith.addf %gather3A_1722, %mul3A_1726 : vector<16xf32>
      %mul3A_1728 = arith.mulf %gather3A_1716, %add3A_1727 : vector<16xf32>
      %add3A_1729 = arith.addf %add3A_1713, %mul3A_1728 : vector<16xf32>
      %broadcast_in_dim3A_1730 = arith.constant 59 : i32
      %broadcast_in_dim3A_1731 = vector.broadcast %broadcast_in_dim3A_1730 : i32 to vector<16xi32>
      %gather3A_1732 = tpu.vector_load_idx %arg20[%broadcast_in_dim3A_1731] : memref<408xf32, #tpu.memory_space<vmem>>[vector<16xi32>], vector<16xf32>,
      %broadcast_in_dim3A_1733 = arith.constant 403 : i32
      %broadcast_in_dim3A_1734 = vector.broadcast %broadcast_in_dim3A_1733 : i32 to vector<16xi32>
      %gather3A_1735 = tpu.vector_load_idx %arg20[%broadcast_in_dim3A_1734] : memref<408xf32, #tpu.memory_space<vmem>>[vector<16xi32>], vector<16xf32>,
      %mul3A_1736 = arith.mulf %get3A_127, %gather3A_1735 : vector<16xf32>
      %add3A_1737 = arith.addf %gather3A_1732, %mul3A_1736 : vector<16xf32>
      %mul3A_1738 = arith.mulf %gather3A_1719, %add3A_1737 : vector<16xf32>
      %add3A_1739 = arith.addf %add3A_1729, %mul3A_1738 : vector<16xf32>
      %broadcast_in_dim3A_1740 = arith.constant 28 : i32
      %broadcast_in_dim3A_1741 = vector.broadcast %broadcast_in_dim3A_1740 : i32 to vector<16xi32>
      %gather3A_1742 = tpu.vector_load_idx %arg23[%iota3A, %broadcast_in_dim3A_1741] : memref<16x32xf32, #tpu.memory_space<vmem>>[vector<16xi32>, vector<16xi32>], vector<16xf32>,
      %broadcast_in_dim3A_1743 = arith.constant 28 : i32
      %broadcast_in_dim3A_1744 = vector.broadcast %broadcast_in_dim3A_1743 : i32 to vector<16xi32>
      %gather3A_1745 = tpu.vector_load_idx %arg24[%iota3A, %broadcast_in_dim3A_1744] : memref<16x32xf32, #tpu.memory_space<vmem>>[vector<16xi32>, vector<16xi32>], vector<16xf32>,
      %broadcast_in_dim3A_1746 = arith.constant 28 : i32
      %broadcast_in_dim3A_1747 = vector.broadcast %broadcast_in_dim3A_1746 : i32 to vector<16xi32>
      %gather3A_1748 = tpu.vector_load_idx %arg20[%broadcast_in_dim3A_1747] : memref<408xf32, #tpu.memory_space<vmem>>[vector<16xi32>], vector<16xf32>,
      %broadcast_in_dim3A_1749 = arith.constant 308 : i32
      %broadcast_in_dim3A_1750 = vector.broadcast %broadcast_in_dim3A_1749 : i32 to vector<16xi32>
      %gather3A_1751 = tpu.vector_load_idx %arg20[%broadcast_in_dim3A_1750] : memref<408xf32, #tpu.memory_space<vmem>>[vector<16xi32>], vector<16xf32>,
      %mul3A_1752 = arith.mulf %gather3A_1745, %gather3A_1751 : vector<16xf32>
      %add3A_1753 = arith.addf %gather3A_1748, %mul3A_1752 : vector<16xf32>
      %mul3A_1754 = arith.mulf %gather3A_1742, %add3A_1753 : vector<16xf32>
      %add3A_1755 = arith.addf %add3A_1739, %mul3A_1754 : vector<16xf32>
      %broadcast_in_dim3A_1756 = arith.constant 60 : i32
      %broadcast_in_dim3A_1757 = vector.broadcast %broadcast_in_dim3A_1756 : i32 to vector<16xi32>
      %gather3A_1758 = tpu.vector_load_idx %arg20[%broadcast_in_dim3A_1757] : memref<408xf32, #tpu.memory_space<vmem>>[vector<16xi32>], vector<16xf32>,
      %broadcast_in_dim3A_1759 = arith.constant 404 : i32
      %broadcast_in_dim3A_1760 = vector.broadcast %broadcast_in_dim3A_1759 : i32 to vector<16xi32>
      %gather3A_1761 = tpu.vector_load_idx %arg20[%broadcast_in_dim3A_1760] : memref<408xf32, #tpu.memory_space<vmem>>[vector<16xi32>], vector<16xf32>,
      %mul3A_1762 = arith.mulf %get3A_127, %gather3A_1761 : vector<16xf32>
      %add3A_1763 = arith.addf %gather3A_1758, %mul3A_1762 : vector<16xf32>
      %mul3A_1764 = arith.mulf %gather3A_1745, %add3A_1763 : vector<16xf32>
      %add3A_1765 = arith.addf %add3A_1755, %mul3A_1764 : vector<16xf32>
      %broadcast_in_dim3A_1766 = arith.constant 29 : i32
      %broadcast_in_dim3A_1767 = vector.broadcast %broadcast_in_dim3A_1766 : i32 to vector<16xi32>
      %gather3A_1768 = tpu.vector_load_idx %arg23[%iota3A, %broadcast_in_dim3A_1767] : memref<16x32xf32, #tpu.memory_space<vmem>>[vector<16xi32>, vector<16xi32>], vector<16xf32>,
      %broadcast_in_dim3A_1769 = arith.constant 29 : i32
      %broadcast_in_dim3A_1770 = vector.broadcast %broadcast_in_dim3A_1769 : i32 to vector<16xi32>
      %gather3A_1771 = tpu.vector_load_idx %arg24[%iota3A, %broadcast_in_dim3A_1770] : memref<16x32xf32, #tpu.memory_space<vmem>>[vector<16xi32>, vector<16xi32>], vector<16xf32>,
      %broadcast_in_dim3A_1772 = arith.constant 29 : i32
      %broadcast_in_dim3A_1773 = vector.broadcast %broadcast_in_dim3A_1772 : i32 to vector<16xi32>
      %gather3A_1774 = tpu.vector_load_idx %arg20[%broadcast_in_dim3A_1773] : memref<408xf32, #tpu.memory_space<vmem>>[vector<16xi32>], vector<16xf32>,
      %broadcast_in_dim3A_1775 = arith.constant 309 : i32
      %broadcast_in_dim3A_1776 = vector.broadcast %broadcast_in_dim3A_1775 : i32 to vector<16xi32>
      %gather3A_1777 = tpu.vector_load_idx %arg20[%broadcast_in_dim3A_1776] : memref<408xf32, #tpu.memory_space<vmem>>[vector<16xi32>], vector<16xf32>,
      %mul3A_1778 = arith.mulf %gather3A_1771, %gather3A_1777 : vector<16xf32>
      %add3A_1779 = arith.addf %gather3A_1774, %mul3A_1778 : vector<16xf32>
      %mul3A_1780 = arith.mulf %gather3A_1768, %add3A_1779 : vector<16xf32>
      %add3A_1781 = arith.addf %add3A_1765, %mul3A_1780 : vector<16xf32>
      %broadcast_in_dim3A_1782 = arith.constant 61 : i32
      %broadcast_in_dim3A_1783 = vector.broadcast %broadcast_in_dim3A_1782 : i32 to vector<16xi32>
      %gather3A_1784 = tpu.vector_load_idx %arg20[%broadcast_in_dim3A_1783] : memref<408xf32, #tpu.memory_space<vmem>>[vector<16xi32>], vector<16xf32>,
      %broadcast_in_dim3A_1785 = arith.constant 405 : i32
      %broadcast_in_dim3A_1786 = vector.broadcast %broadcast_in_dim3A_1785 : i32 to vector<16xi32>
      %gather3A_1787 = tpu.vector_load_idx %arg20[%broadcast_in_dim3A_1786] : memref<408xf32, #tpu.memory_space<vmem>>[vector<16xi32>], vector<16xf32>,
      %mul3A_1788 = arith.mulf %get3A_127, %gather3A_1787 : vector<16xf32>
      %add3A_1789 = arith.addf %gather3A_1784, %mul3A_1788 : vector<16xf32>
      %mul3A_1790 = arith.mulf %gather3A_1771, %add3A_1789 : vector<16xf32>
      %add3A_1791 = arith.addf %add3A_1781, %mul3A_1790 : vector<16xf32>
      %broadcast_in_dim3A_1792 = arith.constant 30 : i32
      %broadcast_in_dim3A_1793 = vector.broadcast %broadcast_in_dim3A_1792 : i32 to vector<16xi32>
      %gather3A_1794 = tpu.vector_load_idx %arg23[%iota3A, %broadcast_in_dim3A_1793] : memref<16x32xf32, #tpu.memory_space<vmem>>[vector<16xi32>, vector<16xi32>], vector<16xf32>,
      %broadcast_in_dim3A_1795 = arith.constant 30 : i32
      %broadcast_in_dim3A_1796 = vector.broadcast %broadcast_in_dim3A_1795 : i32 to vector<16xi32>
      %gather3A_1797 = tpu.vector_load_idx %arg24[%iota3A, %broadcast_in_dim3A_1796] : memref<16x32xf32, #tpu.memory_space<vmem>>[vector<16xi32>, vector<16xi32>], vector<16xf32>,
      %broadcast_in_dim3A_1798 = arith.constant 30 : i32
      %broadcast_in_dim3A_1799 = vector.broadcast %broadcast_in_dim3A_1798 : i32 to vector<16xi32>
      %gather3A_1800 = tpu.vector_load_idx %arg20[%broadcast_in_dim3A_1799] : memref<408xf32, #tpu.memory_space<vmem>>[vector<16xi32>], vector<16xf32>,
      %broadcast_in_dim3A_1801 = arith.constant 310 : i32
      %broadcast_in_dim3A_1802 = vector.broadcast %broadcast_in_dim3A_1801 : i32 to vector<16xi32>
      %gather3A_1803 = tpu.vector_load_idx %arg20[%broadcast_in_dim3A_1802] : memref<408xf32, #tpu.memory_space<vmem>>[vector<16xi32>], vector<16xf32>,
      %mul3A_1804 = arith.mulf %gather3A_1797, %gather3A_1803 : vector<16xf32>
      %add3A_1805 = arith.addf %gather3A_1800, %mul3A_1804 : vector<16xf32>
      %mul3A_1806 = arith.mulf %gather3A_1794, %add3A_1805 : vector<16xf32>
      %add3A_1807 = arith.addf %add3A_1791, %mul3A_1806 : vector<16xf32>
      %broadcast_in_dim3A_1808 = arith.constant 62 : i32
      %broadcast_in_dim3A_1809 = vector.broadcast %broadcast_in_dim3A_1808 : i32 to vector<16xi32>
      %gather3A_1810 = tpu.vector_load_idx %arg20[%broadcast_in_dim3A_1809] : memref<408xf32, #tpu.memory_space<vmem>>[vector<16xi32>], vector<16xf32>,
      %broadcast_in_dim3A_1811 = arith.constant 406 : i32
      %broadcast_in_dim3A_1812 = vector.broadcast %broadcast_in_dim3A_1811 : i32 to vector<16xi32>
      %gather3A_1813 = tpu.vector_load_idx %arg20[%broadcast_in_dim3A_1812] : memref<408xf32, #tpu.memory_space<vmem>>[vector<16xi32>], vector<16xf32>,
      %mul3A_1814 = arith.mulf %get3A_127, %gather3A_1813 : vector<16xf32>
      %add3A_1815 = arith.addf %gather3A_1810, %mul3A_1814 : vector<16xf32>
      %mul3A_1816 = arith.mulf %gather3A_1797, %add3A_1815 : vector<16xf32>
      %add3A_1817 = arith.addf %add3A_1807, %mul3A_1816 : vector<16xf32>
      %broadcast_in_dim3A_1818 = arith.constant 31 : i32
      %broadcast_in_dim3A_1819 = vector.broadcast %broadcast_in_dim3A_1818 : i32 to vector<16xi32>
      %gather3A_1820 = tpu.vector_load_idx %arg23[%iota3A, %broadcast_in_dim3A_1819] : memref<16x32xf32, #tpu.memory_space<vmem>>[vector<16xi32>, vector<16xi32>], vector<16xf32>,
      %broadcast_in_dim3A_1821 = arith.constant 31 : i32
      %broadcast_in_dim3A_1822 = vector.broadcast %broadcast_in_dim3A_1821 : i32 to vector<16xi32>
      %gather3A_1823 = tpu.vector_load_idx %arg24[%iota3A, %broadcast_in_dim3A_1822] : memref<16x32xf32, #tpu.memory_space<vmem>>[vector<16xi32>, vector<16xi32>], vector<16xf32>,
      %broadcast_in_dim3A_1824 = arith.constant 31 : i32
      %broadcast_in_dim3A_1825 = vector.broadcast %broadcast_in_dim3A_1824 : i32 to vector<16xi32>
      %gather3A_1826 = tpu.vector_load_idx %arg20[%broadcast_in_dim3A_1825] : memref<408xf32, #tpu.memory_space<vmem>>[vector<16xi32>], vector<16xf32>,
      %broadcast_in_dim3A_1827 = arith.constant 311 : i32
      %broadcast_in_dim3A_1828 = vector.broadcast %broadcast_in_dim3A_1827 : i32 to vector<16xi32>
      %gather3A_1829 = tpu.vector_load_idx %arg20[%broadcast_in_dim3A_1828] : memref<408xf32, #tpu.memory_space<vmem>>[vector<16xi32>], vector<16xf32>,
      %mul3A_1830 = arith.mulf %gather3A_1823, %gather3A_1829 : vector<16xf32>
      %add3A_1831 = arith.addf %gather3A_1826, %mul3A_1830 : vector<16xf32>
      %mul3A_1832 = arith.mulf %gather3A_1820, %add3A_1831 : vector<16xf32>
      %add3A_1833 = arith.addf %add3A_1817, %mul3A_1832 : vector<16xf32>
      %broadcast_in_dim3A_1834 = arith.constant 63 : i32
      %broadcast_in_dim3A_1835 = vector.broadcast %broadcast_in_dim3A_1834 : i32 to vector<16xi32>
      %gather3A_1836 = tpu.vector_load_idx %arg20[%broadcast_in_dim3A_1835] : memref<408xf32, #tpu.memory_space<vmem>>[vector<16xi32>], vector<16xf32>,
      %broadcast_in_dim3A_1837 = arith.constant 407 : i32
      %broadcast_in_dim3A_1838 = vector.broadcast %broadcast_in_dim3A_1837 : i32 to vector<16xi32>
      %gather3A_1839 = tpu.vector_load_idx %arg20[%broadcast_in_dim3A_1838] : memref<408xf32, #tpu.memory_space<vmem>>[vector<16xi32>], vector<16xf32>,
      %mul3A_1840 = arith.mulf %get3A_127, %gather3A_1839 : vector<16xf32>
      %add3A_1841 = arith.addf %gather3A_1836, %mul3A_1840 : vector<16xf32>
      %mul3A_1842 = arith.mulf %gather3A_1823, %add3A_1841 : vector<16xf32>
      %add3A_1843 = arith.addf %add3A_1833, %mul3A_1842 : vector<16xf32>
      %broadcast_in_dim3A_1844 = arith.constant 0 : i32
      %broadcast_in_dim3A_1845 = vector.broadcast %broadcast_in_dim3A_1844 : i32 to vector<16xi32>
      %gather3A_1846 = tpu.vector_load_idx %arg31[%iota3A, %broadcast_in_dim3A_1845] : memref<16x32xf32, #tpu.memory_space<vmem>>[vector<16xi32>, vector<16xi32>], vector<16xf32>,
      %broadcast_in_dim3A_1847 = arith.constant 130 : i32
      %broadcast_in_dim3A_1848 = vector.broadcast %broadcast_in_dim3A_1847 : i32 to vector<16xi32>
      %gather3A_1849 = tpu.vector_load_idx %arg20[%broadcast_in_dim3A_1848] : memref<408xf32, #tpu.memory_space<vmem>>[vector<16xi32>], vector<16xf32>,
      %mul3A_1850 = arith.mulf %gather3A_1846, %gather3A_1849 : vector<16xf32>
      %add3A_1851 = arith.addf %add3A_1843, %mul3A_1850 : vector<16xf32>
      %broadcast_in_dim3A_1852 = arith.constant 1 : i32
      %broadcast_in_dim3A_1853 = vector.broadcast %broadcast_in_dim3A_1852 : i32 to vector<16xi32>
      %gather3A_1854 = tpu.vector_load_idx %arg31[%iota3A, %broadcast_in_dim3A_1853] : memref<16x32xf32, #tpu.memory_space<vmem>>[vector<16xi32>, vector<16xi32>], vector<16xf32>,
      %broadcast_in_dim3A_1855 = arith.constant 131 : i32
      %broadcast_in_dim3A_1856 = vector.broadcast %broadcast_in_dim3A_1855 : i32 to vector<16xi32>
      %gather3A_1857 = tpu.vector_load_idx %arg20[%broadcast_in_dim3A_1856] : memref<408xf32, #tpu.memory_space<vmem>>[vector<16xi32>], vector<16xf32>,
      %mul3A_1858 = arith.mulf %gather3A_1854, %gather3A_1857 : vector<16xf32>
      %add3A_1859 = arith.addf %add3A_1851, %mul3A_1858 : vector<16xf32>
      %broadcast_in_dim3A_1860 = arith.constant 2 : i32
      %broadcast_in_dim3A_1861 = vector.broadcast %broadcast_in_dim3A_1860 : i32 to vector<16xi32>
      %gather3A_1862 = tpu.vector_load_idx %arg31[%iota3A, %broadcast_in_dim3A_1861] : memref<16x32xf32, #tpu.memory_space<vmem>>[vector<16xi32>, vector<16xi32>], vector<16xf32>,
      %broadcast_in_dim3A_1863 = arith.constant 132 : i32
      %broadcast_in_dim3A_1864 = vector.broadcast %broadcast_in_dim3A_1863 : i32 to vector<16xi32>
      %gather3A_1865 = tpu.vector_load_idx %arg20[%broadcast_in_dim3A_1864] : memref<408xf32, #tpu.memory_space<vmem>>[vector<16xi32>], vector<16xf32>,
      %mul3A_1866 = arith.mulf %gather3A_1862, %gather3A_1865 : vector<16xf32>
      %add3A_1867 = arith.addf %add3A_1859, %mul3A_1866 : vector<16xf32>
      %broadcast_in_dim3A_1868 = arith.constant 3 : i32
      %broadcast_in_dim3A_1869 = vector.broadcast %broadcast_in_dim3A_1868 : i32 to vector<16xi32>
      %gather3A_1870 = tpu.vector_load_idx %arg31[%iota3A, %broadcast_in_dim3A_1869] : memref<16x32xf32, #tpu.memory_space<vmem>>[vector<16xi32>, vector<16xi32>], vector<16xf32>,
      %broadcast_in_dim3A_1871 = arith.constant 133 : i32
      %broadcast_in_dim3A_1872 = vector.broadcast %broadcast_in_dim3A_1871 : i32 to vector<16xi32>
      %gather3A_1873 = tpu.vector_load_idx %arg20[%broadcast_in_dim3A_1872] : memref<408xf32, #tpu.memory_space<vmem>>[vector<16xi32>], vector<16xf32>,
      %mul3A_1874 = arith.mulf %gather3A_1870, %gather3A_1873 : vector<16xf32>
      %add3A_1875 = arith.addf %add3A_1867, %mul3A_1874 : vector<16xf32>
      %broadcast_in_dim3A_1876 = arith.constant 4 : i32
      %broadcast_in_dim3A_1877 = vector.broadcast %broadcast_in_dim3A_1876 : i32 to vector<16xi32>
      %gather3A_1878 = tpu.vector_load_idx %arg31[%iota3A, %broadcast_in_dim3A_1877] : memref<16x32xf32, #tpu.memory_space<vmem>>[vector<16xi32>, vector<16xi32>], vector<16xf32>,
      %broadcast_in_dim3A_1879 = arith.constant 134 : i32
      %broadcast_in_dim3A_1880 = vector.broadcast %broadcast_in_dim3A_1879 : i32 to vector<16xi32>
      %gather3A_1881 = tpu.vector_load_idx %arg20[%broadcast_in_dim3A_1880] : memref<408xf32, #tpu.memory_space<vmem>>[vector<16xi32>], vector<16xf32>,
      %mul3A_1882 = arith.mulf %gather3A_1878, %gather3A_1881 : vector<16xf32>
      %add3A_1883 = arith.addf %add3A_1875, %mul3A_1882 : vector<16xf32>
      %broadcast_in_dim3A_1884 = arith.constant 5 : i32
      %broadcast_in_dim3A_1885 = vector.broadcast %broadcast_in_dim3A_1884 : i32 to vector<16xi32>
      %gather3A_1886 = tpu.vector_load_idx %arg31[%iota3A, %broadcast_in_dim3A_1885] : memref<16x32xf32, #tpu.memory_space<vmem>>[vector<16xi32>, vector<16xi32>], vector<16xf32>,
      %broadcast_in_dim3A_1887 = arith.constant 135 : i32
      %broadcast_in_dim3A_1888 = vector.broadcast %broadcast_in_dim3A_1887 : i32 to vector<16xi32>
      %gather3A_1889 = tpu.vector_load_idx %arg20[%broadcast_in_dim3A_1888] : memref<408xf32, #tpu.memory_space<vmem>>[vector<16xi32>], vector<16xf32>,
      %mul3A_1890 = arith.mulf %gather3A_1886, %gather3A_1889 : vector<16xf32>
      %add3A_1891 = arith.addf %add3A_1883, %mul3A_1890 : vector<16xf32>
      %broadcast_in_dim3A_1892 = arith.constant 6 : i32
      %broadcast_in_dim3A_1893 = vector.broadcast %broadcast_in_dim3A_1892 : i32 to vector<16xi32>
      %gather3A_1894 = tpu.vector_load_idx %arg31[%iota3A, %broadcast_in_dim3A_1893] : memref<16x32xf32, #tpu.memory_space<vmem>>[vector<16xi32>, vector<16xi32>], vector<16xf32>,
      %broadcast_in_dim3A_1895 = arith.constant 136 : i32
      %broadcast_in_dim3A_1896 = vector.broadcast %broadcast_in_dim3A_1895 : i32 to vector<16xi32>
      %gather3A_1897 = tpu.vector_load_idx %arg20[%broadcast_in_dim3A_1896] : memref<408xf32, #tpu.memory_space<vmem>>[vector<16xi32>], vector<16xf32>,
      %mul3A_1898 = arith.mulf %gather3A_1894, %gather3A_1897 : vector<16xf32>
      %add3A_1899 = arith.addf %add3A_1891, %mul3A_1898 : vector<16xf32>
      %broadcast_in_dim3A_1900 = arith.constant 7 : i32
      %broadcast_in_dim3A_1901 = vector.broadcast %broadcast_in_dim3A_1900 : i32 to vector<16xi32>
      %gather3A_1902 = tpu.vector_load_idx %arg31[%iota3A, %broadcast_in_dim3A_1901] : memref<16x32xf32, #tpu.memory_space<vmem>>[vector<16xi32>, vector<16xi32>], vector<16xf32>,
      %broadcast_in_dim3A_1903 = arith.constant 137 : i32
      %broadcast_in_dim3A_1904 = vector.broadcast %broadcast_in_dim3A_1903 : i32 to vector<16xi32>
      %gather3A_1905 = tpu.vector_load_idx %arg20[%broadcast_in_dim3A_1904] : memref<408xf32, #tpu.memory_space<vmem>>[vector<16xi32>], vector<16xf32>,
      %mul3A_1906 = arith.mulf %gather3A_1902, %gather3A_1905 : vector<16xf32>
      %add3A_1907 = arith.addf %add3A_1899, %mul3A_1906 : vector<16xf32>
      %broadcast_in_dim3A_1908 = arith.constant 8 : i32
      %broadcast_in_dim3A_1909 = vector.broadcast %broadcast_in_dim3A_1908 : i32 to vector<16xi32>
      %gather3A_1910 = tpu.vector_load_idx %arg31[%iota3A, %broadcast_in_dim3A_1909] : memref<16x32xf32, #tpu.memory_space<vmem>>[vector<16xi32>, vector<16xi32>], vector<16xf32>,
      %broadcast_in_dim3A_1911 = arith.constant 138 : i32
      %broadcast_in_dim3A_1912 = vector.broadcast %broadcast_in_dim3A_1911 : i32 to vector<16xi32>
      %gather3A_1913 = tpu.vector_load_idx %arg20[%broadcast_in_dim3A_1912] : memref<408xf32, #tpu.memory_space<vmem>>[vector<16xi32>], vector<16xf32>,
      %mul3A_1914 = arith.mulf %gather3A_1910, %gather3A_1913 : vector<16xf32>
      %add3A_1915 = arith.addf %add3A_1907, %mul3A_1914 : vector<16xf32>
      %broadcast_in_dim3A_1916 = arith.constant 9 : i32
      %broadcast_in_dim3A_1917 = vector.broadcast %broadcast_in_dim3A_1916 : i32 to vector<16xi32>
      %gather3A_1918 = tpu.vector_load_idx %arg31[%iota3A, %broadcast_in_dim3A_1917] : memref<16x32xf32, #tpu.memory_space<vmem>>[vector<16xi32>, vector<16xi32>], vector<16xf32>,
      %broadcast_in_dim3A_1919 = arith.constant 139 : i32
      %broadcast_in_dim3A_1920 = vector.broadcast %broadcast_in_dim3A_1919 : i32 to vector<16xi32>
      %gather3A_1921 = tpu.vector_load_idx %arg20[%broadcast_in_dim3A_1920] : memref<408xf32, #tpu.memory_space<vmem>>[vector<16xi32>], vector<16xf32>,
      %mul3A_1922 = arith.mulf %gather3A_1918, %gather3A_1921 : vector<16xf32>
      %add3A_1923 = arith.addf %add3A_1915, %mul3A_1922 : vector<16xf32>
      %broadcast_in_dim3A_1924 = arith.constant 10 : i32
      %broadcast_in_dim3A_1925 = vector.broadcast %broadcast_in_dim3A_1924 : i32 to vector<16xi32>
      %gather3A_1926 = tpu.vector_load_idx %arg31[%iota3A, %broadcast_in_dim3A_1925] : memref<16x32xf32, #tpu.memory_space<vmem>>[vector<16xi32>, vector<16xi32>], vector<16xf32>,
      %broadcast_in_dim3A_1927 = arith.constant 140 : i32
      %broadcast_in_dim3A_1928 = vector.broadcast %broadcast_in_dim3A_1927 : i32 to vector<16xi32>
      %gather3A_1929 = tpu.vector_load_idx %arg20[%broadcast_in_dim3A_1928] : memref<408xf32, #tpu.memory_space<vmem>>[vector<16xi32>], vector<16xf32>,
      %mul3A_1930 = arith.mulf %gather3A_1926, %gather3A_1929 : vector<16xf32>
      %add3A_1931 = arith.addf %add3A_1923, %mul3A_1930 : vector<16xf32>
      %broadcast_in_dim3A_1932 = arith.constant 11 : i32
      %broadcast_in_dim3A_1933 = vector.broadcast %broadcast_in_dim3A_1932 : i32 to vector<16xi32>
      %gather3A_1934 = tpu.vector_load_idx %arg31[%iota3A, %broadcast_in_dim3A_1933] : memref<16x32xf32, #tpu.memory_space<vmem>>[vector<16xi32>, vector<16xi32>], vector<16xf32>,
      %broadcast_in_dim3A_1935 = arith.constant 141 : i32
      %broadcast_in_dim3A_1936 = vector.broadcast %broadcast_in_dim3A_1935 : i32 to vector<16xi32>
      %gather3A_1937 = tpu.vector_load_idx %arg20[%broadcast_in_dim3A_1936] : memref<408xf32, #tpu.memory_space<vmem>>[vector<16xi32>], vector<16xf32>,
      %mul3A_1938 = arith.mulf %gather3A_1934, %gather3A_1937 : vector<16xf32>
      %add3A_1939 = arith.addf %add3A_1931, %mul3A_1938 : vector<16xf32>
      %broadcast_in_dim3A_1940 = arith.constant 12 : i32
      %broadcast_in_dim3A_1941 = vector.broadcast %broadcast_in_dim3A_1940 : i32 to vector<16xi32>
      %gather3A_1942 = tpu.vector_load_idx %arg31[%iota3A, %broadcast_in_dim3A_1941] : memref<16x32xf32, #tpu.memory_space<vmem>>[vector<16xi32>, vector<16xi32>], vector<16xf32>,
      %broadcast_in_dim3A_1943 = arith.constant 142 : i32
      %broadcast_in_dim3A_1944 = vector.broadcast %broadcast_in_dim3A_1943 : i32 to vector<16xi32>
      %gather3A_1945 = tpu.vector_load_idx %arg20[%broadcast_in_dim3A_1944] : memref<408xf32, #tpu.memory_space<vmem>>[vector<16xi32>], vector<16xf32>,
      %mul3A_1946 = arith.mulf %gather3A_1942, %gather3A_1945 : vector<16xf32>
      %add3A_1947 = arith.addf %add3A_1939, %mul3A_1946 : vector<16xf32>
      %broadcast_in_dim3A_1948 = arith.constant 13 : i32
      %broadcast_in_dim3A_1949 = vector.broadcast %broadcast_in_dim3A_1948 : i32 to vector<16xi32>
      %gather3A_1950 = tpu.vector_load_idx %arg31[%iota3A, %broadcast_in_dim3A_1949] : memref<16x32xf32, #tpu.memory_space<vmem>>[vector<16xi32>, vector<16xi32>], vector<16xf32>,
      %broadcast_in_dim3A_1951 = arith.constant 143 : i32
      %broadcast_in_dim3A_1952 = vector.broadcast %broadcast_in_dim3A_1951 : i32 to vector<16xi32>
      %gather3A_1953 = tpu.vector_load_idx %arg20[%broadcast_in_dim3A_1952] : memref<408xf32, #tpu.memory_space<vmem>>[vector<16xi32>], vector<16xf32>,
      %mul3A_1954 = arith.mulf %gather3A_1950, %gather3A_1953 : vector<16xf32>
      %add3A_1955 = arith.addf %add3A_1947, %mul3A_1954 : vector<16xf32>
      %broadcast_in_dim3A_1956 = arith.constant 14 : i32
      %broadcast_in_dim3A_1957 = vector.broadcast %broadcast_in_dim3A_1956 : i32 to vector<16xi32>
      %gather3A_1958 = tpu.vector_load_idx %arg31[%iota3A, %broadcast_in_dim3A_1957] : memref<16x32xf32, #tpu.memory_space<vmem>>[vector<16xi32>, vector<16xi32>], vector<16xf32>,
      %broadcast_in_dim3A_1959 = arith.constant 144 : i32
      %broadcast_in_dim3A_1960 = vector.broadcast %broadcast_in_dim3A_1959 : i32 to vector<16xi32>
      %gather3A_1961 = tpu.vector_load_idx %arg20[%broadcast_in_dim3A_1960] : memref<408xf32, #tpu.memory_space<vmem>>[vector<16xi32>], vector<16xf32>,
      %mul3A_1962 = arith.mulf %gather3A_1958, %gather3A_1961 : vector<16xf32>
      %add3A_1963 = arith.addf %add3A_1955, %mul3A_1962 : vector<16xf32>
      %broadcast_in_dim3A_1964 = arith.constant 15 : i32
      %broadcast_in_dim3A_1965 = vector.broadcast %broadcast_in_dim3A_1964 : i32 to vector<16xi32>
      %gather3A_1966 = tpu.vector_load_idx %arg31[%iota3A, %broadcast_in_dim3A_1965] : memref<16x32xf32, #tpu.memory_space<vmem>>[vector<16xi32>, vector<16xi32>], vector<16xf32>,
      %broadcast_in_dim3A_1967 = arith.constant 145 : i32
      %broadcast_in_dim3A_1968 = vector.broadcast %broadcast_in_dim3A_1967 : i32 to vector<16xi32>
      %gather3A_1969 = tpu.vector_load_idx %arg20[%broadcast_in_dim3A_1968] : memref<408xf32, #tpu.memory_space<vmem>>[vector<16xi32>], vector<16xf32>,
      %mul3A_1970 = arith.mulf %gather3A_1966, %gather3A_1969 : vector<16xf32>
      %add3A_1971 = arith.addf %add3A_1963, %mul3A_1970 : vector<16xf32>
      %broadcast_in_dim3A_1972 = arith.constant 16 : i32
      %broadcast_in_dim3A_1973 = vector.broadcast %broadcast_in_dim3A_1972 : i32 to vector<16xi32>
      %gather3A_1974 = tpu.vector_load_idx %arg31[%iota3A, %broadcast_in_dim3A_1973] : memref<16x32xf32, #tpu.memory_space<vmem>>[vector<16xi32>, vector<16xi32>], vector<16xf32>,
      %broadcast_in_dim3A_1975 = arith.constant 146 : i32
      %broadcast_in_dim3A_1976 = vector.broadcast %broadcast_in_dim3A_1975 : i32 to vector<16xi32>
      %gather3A_1977 = tpu.vector_load_idx %arg20[%broadcast_in_dim3A_1976] : memref<408xf32, #tpu.memory_space<vmem>>[vector<16xi32>], vector<16xf32>,
      %mul3A_1978 = arith.mulf %gather3A_1974, %gather3A_1977 : vector<16xf32>
      %add3A_1979 = arith.addf %add3A_1971, %mul3A_1978 : vector<16xf32>
      %broadcast_in_dim3A_1980 = arith.constant 17 : i32
      %broadcast_in_dim3A_1981 = vector.broadcast %broadcast_in_dim3A_1980 : i32 to vector<16xi32>
      %gather3A_1982 = tpu.vector_load_idx %arg31[%iota3A, %broadcast_in_dim3A_1981] : memref<16x32xf32, #tpu.memory_space<vmem>>[vector<16xi32>, vector<16xi32>], vector<16xf32>,
      %broadcast_in_dim3A_1983 = arith.constant 147 : i32
      %broadcast_in_dim3A_1984 = vector.broadcast %broadcast_in_dim3A_1983 : i32 to vector<16xi32>
      %gather3A_1985 = tpu.vector_load_idx %arg20[%broadcast_in_dim3A_1984] : memref<408xf32, #tpu.memory_space<vmem>>[vector<16xi32>], vector<16xf32>,
      %mul3A_1986 = arith.mulf %gather3A_1982, %gather3A_1985 : vector<16xf32>
      %add3A_1987 = arith.addf %add3A_1979, %mul3A_1986 : vector<16xf32>
      %broadcast_in_dim3A_1988 = arith.constant 18 : i32
      %broadcast_in_dim3A_1989 = vector.broadcast %broadcast_in_dim3A_1988 : i32 to vector<16xi32>
      %gather3A_1990 = tpu.vector_load_idx %arg31[%iota3A, %broadcast_in_dim3A_1989] : memref<16x32xf32, #tpu.memory_space<vmem>>[vector<16xi32>, vector<16xi32>], vector<16xf32>,
      %broadcast_in_dim3A_1991 = arith.constant 148 : i32
      %broadcast_in_dim3A_1992 = vector.broadcast %broadcast_in_dim3A_1991 : i32 to vector<16xi32>
      %gather3A_1993 = tpu.vector_load_idx %arg20[%broadcast_in_dim3A_1992] : memref<408xf32, #tpu.memory_space<vmem>>[vector<16xi32>], vector<16xf32>,
      %mul3A_1994 = arith.mulf %gather3A_1990, %gather3A_1993 : vector<16xf32>
      %add3A_1995 = arith.addf %add3A_1987, %mul3A_1994 : vector<16xf32>
      %broadcast_in_dim3A_1996 = arith.constant 19 : i32
      %broadcast_in_dim3A_1997 = vector.broadcast %broadcast_in_dim3A_1996 : i32 to vector<16xi32>
      %gather3A_1998 = tpu.vector_load_idx %arg31[%iota3A, %broadcast_in_dim3A_1997] : memref<16x32xf32, #tpu.memory_space<vmem>>[vector<16xi32>, vector<16xi32>], vector<16xf32>,
      %broadcast_in_dim3A_1999 = arith.constant 149 : i32
      %broadcast_in_dim3A_2000 = vector.broadcast %broadcast_in_dim3A_1999 : i32 to vector<16xi32>
      %gather3A_2001 = tpu.vector_load_idx %arg20[%broadcast_in_dim3A_2000] : memref<408xf32, #tpu.memory_space<vmem>>[vector<16xi32>], vector<16xf32>,
      %mul3A_2002 = arith.mulf %gather3A_1998, %gather3A_2001 : vector<16xf32>
      %add3A_2003 = arith.addf %add3A_1995, %mul3A_2002 : vector<16xf32>
      %scan3A_2004 = arith.constant 0 : i32
      %scan3A_2005 = arith.constant 128 : i32
      %scan3A_2006 = arith.addi %scan3A_2004, %scan3A_2005 : i32
      %scan3A_2007 = arith.constant 1 : i32
      %scan3A_2008 = scf.for %scan3A_2032 = %scan3A_2004 to %scan3A_2006 step %scan3A_2007 iter_args(%scan3A_2033 = %add3A_2003) -> (vector<16xf32>)  : i32 {
        %broadcast_in_dim3A_2034 = vector.broadcast %scan3A_2032 : i32 to vector<16xi32>
        %gather3A_2035 = tpu.vector_load_idx %arg32[%iota3A, %broadcast_in_dim3A_2034] : memref<16x128xf32, #tpu.memory_space<vmem>>[vector<16xi32>, vector<16xi32>], vector<16xf32>,
        %add3A_2036 = arith.constant 152 : i32
        %add3A_2037 = vector.broadcast %add3A_2036 : i32 to vector<16xi32>
        %add3A_2038 = arith.addi %broadcast_in_dim3A_2034, %add3A_2037 : vector<16xi32>
        %gather3A_2039 = tpu.vector_load_idx %arg20[%add3A_2038] : memref<408xf32, #tpu.memory_space<vmem>>[vector<16xi32>], vector<16xf32>,
        %mul3A_2040 = arith.mulf %gather3A_2035, %gather3A_2039 : vector<16xf32>
        %add3A_2041 = arith.addf %scan3A_2033, %mul3A_2040 : vector<16xf32>
        scf.yield %add3A_2041 : vector<16xf32>
      }
      %scan3A_2009 = arith.constant 128 : i32
      %broadcast_in_dim3A_2010 = arith.constant 0 : i32
      %broadcast_in_dim3A_2011 = vector.broadcast %broadcast_in_dim3A_2010 : i32 to vector<16xi32>
      %gather3A_2012 = tpu.vector_load_idx %arg33[%iota3A, %broadcast_in_dim3A_2011] : memref<16x16xf32, #tpu.memory_space<vmem>>[vector<16xi32>, vector<16xi32>], vector<16xf32>,
      %broadcast_in_dim3A_2013 = arith.constant 150 : i32
      %broadcast_in_dim3A_2014 = vector.broadcast %broadcast_in_dim3A_2013 : i32 to vector<16xi32>
      %gather3A_2015 = tpu.vector_load_idx %arg20[%broadcast_in_dim3A_2014] : memref<408xf32, #tpu.memory_space<vmem>>[vector<16xi32>], vector<16xf32>,
      %mul3A_2016 = arith.mulf %gather3A_2012, %gather3A_2015 : vector<16xf32>
      %add3A_2017 = arith.addf %scan3A_2008, %mul3A_2016 : vector<16xf32>
      %broadcast_in_dim3A_2018 = arith.constant 151 : i32
      %broadcast_in_dim3A_2019 = vector.broadcast %broadcast_in_dim3A_2018 : i32 to vector<16xi32>
      %gather3A_2020 = tpu.vector_load_idx %arg20[%broadcast_in_dim3A_2019] : memref<408xf32, #tpu.memory_space<vmem>>[vector<16xi32>], vector<16xf32>,
      %mul3A_2021 = arith.mulf %get3A_127, %gather3A_2020 : vector<16xf32>
      %add3A_2022 = arith.addf %add3A_2017, %mul3A_2021 : vector<16xf32>
      %neg3A = arith.constant 0.000000e+00 : f32
      %neg3A_2023 = vector.broadcast %neg3A : f32 to vector<16xf32>
      %neg3A_2024 = arith.subf %neg3A_2023, %add3A_2022 : vector<16xf32>
      %exp3A = math.exp %neg3A_2024 : vector<16xf32>
      %add3A_2025 = arith.constant 1.000000e+00 : f32
      %add3A_2026 = vector.broadcast %add3A_2025 : f32 to vector<16xf32>
      %add3A_2027 = arith.addf %add3A_2026, %exp3A : vector<16xf32>
      %div3A_2028 = arith.constant 1.000000e+00 : f32
      %div3A_2029 = vector.broadcast %div3A_2028 : f32 to vector<16xf32>
      %div3A_2030 = arith.divf %div3A_2029, %add3A_2027 : vector<16xf32>
      %swap3A = arith.index_cast %mul3A_14 : i32 to index
      %swap3A_2031 = tpu.vector_load %arg22[%swap3A] {strides = array<i32>} : memref<512xf32, #tpu.memory_space<vmem>>, vector<16xf32>,
      tpu.vector_store %arg22[%swap3A], %div3A_2030 {strides = array<i32>} : memref<512xf32, #tpu.memory_space<vmem>>, vector<16xf32>,
    }
    %scan3A_11 = arith.constant 32 : i32
    "tpu.region"() ({
      %run_scoped3A = tpu.sem_alloc : memref<!tpu.dma_semaphore, #tpu.memory_space<semaphore_mem>>
      %dma_start3A = tpu.memref_slice %arg16[%mul3A_2] : memref<16384xf32, #tpu.memory_space<hbm>> -> memref<512xf32, #tpu.memory_space<hbm>>
      %dma_start3A_12 = tpu.memref_slice %arg16[%mul3A_2] : memref<16384xf32, #tpu.memory_space<hbm>> -> memref<512xf32, #tpu.memory_space<hbm>>
      tpu.enqueue_dma source(%arg22 : memref<512xf32, #tpu.memory_space<vmem>>) target(%dma_start3A_12 : memref<512xf32, #tpu.memory_space<hbm>>) target_semaphore(%run_scoped3A : memref<!tpu.dma_semaphore, #tpu.memory_space<semaphore_mem>>)
      %dma_wait3A = tpu.memref_slice %arg16[%mul3A_2] : memref<16384xf32, #tpu.memory_space<hbm>> -> memref<512xf32, #tpu.memory_space<hbm>>
      %dma_wait3A_13 = tpu.memref_slice %arg16[%mul3A_2] : memref<16384xf32, #tpu.memory_space<hbm>> -> memref<512xf32, #tpu.memory_space<hbm>>
      tpu.wait_dma2 semaphore(%run_scoped3A : memref<!tpu.dma_semaphore, #tpu.memory_space<semaphore_mem>>) src(%arg22 : memref<512xf32, #tpu.memory_space<vmem>>) dst(%dma_wait3A_13 : memref<512xf32, #tpu.memory_space<hbm>>)
      tpu.yield
    }) : () -> ()
    return
  }
}

</mosaic_0001>

<sc_bundles>
// kernel: kernel.3.cloned.1.call-start
scs
__scs_entry_jumppad:
0x0: {  	(pc) =	sbr.rel $0x88, $3  }
0x1: {  	(tag) =	ssettag $0x0;
	lr =	simm.s32 $0x1  }
0x2: {  	[smem:$0x3F93] =	sst lr;
	_ =	strace $0xD0000000  }
0x3: {  	_ = 	snop  }
0x4: {  	_ = 	snop  }
0x5: {  	_ = 	snop  }
0x6: {  	_ = 	snop  }
0x7: {  	_ = 	snop  }
__scs_overlays_trampoline_lowered:
0x8: {  	[smem:$0x3FA2] =	sst s0  }
0x9: {  	[smem:$0x3FA3] =	sst s1  }
0xa: {  	[smem:$0x3FA4] =	sst s2  }
0xb: {  	[smem:$0x3FA5] =	sst s3  }
0xc: {  	[smem:$0x3FA6] =	sst s4  }
0xd: {  	[smem:$0x3FA7] =	sst s5  }
0xe: {  	[smem:$0x3FA8] =	sst s6  }
0xf: {  	[smem:$0x3FA9] =	sst s7  }
0x10: {  	[smem:$0x3FAA] =	sst s8  }
0x11: {  	[smem:$0x3FAB] =	sst s9;
	s0 =	simm.s32 @!p0 $0x0  }
0x12: {  	s1 =	sld [smem:$0x3F91];
	s0 =	simm.s32 @p0 $0x1  }
0x13: {  	[smem:$0x3FAC] =	sst s0;
	s0 =	simm.s32 @!p1 $0x0  }
0x14: {  	s2 =	sld [smem:$0x3F90];
	s0 =	simm.s32 @p1 $0x1  }
0x15: {  	[smem:$0x3FAD] =	sst s0;
	s0 =	simm.s32 @!p2 $0x0  }
0x16: {  	s3 =	sld [smem:$0x3FDB];
	s0 =	simm.s32 @p2 $0x1  }
0x17: {  	s4 =	simm.s32 $0x1BF5;
	[smem:$0x3FAF] =	sst s0  }
0x18: {  	s0 =	sld [smem:$0x3F92];
	_ =	swait.ge [sflag:s4], $0x0  }
0x19: {  	s7 =	sld [smem:$0x3F93]  }
0x1a: {  	s8 =	sadd.s32 $0xFFFFE003, lr  }
0x1b: {  	s9 =	sadd.s32 $0xFFFFFEF7, lr;
	s5 =	simm.s32 $0xFFFFFFFF;
	p2 =	slt.u32 s8, $0xFFFFF086  }
0x1c: {  	p1 =	slt.u32 s9, $0xF7A;
	s5 =	simm.s32 @!p2 $0x0  }
0x1d: {  	s5 =	simm.s32 @p1 $0x1;
	p0 =	seq.s32 s7, s2  }
0x1e: {  	s7 =	smul.u32 @!p0 $0xF7A, s2;
	p2 =	seq.s32 @!p0 s5, $0x0  }
0x1f: {  	s9 =	smul.u32 $0xF7A, s1;
	s8 =	simm.s32 @!p0 $0x1BF5;
	p2 =	por !p2, p0  }
0x20: {  	[sflag:s8] =	ssyncset.s32 @!p0 $0xFFFFF086;
	s6 =	sadd.s32 @!p0 s3, s7;
	s7 =	simm.s32 @!p0 $0x108  }
0x21: {  	s3 =	sadd.s32 s3, s9;
	s6 =	sadd.s32 @!p0 $0x88, s6;
	s7 =	simm.s32 @p2 $0x1082  }
0x22: {  	[simem:s7], [sflag:s8] =	dma.local @!p0 [hbm:s6], $0xF7A  }
0x23: {  	s9 =	sor.u32 $0xD0000000, s2;
	s6 =	simm.s32 $0x108;
	_ =	swait.ge @!p0 [sflag:s8], $0x0  }
0x24: {  	s3 =	sadd.s32 $0x88, s3;
	s6 =	simm.s32 @!p1 $0x1082;
	[sflag:s4] =	ssyncset.s32 $0xFFFFF086  }
0x25: {  	[simem:s6], [sflag:s4] =	dma.local [hbm:s3], $0xF7A  }
0x26: {  	[smem:$0x3F93] =	sst s1;
	(tag) =	ssettag s2;
	_ =	strace s9  }
0x27: {  	s1 =	sld [smem:$0x3FA3]  }
0x28: {  	s2 =	sld [smem:$0x3FA4]  }
0x29: {  	s4 =	sld [smem:$0x3FA6]  }
0x2a: {  	p0 =	seq.s32 s5, $0x0;
	s5 =	sld [smem:$0x3FA7]  }
0x2b: {  	s6 =	sld [smem:$0x3FA8]  }
0x2c: {  	s7 =	sld [smem:$0x3FA9]  }
0x2d: {  	s3 =	simm.s32 $0x108;
	s8 =	sld [smem:$0x3FAA]  }
0x2e: {  	s3 =	simm.s32 @!p0 $0x1082;
	s9 =	sld [smem:$0x3FAB]  }
0x2f: {  	lr =	sadd.s32 s0, s3;
	s0 =	sld [smem:$0x3FA2]  }
0x30: {  	s3 =	sld [smem:$0x3FA5]  }
0x31: {  	[smem:$0x3FAE] =	sst s10  }
0x32: {  	s10 =	sld [smem:$0x3FAC];
	_ =	sdelay $0x3  }
0x33: {  	p0 =	seq.s32 s10, $0x1;
	s10 =	sld [smem:$0x3FAE];
	_ =	sdelay $0x3  }
0x34: {  	[smem:$0x3FAE] =	sst s10  }
0x35: {  	s10 =	sld [smem:$0x3FAD];
	_ =	sdelay $0x3  }
0x36: {  	p1 =	seq.s32 s10, $0x1;
	s10 =	sld [smem:$0x3FAE];
	_ =	sdelay $0x3  }
0x37: {  	[smem:$0x3FAE] =	sst s10  }
0x38: {  	s10 =	sld [smem:$0x3FAF]  }
0x39: {  	_ = 	snop;
	(pc) =	sbr.ind lr, $3  }
0x3a: {  	_ = 	snop  }
0x3b: {  	_ = 	snop  }
0x3c: {  	p2 =	seq.s32 s10, $0x1;
	s10 =	sld [smem:$0x3FAE]  }
0x3d: {  	_ =	shalt  }
0x3e: {  	_ =	shalt  }
0x3f: {  	_ =	shalt  }
0x40: {  	_ =	shalt  }
0x41: {  	_ =	shalt  }
0x42: {  	_ =	shalt  }
0x43: {  	_ =	shalt  }
0x44: {  	_ =	shalt  }
0x45: {  	_ =	shalt  }
0x46: {  	_ =	shalt  }
0x47: {  	_ =	shalt  }
0x48: {  	_ =	shalt  }
0x49: {  	_ =	shalt  }
0x4a: {  	_ =	shalt  }
0x4b: {  	_ =	shalt  }
0x4c: {  	_ =	shalt  }
0x4d: {  	_ =	shalt  }
0x4e: {  	_ =	shalt  }
0x4f: {  	_ =	shalt  }
0x50: {  	_ =	shalt  }
0x51: {  	_ =	shalt  }
0x52: {  	_ =	shalt  }
0x53: {  	_ =	shalt  }
0x54: {  	_ =	shalt  }
0x55: {  	_ =	shalt  }
0x56: {  	_ =	shalt  }
0x57: {  	_ =	shalt  }
0x58: {  	_ =	shalt  }
0x59: {  	_ =	shalt  }
0x5a: {  	_ =	shalt  }
0x5b: {  	_ =	shalt  }
0x5c: {  	_ =	shalt  }
0x5d: {  	_ =	shalt  }
0x5e: {  	_ =	shalt  }
0x5f: {  	_ =	shalt  }
0x60: {  	_ =	shalt  }
0x61: {  	_ =	shalt  }
0x62: {  	_ =	shalt  }
0x63: {  	_ =	shalt  }
0x64: {  	_ =	shalt  }
0x65: {  	_ =	shalt  }
0x66: {  	_ =	shalt  }
0x67: {  	_ =	shalt  }
0x68: {  	_ =	shalt  }
0x69: {  	_ =	shalt  }
0x6a: {  	_ =	shalt  }
0x6b: {  	_ =	shalt  }
0x6c: {  	_ =	shalt  }
0x6d: {  	_ =	shalt  }
0x6e: {  	_ =	shalt  }
0x6f: {  	_ =	shalt  }
0x70: {  	_ =	shalt  }
0x71: {  	_ =	shalt  }
0x72: {  	_ =	shalt  }
0x73: {  	_ =	shalt  }
0x74: {  	_ =	shalt  }
0x75: {  	_ =	shalt  }
0x76: {  	_ =	shalt  }
0x77: {  	_ =	shalt  }
0x78: {  	_ =	shalt  }
0x79: {  	_ =	shalt  }
0x7a: {  	_ =	shalt  }
0x7b: {  	_ =	shalt  }
0x7c: {  	_ =	shalt  }
0x7d: {  	_ =	shalt  }
0x7e: {  	_ =	shalt  }
0x7f: {  	_ =	shalt  }
0x80: {  	_ =	shalt  }
0x81: {  	_ =	shalt  }
0x82: {  	_ =	shalt  }
0x83: {  	_ =	shalt  }
0x84: {  	_ =	shalt  }
0x85: {  	_ =	shalt  }
0x86: {  	_ =	shalt  }
0x87: {  	_ =	shalt  }
.Lfunc_end0:
.L_simem_size_0:
called_computation_lowered:
.L_overlay_start_0:
0x88: {  	s2 =	sld [smem:$0x3FD9]  }
0x89: {  	s3 =	sld [smem:$0x3FFE];
	_ =	sdelay $0x1  }
0x8a: {  	s1 =	srdreg.scid  }
0x8b: {  	s0 =	sand.u32 $0x1, s1  }
0x8c: {  	s17 =	sshll.u32 s0, $0xA;
	s2 =	sadd.s32 s3, s2  }
0x8d: {  	s2 =	sadd.s32 s2, s17  }
0x8e: {  	[smem:$0x3FBA] =	sst s2  }
0x8f: {  	_ = 	snop  }
0x90: {  	s2 =	sld [smem:$0x3FC9]  }
0x91: {  	s18 =	sld [smem:$0x3FC8]  }
0x92: {  	s4 =	sld [smem:$0x3FC7]  }
0x93: {  	s5 =	sld [smem:$0x3FBE]  }
0x94: {  	s6 =	sld [smem:$0x3FBD]  }
0x95: {  	s7 =	sld [smem:$0x3FD0];
	(tm) =	ssettm $0x1  }
0x96: {  	s8 =	sld [smem:$0x3FFB];
	_ =	sdelay $0x3  }
0x97: {  	_ =	strace s8  }
0x98: {  	s8 =	sld [smem:$0x3FFC];
	_ =	sdelay $0x3  }
0x99: {  	_ =	strace s8  }
0x9a: {  	s8 =	sld [smem:$0x3FFD];
	_ =	sdelay $0x3  }
0x9b: {  	_ =	strace s8  }
0x9c: {  	_ =	strace $0x8FFFFFFF  }
0x9d: {  	s19 =	sld [smem:$0x3FDB];
	_ =	sdelay $0x1  }
0x9e: {  	s9 =	simm.s32 $_scs_section_size  }
0x9f: {  	s10 =	simm.s32 $_size__tile_overlayer_lowered;
	s11 =	simm.s32 $_tile_overlayer_lowered  }
0xa0: {  	s22 =	simm.s32 $0x1BFF;
	s21 =	sshll.u32 s11, $0x1;
	s8 =	sadd.s32 s9, s19  }
0xa1: {  	s12 =	simm.s32 $0x0;
	s20 =	sshll.u32 s10, $0x1;
	s10 =	sadd.s32 s21, s8  }
0xa2: {  	[timem:s12], [sflag:s22] =	dma.local [hbm:s10], s20  }
0xa3: {  	_ =	swait.ge [sflag:s22], s20  }
0xa4: {  	s9 =	ssub.s32 $0x0, s20;
	[sflag:s22] =	ssyncset.done $0x0  }
0xa5: {  	[sflag:s22] =	ssyncadd.s32 s9;
	_ =	sdelay $0x1  }
0xa6: {  	s23 =	simm.s32 $0x1B8B  }
0xa7: {  	_ =	swait.ge [sflag:s23], $0x1  }
0xa8: {  	[sflag:s23] =	ssyncset.done $0x0  }
0xa9: {  	s25 =	simm.s32 $0x1B8E;
	s24 =	sld [smem:$0x3FFE];
	[sflag:s23] =	ssyncadd.s32 $0xFFFFFFFF  }
0xaa: {  	s26 =	simm.s32 $execute0_lowered;
	[smem:$0x3FD2] =	sst s25  }
0xab: {  	s10 =	sshll.u32 s26, $0x1;
	_ =	strace $0x80000046;
	[dreg:$0x1] =	wrdreg $0xFFFFFFFF  }
0xac: {  	s28 =	simm.s32 $_size_execute0_lowered;
	s8 =	sadd.s32 s8, s10;
	[dreg:$0x0] =	wrdreg $0x0  }
0xad: {  	s10 =	sshll.u32 s28, $0x1;
	[dreg:$0x2] =	wrdreg s8  }
0xae: {  	[dreg:$0x3] =	wrdreg s10  }
0xaf: {  	[dreg:$0x4] =	wrdreg $0xC0  }
0xb0: {  	_ =	task [dreg:s12], $0x5FFFF  }
0xb1: {  	[dreg:$0x1] =	wrdreg $0xFFFFFFFF  }
0xb2: {  	[dreg:$0x0] =	wrdreg $0x60  }
0xb3: {  	[dreg:$0x2] =	wrdreg s2  }
0xb4: {  	[dreg:$0x3] =	wrdreg s18  }
0xb5: {  	[dreg:$0x4] =	wrdreg s4  }
0xb6: {  	[dreg:$0x5] =	wrdreg s24  }
0xb7: {  	[dreg:$0x6] =	wrdreg s5  }
0xb8: {  	[dreg:$0x7] =	wrdreg s6  }
0xb9: {  	[dreg:$0x8] =	wrdreg s7  }
0xba: {  	[dreg:$0x9] =	wrdreg $0x9  }
0xbb: {  	_ =	task.clear_ibuf [dreg:s12], $0xAFFFF;
	_ =	strace $0x90000046  }
0xbc: {  	s29 =	simm.s32 $0x9;
	_ =	strace $0x80000048  }
0xbd: {  	_ =	swait.ge [sflag:s29], $0x1  }
0xbe: {  	[sflag:s29] =	ssyncadd.s32 $0xFFFFFFFF  }
0xbf: {  	_ =	strace $0x90000048  }
0xc0: {  	_ =	sfence  }
0xc1: {  	s30 =	sld [smem:$0x0];
	_ =	sdelay $0x2  }
0xc2: {  	s31 =	sshll.u32 s1, $0xD;
	s1 =	sshrl.u32 s1, $0x2  }
0xc3: {  	s3 =	sand.u32 $0x4000, s31;
	s1 =	sadd.s32 s1, s30  }
0xc4: {  	s0 =	sor.u32 s3, s0;
	s1 =	sshll.u32 s1, $0x11  }
0xc5: {  	s0 =	sor.u32 s1, s0  }
0xc6: {  	s0 =	sadd.s32 $0x8F2B, s0  }
0xc7: {  	[sflag:s0] =	ssyncadd.remote.s32 $0x1  }
0xc8: {  	_ =	sfence.sel $0xFFFF  }
0xc9: {  	[dreg:$0x0] =	wrdreg $0xFFFFFFFF;
	(pc) =	sbr.abs _section_cstart, $3  }
0xca: {  	[dreg:$0x1] =	wrdreg $0xFFFFFFFF  }
0xcb: {  	_ =	task.clear_ibuf [dreg:s12], $0x2FFFF;
	_ =	strace $0x9FFFFFFF  }
0xcc: {  	(tm) =	ssettm $0x7FFFFFFF  }
0xcd: {  	_ =	shalt  }
tec
execute0_lowered:
.L_overlay_start_1:
0x0: {  	(tag) =	ssettag $0x1  }
0x1: {  	s2 =	rddreg [dreg:$0x0]  }
0x2: {  	s4 =	rddreg [dreg:$0x1]  }
0x3: {  	s0 =	rddreg [dreg:$0x2]  }
0x4: {  	s22 =	rddreg [dreg:$0x3]  }
0x5: {  	s5 =	rddreg [dreg:$0x6];
	s1 =	srdreg.scid;
	s23 =	simm.s32 $0x0  }
0x6: {  	v0 =	vlaneseq.u32;
	s7 =	stileid.u32;
	s26 =	simm.s32 $0x3;
	s10 =	simm.s32 $0x10  }
0x7: {  	s11 =	simm.s32 $0x9A8;
	s12 =	simm.s32 $0xBA8;
	s13 =	simm.s32 $0xDA8;
	v1 =	vmul.u32 $0x20, v0  }
0x8: {  	s14 =	simm.s32 $0x11A8;
	s15 =	simm.s32 $0x15A8;
	s16 =	simm.s32 $0x19A8  }
0x9: {  	s17 =	simm.s32 $0x11DA8;
	s18 =	simm.s32 $0x11FA8;
	s19 =	simm.s32 $0x127A8;
	v58 =	vor.u32 $0x1, v1;
	[tilespmem:$0x1FFD0] =	vst v1  }
0xa: {  	s20 =	simm.s32 $0x1DA8;
	s21 =	simm.s32 $0x9DA8;
	s25 =	simm.s32 $0x1;
	v59 =	vor.u32 $0x2, v1;
	[tilespmem:$0x1FF80] =	vst v58  }
0xb: {  	s30 =	simm.s32 $0x40;
	s28 =	simm.s32 $0x2;
	s29 =	simm.s32 $0x0;
	v60 =	vor.u32 $0x3, v1;
	[tilespmem:$0x1FF90] =	vst v59  }
0xc: {  	s1 =	sand.u32 $0x1, s1;
	[smem:$0x7FF] =	sst s23;
	s7 =	sshll.u32 s7, $0x7;
	v61 =	vor.u32 $0x4, v1;
	[tilespmem:$0x1FFA0] =	vst v60  }
0xd: {  	s24 =	sadd.s32 $0x5C1200, s22;
	s3 =	ssub.s32 $0x2, s1;
	s1 =	sshll.u32 s1, $0x6;
	v62 =	vor.u32 $0x5, v1;
	[tilespmem:$0x1FFB0] =	vst v61  }
0xe: {  	s9 =	sadd.s32 $0x376E00, s22;
	v63 =	vor.u32 $0x6, v1;
	s6 =	sshrl.u32 s3, $0x1;
	s1 =	sor.u32 s1, s7;
	[tilespmem:$0x1FFC0] =	vst v62  }
0xf: {  	s31 =	sadd.s32 $0x55F600, s22;
	[tilespmem:$0x1FFE0] =	vst v63;
	s3 =	ssub.s32 s3, s6;
	s2 =	sadd.s32 s2, s1  }
0x10: {  	s7 =	sadd.s32 s4, s1;
	_ =	strace $0x80000047;
	[dreg:$0x8] =	wrdreg s2  }
0x11: {  	s8 =	sadd.s32 s5, s1;
	s0 =	sadd.s32 s0, s1;
	[dreg:$0x9] =	wrdreg s7  }
0x12: {  	s1 =	simm.s32 $0x95A8;
	s5 =	simm.s32 $0x115A8;
	[dreg:$0xa] =	wrdreg s8  }
0x13: {  	s6 =	sadd.s32 $0x315200, s22;
	[dreg:$0xb] =	wrdreg s9;
	s2 =	sadd.s32 $0x4FDA00, s22  }
0x14: {  	v48 =	vmul.u32 $0x40, v0;
	[dreg:$0xc] =	wrdreg s0;
	s0 =	simm.s32 $0x600;
	s9 =	simm.s32 $0x1968  }
0x15: {  	s3 =	smax.u32 s3, $0x1;
	s7 =	sadd.s32 $0x7A00, s22;
	s8 =	sadd.s32 $0x18E600, s22  }
0x16: {  	v49 =	vimm.f32 $1.000000000e+00;
	[tilespmem:$0x1FFF0] =	vst v48;
	[dreg:$0xd] =	wrdreg s3;
	s3 =	sadd.s32 $0xCB000, s22;
	s22 =	sadd.s32 $0x251C00, s22  }
.LBB2_1:
0x17: {  	[dreg:$0xe] =	wrdreg s29  }
0x18: {  	s4 =	rddreg [dreg:$0x8]  }
0x19: {  	[tilespmem:s23], [sflag:$0x3] =	stream.linear.gather [hbm4b:s4+s23], $0x200, $0x38;
	[tilespmem:$0x128A8] =	vst v63  }
0x1a: {  	_ =	swait.ge [sflag:s26], $0x200  }
0x1b: {  	[sflag:s26] =	ssyncset.done $0x0  }
0x1c: {  	s29 =	simm.s32 $0x200;
	s4 =	rddreg [dreg:$0x9];
	[sflag:s26] =	ssyncadd.s32 $0xFFFFFE00  }
0x1d: {  	[tilespmem:s29], [sflag:$0x3] =	stream.linear.gather [hbm4b:s4+s23], $0x200, $0x38;
	[tilespmem:$0x128A8] =	vst v63  }
0x1e: {  	_ =	swait.ge [sflag:s26], $0x200  }
0x1f: {  	[sflag:s26] =	ssyncset.done $0x0  }
0x20: {  	s29 =	simm.s32 $0x400;
	s4 =	rddreg [dreg:$0xc];
	[sflag:s26] =	ssyncadd.s32 $0xFFFFFE00  }
0x21: {  	[tilespmem:s29], [sflag:$0x3] =	stream.linear.gather [hbm4b:s4+s23], $0x200, $0x38;
	[tilespmem:$0x128A8] =	vst v63  }
0x22: {  	_ =	swait.ge [sflag:s26], $0x200  }
0x23: {  	[sflag:s26] =	ssyncset.done $0x0  }
0x24: {  	[sflag:s26] =	ssyncadd.s32 $0xFFFFFE00  }
0x25: {  	s29 =	rddreg [dreg:$0x5]  }
0x26: {  	[tilespmem:s0], [sflag:$0x3] =	stream.linear.gather [hbm4b:s29+s23], $0x198, $0x38;
	[tilespmem:$0x128A8] =	vst v63  }
0x27: {  	_ =	swait.ge [sflag:s26], $0x198  }
0x28: {  	[sflag:s26] =	ssyncset.done $0x0  }
0x29: {  	s29 =	simm.s32 $0x798;
	s4 =	rddreg [dreg:$0xb];
	[sflag:s26] =	ssyncadd.s32 $0xFFFFFE68  }
0x2a: {  	[tilespmem:s29], [sflag:$0x3] =	stream.linear.gather [hbm4b:s4+s23], $0x10, $0x38;
	[tilespmem:$0x128A8] =	vst v63  }
0x2b: {  	_ =	swait.ge [sflag:s26], $0x10  }
0x2c: {  	[sflag:s26] =	ssyncset.done $0x0  }
0x2d: {  	s23 =	simm.s32 $0x0;
	[sflag:s26] =	ssyncadd.s32 $0xFFFFFFF0  }
.LBB2_2:
0x2e: {  	s26 =	sshll.u32 s23, $0x4  }
0x2f: {  	[tilespmem:s11], [sflag:$0x1] =	stream.indirect.gather [hbm4b:s31+s10], $0x20, s26, s10, $0xb8;
	[tilespmem:$0x128A8] =	vst v63  }
0x30: {  	s29 =	sadd.s32 $0x200, s26  }
0x31: {  	[tilespmem:s12], [sflag:$0x1] =	stream.indirect.gather [hbm4b:s2+s10], $0x20, s29, s10, $0xb8;
	[tilespmem:$0x128A8] =	vst v63  }
0x32: {  	_ = 	snop  }
0x33: {  	[tilespmem:s13], [sflag:$0x1] =	stream.indirect.gather [hbm4b:s22+s10], $0x40, s26, s10, $0xb8;
	[tilespmem:$0x128A8] =	vst v63  }
0x34: {  	_ = 	snop  }
0x35: {  	[tilespmem:s14], [sflag:$0x1] =	stream.indirect.gather [hbm4b:s8+s10], $0x40, s26, s10, $0xb8;
	[tilespmem:$0x128A8] =	vst v63  }
0x36: {  	_ = 	snop  }
0x37: {  	[tilespmem:s15], [sflag:$0x1] =	stream.indirect.gather [hbm4b:s3+s10], $0x40, s29, s10, $0xb8;
	[tilespmem:$0x128A8] =	vst v63  }
0x38: {  	_ =	swait.ge [sflag:s25], $0x200  }
0x39: {  	[sflag:s25] =	ssyncset.done $0x0  }
0x3a: {  	[sflag:s25] =	ssyncadd.s32 $0xFFFFFE00  }
0x3b: {  	_ =	swait.ge [sflag:s25], $0x200  }
0x3c: {  	[sflag:s25] =	ssyncset.done $0x0  }
0x3d: {  	[sflag:s25] =	ssyncadd.s32 $0xFFFFFE00  }
0x3e: {  	_ =	swait.ge [sflag:s25], $0x400  }
0x3f: {  	[sflag:s25] =	ssyncset.done $0x0  }
0x40: {  	[sflag:s25] =	ssyncadd.s32 $0xFFFFFC00  }
0x41: {  	_ =	swait.ge [sflag:s25], $0x400  }
0x42: {  	[sflag:s25] =	ssyncset.done $0x0  }
0x43: {  	[sflag:s25] =	ssyncadd.s32 $0xFFFFFC00  }
0x44: {  	_ =	swait.ge [sflag:s25], $0x400  }
0x45: {  	[sflag:s25] =	ssyncset.done $0x0  }
0x46: {  	[sflag:s25] =	ssyncadd.s32 $0xFFFFFC00  }
0x47: {  	[tilespmem:s16], [sflag:$0x1] =	stream.indirect.gather [hbm4b:s7+s10], $0x40, s29, s10, $0xb8;
	[tilespmem:$0x128A8] =	vst v63  }
0x48: {  	_ = 	snop  }
0x49: {  	[tilespmem:s17], [sflag:$0x1] =	stream.indirect.gather [hbm4b:s6+s10], $0x20, s29, s10, $0xb8;
	[tilespmem:$0x128A8] =	vst v63  }
0x4a: {  	s4 =	rddreg [dreg:$0x4]  }
0x4b: {  	[tilespmem:s18], [sflag:$0x1] =	stream.indirect.gather [hbm4b:s4+s10], $0x80, s29, s10, $0xb8;
	[tilespmem:$0x128A8] =	vst v63  }
0x4c: {  	_ = 	snop  }
0x4d: {  	[tilespmem:s19], [sflag:$0x1] =	stream.indirect.gather [hbm4b:s24+s10], $0x10, s29, s10, $0xb8;
	[tilespmem:$0x128A8] =	vst v63  }
0x4e: {  	_ =	swait.ge [sflag:s25], $0x400  }
0x4f: {  	[sflag:s25] =	ssyncset.done $0x0  }
0x50: {  	[sflag:s25] =	ssyncadd.s32 $0xFFFFFC00  }
0x51: {  	_ =	swait.ge [sflag:s25], $0x200  }
0x52: {  	[sflag:s25] =	ssyncset.done $0x0  }
0x53: {  	[sflag:s25] =	ssyncadd.s32 $0xFFFFFE00  }
0x54: {  	_ =	swait.ge [sflag:s25], $0x800  }
0x55: {  	[sflag:s25] =	ssyncset.done $0x0  }
0x56: {  	[sflag:s25] =	ssyncadd.s32 $0xFFFFF800  }
0x57: {  	_ =	swait.ge [sflag:s25], $0x100  }
0x58: {  	[sflag:s25] =	ssyncset.done $0x0  }
0x59: {  	[sflag:s25] =	ssyncadd.s32 $0xFFFFFF00  }
0x5a: {  	[tilespmem:s20], [sflag:$0x2] =	stream.indirect.gather [hbm4b:s2+s30], $0x20, s13, s30, $0xb8;
	[tilespmem:$0x128A8] =	vst v63  }
0x5b: {  	_ = 	snop  }
0x5c: {  	[tilespmem:s21], [sflag:$0x2] =	stream.indirect.gather [hbm4b:s31+s30], $0x20, s15, s30, $0xb8;
	[tilespmem:$0x128A8] =	vst v63  }
0x5d: {  	s4 =	simm.s32 $0xDE8;
	s29 =	simm.s32 $0x25A8  }
0x5e: {  	[tilespmem:s29], [sflag:$0x2] =	stream.indirect.gather [hbm4b:s2+s30], $0x20, s4, s30, $0xb8;
	[tilespmem:$0x128A8] =	vst v63  }
0x5f: {  	s4 =	simm.s32 $0x15E8;
	s29 =	simm.s32 $0xA5A8  }
0x60: {  	[tilespmem:s29], [sflag:$0x2] =	stream.indirect.gather [hbm4b:s31+s30], $0x20, s4, s30, $0xb8;
	[tilespmem:$0x128A8] =	vst v63  }
0x61: {  	s4 =	simm.s32 $0xE28;
	s29 =	simm.s32 $0x2DA8  }
0x62: {  	[tilespmem:s29], [sflag:$0x2] =	stream.indirect.gather [hbm4b:s2+s30], $0x20, s4, s30, $0xb8;
	[tilespmem:$0x128A8] =	vst v63  }
0x63: {  	s4 =	simm.s32 $0x1628;
	s29 =	simm.s32 $0xADA8  }
0x64: {  	[tilespmem:s29], [sflag:$0x2] =	stream.indirect.gather [hbm4b:s31+s30], $0x20, s4, s30, $0xb8;
	[tilespmem:$0x128A8] =	vst v63  }
0x65: {  	s4 =	simm.s32 $0xE68;
	s29 =	simm.s32 $0x35A8  }
0x66: {  	[tilespmem:s29], [sflag:$0x2] =	stream.indirect.gather [hbm4b:s2+s30], $0x20, s4, s30, $0xb8;
	[tilespmem:$0x128A8] =	vst v63  }
0x67: {  	s4 =	simm.s32 $0x1668;
	s29 =	simm.s32 $0xB5A8  }
0x68: {  	[tilespmem:s29], [sflag:$0x2] =	stream.indirect.gather [hbm4b:s31+s30], $0x20, s4, s30, $0xb8;
	[tilespmem:$0x128A8] =	vst v63  }
0x69: {  	_ =	swait.ge [sflag:s28], $0x800  }
0x6a: {  	[sflag:s28] =	ssyncset.done $0x0  }
0x6b: {  	[sflag:s28] =	ssyncadd.s32 $0xFFFFF800  }
0x6c: {  	_ =	swait.ge [sflag:s28], $0x800  }
0x6d: {  	[sflag:s28] =	ssyncset.done $0x0  }
0x6e: {  	[sflag:s28] =	ssyncadd.s32 $0xFFFFF800  }
0x6f: {  	_ =	swait.ge [sflag:s28], $0x800  }
0x70: {  	[sflag:s28] =	ssyncset.done $0x0  }
0x71: {  	[sflag:s28] =	ssyncadd.s32 $0xFFFFF800  }
0x72: {  	_ =	swait.ge [sflag:s28], $0x800  }
0x73: {  	[sflag:s28] =	ssyncset.done $0x0  }
0x74: {  	[sflag:s28] =	ssyncadd.s32 $0xFFFFF800  }
0x75: {  	_ =	swait.ge [sflag:s28], $0x800  }
0x76: {  	[sflag:s28] =	ssyncset.done $0x0  }
0x77: {  	[sflag:s28] =	ssyncadd.s32 $0xFFFFF800  }
0x78: {  	_ =	swait.ge [sflag:s28], $0x800  }
0x79: {  	[sflag:s28] =	ssyncset.done $0x0  }
0x7a: {  	[sflag:s28] =	ssyncadd.s32 $0xFFFFF800  }
0x7b: {  	_ =	swait.ge [sflag:s28], $0x800  }
0x7c: {  	[sflag:s28] =	ssyncset.done $0x0  }
0x7d: {  	[sflag:s28] =	ssyncadd.s32 $0xFFFFF800  }
0x7e: {  	_ =	swait.ge [sflag:s28], $0x800  }
0x7f: {  	[sflag:s28] =	ssyncset.done $0x0  }
0x80: {  	s4 =	simm.s32 $0xEA8;
	s29 =	simm.s32 $0x3DA8;
	[sflag:s28] =	ssyncadd.s32 $0xFFFFF800  }
0x81: {  	[tilespmem:s29], [sflag:$0x2] =	stream.indirect.gather [hbm4b:s2+s30], $0x20, s4, s30, $0xb8;
	[tilespmem:$0x128A8] =	vst v63  }
0x82: {  	s4 =	simm.s32 $0x16A8;
	s29 =	simm.s32 $0xBDA8  }
0x83: {  	[tilespmem:s29], [sflag:$0x2] =	stream.indirect.gather [hbm4b:s31+s30], $0x20, s4, s30, $0xb8;
	[tilespmem:$0x128A8] =	vst v63  }
0x84: {  	s4 =	simm.s32 $0xEE8;
	s29 =	simm.s32 $0x45A8  }
0x85: {  	[tilespmem:s29], [sflag:$0x2] =	stream.indirect.gather [hbm4b:s2+s30], $0x20, s4, s30, $0xb8;
	[tilespmem:$0x128A8] =	vst v63  }
0x86: {  	s4 =	simm.s32 $0x16E8;
	s29 =	simm.s32 $0xC5A8  }
0x87: {  	[tilespmem:s29], [sflag:$0x2] =	stream.indirect.gather [hbm4b:s31+s30], $0x20, s4, s30, $0xb8;
	[tilespmem:$0x128A8] =	vst v63  }
0x88: {  	s4 =	simm.s32 $0xF28;
	s29 =	simm.s32 $0x4DA8  }
0x89: {  	[tilespmem:s29], [sflag:$0x2] =	stream.indirect.gather [hbm4b:s2+s30], $0x20, s4, s30, $0xb8;
	[tilespmem:$0x128A8] =	vst v63  }
0x8a: {  	s4 =	simm.s32 $0x1728;
	s29 =	simm.s32 $0xCDA8  }
0x8b: {  	[tilespmem:s29], [sflag:$0x2] =	stream.indirect.gather [hbm4b:s31+s30], $0x20, s4, s30, $0xb8;
	[tilespmem:$0x128A8] =	vst v63  }
0x8c: {  	s4 =	simm.s32 $0xF68;
	s29 =	simm.s32 $0x55A8  }
0x8d: {  	[tilespmem:s29], [sflag:$0x2] =	stream.indirect.gather [hbm4b:s2+s30], $0x20, s4, s30, $0xb8;
	[tilespmem:$0x128A8] =	vst v63  }
0x8e: {  	s4 =	simm.s32 $0x1768;
	s29 =	simm.s32 $0xD5A8  }
0x8f: {  	[tilespmem:s29], [sflag:$0x2] =	stream.indirect.gather [hbm4b:s31+s30], $0x20, s4, s30, $0xb8;
	[tilespmem:$0x128A8] =	vst v63  }
0x90: {  	_ =	swait.ge [sflag:s28], $0x800  }
0x91: {  	[sflag:s28] =	ssyncset.done $0x0  }
0x92: {  	[sflag:s28] =	ssyncadd.s32 $0xFFFFF800  }
0x93: {  	_ =	swait.ge [sflag:s28], $0x800  }
0x94: {  	[sflag:s28] =	ssyncset.done $0x0  }
0x95: {  	[sflag:s28] =	ssyncadd.s32 $0xFFFFF800  }
0x96: {  	_ =	swait.ge [sflag:s28], $0x800  }
0x97: {  	[sflag:s28] =	ssyncset.done $0x0  }
0x98: {  	[sflag:s28] =	ssyncadd.s32 $0xFFFFF800  }
0x99: {  	_ =	swait.ge [sflag:s28], $0x800  }
0x9a: {  	[sflag:s28] =	ssyncset.done $0x0  }
0x9b: {  	[sflag:s28] =	ssyncadd.s32 $0xFFFFF800  }
0x9c: {  	_ =	swait.ge [sflag:s28], $0x800  }
0x9d: {  	[sflag:s28] =	ssyncset.done $0x0  }
0x9e: {  	[sflag:s28] =	ssyncadd.s32 $0xFFFFF800  }
0x9f: {  	_ =	swait.ge [sflag:s28], $0x800  }
0xa0: {  	[sflag:s28] =	ssyncset.done $0x0  }
0xa1: {  	[sflag:s28] =	ssyncadd.s32 $0xFFFFF800  }
0xa2: {  	_ =	swait.ge [sflag:s28], $0x800  }
0xa3: {  	[sflag:s28] =	ssyncset.done $0x0  }
0xa4: {  	[sflag:s28] =	ssyncadd.s32 $0xFFFFF800  }
0xa5: {  	_ =	swait.ge [sflag:s28], $0x800  }
0xa6: {  	[sflag:s28] =	ssyncset.done $0x0  }
0xa7: {  	s4 =	simm.s32 $0xFA8;
	s29 =	simm.s32 $0x5DA8;
	[sflag:s28] =	ssyncadd.s32 $0xFFFFF800  }
0xa8: {  	[tilespmem:s29], [sflag:$0x2] =	stream.indirect.gather [hbm4b:s2+s30], $0x20, s4, s30, $0xb8;
	[tilespmem:$0x128A8] =	vst v63  }
0xa9: {  	s4 =	simm.s32 $0x17A8;
	s29 =	simm.s32 $0xDDA8  }
0xaa: {  	[tilespmem:s29], [sflag:$0x2] =	stream.indirect.gather [hbm4b:s31+s30], $0x20, s4, s30, $0xb8;
	[tilespmem:$0x128A8] =	vst v63  }
0xab: {  	s4 =	simm.s32 $0xFE8;
	s29 =	simm.s32 $0x65A8  }
0xac: {  	[tilespmem:s29], [sflag:$0x2] =	stream.indirect.gather [hbm4b:s2+s30], $0x20, s4, s30, $0xb8;
	[tilespmem:$0x128A8] =	vst v63  }
0xad: {  	s4 =	simm.s32 $0x17E8;
	s29 =	simm.s32 $0xE5A8  }
0xae: {  	[tilespmem:s29], [sflag:$0x2] =	stream.indirect.gather [hbm4b:s31+s30], $0x20, s4, s30, $0xb8;
	[tilespmem:$0x128A8] =	vst v63  }
0xaf: {  	s4 =	simm.s32 $0x1028;
	s29 =	simm.s32 $0x6DA8  }
0xb0: {  	[tilespmem:s29], [sflag:$0x2] =	stream.indirect.gather [hbm4b:s2+s30], $0x20, s4, s30, $0xb8;
	[tilespmem:$0x128A8] =	vst v63  }
0xb1: {  	s4 =	simm.s32 $0x1828;
	s29 =	simm.s32 $0xEDA8  }
0xb2: {  	[tilespmem:s29], [sflag:$0x2] =	stream.indirect.gather [hbm4b:s31+s30], $0x20, s4, s30, $0xb8;
	[tilespmem:$0x128A8] =	vst v63  }
0xb3: {  	s4 =	simm.s32 $0x1068;
	s29 =	simm.s32 $0x75A8  }
0xb4: {  	[tilespmem:s29], [sflag:$0x2] =	stream.indirect.gather [hbm4b:s2+s30], $0x20, s4, s30, $0xb8;
	[tilespmem:$0x128A8] =	vst v63  }
0xb5: {  	s4 =	simm.s32 $0x1868;
	s29 =	simm.s32 $0xF5A8  }
0xb6: {  	[tilespmem:s29], [sflag:$0x2] =	stream.indirect.gather [hbm4b:s31+s30], $0x20, s4, s30, $0xb8;
	[tilespmem:$0x128A8] =	vst v63  }
0xb7: {  	_ =	swait.ge [sflag:s28], $0x800  }
0xb8: {  	[sflag:s28] =	ssyncset.done $0x0  }
0xb9: {  	[sflag:s28] =	ssyncadd.s32 $0xFFFFF800  }
0xba: {  	_ =	swait.ge [sflag:s28], $0x800  }
0xbb: {  	[sflag:s28] =	ssyncset.done $0x0  }
0xbc: {  	[sflag:s28] =	ssyncadd.s32 $0xFFFFF800  }
0xbd: {  	_ =	swait.ge [sflag:s28], $0x800  }
0xbe: {  	[sflag:s28] =	ssyncset.done $0x0  }
0xbf: {  	[sflag:s28] =	ssyncadd.s32 $0xFFFFF800  }
0xc0: {  	_ =	swait.ge [sflag:s28], $0x800  }
0xc1: {  	[sflag:s28] =	ssyncset.done $0x0  }
0xc2: {  	[sflag:s28] =	ssyncadd.s32 $0xFFFFF800  }
0xc3: {  	_ =	swait.ge [sflag:s28], $0x800  }
0xc4: {  	[sflag:s28] =	ssyncset.done $0x0  }
0xc5: {  	[sflag:s28] =	ssyncadd.s32 $0xFFFFF800  }
0xc6: {  	_ =	swait.ge [sflag:s28], $0x800  }
0xc7: {  	[sflag:s28] =	ssyncset.done $0x0  }
0xc8: {  	[sflag:s28] =	ssyncadd.s32 $0xFFFFF800  }
0xc9: {  	_ =	swait.ge [sflag:s28], $0x800  }
0xca: {  	[sflag:s28] =	ssyncset.done $0x0  }
0xcb: {  	[sflag:s28] =	ssyncadd.s32 $0xFFFFF800  }
0xcc: {  	_ =	swait.ge [sflag:s28], $0x800  }
0xcd: {  	[sflag:s28] =	ssyncset.done $0x0  }
0xce: {  	s4 =	simm.s32 $0x10A8;
	s29 =	simm.s32 $0x7DA8;
	[sflag:s28] =	ssyncadd.s32 $0xFFFFF800  }
0xcf: {  	[tilespmem:s29], [sflag:$0x2] =	stream.indirect.gather [hbm4b:s2+s30], $0x20, s4, s30, $0xb8;
	[tilespmem:$0x128A8] =	vst v63  }
0xd0: {  	s4 =	simm.s32 $0x18A8;
	s29 =	simm.s32 $0xFDA8  }
0xd1: {  	[tilespmem:s29], [sflag:$0x2] =	stream.indirect.gather [hbm4b:s31+s30], $0x20, s4, s30, $0xb8;
	[tilespmem:$0x128A8] =	vst v63  }
0xd2: {  	s4 =	simm.s32 $0x10E8;
	s29 =	simm.s32 $0x85A8  }
0xd3: {  	[tilespmem:s29], [sflag:$0x2] =	stream.indirect.gather [hbm4b:s2+s30], $0x20, s4, s30, $0xb8;
	[tilespmem:$0x128A8] =	vst v63  }
0xd4: {  	s4 =	simm.s32 $0x18E8;
	s29 =	simm.s32 $0x105A8  }
0xd5: {  	[tilespmem:s29], [sflag:$0x2] =	stream.indirect.gather [hbm4b:s31+s30], $0x20, s4, s30, $0xb8;
	[tilespmem:$0x128A8] =	vst v63  }
0xd6: {  	s4 =	simm.s32 $0x1128;
	s29 =	simm.s32 $0x8DA8  }
0xd7: {  	[tilespmem:s29], [sflag:$0x2] =	stream.indirect.gather [hbm4b:s2+s30], $0x20, s4, s30, $0xb8;
	[tilespmem:$0x128A8] =	vst v63  }
0xd8: {  	s4 =	simm.s32 $0x1928;
	s29 =	simm.s32 $0x10DA8  }
0xd9: {  	[tilespmem:s29], [sflag:$0x2] =	stream.indirect.gather [hbm4b:s31+s30], $0x20, s4, s30, $0xb8;
	[tilespmem:$0x128A8] =	vst v63  }
0xda: {  	s4 =	simm.s32 $0x1168  }
0xdb: {  	[tilespmem:s1], [sflag:$0x2] =	stream.indirect.gather [hbm4b:s2+s30], $0x20, s4, s30, $0xb8;
	[tilespmem:$0x128A8] =	vst v63  }
0xdc: {  	_ = 	snop  }
0xdd: {  	[tilespmem:s5], [sflag:$0x2] =	stream.indirect.gather [hbm4b:s31+s30], $0x20, s9, s30, $0xb8;
	[tilespmem:$0x128A8] =	vst v63  }
0xde: {  	_ =	swait.ge [sflag:s28], $0x800  }
0xdf: {  	[sflag:s28] =	ssyncset.done $0x0  }
0xe0: {  	[sflag:s28] =	ssyncadd.s32 $0xFFFFF800  }
0xe1: {  	_ =	swait.ge [sflag:s28], $0x800  }
0xe2: {  	[sflag:s28] =	ssyncset.done $0x0  }
0xe3: {  	[sflag:s28] =	ssyncadd.s32 $0xFFFFF800  }
0xe4: {  	_ =	swait.ge [sflag:s28], $0x800  }
0xe5: {  	[sflag:s28] =	ssyncset.done $0x0  }
0xe6: {  	[sflag:s28] =	ssyncadd.s32 $0xFFFFF800  }
0xe7: {  	_ =	swait.ge [sflag:s28], $0x800  }
0xe8: {  	[sflag:s28] =	ssyncset.done $0x0  }
0xe9: {  	[sflag:s28] =	ssyncadd.s32 $0xFFFFF800  }
0xea: {  	_ =	swait.ge [sflag:s28], $0x800  }
0xeb: {  	[sflag:s28] =	ssyncset.done $0x0  }
0xec: {  	[sflag:s28] =	ssyncadd.s32 $0xFFFFF800  }
0xed: {  	_ =	swait.ge [sflag:s28], $0x800  }
0xee: {  	[sflag:s28] =	ssyncset.done $0x0  }
0xef: {  	[sflag:s28] =	ssyncadd.s32 $0xFFFFF800  }
0xf0: {  	s29 =	simm.s32 $0x0;
	_ =	swait.ge [sflag:s28], $0x800  }
0xf1: {  	v0 =	vor.u32 s29, v48;
	[sflag:s28] =	ssyncset.done $0x0  }
0xf2: {  	[sflag:s28] =	ssyncadd.s32 $0xFFFFF800  }
0xf3: {  	v5 =	vshll.u32 v0, $0x5;
	_ =	swait.ge [sflag:s28], $0x800  }
0xf4: {  	v4 =	vor.u32 $0x1F, v5;
	[sflag:s28] =	ssyncset.done $0x0  }
0xf5: {  	v6 =	vor.u32 $0x1, v5;
	[sflag:s28] =	ssyncadd.s32 $0xFFFFF800  }
0xf6: {  	v8 =	vor.u32 $0x2, v5;
	v7 =	vld.idx.msk [tilespmem:v0+s13+$0x0], $0xffff  }
0xf7: {  	v9 =	vor.u32 $0x3, v5;
	v10 =	vld.idx.msk [tilespmem:v0+s14+$0x0], $0xffff  }
0xf8: {  	v11 =	vor.u32 $0x4, v5;
	v12 =	vld.idx.msk [tilespmem:v5+s20+$0x0], $0xffff  }
0xf9: {  	v13 =	vor.u32 $0x5, v5;
	v14 =	vld.idx.msk [tilespmem:v4+s20+$0x0], $0xffff  }
0xfa: {  	v15 =	vor.u32 $0x7, v5;
	v6 =	vld.idx.msk [tilespmem:v6+s20+$0x0], $0xffff  }
0xfb: {  	v20 =	vor.u32 $0xC, v5;
	v8 =	vld.idx.msk [tilespmem:v8+s20+$0x0], $0xffff  }
0xfc: {  	v33 =	vor.u32 $0x12, v5;
	v9 =	vld.idx.msk [tilespmem:v9+s20+$0x0], $0xffff  }
0xfd: {  	v35 =	vor.u32 $0x14, v5;
	v11 =	vld.idx.msk [tilespmem:v11+s20+$0x0], $0xffff  }
0xfe: {  	v36 =	vor.u32 $0x15, v5;
	v13 =	vld.idx.msk [tilespmem:v13+s20+$0x0], $0xffff  }
0xff: {  	v1 =	vimm.f32 $0.0e+00;
	v4 =	vor.u32 $0x6, v5;
	v15 =	vld.idx.msk [tilespmem:v15+s20+$0x0], $0xffff  }
0x100: {  	v16 =	vor.u32 $0x8, v5;
	v20 =	vld.idx.msk [tilespmem:v20+s20+$0x0], $0xffff;
	vm0 =	veq.s32 v7, $0x186A0;
	v7 =	vadd.f32 $-6.000000240e-01, v10  }
0x101: {  	v17 =	vor.u32 $0x9, v5;
	v18 =	vor.u32 $0xA, v5;
	v33 =	vld.idx.msk [tilespmem:v33+s20+$0x0], $0xffff;
	v37 =	vsel vm0, $0x0, v49  }
0x102: {  	v19 =	vor.u32 $0xB, v5;
	v21 =	vor.u32 $0xD, v5;
	v45 =	vld.idx.msk [tilespmem:v35+s20+$0x0], $0xffff;
	v39 =	vmul.f32 v37, v7  }
0x103: {  	v22 =	vor.u32 $0xE, v5;
	v23 =	vor.u32 $0xF, v5;
	v26 =	vor.u32 $0x10, v5;
	v51 =	vld.idx.msk [tilespmem:v36+s20+$0x0], $0xffff  }
0x104: {  	v27 =	vor.u32 $0x11, v5;
	v34 =	vor.u32 $0x13, v5;
	v24 =	vld.idx.msk [tilespmem:v4+s20+$0x0], $0xffff;
	v14 =	vmul.f32 v14, v39  }
0x105: {  	v38 =	vor.u32 $0x16, v5;
	v40 =	vor.u32 $0x17, v5;
	v7 =	vld.idx.msk [tilespmem:v16+s20+$0x0], $0xffff;
	v6 =	vmul.f32 v6, v39  }
0x106: {  	v41 =	vor.u32 $0x18, v5;
	v16 =	vld.idx.msk [tilespmem:v17+s20+$0x0], $0xffff;
	v8 =	vmul.f32 v8, v39;
	v53 =	vadd.f32 v14, v1  }
0x107: {  	v43 =	vor.u32 $0x19, v5;
	v17 =	vld.idx.msk [tilespmem:v18+s20+$0x0], $0xffff;
	v9 =	vmul.f32 v9, v39;
	v54 =	vadd.f32 v6, v1  }
0x108: {  	v12 =	vmul.f32 v39, v12;
	v11 =	vmul.f32 v11, v39;
	v55 =	vadd.f32 v8, v1;
	[tilespmem:$0x1FE50] =	vst v53  }
0x109: {  	v47 =	vor.u32 $0x1A, v5;
	v18 =	vld.idx.msk [tilespmem:v19+s20+$0x0], $0xffff;
	v15 =	vmul.f32 v15, v39;
	v56 =	vadd.f32 v9, v1;
	[tilespmem:$0x1FE60] =	vst v54  }
0x10a: {  	v32 =	vadd.f32 v12, v1;
	v6 =	vmul.f32 v13, v39;
	v57 =	vadd.f32 v11, v1;
	[tilespmem:$0x1FE70] =	vst v55  }
0x10b: {  	v50 =	vor.u32 $0x1B, v5;
	v12 =	vld.idx.msk [tilespmem:v21+s20+$0x0], $0xffff;
	v13 =	vmul.f32 v24, v39;
	v60 =	vadd.f32 v15, v1;
	[tilespmem:$0x1FE80] =	vst v56  }
0x10c: {  	v25 =	vor.u32 $0x1C, v5;
	v8 =	vld.idx.msk [tilespmem:v22+s20+$0x0], $0xffff;
	[tilespmem:$0x1FE90] =	vst v57;
	v58 =	vadd.f32 v6, v1;
	v6 =	vmul.f32 v7, v39  }
0x10d: {  	v36 =	vimm.f32 $0.0e+00;
	v11 =	vld.idx.msk [tilespmem:v23+s20+$0x0], $0xffff;
	v59 =	vadd.f32 v13, v1;
	v13 =	vmul.f32 v16, v39;
	[tilespmem:$0x1FEC0] =	vst v60  }
0x10e: {  	v35 =	vimm.f32 $0.0e+00;
	v16 =	vmul.f32 v17, v39;
	v60 =	vld [tilespmem:s26+$0x400];
	[tilespmem:$0x1FEA0] =	vst v58;
	v61 =	vadd.f32 v6, v1  }
0x10f: {  	v4 =	vor.u32 $0x1D, v5;
	v5 =	vor.u32 $0x1E, v5;
	v9 =	vld.idx.msk [tilespmem:v43+s20+$0x0], $0xffff;
	[tilespmem:$0x1FEB0] =	vst v59;
	v62 =	vadd.f32 v13, v1  }
0x110: {  	v42 =	vand.u32 $0x7FFFFFFF, v39;
	v7 =	vld.idx.msk [tilespmem:v26+s20+$0x0], $0xffff;
	v6 =	vmul.f32 v18, v39;
	v63 =	vadd.f32 v16, v1;
	[tilespmem:$0x1FED0] =	vst v61  }
0x111: {  	v19 =	vadd.f32 v42, v1;
	v42 =	vimm.f32 $0.0e+00;
	v26 =	vld.idx.msk [tilespmem:v27+s20+$0x0], $0xffff;
	v13 =	vmul.f32 v20, v39;
	[tilespmem:$0x1FEE0] =	vst v62  }
0x112: {  	v43 =	vimm.f32 $0.0e+00;
	v16 =	vld.idx.msk [tilespmem:v34+s20+$0x0], $0xffff;
	v8 =	vmul.f32 v8, v39;
	[tilespmem:$0x1FEF0] =	vst v63;
	v34 =	vadd.f32 v6, v1  }
0x113: {  	v55 =	vld.idx.msk [tilespmem:v41+s20+$0x0], $0xffff;
	v41 =	vimm.f32 $0.0e+00;
	v11 =	vmul.f32 v11, v39;
	v44 =	vadd.f32 v13, v1;
	[tilespmem:$0x1FF40] =	vst v60  }
0x114: {  	v58 =	vld.idx.msk [tilespmem:v40+s20+$0x0], $0xffff;
	v40 =	vimm.f32 $0.0e+00;
	v6 =	vmul.f32 v12, v39;
	v59 =	vadd.f32 v8, v1;
	[tilespmem:$0x1FF00] =	vst v34  }
0x115: {  	s29 =	simm.s32 $0x1;
	v13 =	vmul.f32 v37, v10;
	v63 =	vld [tilespmem:$0x798];
	v7 =	vmul.f32 v7, v39;
	v61 =	vadd.f32 v11, v1;
	[tilespmem:$0x1FF10] =	vst v44  }
0x116: {  	v10 =	vmul.f32 v26, v39;
	v26 =	vor.u32 s29, v48;
	v46 =	vadd.f32 v6, v1;
	[tilespmem:$0x1FF30] =	vst v59  }
0x117: {  	v44 =	vimm.f32 $0.0e+00;
	v34 =	vimm.f32 $0.0e+00;
	[tilespmem:$0x1FF50] =	vst v61;
	v62 =	vadd.f32 v7, v1  }
0x118: {  	v7 =	vmul.f32 v33, v39;
	v16 =	vmul.f32 v16, v39;
	v23 =	vadd.f32 v10, v1;
	[tilespmem:$0x1FF20] =	vst v46  }
0x119: {  	v12 =	vld.idx.msk [tilespmem:v47+s20+$0x0], $0xffff;
	v10 =	vimm.f32 $0.0e+00;
	v61 =	vmul.f32 v45, v39;
	v45 =	vimm.f32 $0.0e+00;
	[tilespmem:$0x1FF60] =	vst v62  }
0x11a: {  	v33 =	vadd.f32 v13, v10;
	v24 =	vadd.f32 v37, v10;
	v46 =	vimm.f32 $0.0e+00;
	v13 =	vld.idx.msk [tilespmem:v50+s20+$0x0], $0xffff;
	[tilespmem:$0x1FF70] =	vst v63  }
0x11b: {  	s29 =	simm.s32 $0x2;
	v63 =	vld.idx.msk [tilespmem:v38+s20+$0x0], $0xffff;
	v28 =	vadd.f32 v7, v10;
	v27 =	vadd.f32 v16, v10;
	v62 =	vmul.f32 v51, v39  }
.LBB2_3:
0x11c: {  	v37 =	vld.idx.msk [tilespmem:v25+s20+$0x0], $0xffff;
	v51 =	vshll.u32 v26, $0x5;
	v10 =	vadd.f32 v61, v10  }
0x11d: {  	v52 =	vld.idx.msk [tilespmem:v5+s20+$0x0], $0xffff;
	v42 =	vadd.f32 v62, v42;
	v5 =	vor.u32 $0x1, v51;
	v25 =	vor.u32 $0x2, v51  }
0x11e: {  	v53 =	vor.u32 $0x1F, v51;
	v54 =	vor.u32 $0x3, v51;
	v56 =	vor.u32 $0x5, v51  }
0x11f: {  	v47 =	vld.idx.msk [tilespmem:v4+s20+$0x0], $0xffff;
	v57 =	vor.u32 $0x6, v51;
	v59 =	vor.u32 $0x8, v51;
	v60 =	vor.u32 $0x9, v51  }
0x120: {  	v4 =	vld.idx.msk [tilespmem:v26+s13+$0x0], $0xffff;
	v62 =	vor.u32 $0xB, v51;
	v1 =	vor.u32 $0xC, v51;
	v17 =	vor.u32 $0xD, v51  }
0x121: {  	v26 =	vld.idx.msk [tilespmem:v26+s14+$0x0], $0xffff;
	v3 =	vor.u32 $0xE, v51;
	v2 =	vor.u32 $0xF, v51;
	v6 =	vor.u32 $0x10, v51  }
0x122: {  	v7 =	vor.u32 $0x11, v51;
	v48 =	vor.u32 $0x12, v51;
	v8 =	vor.u32 $0x13, v51  }
0x123: {  	v14 =	vor.u32 $0x14, v51;
	v31 =	vor.u32 $0x15, v51;
	v29 =	vor.u32 $0x17, v51  }
0x124: {  	v18 =	vor.u32 $0x18, v51;
	v20 =	vor.u32 $0x19, v51;
	v61 =	vmul.f32 v63, v39;
	v63 =	vld.idx.msk [tilespmem:v51+s20+$0x0], $0xffff  }
0x125: {  	v30 =	vmovc v24;
	v21 =	vor.u32 $0x1A, v51;
	v22 =	vor.u32 $0x1B, v51;
	v38 =	vmul.f32 v58, v39;
	v53 =	vld.idx.msk [tilespmem:v53+s20+$0x0], $0xffff  }
0x126: {  	v24 =	vmovc v28;
	v28 =	vmovc v33;
	v33 =	vmul.f32 v55, v39;
	vm0 =	veq.s32 v4, $0x186A0;
	v4 =	vadd.f32 $-6.000000240e-01, v26  }
0x127: {  	v55 =	vor.u32 $0x4, v51;
	v58 =	vor.u32 $0x7, v51;
	v16 =	vsel vm0, $0x0, v49  }
0x128: {  	v44 =	vadd.f32 v61, v44;
	v61 =	vor.u32 $0xA, v51;
	v0 =	vld.idx.msk [tilespmem:v5+s20+$0x0], $0xffff;
	v50 =	vmul.f32 v16, v4  }
0x129: {  	v11 =	vld.idx.msk [tilespmem:v25+s20+$0x0], $0xffff;
	v49 =	vor.u32 $0x16, v51;
	v25 =	vor.u32 $0x1C, v51;
	v5 =	vor.u32 $0x1E, v51  }
0x12a: {  	v4 =	vor.u32 $0x1D, v51;
	v51 =	vmul.f32 v53, v50;
	v53 =	vmul.f32 v50, v63;
	v63 =	vld [tilespmem:$0x1FE50];
	_ =	sdelay $0x4  }
0x12b: {  	v63 =	vadd.f32 v51, v63;
	v51 =	vmul.f32 v9, v39;
	v9 =	vld [tilespmem:$0x1FE60];
	_ =	sdelay $0x2  }
0x12c: {  	v0 =	vmul.f32 v0, v50;
	_ =	sdelay $0x1  }
0x12d: {  	v9 =	vadd.f32 v0, v9  }
0x12e: {  	v56 =	vld.idx.msk [tilespmem:v56+s20+$0x0], $0xffff  }
0x12f: {  	[tilespmem:$0x1FE60] =	vst v9;
	v9 =	vld [tilespmem:$0x1FE70];
	_ =	sdelay $0x2  }
0x130: {  	v11 =	vmul.f32 v11, v50  }
0x131: {  	v54 =	vld.idx.msk [tilespmem:v54+s20+$0x0], $0xffff  }
0x132: {  	v9 =	vadd.f32 v11, v9;
	v11 =	vmul.f32 v56, v50;
	v56 =	vld.idx.msk [tilespmem:v62+s20+$0x0], $0xffff  }
0x133: {  	v62 =	vld [tilespmem:$0x1FE80];
	_ =	sdelay $0x2  }
0x134: {  	v32 =	vadd.f32 v53, v32;
	v53 =	vmul.f32 v54, v50;
	_ =	sdelay $0x1  }
0x135: {  	v55 =	vld.idx.msk [tilespmem:v55+s20+$0x0], $0xffff;
	v62 =	vadd.f32 v53, v62  }
0x136: {  	v57 =	vld.idx.msk [tilespmem:v57+s20+$0x0], $0xffff  }
0x137: {  	[tilespmem:$0x1FE80] =	vst v62;
	v62 =	vld [tilespmem:$0x1FE90];
	_ =	sdelay $0x2  }
0x138: {  	v0 =	vmul.f32 v55, v50;
	_ =	sdelay $0x1  }
0x139: {  	v58 =	vld.idx.msk [tilespmem:v58+s20+$0x0], $0xffff;
	v53 =	vmul.f32 v57, v50;
	v57 =	vadd.f32 v0, v62  }
0x13a: {  	v59 =	vld.idx.msk [tilespmem:v59+s20+$0x0], $0xffff  }
0x13b: {  	[tilespmem:$0x1FE90] =	vst v57;
	v57 =	vld [tilespmem:$0x1FEA0];
	_ =	sdelay $0x1  }
0x13c: {  	v37 =	vmul.f32 v37, v39;
	v54 =	vld.idx.msk [tilespmem:v60+s20+$0x0], $0xffff  }
0x13d: {  	v47 =	vmul.f32 v47, v39;
	[tilespmem:$0x1FE50] =	vst v63;
	v63 =	vmul.f32 v58, v50;
	v58 =	vld [tilespmem:$0x1FEB0]  }
0x13e: {  	v60 =	vmul.f32 v12, v39;
	v55 =	vld.idx.msk [tilespmem:v61+s20+$0x0], $0xffff;
	v61 =	vmul.f32 v13, v39  }
0x13f: {  	v39 =	vmul.f32 v52, v39;
	v52 =	vadd.f32 v11, v57;
	v11 =	vmul.f32 v59, v50;
	v59 =	vld [tilespmem:$0x1FEC0];
	_ =	sdelay $0x2  }
0x140: {  	[tilespmem:$0x1FEA0] =	vst v52;
	v52 =	vadd.f32 v53, v58;
	_ =	sdelay $0x1  }
0x141: {  	[tilespmem:$0x1FEB0] =	vst v52;
	v52 =	vadd.f32 v63, v59;
	v63 =	vld [tilespmem:$0x1FED0];
	_ =	sdelay $0x1  }
0x142: {  	[tilespmem:$0x1FE70] =	vst v9;
	v9 =	vld [tilespmem:$0x1FEF0];
	_ =	sdelay $0x2  }
0x143: {  	[tilespmem:$0x1FEC0] =	vst v52;
	v52 =	vadd.f32 v11, v63;
	v11 =	vmul.f32 v55, v50;
	_ =	sdelay $0x1  }
0x144: {  	v9 =	vadd.f32 v11, v9;
	_ =	sdelay $0x1  }
0x145: {  	[tilespmem:$0x1FEF0] =	vst v9;
	v9 =	vld [tilespmem:$0x1FF00];
	_ =	sdelay $0x2  }
0x146: {  	v56 =	vmul.f32 v56, v50;
	_ =	sdelay $0x1  }
0x147: {  	v1 =	vld.idx.msk [tilespmem:v1+s20+$0x0], $0xffff;
	v9 =	vadd.f32 v56, v9  }
0x148: {  	v55 =	vld [tilespmem:$0x1FEE0]  }
0x149: {  	[tilespmem:$0x1FF00] =	vst v9;
	v9 =	vld [tilespmem:$0x1FF10]  }
0x14a: {  	v6 =	vld.idx.msk [tilespmem:v6+s20+$0x0], $0xffff  }
0x14b: {  	v62 =	vmul.f32 v54, v50  }
0x14c: {  	v17 =	vld.idx.msk [tilespmem:v17+s20+$0x0], $0xffff;
	v1 =	vmul.f32 v1, v50  }
0x14d: {  	v2 =	vld.idx.msk [tilespmem:v2+s20+$0x0], $0xffff;
	v46 =	vadd.f32 v38, v46;
	v38 =	vadd.f32 v62, v55  }
0x14e: {  	v3 =	vld.idx.msk [tilespmem:v3+s20+$0x0], $0xffff;
	v9 =	vadd.f32 v1, v9  }
0x14f: {  	[tilespmem:$0x1FEE0] =	vst v38;
	v38 =	vmul.f32 v6, v50;
	v6 =	vld [tilespmem:$0x1FF50]  }
0x150: {  	[tilespmem:$0x1FF10] =	vst v9;
	v9 =	vld [tilespmem:$0x1FF20]  }
0x151: {  	v7 =	vld.idx.msk [tilespmem:v7+s20+$0x0], $0xffff  }
0x152: {  	v8 =	vld.idx.msk [tilespmem:v8+s20+$0x0], $0xffff;
	v59 =	vmul.f32 v2, v50  }
0x153: {  	v12 =	vld.idx.msk [tilespmem:v21+s20+$0x0], $0xffff;
	v57 =	vmul.f32 v17, v50  }
0x154: {  	v58 =	vmul.f32 v3, v50;
	v3 =	vld.idx.msk [tilespmem:v14+s20+$0x0], $0xffff;
	v6 =	vadd.f32 v59, v6  }
0x155: {  	v45 =	vadd.f32 v33, v45;
	v11 =	vld.idx.msk [tilespmem:v48+s20+$0x0], $0xffff;
	v9 =	vadd.f32 v57, v9  }
0x156: {  	v26 =	vmul.f32 v16, v26;
	v36 =	vadd.f32 v37, v36;
	v35 =	vadd.f32 v47, v35;
	[tilespmem:$0x1FF50] =	vst v6;
	v6 =	vld [tilespmem:$0x1FF60]  }
0x157: {  	v33 =	vmovc v28;
	v15 =	vand.u32 $0x7FFFFFFF, v50;
	v40 =	vadd.f32 v51, v40;
	v51 =	vmul.f32 v7, v50;
	[tilespmem:$0x1FF20] =	vst v9;
	v9 =	vld [tilespmem:$0x1FF30]  }
0x158: {  	v33 =	vadd.f32 v26, v33;
	v19 =	vadd.f32 v15, v19;
	v2 =	vld.idx.msk [tilespmem:v31+s20+$0x0], $0xffff  }
0x159: {  	p0 =	sne.s32 s29, $0x31;
	v43 =	vadd.f32 v60, v43;
	v23 =	vadd.f32 v51, v23;
	v48 =	vld [tilespmem:$0x1FFF0]  }
.Ltmp0:
0x15a: {  	v13 =	vld.idx.msk [tilespmem:v22+s20+$0x0], $0xffff;
	v41 =	vadd.f32 v61, v41;
	v34 =	vadd.f32 v39, v34;
	(pc) =	sbr.rel @p0 .LBB2_3-.Ltmp0, $4  }
0x15b: {  	v61 =	vmul.f32 v3, v50;
	v63 =	vld.idx.msk [tilespmem:v49+s20+$0x0], $0xffff;
	v59 =	vmul.f32 v8, v50;
	v6 =	vadd.f32 v38, v6  }
0x15c: {  	v39 =	vmov v50;
	[tilespmem:$0x1FED0] =	vst v52;
	v55 =	vld.idx.msk [tilespmem:v18+s20+$0x0], $0xffff;
	v57 =	vmul.f32 v11, v50;
	v9 =	vadd.f32 v58, v9  }
0x15d: {  	v49 =	vimm.f32 $1.000000000e+00;
	v62 =	vmul.f32 v2, v39;
	v27 =	vadd.f32 v59, v27;
	[tilespmem:$0x1FF60] =	vst v6;
	v58 =	vld.idx.msk [tilespmem:v29+s20+$0x0], $0xffff  }
0x15e: {  	v26 =	vor.u32 s29, v48;
	s29 =	sadd.s32 $0x1, s29;
	v28 =	vadd.f32 v57, v24;
	v24 =	vadd.f32 v16, v30;
	[tilespmem:$0x1FF30] =	vst v9;
	v9 =	vld.idx.msk [tilespmem:v20+s20+$0x0], $0xffff  }
0x15f: {  	v0 =	vshll.u32 v26, $0x5  }
0x160: {  	v3 =	vor.u32 $0x2, v0;
	_ =	sdelay $0x3  }
0x161: {  	v6 =	vor.u32 $0x3, v0  }
0x162: {  	v56 =	vld.idx.msk [tilespmem:v3+s20+$0x0], $0xffff;
	v3 =	vor.u32 $0x8, v0;
	_ =	sdelay $0x1  }
0x163: {  	v1 =	vor.u32 $0x1F, v0  }
0x164: {  	v2 =	vor.u32 $0x1, v0  }
0x165: {  	v7 =	vor.u32 $0x4, v0;
	v57 =	vld.idx.msk [tilespmem:v6+s20+$0x0], $0xffff  }
0x166: {  	v6 =	vor.u32 $0x9, v0;
	v3 =	vld.idx.msk [tilespmem:v3+s20+$0x0], $0xffff  }
0x167: {  	v14 =	vld.idx.msk [tilespmem:v5+s20+$0x0], $0xffff;
	v8 =	vor.u32 $0x5, v0  }
0x168: {  	v5 =	vld.idx.msk [tilespmem:v1+s20+$0x0], $0xffff;
	v1 =	vor.u32 $0x6, v0  }
0x169: {  	v54 =	vld.idx.msk [tilespmem:v2+s20+$0x0], $0xffff;
	v2 =	vor.u32 $0x7, v0  }
0x16a: {  	v59 =	vld.idx.msk [tilespmem:v7+s20+$0x0], $0xffff;
	v7 =	vor.u32 $0xA, v0  }
0x16b: {  	[tilespmem:$0x1F5A0] =	vst v3;
	v3 =	vld.idx.msk [tilespmem:v6+s20+$0x0], $0xffff  }
0x16c: {  	v60 =	vld.idx.msk [tilespmem:v8+s20+$0x0], $0xffff  }
0x16d: {  	v22 =	vld.idx.msk [tilespmem:v1+s20+$0x0], $0xffff;
	v1 =	vor.u32 $0xC, v0  }
0x16e: {  	v18 =	vld.idx.msk [tilespmem:v2+s20+$0x0], $0xffff;
	v2 =	vor.u32 $0xD, v0  }
0x16f: {  	v8 =	vor.u32 $0xB, v0;
	v6 =	vld.idx.msk [tilespmem:v7+s20+$0x0], $0xffff  }
0x170: {  	[tilespmem:$0x1F610] =	vst v3;
	v3 =	vor.u32 $0xE, v0;
	_ =	sdelay $0x1  }
0x171: {  	v1 =	vld.idx.msk [tilespmem:v1+s20+$0x0], $0xffff  }
0x172: {  	v2 =	vld.idx.msk [tilespmem:v2+s20+$0x0], $0xffff  }
0x173: {  	v7 =	vld.idx.msk [tilespmem:v8+s20+$0x0], $0xffff;
	[tilespmem:$0x1F640] =	vst v6;
	v6 =	vor.u32 $0xF, v0  }
0x174: {  	v3 =	vld.idx.msk [tilespmem:v3+s20+$0x0], $0xffff;
	_ =	sdelay $0x1  }
0x175: {  	[tilespmem:$0x1F6A0] =	vst v1;
	v1 =	vor.u32 $0x11, v0  }
0x176: {  	[tilespmem:$0x1F6E0] =	vst v2;
	v2 =	vor.u32 $0x12, v0  }
0x177: {  	[tilespmem:$0x1F670] =	vst v7;
	v7 =	vor.u32 $0x10, v0;
	v6 =	vld.idx.msk [tilespmem:v6+s20+$0x0], $0xffff  }
0x178: {  	[tilespmem:$0x1F710] =	vst v3;
	v3 =	vor.u32 $0x13, v0;
	_ =	sdelay $0x1  }
0x179: {  	v1 =	vld.idx.msk [tilespmem:v1+s20+$0x0], $0xffff  }
0x17a: {  	v2 =	vld.idx.msk [tilespmem:v2+s20+$0x0], $0xffff  }
0x17b: {  	v7 =	vld.idx.msk [tilespmem:v7+s20+$0x0], $0xffff;
	[tilespmem:$0x1F740] =	vst v6;
	v6 =	vor.u32 $0x14, v0  }
0x17c: {  	v3 =	vld.idx.msk [tilespmem:v3+s20+$0x0], $0xffff;
	_ =	sdelay $0x1  }
0x17d: {  	[tilespmem:$0x1F7E0] =	vst v1;
	v1 =	vor.u32 $0x16, v0  }
0x17e: {  	[tilespmem:$0x1F820] =	vst v2;
	v2 =	vor.u32 $0x17, v0  }
0x17f: {  	[tilespmem:$0x1F7B0] =	vst v7;
	v7 =	vor.u32 $0x15, v0;
	v6 =	vld.idx.msk [tilespmem:v6+s20+$0x0], $0xffff  }
0x180: {  	[tilespmem:$0x1F860] =	vst v3;
	v3 =	vor.u32 $0x18, v0;
	_ =	sdelay $0x1  }
0x181: {  	v1 =	vld.idx.msk [tilespmem:v1+s20+$0x0], $0xffff  }
0x182: {  	v2 =	vld.idx.msk [tilespmem:v2+s20+$0x0], $0xffff  }
0x183: {  	[tilespmem:$0x1F8A0] =	vst v6;
	v6 =	vld.idx.msk [tilespmem:v7+s20+$0x0], $0xffff  }
0x184: {  	v3 =	vld.idx.msk [tilespmem:v3+s20+$0x0], $0xffff;
	_ =	sdelay $0x1  }
0x185: {  	[tilespmem:$0x1F910] =	vst v1  }
0x186: {  	v1 =	vor.u32 $0x1A, v0;
	[tilespmem:$0x1F920] =	vst v2  }
0x187: {  	v8 =	vor.u32 $0x1D, v0;
	v2 =	vor.u32 $0x1B, v0;
	[tilespmem:$0x1F8E0] =	vst v6  }
0x188: {  	v7 =	vld.idx.msk [tilespmem:v0+s20+$0x0], $0xffff;
	v6 =	vor.u32 $0x19, v0;
	[tilespmem:$0x1F960] =	vst v3;
	v3 =	vor.u32 $0x1C, v0;
	v0 =	vor.u32 $0x1E, v0;
	_ =	sdelay $0x2  }
0x189: {  	v1 =	vld.idx.msk [tilespmem:v1+s20+$0x0], $0xffff;
	_ =	sdelay $0x1  }
0x18a: {  	v0 =	vld.idx.msk [tilespmem:v0+s20+$0x0], $0xffff;
	_ =	sdelay $0x1  }
0x18b: {  	s29 =	simm.s32 $0x0  }
0x18c: {  	[tilespmem:$0x1FA10] =	vst v1;
	v1 =	vor.u32 s29, v48  }
0x18d: {  	v53 =	vshll.u32 v1, $0x5  }
0x18e: {  	[tilespmem:$0x1FA80] =	vst v0;
	v0 =	vor.u32 $0x2, v53;
	_ =	sdelay $0x4  }
0x18f: {  	v0 =	vld.idx.msk [tilespmem:v0+s21+$0x0], $0xffff;
	_ =	sdelay $0x4  }
0x190: {  	[tilespmem:$0x1FB20] =	vst v0;
	v0 =	vor.u32 $0x7, v53;
	_ =	sdelay $0x4  }
0x191: {  	v0 =	vld.idx.msk [tilespmem:v0+s21+$0x0], $0xffff;
	_ =	sdelay $0x4  }
0x192: {  	[tilespmem:$0x1FBD0] =	vst v0;
	v0 =	vor.u32 $0xC, v53;
	_ =	sdelay $0x4  }
0x193: {  	v30 =	vld.idx.msk [tilespmem:v0+s21+$0x0], $0xffff;
	v0 =	vor.u32 $0x11, v53;
	_ =	sdelay $0x4  }
0x194: {  	v0 =	vld.idx.msk [tilespmem:v0+s21+$0x0], $0xffff;
	_ =	sdelay $0x4  }
0x195: {  	[tilespmem:$0x1FCF0] =	vst v0;
	v0 =	vor.u32 $0x16, v53;
	_ =	sdelay $0x4  }
0x196: {  	v47 =	vld.idx.msk [tilespmem:v0+s21+$0x0], $0xffff;
	v0 =	vor.u32 $0x1B, v53;
	_ =	sdelay $0x1  }
0x197: {  	v20 =	vld [tilespmem:$0x1FFD0];
	_ =	sdelay $0x2  }
0x198: {  	v0 =	vld.idx.msk [tilespmem:v0+s21+$0x0], $0xffff;
	_ =	sdelay $0x4  }
0x199: {  	[tilespmem:$0x1F180] =	vst v0;
	v0 =	vld.idx.msk [tilespmem:v20+s12+$0x0], $0xffff;
	_ =	sdelay $0x4  }
0x19a: {  	[tilespmem:$0x1F190] =	vst v0;
	v0 =	vimm.s32 $0x40;
	_ =	sdelay $0x4  }
0x19b: {  	v0 =	vld.idx.msk [tilespmem:v0+s0+$0x0], $0xffff;
	_ =	sdelay $0x4  }
0x19c: {  	[tilespmem:$0x1F1A0] =	vst v0;
	v0 =	vimm.s32 $0x158;
	_ =	sdelay $0x4  }
0x19d: {  	v0 =	vld.idx.msk [tilespmem:v0+s0+$0x0], $0xffff;
	_ =	sdelay $0x4  }
0x19e: {  	[tilespmem:$0x1F1B0] =	vst v0;
	v0 =	vld [tilespmem:$0x1FF80];
	_ =	sdelay $0x7  }
0x19f: {  	v0 =	vld.idx.msk [tilespmem:v0+s12+$0x0], $0xffff;
	_ =	sdelay $0x4  }
0x1a0: {  	[tilespmem:$0x1F1C0] =	vst v0;
	v0 =	vimm.s32 $0x41;
	_ =	sdelay $0x4  }
0x1a1: {  	v0 =	vld.idx.msk [tilespmem:v0+s0+$0x0], $0xffff;
	_ =	sdelay $0x4  }
0x1a2: {  	[tilespmem:$0x1F1D0] =	vst v0;
	v0 =	vimm.s32 $0x159;
	_ =	sdelay $0x4  }
0x1a3: {  	v0 =	vld.idx.msk [tilespmem:v0+s0+$0x0], $0xffff;
	_ =	sdelay $0x4  }
0x1a4: {  	[tilespmem:$0x1F1E0] =	vst v0;
	v0 =	vld [tilespmem:$0x1FF90];
	_ =	sdelay $0x7  }
0x1a5: {  	v0 =	vld.idx.msk [tilespmem:v0+s12+$0x0], $0xffff;
	_ =	sdelay $0x4  }
0x1a6: {  	[tilespmem:$0x1F1F0] =	vst v0;
	v0 =	vimm.s32 $0x42;
	_ =	sdelay $0x4  }
0x1a7: {  	v0 =	vld.idx.msk [tilespmem:v0+s0+$0x0], $0xffff;
	_ =	sdelay $0x4  }
0x1a8: {  	[tilespmem:$0x1F200] =	vst v0;
	v0 =	vimm.s32 $0x15A;
	_ =	sdelay $0x4  }
0x1a9: {  	v0 =	vld.idx.msk [tilespmem:v0+s0+$0x0], $0xffff;
	_ =	sdelay $0x4  }
0x1aa: {  	[tilespmem:$0x1F210] =	vst v0;
	v0 =	vld [tilespmem:$0x1FFA0];
	_ =	sdelay $0x7  }
0x1ab: {  	v0 =	vld.idx.msk [tilespmem:v0+s12+$0x0], $0xffff;
	_ =	sdelay $0x4  }
0x1ac: {  	[tilespmem:$0x1F220] =	vst v0;
	v0 =	vimm.s32 $0x43;
	_ =	sdelay $0x4  }
0x1ad: {  	v0 =	vld.idx.msk [tilespmem:v0+s0+$0x0], $0xffff;
	_ =	sdelay $0x4  }
0x1ae: {  	[tilespmem:$0x1F230] =	vst v0;
	v0 =	vimm.s32 $0x15B;
	_ =	sdelay $0x4  }
0x1af: {  	v0 =	vld.idx.msk [tilespmem:v0+s0+$0x0], $0xffff;
	_ =	sdelay $0x4  }
0x1b0: {  	[tilespmem:$0x1F240] =	vst v0;
	v0 =	vld [tilespmem:$0x1FFB0];
	_ =	sdelay $0x7  }
0x1b1: {  	v0 =	vld.idx.msk [tilespmem:v0+s12+$0x0], $0xffff;
	_ =	sdelay $0x4  }
0x1b2: {  	[tilespmem:$0x1F250] =	vst v0;
	v0 =	vimm.s32 $0x44;
	_ =	sdelay $0x4  }
0x1b3: {  	v0 =	vld.idx.msk [tilespmem:v0+s0+$0x0], $0xffff;
	_ =	sdelay $0x3  }
0x1b4: {  	v2 =	vld.idx.msk [tilespmem:v2+s20+$0x0], $0xffff  }
0x1b5: {  	[tilespmem:$0x1F260] =	vst v0;
	v0 =	vimm.s32 $0x15C;
	_ =	sdelay $0x3  }
0x1b6: {  	[tilespmem:$0x1FA20] =	vst v2;
	v2 =	vld.idx.msk [tilespmem:v3+s20+$0x0], $0xffff  }
0x1b7: {  	v0 =	vld.idx.msk [tilespmem:v0+s0+$0x0], $0xffff;
	_ =	sdelay $0x3  }
0x1b8: {  	[tilespmem:$0x1FA30] =	vst v2  }
0x1b9: {  	v2 =	vor.u32 $0x1F, v53;
	[tilespmem:$0x1F270] =	vst v0;
	v0 =	vld [tilespmem:$0x1FFC0]  }
0x1ba: {  	v6 =	vld.idx.msk [tilespmem:v6+s20+$0x0], $0xffff;
	_ =	sdelay $0x2  }
0x1bb: {  	v3 =	vld.idx.msk [tilespmem:v8+s20+$0x0], $0xffff  }
0x1bc: {  	v2 =	vld.idx.msk [tilespmem:v2+s21+$0x0], $0xffff  }
0x1bd: {  	[tilespmem:$0x1F970] =	vst v6;
	v6 =	vld.idx.msk [tilespmem:v1+s15+$0x0], $0xffff  }
0x1be: {  	v52 =	vld.idx.msk [tilespmem:v1+s16+$0x0], $0xffff;
	v1 =	vor.u32 $0x4, v53  }
0x1bf: {  	v0 =	vld.idx.msk [tilespmem:v0+s12+$0x0], $0xffff  }
0x1c0: {  	[tilespmem:$0x1FA60] =	vst v3;
	v3 =	vor.u32 $0x1, v53  }
0x1c1: {  	[tilespmem:$0x1FAE0] =	vst v2;
	v2 =	vor.u32 $0x5, v53;
	_ =	sdelay $0x1  }
0x1c2: {  	v1 =	vld.idx.msk [tilespmem:v1+s21+$0x0], $0xffff  }
0x1c3: {  	[tilespmem:$0x1F280] =	vst v0;
	v0 =	vimm.s32 $0x45  }
0x1c4: {  	v50 =	vld.idx.msk [tilespmem:v3+s21+$0x0], $0xffff;
	v3 =	vor.u32 $0x6, v53  }
0x1c5: {  	v2 =	vld.idx.msk [tilespmem:v2+s21+$0x0], $0xffff;
	_ =	sdelay $0x1  }
0x1c6: {  	[tilespmem:$0x1FB70] =	vst v1;
	v1 =	vor.u32 $0x9, v53  }
0x1c7: {  	v0 =	vld.idx.msk [tilespmem:v0+s0+$0x0], $0xffff  }
0x1c8: {  	v3 =	vld.idx.msk [tilespmem:v3+s21+$0x0], $0xffff  }
0x1c9: {  	[tilespmem:$0x1FB90] =	vst v2;
	v2 =	vor.u32 $0xA, v53;
	_ =	sdelay $0x1  }
0x1ca: {  	v29 =	vld.idx.msk [tilespmem:v1+s21+$0x0], $0xffff;
	v1 =	vor.u32 $0xE, v53  }
0x1cb: {  	[tilespmem:$0x1F290] =	vst v0;
	v0 =	vimm.s32 $0x15D  }
0x1cc: {  	[tilespmem:$0x1FBA0] =	vst v3;
	v3 =	vor.u32 $0xB, v53  }
0x1cd: {  	v2 =	vld.idx.msk [tilespmem:v2+s21+$0x0], $0xffff;
	_ =	sdelay $0x1  }
0x1ce: {  	v1 =	vld.idx.msk [tilespmem:v1+s21+$0x0], $0xffff  }
0x1cf: {  	v0 =	vld.idx.msk [tilespmem:v0+s0+$0x0], $0xffff  }
0x1d0: {  	v3 =	vld.idx.msk [tilespmem:v3+s21+$0x0], $0xffff  }
0x1d1: {  	[tilespmem:$0x1FC10] =	vst v2;
	v2 =	vor.u32 $0xF, v53;
	_ =	sdelay $0x1  }
0x1d2: {  	[tilespmem:$0x1FCA0] =	vst v1  }
0x1d3: {  	v1 =	vor.u32 $0x13, v53;
	[tilespmem:$0x1F2A0] =	vst v0;
	v0 =	vld [tilespmem:$0x1FFE0]  }
0x1d4: {  	[tilespmem:$0x1FC40] =	vst v3;
	v3 =	vor.u32 $0x10, v53  }
0x1d5: {  	v2 =	vld.idx.msk [tilespmem:v2+s21+$0x0], $0xffff;
	_ =	sdelay $0x2  }
0x1d6: {  	v1 =	vld.idx.msk [tilespmem:v1+s21+$0x0], $0xffff  }
0x1d7: {  	v3 =	vld.idx.msk [tilespmem:v3+s21+$0x0], $0xffff  }
0x1d8: {  	[tilespmem:$0x1FCB0] =	vst v2;
	v2 =	vor.u32 $0x14, v53  }
0x1d9: {  	v0 =	vld.idx.msk [tilespmem:v0+s12+$0x0], $0xffff;
	_ =	sdelay $0x1  }
0x1da: {  	v17 =	vld.idx.msk [tilespmem:v25+s20+$0x0], $0xffff;
	[tilespmem:$0x1FD70] =	vst v1;
	v1 =	vor.u32 $0x18, v53  }
0x1db: {  	v15 =	vld.idx.msk [tilespmem:v4+s20+$0x0], $0xffff;
	[tilespmem:$0x1FCD0] =	vst v3;
	v3 =	vor.u32 $0x15, v53  }
0x1dc: {  	v25 =	vld.idx.msk [tilespmem:v2+s21+$0x0], $0xffff;
	v2 =	vor.u32 $0x19, v53  }
0x1dd: {  	v4 =	vld.idx.msk [tilespmem:v26+s13+$0x0], $0xffff;
	[tilespmem:$0x1F2B0] =	vst v0;
	v0 =	vimm.s32 $0x46  }
0x1de: {  	v51 =	vld.idx.msk [tilespmem:v26+s14+$0x0], $0xffff  }
0x1df: {  	v37 =	vld.idx.msk [tilespmem:v1+s21+$0x0], $0xffff  }
0x1e0: {  	v26 =	vld.idx.msk [tilespmem:v3+s21+$0x0], $0xffff  }
0x1e1: {  	v1 =	vld.idx.msk [tilespmem:v2+s21+$0x0], $0xffff  }
0x1e2: {  	v3 =	vor.u32 $0x1A, v53;
	v0 =	vld.idx.msk [tilespmem:v0+s0+$0x0], $0xffff;
	_ =	sdelay $0x3  }
0x1e3: {  	[tilespmem:$0x1F160] =	vst v1  }
0x1e4: {  	v1 =	vld.idx.msk [tilespmem:v3+s21+$0x0], $0xffff;
	[tilespmem:$0x1F2C0] =	vst v0;
	v0 =	vimm.s32 $0x15E;
	_ =	sdelay $0x4  }
0x1e5: {  	[tilespmem:$0x1F170] =	vst v1;
	v1 =	vor.u32 $0x7, v20;
	v0 =	vld.idx.msk [tilespmem:v0+s0+$0x0], $0xffff;
	_ =	sdelay $0x4  }
0x1e6: {  	[tilespmem:$0x1F2D0] =	vst v0;
	v0 =	vld.idx.msk [tilespmem:v1+s12+$0x0], $0xffff;
	_ =	sdelay $0x4  }
0x1e7: {  	[tilespmem:$0x1F2F0] =	vst v0;
	v0 =	vimm.s32 $0x47;
	_ =	sdelay $0x4  }
0x1e8: {  	v0 =	vld.idx.msk [tilespmem:v0+s0+$0x0], $0xffff;
	_ =	sdelay $0x4  }
0x1e9: {  	[tilespmem:$0x1F300] =	vst v0;
	v0 =	vimm.s32 $0x15F;
	_ =	sdelay $0x4  }
0x1ea: {  	v2 =	vor.u32 $0x8, v20;
	v0 =	vld.idx.msk [tilespmem:v0+s0+$0x0], $0xffff;
	_ =	sdelay $0x4  }
0x1eb: {  	[tilespmem:$0x1F310] =	vst v0;
	v0 =	vld.idx.msk [tilespmem:v2+s12+$0x0], $0xffff;
	_ =	sdelay $0x4  }
0x1ec: {  	[tilespmem:$0x1F330] =	vst v0;
	v0 =	vimm.s32 $0x48;
	_ =	sdelay $0x4  }
0x1ed: {  	v0 =	vld.idx.msk [tilespmem:v0+s0+$0x0], $0xffff;
	_ =	sdelay $0x4  }
0x1ee: {  	[tilespmem:$0x1F340] =	vst v0;
	v0 =	vimm.s32 $0x160;
	_ =	sdelay $0x4  }
0x1ef: {  	[tilespmem:$0x1F2E0] =	vst v1;
	v1 =	vor.u32 $0x9, v20;
	v0 =	vld.idx.msk [tilespmem:v0+s0+$0x0], $0xffff;
	_ =	sdelay $0x4  }
0x1f0: {  	[tilespmem:$0x1F350] =	vst v0;
	v0 =	vld.idx.msk [tilespmem:v1+s12+$0x0], $0xffff;
	_ =	sdelay $0x4  }
0x1f1: {  	[tilespmem:$0x1F370] =	vst v0;
	v0 =	vimm.s32 $0x49;
	_ =	sdelay $0x4  }
0x1f2: {  	v0 =	vld.idx.msk [tilespmem:v0+s0+$0x0], $0xffff;
	_ =	sdelay $0x4  }
0x1f3: {  	[tilespmem:$0x1F380] =	vst v0;
	v0 =	vimm.s32 $0x161;
	_ =	sdelay $0x4  }
0x1f4: {  	[tilespmem:$0x1F320] =	vst v2;
	v2 =	vor.u32 $0xA, v20;
	v0 =	vld.idx.msk [tilespmem:v0+s0+$0x0], $0xffff;
	_ =	sdelay $0x4  }
0x1f5: {  	[tilespmem:$0x1F390] =	vst v0;
	v0 =	vld.idx.msk [tilespmem:v2+s12+$0x0], $0xffff;
	_ =	sdelay $0x4  }
0x1f6: {  	[tilespmem:$0x1F3B0] =	vst v0;
	v0 =	vimm.s32 $0x4A;
	_ =	sdelay $0x4  }
0x1f7: {  	v0 =	vld.idx.msk [tilespmem:v0+s0+$0x0], $0xffff;
	_ =	sdelay $0x4  }
0x1f8: {  	[tilespmem:$0x1F3C0] =	vst v0;
	v0 =	vimm.s32 $0x162;
	_ =	sdelay $0x4  }
0x1f9: {  	[tilespmem:$0x1F360] =	vst v1;
	v1 =	vor.u32 $0xB, v20;
	v0 =	vld.idx.msk [tilespmem:v0+s0+$0x0], $0xffff;
	_ =	sdelay $0x4  }
0x1fa: {  	[tilespmem:$0x1F3D0] =	vst v0;
	v0 =	vld.idx.msk [tilespmem:v1+s12+$0x0], $0xffff;
	_ =	sdelay $0x4  }
0x1fb: {  	[tilespmem:$0x1F3F0] =	vst v0;
	v0 =	vimm.s32 $0x4B;
	_ =	sdelay $0x4  }
0x1fc: {  	v0 =	vld.idx.msk [tilespmem:v0+s0+$0x0], $0xffff;
	_ =	sdelay $0x4  }
0x1fd: {  	[tilespmem:$0x1F400] =	vst v0;
	v0 =	vimm.s32 $0x163  }
0x1fe: {  	[tilespmem:$0x1F3A0] =	vst v2;
	v2 =	vor.u32 $0xC, v20;
	_ =	sdelay $0x2  }
0x1ff: {  	v3 =	vor.u32 $0xD, v20  }
0x200: {  	v0 =	vld.idx.msk [tilespmem:v0+s0+$0x0], $0xffff  }
0x201: {  	[tilespmem:$0x1F3E0] =	vst v1;
	v1 =	vld.idx.msk [tilespmem:v2+s12+$0x0], $0xffff;
	_ =	sdelay $0x2  }
0x202: {  	[tilespmem:$0x1F460] =	vst v3;
	v3 =	vld.idx.msk [tilespmem:v3+s12+$0x0], $0xffff  }
0x203: {  	vm0 =	veq.s32 v4, $0x186A0;
	[tilespmem:$0x1F410] =	vst v0;
	v0 =	vadd.f32 $-6.000000240e-01, v51  }
0x204: {  	[tilespmem:$0x1F430] =	vst v1;
	v1 =	vsel vm0, $0x0, v49  }
0x205: {  	v4 =	vmul.f32 v1, v0;
	_ =	sdelay $0x1  }
0x206: {  	[tilespmem:$0x1F470] =	vst v3;
	v3 =	vmul.f32 v5, v4;
	v5 =	vmul.f32 v4, v7;
	v7 =	vimm.s32 $0x165;
	_ =	sdelay $0x2  }
0x207: {  	v0 =	vimm.s32 $0x164;
	_ =	sdelay $0x1  }
0x208: {  	v7 =	vld.idx.msk [tilespmem:v7+s0+$0x0], $0xffff;
	_ =	sdelay $0x2  }
0x209: {  	v0 =	vld.idx.msk [tilespmem:v0+s0+$0x0], $0xffff;
	_ =	sdelay $0x1  }
0x20a: {  	[tilespmem:$0x1F490] =	vst v7;
	v7 =	vld [tilespmem:$0x1FE50];
	_ =	sdelay $0x1  }
0x20b: {  	v8 =	vor.u32 $0xE, v20  }
0x20c: {  	[tilespmem:$0x1F450] =	vst v0;
	v0 =	vadd.f32 v61, v10;
	v10 =	vimm.s32 $0x166;
	_ =	sdelay $0x1  }
0x20d: {  	v3 =	vadd.f32 v3, v7  }
0x20e: {  	[tilespmem:$0x1F4C0] =	vst v8  }
0x20f: {  	[tilespmem:$0x1F4A0] =	vst v3;
	v3 =	vadd.f32 v5, v32;
	v5 =	vld.idx.msk [tilespmem:v8+s12+$0x0], $0xffff;
	v8 =	vimm.s32 $0x4E  }
0x210: {  	v10 =	vld.idx.msk [tilespmem:v10+s0+$0x0], $0xffff;
	_ =	sdelay $0x2  }
0x211: {  	v16 =	vor.u32 $0x10, v20  }
0x212: {  	v8 =	vld.idx.msk [tilespmem:v8+s0+$0x0], $0xffff  }
0x213: {  	[tilespmem:$0x1F500] =	vst v10;
	v10 =	vmul.f32 v12, v39;
	v12 =	vmul.f32 v13, v39;
	v13 =	vimm.s32 $0x4F;
	_ =	sdelay $0x2  }
0x214: {  	[tilespmem:$0x1F580] =	vst v16;
	v16 =	vld.idx.msk [tilespmem:v16+s12+$0x0], $0xffff  }
0x215: {  	[tilespmem:$0x1F4E0] =	vst v8;
	v8 =	vld [tilespmem:$0x1FE60]  }
0x216: {  	v13 =	vld.idx.msk [tilespmem:v13+s0+$0x0], $0xffff;
	_ =	sdelay $0x1  }
0x217: {  	[tilespmem:$0x1F4B0] =	vst v3;
	v3 =	vmul.f32 v54, v4  }
0x218: {  	[tilespmem:$0x1F590] =	vst v16;
	v16 =	vmul.f32 v18, v4;
	v18 =	vimm.s32 $0x50  }
0x219: {  	v3 =	vadd.f32 v3, v8;
	v8 =	vmul.f32 v9, v39;
	v9 =	vld [tilespmem:$0x1FE70]  }
0x21a: {  	[tilespmem:$0x1F540] =	vst v13;
	v13 =	vimm.s32 $0x167;
	_ =	sdelay $0x1  }
0x21b: {  	v7 =	vmul.f32 v56, v4  }
0x21c: {  	v18 =	vld.idx.msk [tilespmem:v18+s0+$0x0], $0xffff  }
0x21d: {  	v11 =	vor.u32 $0xF, v20;
	v7 =	vadd.f32 v7, v9;
	v9 =	vld [tilespmem:$0x1FE80]  }
0x21e: {  	v13 =	vld.idx.msk [tilespmem:v13+s0+$0x0], $0xffff;
	_ =	sdelay $0x1  }
0x21f: {  	[tilespmem:$0x1F510] =	vst v7;
	v7 =	vmul.f32 v57, v4  }
0x220: {  	[tilespmem:$0x1F5B0] =	vst v18;
	v18 =	vmul.f32 v14, v39;
	v14 =	vld [tilespmem:$0x1FEA0]  }
0x221: {  	[tilespmem:$0x1F520] =	vst v11;
	v11 =	vld.idx.msk [tilespmem:v11+s12+$0x0], $0xffff;
	v7 =	vadd.f32 v7, v9  }
0x222: {  	[tilespmem:$0x1F560] =	vst v13  }
0x223: {  	v13 =	vld [tilespmem:$0x1FE90];
	[tilespmem:$0x1F550] =	vst v7;
	v7 =	vmul.f32 v60, v4;
	_ =	sdelay $0x1  }
0x224: {  	v7 =	vadd.f32 v7, v14  }
0x225: {  	[tilespmem:$0x1F530] =	vst v11;
	v11 =	vmul.f32 v59, v4  }
0x226: {  	[tilespmem:$0x1F5C0] =	vst v7;
	v7 =	vld [tilespmem:$0x1FEB0]  }
0x227: {  	v11 =	vadd.f32 v11, v13;
	_ =	sdelay $0x1  }
0x228: {  	[tilespmem:$0x1F570] =	vst v11;
	v11 =	vmul.f32 v22, v4;
	_ =	sdelay $0x1  }
0x229: {  	v7 =	vadd.f32 v11, v7;
	_ =	sdelay $0x1  }
0x22a: {  	[tilespmem:$0x1F5D0] =	vst v7;
	v7 =	vimm.s32 $0x168;
	_ =	sdelay $0x4  }
0x22b: {  	v7 =	vld.idx.msk [tilespmem:v7+s0+$0x0], $0xffff;
	_ =	sdelay $0x4  }
0x22c: {  	[tilespmem:$0x1F5E0] =	vst v7;
	v7 =	vld [tilespmem:$0x1FEC0];
	_ =	sdelay $0x4  }
0x22d: {  	v13 =	vmul.f32 v15, v39;
	v15 =	vld [tilespmem:$0x1F5A0];
	v7 =	vadd.f32 v16, v7  }
0x22e: {  	v14 =	vimm.s32 $0x51  }
0x22f: {  	[tilespmem:$0x1F5F0] =	vst v7;
	v7 =	vld [tilespmem:$0x1FED0];
	_ =	sdelay $0x2  }
0x230: {  	v9 =	vmul.f32 v17, v39;
	v17 =	vmul.f32 v15, v4  }
0x231: {  	v14 =	vld.idx.msk [tilespmem:v14+s0+$0x0], $0xffff  }
0x232: {  	v7 =	vadd.f32 v17, v7;
	_ =	sdelay $0x1  }
0x233: {  	[tilespmem:$0x1F600] =	vst v7;
	v7 =	vld [tilespmem:$0x1F610];
	_ =	sdelay $0x1  }
0x234: {  	[tilespmem:$0x1F650] =	vst v14;
	v14 =	vld [tilespmem:$0x1FEE0];
	_ =	sdelay $0x2  }
0x235: {  	v21 =	vor.u32 $0x11, v20;
	v7 =	vmul.f32 v7, v4;
	_ =	sdelay $0x1  }
0x236: {  	v7 =	vadd.f32 v7, v14;
	v14 =	vimm.s32 $0x169;
	_ =	sdelay $0x2  }
0x237: {  	v11 =	vld.idx.msk [tilespmem:v21+s12+$0x0], $0xffff;
	_ =	sdelay $0x1  }
0x238: {  	v14 =	vld.idx.msk [tilespmem:v14+s0+$0x0], $0xffff;
	_ =	sdelay $0x2  }
0x239: {  	[tilespmem:$0x1F630] =	vst v11;
	v11 =	vld [tilespmem:$0x1F640];
	_ =	sdelay $0x1  }
0x23a: {  	v22 =	vor.u32 $0x12, v20;
	[tilespmem:$0x1F680] =	vst v14;
	v14 =	vld [tilespmem:$0x1FEF0];
	_ =	sdelay $0x2  }
0x23b: {  	v11 =	vmul.f32 v11, v4;
	_ =	sdelay $0x1  }
0x23c: {  	v11 =	vadd.f32 v11, v14;
	v14 =	vld.idx.msk [tilespmem:v22+s12+$0x0], $0xffff;
	_ =	sdelay $0x2  }
0x23d: {  	[tilespmem:$0x1F660] =	vst v7;
	v7 =	vld [tilespmem:$0x1F670];
	_ =	sdelay $0x1  }
0x23e: {  	[tilespmem:$0x1F6C0] =	vst v14;
	v14 =	vld [tilespmem:$0x1FF00];
	_ =	sdelay $0x2  }
0x23f: {  	v7 =	vmul.f32 v7, v4;
	_ =	sdelay $0x1  }
0x240: {  	v7 =	vadd.f32 v7, v14;
	v14 =	vimm.s32 $0x52;
	_ =	sdelay $0x4  }
0x241: {  	v14 =	vld.idx.msk [tilespmem:v14+s0+$0x0], $0xffff;
	_ =	sdelay $0x2  }
0x242: {  	[tilespmem:$0x1F690] =	vst v11;
	v11 =	vadd.f32 v8, v40;
	v8 =	vld [tilespmem:$0x1F6A0];
	_ =	sdelay $0x1  }
0x243: {  	[tilespmem:$0x1F6F0] =	vst v14;
	v14 =	vld [tilespmem:$0x1FF10];
	_ =	sdelay $0x2  }
0x244: {  	v8 =	vmul.f32 v8, v4;
	_ =	sdelay $0x1  }
0x245: {  	v8 =	vadd.f32 v8, v14;
	v14 =	vimm.s32 $0x16A;
	_ =	sdelay $0x4  }
0x246: {  	v14 =	vld.idx.msk [tilespmem:v14+s0+$0x0], $0xffff;
	_ =	sdelay $0x2  }
0x247: {  	[tilespmem:$0x1F6D0] =	vst v7;
	v7 =	vld [tilespmem:$0x1F6E0];
	_ =	sdelay $0x1  }
0x248: {  	v15 =	vor.u32 $0x13, v20;
	[tilespmem:$0x1F720] =	vst v14;
	v14 =	vld [tilespmem:$0x1FF20];
	_ =	sdelay $0x2  }
0x249: {  	v7 =	vmul.f32 v7, v4;
	_ =	sdelay $0x1  }
0x24a: {  	v7 =	vadd.f32 v7, v14;
	v14 =	vld.idx.msk [tilespmem:v15+s12+$0x0], $0xffff;
	_ =	sdelay $0x2  }
0x24b: {  	[tilespmem:$0x1F700] =	vst v8;
	v8 =	vld [tilespmem:$0x1F710];
	_ =	sdelay $0x1  }
0x24c: {  	[tilespmem:$0x1F760] =	vst v14;
	v14 =	vld [tilespmem:$0x1FF30];
	_ =	sdelay $0x2  }
0x24d: {  	v8 =	vmul.f32 v8, v4;
	_ =	sdelay $0x1  }
0x24e: {  	v8 =	vadd.f32 v8, v14;
	_ =	sdelay $0x1  }
0x24f: {  	[tilespmem:$0x1F770] =	vst v8;
	v8 =	vimm.s32 $0x53;
	_ =	sdelay $0x1  }
0x250: {  	v17 =	vimm.s32 $0x54;
	_ =	sdelay $0x1  }
0x251: {  	v16 =	vor.u32 $0x14, v20  }
0x252: {  	v8 =	vld.idx.msk [tilespmem:v8+s0+$0x0], $0xffff;
	_ =	sdelay $0x1  }
0x253: {  	v17 =	vld.idx.msk [tilespmem:v17+s0+$0x0], $0xffff  }
0x254: {  	[tilespmem:$0x1F730] =	vst v7;
	v7 =	vld [tilespmem:$0x1F740]  }
0x255: {  	[tilespmem:$0x1F750] =	vst v15;
	v15 =	vld.idx.msk [tilespmem:v16+s12+$0x0], $0xffff  }
0x256: {  	[tilespmem:$0x1F780] =	vst v8;
	v8 =	vld [tilespmem:$0x1FF50]  }
0x257: {  	v14 =	vld [tilespmem:$0x1F7B0];
	_ =	sdelay $0x1  }
0x258: {  	[tilespmem:$0x1F7F0] =	vst v17;
	v17 =	vld [tilespmem:$0x1FF60];
	v7 =	vmul.f32 v7, v4  }
0x259: {  	[tilespmem:$0x1F9E0] =	vst v6  }
0x25a: {  	v6 =	vor.u32 $0x3, v53;
	[tilespmem:$0x1F7D0] =	vst v15;
	v15 =	vld [tilespmem:$0x1F7E0];
	v7 =	vadd.f32 v7, v8;
	v8 =	vmul.f32 v1, v51  }
0x25b: {  	v14 =	vmul.f32 v14, v4  }
0x25c: {  	[tilespmem:$0x1F620] =	vst v21;
	v8 =	vadd.f32 v8, v33  }
0x25d: {  	[tilespmem:$0x1F7C0] =	vst v16;
	v14 =	vadd.f32 v14, v17  }
0x25e: {  	v21 =	vor.u32 $0x15, v20;
	v16 =	vand.u32 $0x7FFFFFFF, v4;
	[tilespmem:$0x1F850] =	vst v8;
	v8 =	vld [tilespmem:$0x1F860]  }
0x25f: {  	v31 =	vld.idx.msk [tilespmem:v6+s21+$0x0], $0xffff;
	v6 =	vor.u32 $0x8, v53;
	v15 =	vmul.f32 v15, v4;
	[tilespmem:$0x1F800] =	vst v14;
	v14 =	vadd.f32 v16, v19;
	_ =	sdelay $0x1  }
0x260: {  	v15 =	vadd.f32 v15, v23;
	[tilespmem:$0x1F810] =	vst v14;
	v14 =	vld [tilespmem:$0x1F820];
	_ =	sdelay $0x1  }
0x261: {  	[tilespmem:$0x1F840] =	vst v15;
	v15 =	vmul.f32 v8, v4;
	v8 =	vld.idx.msk [tilespmem:v21+s12+$0x0], $0xffff  }
0x262: {  	v6 =	vld.idx.msk [tilespmem:v6+s21+$0x0], $0xffff;
	_ =	sdelay $0x1  }
0x263: {  	v14 =	vmul.f32 v14, v4;
	_ =	sdelay $0x1  }
0x264: {  	[tilespmem:$0x1F880] =	vst v8;
	v8 =	vadd.f32 v14, v28  }
0x265: {  	[tilespmem:$0x1FBF0] =	vst v6;
	v6 =	vor.u32 $0xD, v53  }
0x266: {  	[tilespmem:$0x1F890] =	vst v8;
	v8 =	vld [tilespmem:$0x1F8A0];
	_ =	sdelay $0x3  }
0x267: {  	v6 =	vld.idx.msk [tilespmem:v6+s21+$0x0], $0xffff  }
0x268: {  	v14 =	vmul.f32 v8, v4;
	v8 =	vimm.s32 $0x55;
	_ =	sdelay $0x3  }
0x269: {  	[tilespmem:$0x1FC70] =	vst v6;
	v6 =	vor.u32 $0x12, v53  }
0x26a: {  	v8 =	vld.idx.msk [tilespmem:v8+s0+$0x0], $0xffff;
	_ =	sdelay $0x3  }
0x26b: {  	v6 =	vld.idx.msk [tilespmem:v6+s21+$0x0], $0xffff  }
0x26c: {  	[tilespmem:$0x1F8B0] =	vst v8;
	v8 =	vadd.f32 v15, v27;
	_ =	sdelay $0x1  }
0x26d: {  	[tilespmem:$0x1F8C0] =	vst v8;
	v8 =	vimm.s32 $0x16D  }
0x26e: {  	[tilespmem:$0x1F420] =	vst v2;
	v2 =	vimm.s32 $0x4C  }
0x26f: {  	[tilespmem:$0x1FD40] =	vst v6;
	v6 =	vor.u32 $0x17, v53;
	_ =	sdelay $0x2  }
0x270: {  	v8 =	vld.idx.msk [tilespmem:v8+s0+$0x0], $0xffff  }
0x271: {  	v2 =	vld.idx.msk [tilespmem:v2+s0+$0x0], $0xffff;
	v0 =	vadd.f32 v14, v0  }
0x272: {  	v38 =	vld.idx.msk [tilespmem:v6+s21+$0x0], $0xffff;
	v6 =	vimm.s32 $0x4D  }
0x273: {  	[tilespmem:$0x1F900] =	vst v0;
	v0 =	vld [tilespmem:$0x1F910];
	_ =	sdelay $0x1  }
0x274: {  	[tilespmem:$0x1F8F0] =	vst v8;
	v8 =	vld [tilespmem:$0x1F920]  }
0x275: {  	[tilespmem:$0x1F440] =	vst v2;
	v2 =	vmul.f32 v63, v39;
	v1 =	vadd.f32 v1, v24  }
0x276: {  	v6 =	vld.idx.msk [tilespmem:v6+s0+$0x0], $0xffff;
	[tilespmem:$0x1F4D0] =	vst v5  }
0x277: {  	v2 =	vadd.f32 v2, v44;
	v5 =	vmul.f32 v58, v39;
	[tilespmem:$0x1F8D0] =	vst v1;
	v1 =	vld [tilespmem:$0x1F8E0];
	v0 =	vmul.f32 v0, v4;
	_ =	sdelay $0x1  }
0x278: {  	v5 =	vadd.f32 v5, v46;
	v0 =	vadd.f32 v0, v2;
	v14 =	vmul.f32 v8, v4;
	_ =	sdelay $0x1  }
0x279: {  	[tilespmem:$0x1F990] =	vst v0;
	v0 =	vadd.f32 v14, v5  }
0x27a: {  	[tilespmem:$0x1F480] =	vst v6;
	v6 =	vadd.f32 v62, v42;
	v1 =	vmul.f32 v1, v4  }
0x27b: {  	[tilespmem:$0x1F9A0] =	vst v0;
	v0 =	vimm.s32 $0x16E  }
0x27c: {  	v1 =	vadd.f32 v1, v6;
	_ =	sdelay $0x1  }
0x27d: {  	v16 =	vimm.s32 $0x16C;
	[tilespmem:$0x1F950] =	vst v1;
	v1 =	vld [tilespmem:$0x1F960]  }
0x27e: {  	v6 =	vld [tilespmem:$0x1F970]  }
0x27f: {  	v0 =	vld.idx.msk [tilespmem:v0+s0+$0x0], $0xffff  }
0x280: {  	[tilespmem:$0x1F4F0] =	vst v3;
	v3 =	vmul.f32 v55, v39;
	_ =	sdelay $0x1  }
0x281: {  	v3 =	vadd.f32 v3, v45;
	v16 =	vld.idx.msk [tilespmem:v16+s0+$0x0], $0xffff;
	[tilespmem:$0x1F790] =	vst v7;
	v7 =	vimm.s32 $0x16B;
	v1 =	vmul.f32 v1, v4;
	_ =	sdelay $0x1  }
0x282: {  	v6 =	vmul.f32 v6, v4;
	[tilespmem:$0x1F9B0] =	vst v0;
	v0 =	vadd.f32 v1, v3;
	_ =	sdelay $0x1  }
0x283: {  	[tilespmem:$0x1F9C0] =	vst v0;
	v0 =	vadd.f32 v6, v11  }
0x284: {  	[tilespmem:$0x1F830] =	vst v16;
	v7 =	vld.idx.msk [tilespmem:v7+s0+$0x0], $0xffff  }
0x285: {  	v16 =	vor.u32 $0x17, v20;
	[tilespmem:$0x1F9D0] =	vst v0;
	v0 =	vld [tilespmem:$0x1F9E0];
	_ =	sdelay $0x3  }
0x286: {  	[tilespmem:$0x1F7A0] =	vst v7;
	v7 =	vadd.f32 v18, v34;
	v18 =	vor.u32 $0x16, v20  }
0x287: {  	vm15 =	veq.s32 v0, $0x186A0;
	v0 =	vld.idx.msk [tilespmem:v16+s12+$0x0], $0xffff;
	_ =	sdelay $0x3  }
0x288: {  	v8 =	vld.idx.msk [tilespmem:v18+s12+$0x0], $0xffff  }
0x289: {  	[tilespmem:$0x1FA00] =	vst v0;
	v0 =	vld [tilespmem:$0x1FA10];
	_ =	sdelay $0x4  }
0x28a: {  	v10 =	vadd.f32 v10, v43;
	[tilespmem:$0x1F940] =	vst v8;
	v8 =	vimm.s32 $0x56;
	v0 =	vmul.f32 v0, v4;
	_ =	sdelay $0x1  }
0x28b: {  	v0 =	vadd.f32 v0, v10  }
0x28c: {  	v1 =	vld [tilespmem:$0x1FA20]  }
0x28d: {  	[tilespmem:$0x1FA50] =	vst v0;
	v0 =	vld [tilespmem:$0x1FA60]  }
0x28e: {  	v8 =	vld.idx.msk [tilespmem:v8+s0+$0x0], $0xffff  }
0x28f: {  	v5 =	vld [tilespmem:$0x1FA30]  }
0x290: {  	v6 =	vimm.s32 $0x57  }
0x291: {  	v12 =	vadd.f32 v12, v41;
	v1 =	vmul.f32 v1, v4  }
0x292: {  	v13 =	vadd.f32 v13, v35;
	v0 =	vmul.f32 v0, v4  }
0x293: {  	v9 =	vadd.f32 v9, v36;
	[tilespmem:$0x1F980] =	vst v8;
	v8 =	vor.u32 $0x18, v20;
	v1 =	vadd.f32 v1, v12  }
0x294: {  	v5 =	vmul.f32 v5, v4;
	v3 =	vadd.f32 $-6.000000240e-01, v52;
	v0 =	vadd.f32 v0, v13  }
0x295: {  	v6 =	vld.idx.msk [tilespmem:v6+s0+$0x0], $0xffff;
	[tilespmem:$0x1FA90] =	vst v1;
	v11 =	vsel vm15, $0x0, v49  }
0x296: {  	v1 =	vadd.f32 v5, v9;
	v55 =	vmul.f32 v11, v3;
	v3 =	vimm.s32 $0x16F;
	[tilespmem:$0x1FAD0] =	vst v0;
	v0 =	vld [tilespmem:$0x1FAE0];
	_ =	sdelay $0x1  }
0x297: {  	[tilespmem:$0x1FAA0] =	vst v1;
	v1 =	vld.idx.msk [tilespmem:v8+s12+$0x0], $0xffff;
	_ =	sdelay $0x1  }
0x298: {  	[tilespmem:$0x1FA40] =	vst v6;
	v6 =	vor.u32 $0x19, v20  }
0x299: {  	v3 =	vld.idx.msk [tilespmem:v3+s0+$0x0], $0xffff;
	v0 =	vmul.f32 v0, v55  }
0x29a: {  	v51 =	vimm.f32 $0.0e+00  }
0x29b: {  	[tilespmem:$0x1FAC0] =	vst v1;
	v1 =	vimm.s32 $0x58;
	v0 =	vadd.f32 v0, v51;
	_ =	sdelay $0x1  }
0x29c: {  	[tilespmem:$0x1FB30] =	vst v0;
	v0 =	vld.idx.msk [tilespmem:v6+s12+$0x0], $0xffff  }
0x29d: {  	[tilespmem:$0x1FA70] =	vst v3;
	v3 =	vld [tilespmem:$0x1FA80];
	_ =	sdelay $0x1  }
0x29e: {  	v1 =	vld.idx.msk [tilespmem:v1+s0+$0x0], $0xffff;
	_ =	sdelay $0x1  }
0x29f: {  	v2 =	vld.idx.msk [tilespmem:v53+s21+$0x0], $0xffff;
	[tilespmem:$0x1FB50] =	vst v0;
	v0 =	vmul.f32 v31, v55  }
0x2a0: {  	v3 =	vmul.f32 v3, v4  }
0x2a1: {  	[tilespmem:$0x1FAB0] =	vst v8;
	v8 =	vmov v48;
	v48 =	vadd.f32 v0, v51;
	v0 =	vld [tilespmem:$0x1FBA0]  }
0x2a2: {  	[tilespmem:$0x1FAF0] =	vst v1;
	v1 =	vadd.f32 v3, v7;
	_ =	sdelay $0x1  }
0x2a3: {  	[tilespmem:$0x1FB00] =	vst v1;
	v1 =	vmul.f32 v55, v2;
	v2 =	vimm.s32 $0x170;
	_ =	sdelay $0x1  }
0x2a4: {  	v0 =	vmul.f32 v0, v55;
	_ =	sdelay $0x1  }
0x2a5: {  	v42 =	vadd.f32 v0, v51;
	v0 =	vimm.s32 $0x172  }
0x2a6: {  	v2 =	vld.idx.msk [tilespmem:v2+s0+$0x0], $0xffff;
	_ =	sdelay $0x3  }
0x2a7: {  	v0 =	vld.idx.msk [tilespmem:v0+s0+$0x0], $0xffff  }
0x2a8: {  	[tilespmem:$0x1FB10] =	vst v2;
	v2 =	vmul.f32 v50, v55;
	v50 =	vadd.f32 v1, v51;
	v1 =	vimm.s32 $0x59;
	_ =	sdelay $0x3  }
0x2a9: {  	[tilespmem:$0x1FC00] =	vst v0;
	v0 =	vmul.f32 v29, v55  }
0x2aa: {  	v1 =	vld.idx.msk [tilespmem:v1+s0+$0x0], $0xffff  }
0x2ab: {  	v9 =	vadd.f32 v0, v51;
	v0 =	vimm.s32 $0x173;
	_ =	sdelay $0x3  }
0x2ac: {  	[tilespmem:$0x1FB60] =	vst v1;
	v1 =	vld [tilespmem:$0x1FB70]  }
0x2ad: {  	v0 =	vld.idx.msk [tilespmem:v0+s0+$0x0], $0xffff;
	_ =	sdelay $0x3  }
0x2ae: {  	v1 =	vmul.f32 v1, v55  }
0x2af: {  	[tilespmem:$0x1FC60] =	vst v0;
	v0 =	vmul.f32 v30, v55  }
0x2b0: {  	v49 =	vadd.f32 v1, v51;
	v1 =	vld [tilespmem:$0x1FBD0]  }
0x2b1: {  	v30 =	vadd.f32 v0, v51;
	v0 =	vld [tilespmem:$0x1FCD0];
	_ =	sdelay $0x3  }
0x2b2: {  	v1 =	vmul.f32 v1, v55  }
0x2b3: {  	v0 =	vmul.f32 v0, v55  }
0x2b4: {  	v44 =	vadd.f32 v1, v51;
	v1 =	vld [tilespmem:$0x1FC10]  }
0x2b5: {  	v31 =	vadd.f32 v2, v51;
	v2 =	vimm.s32 $0x171;
	v0 =	vadd.f32 v0, v51;
	_ =	sdelay $0x1  }
0x2b6: {  	[tilespmem:$0x1FD20] =	vst v0;
	v0 =	vimm.s32 $0x5D;
	_ =	sdelay $0x1  }
0x2b7: {  	v1 =	vmul.f32 v1, v55  }
0x2b8: {  	v2 =	vld.idx.msk [tilespmem:v2+s0+$0x0], $0xffff  }
0x2b9: {  	v43 =	vadd.f32 v1, v51;
	v1 =	vld [tilespmem:$0x1FC70]  }
0x2ba: {  	v0 =	vld.idx.msk [tilespmem:v0+s0+$0x0], $0xffff;
	_ =	sdelay $0x3  }
0x2bb: {  	[tilespmem:$0x1FB80] =	vst v2;
	v1 =	vmul.f32 v1, v55  }
0x2bc: {  	v2 =	vld [tilespmem:$0x1FB90];
	[tilespmem:$0x1FD30] =	vst v0;
	v0 =	vand.u32 $0x7FFFFFFF, v55  }
0x2bd: {  	v41 =	vadd.f32 v1, v51;
	v1 =	vimm.s32 $0x174;
	v0 =	vadd.f32 v0, v51;
	_ =	sdelay $0x1  }
0x2be: {  	[tilespmem:$0x1FD50] =	vst v0;
	v0 =	vimm.s32 $0x175;
	_ =	sdelay $0x1  }
0x2bf: {  	v2 =	vmul.f32 v2, v55  }
0x2c0: {  	v1 =	vld.idx.msk [tilespmem:v1+s0+$0x0], $0xffff  }
0x2c1: {  	v45 =	vadd.f32 v2, v51;
	v2 =	vld [tilespmem:$0x1FBF0]  }
0x2c2: {  	v0 =	vld.idx.msk [tilespmem:v0+s0+$0x0], $0xffff  }
0x2c3: {  	v3 =	vld [tilespmem:$0x1FB20];
	_ =	sdelay $0x1  }
0x2c4: {  	v4 =	vor.u32 $0x1A, v20;
	[tilespmem:$0x1FCE0] =	vst v1;
	v1 =	vld [tilespmem:$0x1FCF0]  }
0x2c5: {  	v2 =	vmul.f32 v2, v55  }
0x2c6: {  	[tilespmem:$0x1FD60] =	vst v0;
	v0 =	vld [tilespmem:$0x1FD70]  }
0x2c7: {  	v3 =	vmul.f32 v3, v55;
	v29 =	vadd.f32 v2, v51;
	v2 =	vld [tilespmem:$0x1FC40];
	_ =	sdelay $0x1  }
0x2c8: {  	[tilespmem:$0x1FBB0] =	vst v4;
	v46 =	vadd.f32 v3, v51;
	v3 =	vld.idx.msk [tilespmem:v4+s12+$0x0], $0xffff;
	v4 =	vor.u32 $0x1C, v20;
	v1 =	vmul.f32 v1, v55;
	_ =	sdelay $0x1  }
0x2c9: {  	v39 =	vadd.f32 v1, v51;
	v1 =	vmul.f32 v0, v55  }
0x2ca: {  	v2 =	vmul.f32 v2, v55  }
0x2cb: {  	v1 =	vadd.f32 v1, v51  }
0x2cc: {  	[tilespmem:$0x1FC80] =	vst v4;
	v35 =	vadd.f32 v2, v51;
	v2 =	vld.idx.msk [tilespmem:v4+s12+$0x0], $0xffff  }
0x2cd: {  	v4 =	vld [tilespmem:$0x1FCB0];
	[tilespmem:$0x1FDD0] =	vst v1;
	v1 =	vimm.s32 $0x176;
	_ =	sdelay $0x4  }
0x2ce: {  	v4 =	vmul.f32 v4, v55;
	v1 =	vld.idx.msk [tilespmem:v1+s0+$0x0], $0xffff;
	_ =	sdelay $0x1  }
0x2cf: {  	v40 =	vadd.f32 v4, v51;
	v4 =	vor.u32 $0x1F, v20;
	_ =	sdelay $0x2  }
0x2d0: {  	[tilespmem:$0x1FDE0] =	vst v1;
	v1 =	vadd.f32 v11, v51;
	_ =	sdelay $0x1  }
0x2d1: {  	[tilespmem:$0x1FDF0] =	vst v1;
	v1 =	vld.idx.msk [tilespmem:v4+s12+$0x0], $0xffff  }
0x2d2: {  	[tilespmem:$0x1FBC0] =	vst v3  }
0x2d3: {  	v3 =	vimm.s32 $0x5A;
	[tilespmem:$0x1FC90] =	vst v2;
	v2 =	vld [tilespmem:$0x1FCA0];
	_ =	sdelay $0x1  }
0x2d4: {  	[tilespmem:$0x1FB40] =	vst v6;
	v6 =	vor.u32 $0x1D, v20  }
0x2d5: {  	[tilespmem:$0x1FE10] =	vst v1;
	v1 =	vimm.s32 $0x5F;
	_ =	sdelay $0x1  }
0x2d6: {  	v5 =	vor.u32 $0x1B, v20;
	v3 =	vld.idx.msk [tilespmem:v3+s0+$0x0], $0xffff;
	v2 =	vmul.f32 v2, v55;
	_ =	sdelay $0x1  }
0x2d7: {  	v7 =	vadd.f32 v2, v51;
	v2 =	vld.idx.msk [tilespmem:v6+s12+$0x0], $0xffff  }
0x2d8: {  	v1 =	vld.idx.msk [tilespmem:v1+s0+$0x0], $0xffff;
	_ =	sdelay $0x1  }
0x2d9: {  	[tilespmem:$0x1FBE0] =	vst v3;
	v3 =	vld.idx.msk [tilespmem:v5+s12+$0x0], $0xffff  }
0x2da: {  	[tilespmem:$0x1FC20] =	vst v5;
	v5 =	vimm.s32 $0x5C  }
0x2db: {  	[tilespmem:$0x1FD10] =	vst v2  }
0x2dc: {  	v2 =	vld [tilespmem:$0x1FD40];
	[tilespmem:$0x1FE20] =	vst v1;
	v1 =	vimm.s32 $0x177;
	_ =	sdelay $0x1  }
0x2dd: {  	[tilespmem:$0x1FC30] =	vst v3;
	v3 =	vimm.s32 $0x5B  }
0x2de: {  	v5 =	vld.idx.msk [tilespmem:v5+s0+$0x0], $0xffff;
	_ =	sdelay $0x1  }
0x2df: {  	v2 =	vmul.f32 v2, v55;
	v1 =	vld.idx.msk [tilespmem:v1+s0+$0x0], $0xffff  }
0x2e0: {  	[tilespmem:$0x1F6B0] =	vst v22  }
0x2e1: {  	[tilespmem:$0x1F870] =	vst v21;
	v3 =	vld.idx.msk [tilespmem:v3+s0+$0x0], $0xffff;
	v2 =	vadd.f32 v2, v51  }
0x2e2: {  	[tilespmem:$0x1FCC0] =	vst v5;
	v5 =	vor.u32 $0x1E, v20  }
0x2e3: {  	[tilespmem:$0x1FDB0] =	vst v2;
	v2 =	vimm.s32 $0x5E  }
0x2e4: {  	[tilespmem:$0x1FE30] =	vst v1;
	v1 =	vimm.s32 $0x80  }
0x2e5: {  	[tilespmem:$0x1F9F0] =	vst v16  }
0x2e6: {  	[tilespmem:$0x1FC50] =	vst v3;
	v3 =	vmul.f32 v11, v52  }
0x2e7: {  	[tilespmem:$0x1F930] =	vst v18;
	v0 =	vld.idx.msk [tilespmem:v5+s12+$0x0], $0xffff  }
0x2e8: {  	[tilespmem:$0x1FD00] =	vst v6;
	v3 =	vadd.f32 v3, v51;
	v2 =	vld.idx.msk [tilespmem:v2+s0+$0x0], $0xffff  }
0x2e9: {  	v59 =	vimm.f32 $0.0e+00;
	[tilespmem:$0x1FD80] =	vst v5;
	v1 =	vld.idx.msk [tilespmem:v1+s0+$0x0], $0xffff  }
0x2ea: {  	v56 =	vimm.f32 $0.0e+00;
	v54 =	vimm.f32 $0.0e+00;
	v15 =	vor.u32 $0x1C, v53;
	[tilespmem:$0x1FDA0] =	vst v3  }
0x2eb: {  	s29 =	simm.s32 $0x1;
	v58 =	vimm.f32 $0.0e+00;
	v57 =	vimm.f32 $0.0e+00;
	v10 =	vor.u32 $0x1D, v53;
	[tilespmem:$0x1FE00] =	vst v4  }
0x2ec: {  	v12 =	vimm.f32 $0.0e+00;
	v22 =	vor.u32 s29, v8;
	[tilespmem:$0x1FD90] =	vst v0;
	v0 =	vor.u32 $0x1E, v53  }
0x2ed: {  	v18 =	vmul.f32 v25, v55;
	v52 =	vimm.f32 $0.0e+00;
	v20 =	vmul.f32 v26, v55;
	[tilespmem:$0x1FDC0] =	vst v2  }
0x2ee: {  	s29 =	simm.s32 $0x2;
	v5 =	vimm.f32 $0.0e+00;
	v53 =	vimm.f32 $0.0e+00;
	v4 =	vimm.f32 $0.0e+00;
	[tilespmem:$0x1FE40] =	vst v1  }
.LBB2_5:
0x2ef: {  	v2 =	vld.idx.msk [tilespmem:v15+s21+$0x0], $0xffff;
	v3 =	vmul.f32 v38, v55  }
0x2f0: {  	v17 =	vld.idx.msk [tilespmem:v10+s21+$0x0], $0xffff;
	v51 =	vadd.f32 v18, v51;
	v4 =	vadd.f32 v20, v4;
	v18 =	vshll.u32 v22, $0x5  }
0x2f1: {  	v20 =	vld.idx.msk [tilespmem:v0+s21+$0x0], $0xffff;
	v10 =	vor.u32 $0x1, v18;
	v15 =	vor.u32 $0x2, v18;
	v23 =	vor.u32 $0x1F, v18  }
0x2f2: {  	v0 =	vld.idx.msk [tilespmem:v22+s15+$0x0], $0xffff;
	v32 =	vor.u32 $0x3, v18;
	v38 =	vor.u32 $0x5, v18;
	v60 =	vor.u32 $0x7, v18  }
0x2f3: {  	v22 =	vld.idx.msk [tilespmem:v22+s16+$0x0], $0xffff;
	v61 =	vor.u32 $0x8, v18;
	v62 =	vor.u32 $0x9, v18;
	v63 =	vor.u32 $0xA, v18  }
0x2f4: {  	v28 =	vor.u32 $0xB, v18;
	v6 =	vor.u32 $0x11, v18;
	v1 =	vmul.f32 v47, v55  }
0x2f5: {  	v8 =	vor.u32 $0xC, v18;
	v27 =	vor.u32 $0xD, v18;
	v24 =	vor.u32 $0xE, v18  }
0x2f6: {  	v5 =	vadd.f32 v1, v5;
	v1 =	vmul.f32 v37, v55;
	v37 =	vor.u32 $0x4, v18  }
0x2f7: {  	v14 =	vor.u32 $0xF, v18;
	v13 =	vor.u32 $0x10, v18;
	v25 =	vor.u32 $0x12, v18;
	v23 =	vld.idx.msk [tilespmem:v23+s21+$0x0], $0xffff  }
0x2f8: {  	[tilespmem:$0x1F0F0] =	vst v3;
	vm0 =	veq.s32 v0, $0x186A0;
	v0 =	vadd.f32 $-6.000000240e-01, v22;
	v33 =	vld.idx.msk [tilespmem:v10+s21+$0x0], $0xffff;
	v10 =	vimm.f32 $1.000000000e+00  }
0x2f9: {  	v26 =	vor.u32 $0x13, v18;
	v6 =	vld.idx.msk [tilespmem:v6+s21+$0x0], $0xffff;
	[tilespmem:$0x1F100] =	vst v1;
	v34 =	vsel vm0, $0x0, v10;
	v10 =	vor.u32 $0x17, v18  }
0x2fa: {  	v11 =	vor.u32 $0x14, v18;
	v1 =	vld.idx.msk [tilespmem:v15+s21+$0x0], $0xffff;
	[tilespmem:$0x1F110] =	vst v10;
	v36 =	vmul.f32 v34, v0;
	v0 =	vor.u32 $0x18, v18  }
0x2fb: {  	v3 =	vor.u32 $0x15, v18;
	v16 =	vor.u32 $0x16, v18;
	[tilespmem:$0x1F120] =	vst v0;
	v0 =	vor.u32 $0x19, v18;
	v37 =	vld.idx.msk [tilespmem:v37+s21+$0x0], $0xffff  }
0x2fc: {  	v47 =	vor.u32 $0x6, v18;
	v2 =	vmul.f32 v2, v55;
	v38 =	vld.idx.msk [tilespmem:v38+s21+$0x0], $0xffff;
	[tilespmem:$0x1F130] =	vst v0;
	v0 =	vor.u32 $0x1A, v18  }
0x2fd: {  	v19 =	vld.idx.msk [tilespmem:v18+s21+$0x0], $0xffff;
	v15 =	vor.u32 $0x1C, v18;
	v10 =	vor.u32 $0x1D, v18;
	[tilespmem:$0x1F140] =	vst v0;
	v0 =	vor.u32 $0x1B, v18  }
0x2fe: {  	v61 =	vld.idx.msk [tilespmem:v61+s21+$0x0], $0xffff;
	[tilespmem:$0x1F150] =	vst v0;
	v0 =	vor.u32 $0x1E, v18;
	v18 =	vmul.f32 v23, v36;
	v23 =	vmul.f32 v33, v36  }
0x2ff: {  	v12 =	vadd.f32 v2, v12;
	v2 =	vmul.f32 v6, v36;
	v6 =	vld [tilespmem:$0x1F110];
	v1 =	vmul.f32 v1, v36  }
0x300: {  	v31 =	vadd.f32 v23, v31;
	v23 =	vmul.f32 v37, v36;
	v37 =	vld.idx.msk [tilespmem:v63+s21+$0x0], $0xffff  }
0x301: {  	v21 =	vmovc v7;
	v7 =	vmovc v40;
	v40 =	vmov v39;
	v39 =	vld [tilespmem:$0x1FB30];
	v46 =	vadd.f32 v1, v46;
	v1 =	vmul.f32 v38, v36  }
0x302: {  	v8 =	vld.idx.msk [tilespmem:v8+s21+$0x0], $0xffff  }
0x303: {  	v45 =	vadd.f32 v1, v45;
	v1 =	vmul.f32 v61, v36  }
0x304: {  	v24 =	vld.idx.msk [tilespmem:v24+s21+$0x0], $0xffff  }
0x305: {  	v29 =	vadd.f32 v1, v29;
	v1 =	vmul.f32 v37, v36  }
0x306: {  	v13 =	vld.idx.msk [tilespmem:v13+s21+$0x0], $0xffff;
	v39 =	vadd.f32 v18, v39  }
0x307: {  	v38 =	vld.idx.msk [tilespmem:v6+s21+$0x0], $0xffff;
	v43 =	vadd.f32 v1, v43;
	v1 =	vmul.f32 v8, v36  }
0x308: {  	v6 =	vld [tilespmem:$0x1FD20]  }
0x309: {  	v30 =	vadd.f32 v1, v30;
	v1 =	vmul.f32 v24, v36  }
0x30a: {  	[tilespmem:$0x1FB30] =	vst v39;
	v39 =	vmov v40;
	v40 =	vmov v7;
	v7 =	vmov v21  }
0x30b: {  	v7 =	vadd.f32 v1, v7;
	v1 =	vmul.f32 v13, v36;
	_ =	sdelay $0x1  }
0x30c: {  	v6 =	vadd.f32 v1, v6;
	_ =	sdelay $0x1  }
0x30d: {  	[tilespmem:$0x1FD20] =	vst v6;
	v6 =	vld [tilespmem:$0x1F120];
	_ =	sdelay $0x7  }
0x30e: {  	v37 =	vld.idx.msk [tilespmem:v6+s21+$0x0], $0xffff  }
0x30f: {  	v6 =	vld [tilespmem:$0x1FD50];
	_ =	sdelay $0x3  }
0x310: {  	v33 =	vld.idx.msk [tilespmem:v60+s21+$0x0], $0xffff;
	v60 =	vand.u32 $0x7FFFFFFF, v36  }
0x311: {  	v6 =	vadd.f32 v60, v6;
	_ =	sdelay $0x1  }
0x312: {  	[tilespmem:$0x1FD50] =	vst v6;
	v6 =	vld [tilespmem:$0x1F130];
	_ =	sdelay $0x7  }
0x313: {  	v6 =	vld.idx.msk [tilespmem:v6+s21+$0x0], $0xffff;
	_ =	sdelay $0x3  }
0x314: {  	v18 =	vld [tilespmem:$0x1F160]  }
0x315: {  	[tilespmem:$0x1F160] =	vst v6;
	v6 =	vld [tilespmem:$0x1FDA0];
	_ =	sdelay $0x2  }
0x316: {  	v22 =	vmul.f32 v34, v22;
	_ =	sdelay $0x1  }
0x317: {  	v6 =	vadd.f32 v22, v6;
	_ =	sdelay $0x1  }
0x318: {  	[tilespmem:$0x1FDA0] =	vst v6;
	v6 =	vld [tilespmem:$0x1FFF0];
	_ =	sdelay $0x2  }
0x319: {  	v8 =	vld.idx.msk [tilespmem:v25+s21+$0x0], $0xffff;
	_ =	sdelay $0x1  }
0x31a: {  	v22 =	vor.u32 s29, v6;
	v6 =	vld [tilespmem:$0x1FDB0];
	_ =	sdelay $0x1  }
0x31b: {  	v32 =	vld.idx.msk [tilespmem:v32+s21+$0x0], $0xffff  }
0x31c: {  	v1 =	vmul.f32 v8, v36  }
0x31d: {  	v47 =	vld.idx.msk [tilespmem:v47+s21+$0x0], $0xffff  }
0x31e: {  	v19 =	vmul.f32 v36, v19;
	v6 =	vadd.f32 v1, v6;
	v1 =	vld [tilespmem:$0x1F140];
	_ =	sdelay $0x1  }
0x31f: {  	v50 =	vadd.f32 v19, v50;
	v19 =	vmul.f32 v32, v36;
	v32 =	vld.idx.msk [tilespmem:v62+s21+$0x0], $0xffff;
	_ =	sdelay $0x1  }
0x320: {  	v28 =	vld.idx.msk [tilespmem:v28+s21+$0x0], $0xffff  }
0x321: {  	v48 =	vadd.f32 v19, v48;
	v19 =	vmul.f32 v47, v36;
	_ =	sdelay $0x1  }
0x322: {  	v42 =	vadd.f32 v19, v42;
	v19 =	vmul.f32 v32, v36  }
0x323: {  	v1 =	vld.idx.msk [tilespmem:v1+s21+$0x0], $0xffff  }
0x324: {  	v9 =	vadd.f32 v19, v9;
	v19 =	vmul.f32 v28, v36;
	_ =	sdelay $0x1  }
0x325: {  	v35 =	vadd.f32 v19, v35;
	v19 =	vld.idx.msk [tilespmem:v26+s21+$0x0], $0xffff  }
0x326: {  	v62 =	vld [tilespmem:$0x1F170]  }
0x327: {  	[tilespmem:$0x1F170] =	vst v1;
	v1 =	vld [tilespmem:$0x1FDD0];
	_ =	sdelay $0x2  }
0x328: {  	v39 =	vadd.f32 v2, v39;
	v2 =	vmul.f32 v19, v36;
	_ =	sdelay $0x1  }
0x329: {  	v1 =	vadd.f32 v2, v1;
	_ =	sdelay $0x1  }
0x32a: {  	[tilespmem:$0x1FDD0] =	vst v1;
	v1 =	vld [tilespmem:$0x1F150];
	_ =	sdelay $0x6  }
0x32b: {  	v27 =	vld.idx.msk [tilespmem:v27+s21+$0x0], $0xffff  }
0x32c: {  	v1 =	vld.idx.msk [tilespmem:v1+s21+$0x0], $0xffff  }
0x32d: {  	v14 =	vld.idx.msk [tilespmem:v14+s21+$0x0], $0xffff  }
0x32e: {  	v21 =	vld [tilespmem:$0x1F0F0]  }
0x32f: {  	v11 =	vld.idx.msk [tilespmem:v11+s21+$0x0], $0xffff  }
0x330: {  	v17 =	vmul.f32 v17, v55;
	v63 =	vld [tilespmem:$0x1F180]  }
0x331: {  	[tilespmem:$0x1F180] =	vst v1;
	v1 =	vld [tilespmem:$0x1FDF0]  }
0x332: {  	v20 =	vmul.f32 v20, v55;
	v3 =	vld.idx.msk [tilespmem:v3+s21+$0x0], $0xffff;
	v53 =	vadd.f32 v17, v53;
	v62 =	vmul.f32 v62, v55  }
0x333: {  	p0 =	sne.s32 s29, $0x31;
	v49 =	vadd.f32 v23, v49;
	v23 =	vmul.f32 v33, v36;
	v59 =	vadd.f32 v21, v59;
	v21 =	vld [tilespmem:$0x1F100]  }
.Ltmp1:
0x334: {  	v52 =	vadd.f32 v20, v52;
	v14 =	vmul.f32 v14, v36;
	v18 =	vmul.f32 v18, v55;
	(pc) =	sbr.rel @p0 .LBB2_5-.Ltmp1, $4  }
0x335: {  	v47 =	vld.idx.msk [tilespmem:v16+s21+$0x0], $0xffff;
	v44 =	vadd.f32 v23, v44;
	v56 =	vadd.f32 v62, v56;
	v63 =	vmul.f32 v63, v55  }
0x336: {  	v55 =	vmovc v36;
	v57 =	vadd.f32 v18, v57;
	v18 =	vmul.f32 v27, v36;
	v1 =	vadd.f32 v34, v1  }
0x337: {  	v40 =	vadd.f32 v14, v40;
	v20 =	vmul.f32 v3, v55;
	v54 =	vadd.f32 v63, v54;
	[tilespmem:$0x1FDB0] =	vst v6  }
0x338: {  	v41 =	vadd.f32 v18, v41;
	v18 =	vmul.f32 v11, v36;
	v58 =	vadd.f32 v21, v58;
	s29 =	sadd.s32 $0x1, s29;
	[tilespmem:$0x1FDF0] =	vst v1  }
0x339: {  	_ =	sdelay $0x2  }
0x33a: {  	v1 =	vshll.u32 v22, $0x5  }
0x33b: {  	v6 =	vld.idx.msk [tilespmem:v10+s21+$0x0], $0xffff;
	v10 =	vor.u32 $0x2, v1  }
0x33c: {  	v2 =	vld.idx.msk [tilespmem:v15+s21+$0x0], $0xffff;
	v15 =	vor.u32 $0x6, v1;
	_ =	sdelay $0x1  }
0x33d: {  	v11 =	vld.idx.msk [tilespmem:v22+s15+$0x0], $0xffff  }
0x33e: {  	v28 =	vld.idx.msk [tilespmem:v22+s16+$0x0], $0xffff;
	v8 =	vor.u32 $0x1, v1  }
0x33f: {  	v16 =	vld.idx.msk [tilespmem:v10+s21+$0x0], $0xffff;
	v10 =	vor.u32 $0x7, v1  }
0x340: {  	v24 =	vld.idx.msk [tilespmem:v15+s21+$0x0], $0xffff;
	v15 =	vor.u32 $0xA, v1  }
0x341: {  	v14 =	vor.u32 $0x4, v1;
	_ =	sdelay $0x1  }
0x342: {  	v8 =	vld.idx.msk [tilespmem:v8+s21+$0x0], $0xffff  }
0x343: {  	v25 =	vld.idx.msk [tilespmem:v10+s21+$0x0], $0xffff;
	v10 =	vor.u32 $0xB, v1  }
0x344: {  	[tilespmem:$0x1EFF0] =	vst v28;
	vm0 =	veq.s32 v11, $0x186A0;
	v28 =	vadd.f32 $-6.000000240e-01, v28;
	v33 =	vld.idx.msk [tilespmem:v15+s21+$0x0], $0xffff;
	v15 =	vimm.f32 $1.000000000e+00  }
0x345: {  	v21 =	vor.u32 $0x10, v1;
	v14 =	vld.idx.msk [tilespmem:v14+s21+$0x0], $0xffff;
	v15 =	vsel vm0, $0x0, v15  }
0x346: {  	[tilespmem:$0x1EF80] =	vst v15;
	v15 =	vmul.f32 v15, v28;
	_ =	sdelay $0x1  }
0x347: {  	v8 =	vmul.f32 v8, v15;
	v28 =	vld.idx.msk [tilespmem:v10+s21+$0x0], $0xffff;
	v10 =	vmul.f32 v47, v55  }
0x348: {  	v47 =	vadd.f32 v18, v51  }
0x349: {  	v51 =	vadd.f32 v10, v5;
	v10 =	vld.idx.msk [tilespmem:v21+s21+$0x0], $0xffff;
	v21 =	vadd.f32 v8, v31;
	v8 =	vmul.f32 v14, v15  }
0x34a: {  	v3 =	vor.u32 $0x1F, v1  }
0x34b: {  	v20 =	vadd.f32 v20, v4;
	v13 =	vor.u32 $0x3, v1;
	v4 =	vadd.f32 v8, v49;
	_ =	sdelay $0x1  }
0x34c: {  	[tilespmem:$0x1EEB0] =	vst v4;
	v4 =	vld [tilespmem:$0x1F160]  }
0x34d: {  	v26 =	vld.idx.msk [tilespmem:v1+s21+$0x0], $0xffff  }
0x34e: {  	v23 =	vld.idx.msk [tilespmem:v3+s21+$0x0], $0xffff  }
0x34f: {  	v3 =	vor.u32 $0x5, v1;
	v13 =	vld.idx.msk [tilespmem:v13+s21+$0x0], $0xffff  }
0x350: {  	v63 =	vor.u32 $0x11, v1  }
0x351: {  	v8 =	vmul.f32 v38, v55;
	v38 =	vmul.f32 v4, v55;
	v4 =	vld [tilespmem:$0x1F170]  }
0x352: {  	v27 =	vor.u32 $0xD, v1;
	v18 =	vmul.f32 v15, v26  }
0x353: {  	v0 =	vld.idx.msk [tilespmem:v0+s21+$0x0], $0xffff;
	v17 =	vor.u32 $0x8, v1  }
0x354: {  	v3 =	vld.idx.msk [tilespmem:v3+s21+$0x0], $0xffff;
	v13 =	vmul.f32 v13, v15;
	v32 =	vadd.f32 v18, v50;
	v18 =	vor.u32 $0x14, v1  }
0x355: {  	v62 =	vor.u32 $0xC, v1;
	v14 =	vld.idx.msk [tilespmem:v63+s21+$0x0], $0xffff  }
0x356: {  	v34 =	vor.u32 $0xF, v1;
	v63 =	vadd.f32 v13, v48;
	v48 =	vmul.f32 v4, v55;
	v4 =	vld [tilespmem:$0x1F180]  }
0x357: {  	v16 =	vmul.f32 v16, v15;
	v26 =	vld.idx.msk [tilespmem:v27+s21+$0x0], $0xffff;
	v27 =	vor.u32 $0x12, v1  }
0x358: {  	v17 =	vld.idx.msk [tilespmem:v17+s21+$0x0], $0xffff;
	v31 =	vor.u32 $0x18, v1  }
0x359: {  	v22 =	vadd.f32 v16, v46;
	v46 =	vld.idx.msk [tilespmem:v18+s21+$0x0], $0xffff;
	v18 =	vor.u32 $0x19, v1  }
0x35a: {  	v37 =	vmul.f32 v37, v55;
	v61 =	vor.u32 $0x1A, v1;
	v6 =	vmul.f32 v6, v55;
	v36 =	vld.idx.msk [tilespmem:v62+s21+$0x0], $0xffff  }
0x35b: {  	v34 =	vld.idx.msk [tilespmem:v34+s21+$0x0], $0xffff;
	v62 =	vor.u32 $0x1B, v1;
	v49 =	vmul.f32 v4, v55;
	v4 =	vmul.f32 v2, v55  }
0x35c: {  	v13 =	vld.idx.msk [tilespmem:v27+s21+$0x0], $0xffff;
	v55 =	vmul.f32 v0, v55;
	v0 =	vmul.f32 v3, v15;
	v3 =	vor.u32 $0x1C, v1  }
0x35d: {  	v24 =	vmul.f32 v24, v15;
	v27 =	vld.idx.msk [tilespmem:v31+s21+$0x0], $0xffff;
	v2 =	vor.u32 $0x1D, v1  }
0x35e: {  	v31 =	vadd.f32 v0, v45;
	v45 =	vmul.f32 v17, v15;
	v0 =	vld.idx.msk [tilespmem:v18+s21+$0x0], $0xffff  }
0x35f: {  	v18 =	vadd.f32 v24, v42;
	v24 =	vld.idx.msk [tilespmem:v61+s21+$0x0], $0xffff  }
0x360: {  	v61 =	vadd.f32 v45, v29;
	v29 =	vld.idx.msk [tilespmem:v62+s21+$0x0], $0xffff  }
0x361: {  	v19 =	vor.u32 $0x9, v1;
	v62 =	vld.idx.msk [tilespmem:v3+s21+$0x0], $0xffff  }
0x362: {  	v3 =	vmul.f32 v36, v15;
	v36 =	vld.idx.msk [tilespmem:v2+s21+$0x0], $0xffff;
	v2 =	vmul.f32 v26, v15;
	_ =	sdelay $0x1  }
0x363: {  	v2 =	vadd.f32 v2, v41;
	_ =	sdelay $0x1  }
0x364: {  	v11 =	vld.idx.msk [tilespmem:v19+s21+$0x0], $0xffff;
	v19 =	vor.u32 $0xE, v1;
	[tilespmem:$0x1EED0] =	vst v2;
	v2 =	vmul.f32 v34, v15;
	_ =	sdelay $0x1  }
0x365: {  	v2 =	vadd.f32 v2, v40;
	_ =	sdelay $0x1  }
0x366: {  	v60 =	vor.u32 $0x16, v1;
	v16 =	vor.u32 $0x17, v1;
	[tilespmem:$0x1EEF0] =	vst v2;
	v2 =	vld [tilespmem:$0x1F9F0]  }
0x367: {  	v5 =	vld.idx.msk [tilespmem:v19+s21+$0x0], $0xffff;
	v19 =	vor.u32 $0x13, v1;
	v50 =	vor.u32 $0x15, v1;
	v1 =	vor.u32 $0x1E, v1;
	_ =	sdelay $0x3  }
0x368: {  	v25 =	vmul.f32 v25, v15  }
0x369: {  	v26 =	vld.idx.msk [tilespmem:v1+s21+$0x0], $0xffff;
	v1 =	vadd.f32 v3, v30  }
0x36a: {  	v17 =	vadd.f32 v25, v44;
	v25 =	vadd.f32 v8, v59  }
0x36b: {  	v8 =	vmul.f32 v33, v15;
	[tilespmem:$0x1EEC0] =	vst v1;
	v1 =	vmul.f32 v5, v15;
	v33 =	vld.idx.msk [tilespmem:v2+s11+$0x0], $0xffff  }
0x36c: {  	v2 =	vld [tilespmem:$0x1FD20]  }
0x36d: {  	v1 =	vadd.f32 v1, v7;
	_ =	sdelay $0x1  }
0x36e: {  	[tilespmem:$0x1EEE0] =	vst v1;
	v1 =	vmul.f32 v10, v15;
	_ =	sdelay $0x1  }
0x36f: {  	v1 =	vadd.f32 v1, v2;
	_ =	sdelay $0x1  }
0x370: {  	[tilespmem:$0x1EF00] =	vst v1;
	v1 =	vld [tilespmem:$0x1FAB0];
	_ =	sdelay $0x3  }
0x371: {  	v3 =	vld [tilespmem:$0x1FD50];
	_ =	sdelay $0x3  }
0x372: {  	v45 =	vadd.f32 v8, v43;
	v43 =	vadd.f32 v38, v57;
	v38 =	vld.idx.msk [tilespmem:v1+s11+$0x0], $0xffff;
	v1 =	vand.u32 $0x7FFFFFFF, v15  }
0x373: {  	v1 =	vadd.f32 v1, v3  }
0x374: {  	v42 =	vadd.f32 v37, v58;
	v37 =	vld [tilespmem:$0x1F190]  }
0x375: {  	[tilespmem:$0x1EF90] =	vst v1;
	v1 =	vld [tilespmem:$0x1F1B0];
	_ =	sdelay $0x4  }
0x376: {  	v34 =	vadd.f32 v6, v53;
	v53 =	vmul.f32 v1, v37;
	v1 =	vld [tilespmem:$0x1FB40];
	_ =	sdelay $0x5  }
0x377: {  	v2 =	vmul.f32 v14, v15;
	_ =	sdelay $0x1  }
0x378: {  	v44 =	vld.idx.msk [tilespmem:v1+s11+$0x0], $0xffff;
	v1 =	vadd.f32 v2, v39  }
0x379: {  	v39 =	vld [tilespmem:$0x1F1C0]  }
0x37a: {  	[tilespmem:$0x1EF10] =	vst v1;
	v1 =	vld [tilespmem:$0x1F1E0];
	_ =	sdelay $0x4  }
0x37b: {  	v41 =	vmul.f32 v1, v39;
	v1 =	vld [tilespmem:$0x1FBB0];
	_ =	sdelay $0x7  }
0x37c: {  	v11 =	vmul.f32 v11, v15;
	v48 =	vadd.f32 v48, v56;
	v56 =	vld.idx.msk [tilespmem:v1+s11+$0x0], $0xffff  }
0x37d: {  	v1 =	vld [tilespmem:$0x1FDB0]  }
0x37e: {  	v11 =	vadd.f32 v11, v9;
	v9 =	vmul.f32 v28, v15;
	_ =	sdelay $0x1  }
0x37f: {  	v9 =	vadd.f32 v9, v35;
	v35 =	vadd.f32 v55, v52;
	v52 =	vmul.f32 v13, v15;
	_ =	sdelay $0x1  }
0x380: {  	v8 =	vadd.f32 v4, v12;
	v12 =	vadd.f32 v52, v1;
	v1 =	vld [tilespmem:$0x1F1A0];
	_ =	sdelay $0x2  }
0x381: {  	v19 =	vld.idx.msk [tilespmem:v19+s21+$0x0], $0xffff  }
0x382: {  	v55 =	vld [tilespmem:$0x1F1F0]  }
0x383: {  	v13 =	vadd.f32 v53, v1;
	v1 =	vld [tilespmem:$0x1F210]  }
0x384: {  	v30 =	vadd.f32 v49, v54;
	v49 =	vld [tilespmem:$0x1F870]  }
0x385: {  	v5 =	vld [tilespmem:$0x1F7C0]  }
0x386: {  	v6 =	vld [tilespmem:$0x1F930];
	_ =	sdelay $0x1  }
0x387: {  	v2 =	vmul.f32 v19, v15;
	v19 =	vmul.f32 v1, v55;
	v1 =	vld [tilespmem:$0x1FFD0];
	_ =	sdelay $0x3  }
0x388: {  	v57 =	vld.idx.msk [tilespmem:v49+s11+$0x0], $0xffff  }
0x389: {  	v28 =	vld.idx.msk [tilespmem:v5+s11+$0x0], $0xffff  }
0x38a: {  	v7 =	vld.idx.msk [tilespmem:v6+s11+$0x0], $0xffff;
	_ =	sdelay $0x1  }
0x38b: {  	v6 =	vld.idx.msk [tilespmem:v1+s11+$0x0], $0xffff  }
0x38c: {  	[tilespmem:$0x1F0C0] =	vst v57  }
0x38d: {  	[tilespmem:$0x1F0B0] =	vst v28  }
0x38e: {  	v60 =	vld.idx.msk [tilespmem:v60+s21+$0x0], $0xffff;
	[tilespmem:$0x1F0D0] =	vst v7  }
0x38f: {  	v16 =	vld.idx.msk [tilespmem:v16+s21+$0x0], $0xffff;
	[tilespmem:$0x1F0E0] =	vst v33  }
0x390: {  	v50 =	vld.idx.msk [tilespmem:v50+s21+$0x0], $0xffff;
	[tilespmem:$0x1F000] =	vst v6  }
0x391: {  	v1 =	vld [tilespmem:$0x1FDD0];
	_ =	sdelay $0x4  }
0x392: {  	v1 =	vadd.f32 v2, v1;
	_ =	sdelay $0x1  }
0x393: {  	[tilespmem:$0x1EF20] =	vst v1;
	v1 =	vld [tilespmem:$0x1F1D0];
	_ =	sdelay $0x3  }
0x394: {  	v58 =	vld [tilespmem:$0x1F220]  }
0x395: {  	v2 =	vadd.f32 v41, v1;
	v1 =	vld [tilespmem:$0x1F240];
	_ =	sdelay $0x4  }
0x396: {  	v14 =	vmul.f32 v1, v58;
	v1 =	vimm.s32 $0x60;
	_ =	sdelay $0x4  }
0x397: {  	v49 =	vld.idx.msk [tilespmem:v1+s0+$0x0], $0xffff  }
0x398: {  	v1 =	vld [tilespmem:$0x1F4B0];
	_ =	sdelay $0x4  }
0x399: {  	v13 =	vmul.f32 v13, v1;
	v1 =	vld [tilespmem:$0x1F200];
	_ =	sdelay $0x3  }
0x39a: {  	v59 =	vld [tilespmem:$0x1F250]  }
0x39b: {  	v40 =	vadd.f32 v19, v1;
	v1 =	vld [tilespmem:$0x1F270];
	_ =	sdelay $0x4  }
0x39c: {  	v41 =	vmul.f32 v1, v59;
	v1 =	vimm.s32 $0x138;
	_ =	sdelay $0x4  }
0x39d: {  	v52 =	vld.idx.msk [tilespmem:v1+s0+$0x0], $0xffff  }
0x39e: {  	v1 =	vld [tilespmem:$0x1F4F0];
	_ =	sdelay $0x4  }
0x39f: {  	v53 =	vmul.f32 v2, v1;
	v1 =	vld [tilespmem:$0x1F230];
	_ =	sdelay $0x4  }
0x3a0: {  	v14 =	vadd.f32 v14, v1;
	v1 =	vld [tilespmem:$0x1FF80];
	_ =	sdelay $0x7  }
0x3a1: {  	v3 =	vld.idx.msk [tilespmem:v1+s11+$0x0], $0xffff  }
0x3a2: {  	v1 =	vld [tilespmem:$0x1F510];
	_ =	sdelay $0x4  }
0x3a3: {  	v40 =	vmul.f32 v40, v1;
	v1 =	vld [tilespmem:$0x1F260];
	_ =	sdelay $0x4  }
0x3a4: {  	v41 =	vadd.f32 v41, v1;
	v1 =	vimm.s32 $0x61;
	_ =	sdelay $0x2  }
0x3a5: {  	v2 =	vmul.f32 v46, v15;
	_ =	sdelay $0x1  }
0x3a6: {  	v46 =	vld.idx.msk [tilespmem:v1+s0+$0x0], $0xffff;
	v1 =	vadd.f32 v2, v47;
	_ =	sdelay $0x1  }
0x3a7: {  	[tilespmem:$0x1EF30] =	vst v1;
	v1 =	vld [tilespmem:$0x1F550];
	_ =	sdelay $0x4  }
0x3a8: {  	v14 =	vmul.f32 v14, v1;
	v1 =	vimm.s32 $0x139;
	_ =	sdelay $0x4  }
0x3a9: {  	v54 =	vld.idx.msk [tilespmem:v1+s0+$0x0], $0xffff  }
0x3aa: {  	v1 =	vld [tilespmem:$0x1F570];
	_ =	sdelay $0x4  }
0x3ab: {  	v41 =	vmul.f32 v41, v1;
	v1 =	vmul.f32 v23, v15;
	_ =	sdelay $0x1  }
0x3ac: {  	[tilespmem:$0x1EFD0] =	vst v1;
	v1 =	vld [tilespmem:$0x1FF90];
	_ =	sdelay $0x5  }
0x3ad: {  	v50 =	vmul.f32 v50, v15;
	_ =	sdelay $0x1  }
0x3ae: {  	v5 =	vld.idx.msk [tilespmem:v1+s11+$0x0], $0xffff;
	v1 =	vadd.f32 v50, v20;
	v50 =	vmul.f32 v0, v15;
	v0 =	vimm.s32 $0x13A;
	_ =	sdelay $0x2  }
0x3af: {  	v13 =	vadd.f32 $0.0e+00, v13;
	v47 =	vmul.f32 v60, v15;
	_ =	sdelay $0x1  }
0x3b0: {  	v13 =	vadd.f32 v53, v13;
	v53 =	vld.idx.msk [tilespmem:v0+s0+$0x0], $0xffff;
	v0 =	vadd.f32 v47, v51  }
0x3b1: {  	v19 =	vld [tilespmem:$0x1F280]  }
0x3b2: {  	[tilespmem:$0x1EF50] =	vst v0;
	v0 =	vld [tilespmem:$0x1F2A0];
	_ =	sdelay $0x4  }
0x3b3: {  	v13 =	vadd.f32 v40, v13;
	v40 =	vmul.f32 v0, v19;
	v0 =	vld [tilespmem:$0x1FFA0]  }
0x3b4: {  	v27 =	vmul.f32 v27, v15;
	_ =	sdelay $0x1  }
0x3b5: {  	v2 =	vadd.f32 v27, v42;
	v27 =	vld [tilespmem:$0x1FFB0];
	_ =	sdelay $0x4  }
0x3b6: {  	v4 =	vld.idx.msk [tilespmem:v0+s11+$0x0], $0xffff;
	v0 =	vimm.s32 $0x63;
	_ =	sdelay $0x1  }
0x3b7: {  	v42 =	vld [tilespmem:$0x1F2C0]  }
0x3b8: {  	[tilespmem:$0x1EF60] =	vst v2;
	v2 =	vld.idx.msk [tilespmem:v27+s11+$0x0], $0xffff  }
0x3b9: {  	v23 =	vld [tilespmem:$0x1F2F0]  }
0x3ba: {  	v16 =	vmul.f32 v16, v15;
	v13 =	vadd.f32 v14, v13;
	v51 =	vmul.f32 v62, v15;
	v62 =	vld.idx.msk [tilespmem:v0+s0+$0x0], $0xffff  }
0x3bb: {  	v20 =	vmul.f32 v24, v15;
	v0 =	vld [tilespmem:$0x1F290]  }
0x3bc: {  	v16 =	vadd.f32 v16, v25;
	v25 =	vadd.f32 v41, v13;
	v41 =	vld [tilespmem:$0x1F5C0];
	[tilespmem:$0x1EF40] =	vst v1;
	v1 =	vimm.s32 $0x62  }
0x3bd: {  	v10 =	vadd.f32 v20, v48;
	v20 =	vld [tilespmem:$0x1F310]  }
0x3be: {  	v29 =	vmul.f32 v29, v15;
	v48 =	vld [tilespmem:$0x1FFC0]  }
0x3bf: {  	v13 =	vadd.f32 v50, v43;
	v50 =	vld [tilespmem:$0x1F300]  }
0x3c0: {  	[tilespmem:$0x1EF70] =	vst v10;
	v10 =	vadd.f32 v29, v30;
	v30 =	vld [tilespmem:$0x1F390];
	v47 =	vadd.f32 v40, v0  }
0x3c1: {  	v36 =	vmul.f32 v36, v15;
	v15 =	vmul.f32 v26, v15;
	v60 =	vld.idx.msk [tilespmem:v1+s0+$0x0], $0xffff  }
0x3c2: {  	v8 =	vadd.f32 v51, v8;
	v51 =	vld [tilespmem:$0x1F350];
	v26 =	vmul.f32 v47, v41;
	v47 =	vimm.s32 $0x64  }
0x3c3: {  	v40 =	vld [tilespmem:$0x1F2B0]  }
0x3c4: {  	v20 =	vmul.f32 v20, v23;
	v0 =	vld [tilespmem:$0x1F2D0]  }
0x3c5: {  	[tilespmem:$0x1EFB0] =	vst v8;
	v8 =	vadd.f32 v36, v34;
	v36 =	vld [tilespmem:$0x1F5F0]  }
0x3c6: {  	v1 =	vimm.s32 $0x13B;
	v20 =	vadd.f32 v20, v50;
	v50 =	vld [tilespmem:$0x1FFE0]  }
0x3c7: {  	v27 =	vld.idx.msk [tilespmem:v47+s0+$0x0], $0xffff  }
0x3c8: {  	v47 =	vld [tilespmem:$0x1F5D0]  }
0x3c9: {  	v24 =	vimm.s32 $0x13C;
	v26 =	vadd.f32 v26, v25;
	v25 =	vld.idx.msk [tilespmem:v48+s11+$0x0], $0xffff;
	v0 =	vmul.f32 v0, v40  }
0x3ca: {  	v34 =	vimm.s32 $0x13D;
	v48 =	vld [tilespmem:$0x1F370]  }
0x3cb: {  	v1 =	vld.idx.msk [tilespmem:v1+s0+$0x0], $0xffff;
	v0 =	vadd.f32 v0, v42  }
0x3cc: {  	v41 =	vld [tilespmem:$0x1F340]  }
0x3cd: {  	v0 =	vmul.f32 v0, v47;
	v47 =	vld [tilespmem:$0x1F330]  }
0x3ce: {  	v42 =	vld.idx.msk [tilespmem:v24+s0+$0x0], $0xffff  }
0x3cf: {  	v0 =	vadd.f32 v0, v26;
	v26 =	vmul.f32 v30, v48;
	v30 =	vld.idx.msk [tilespmem:v34+s0+$0x0], $0xffff  }
0x3d0: {  	v24 =	vimm.s32 $0x65;
	v34 =	vmul.f32 v52, v6;
	v52 =	vld [tilespmem:$0x1F810]  }
0x3d1: {  	v20 =	vmul.f32 v20, v36;
	v36 =	vld [tilespmem:$0x1F660]  }
0x3d2: {  	v14 =	vimm.s32 $0x13E;
	v1 =	vmul.f32 v1, v4;
	v29 =	vmul.f32 v51, v47;
	v51 =	vld [tilespmem:$0x1F380]  }
0x3d3: {  	v50 =	vld.idx.msk [tilespmem:v50+s11+$0x0], $0xffff  }
0x3d4: {  	v1 =	vadd.f32 v1, v62;
	v62 =	vld [tilespmem:$0x1F690];
	v29 =	vadd.f32 v29, v41;
	v41 =	vimm.s32 $0x66  }
0x3d5: {  	v43 =	vld.idx.msk [tilespmem:v24+s0+$0x0], $0xffff;
	v24 =	vmax.f32 v52, $9.999999970e-07  }
0x3d6: {  	(erf) = vrcp.f32 v24;
	v24 =	vld [tilespmem:$0x1F600]  }
0x3d7: {  	v26 =	vadd.f32 v26, v51;
	v51 =	vmul.f32 v54, v3;
	v54 =	vadd.f32 v34, v49;
	v34 =	vld.idx.msk [tilespmem:v14+s0+$0x0], $0xffff  }
0x3d8: {  	v14 =	vld [tilespmem:$0x1F3B0]  }
0x3d9: {  	v52 =	vld.idx.msk [tilespmem:v41+s0+$0x0], $0xffff  }
0x3da: {  	v41 =	vld [tilespmem:$0x1F2E0]  }
0x3db: {  	v49 =	vmul.f32 v53, v5;
	v53 =	vld [tilespmem:$0x1F3D0]  }
0x3dc: {  	[tilespmem:$0x1F020] =	vst v5;
	v5 =	vld [tilespmem:$0x1EEB0];
	v46 =	vadd.f32 v51, v46;
	v51 =	vimm.s32 $0x67  }
0x3dd: {  	v0 =	vadd.f32 v20, v0;
	v20 =	vadd.f32 v49, v60;
	v49 =	vld [tilespmem:$0x1F3C0]  }
0x3de: {  	v6 =	vadd.f32 v15, v35;
	v36 =	vmul.f32 v26, v36;
	v29 =	vmul.f32 v29, v24;
	v24 =	vld [tilespmem:$0x1F420]  }
0x3df: {  	[tilespmem:$0x1EFA0] =	vst v10;
	v15 =	vmul.f32 v54, v32;
	v26 =	vimm.s32 $0x13F;
	v10 =	vmul.f32 v46, v21;
	v21 =	vld [tilespmem:$0x1F400]  }
0x3e0: {  	v0 =	vadd.f32 v29, v0;
	v29 =	vmul.f32 v42, v2;
	v42 =	vld [tilespmem:$0x1F430]  }
0x3e1: {  	v60 =	vimm.s32 $0x140;
	v15 =	vadd.f32 $0.0e+00, v15;
	v32 =	vld.idx.msk [tilespmem:v51+s0+$0x0], $0xffff  }
0x3e2: {  	[tilespmem:$0x1F010] =	vst v3;
	v3 =	vld.idx.msk [tilespmem:v41+s11+$0x0], $0xffff  }
0x3e3: {  	v54 =	vmul.f32 v53, v14;
	v10 =	vadd.f32 v10, v15;
	v15 =	vmul.f32 v20, v22;
	v41 =	vld [tilespmem:$0x1F320]  }
0x3e4: {  	v1 =	vmul.f32 v1, v63;
	v46 =	vld.idx.msk [tilespmem:v26+s0+$0x0], $0xffff  }
0x3e5: {  	v35 =	vadd.f32 v54, v49;
	v51 =	vld [tilespmem:$0x1F410];
	v54 =	vimm.s32 $0x68;
	v10 =	vadd.f32 v15, v10  }
0x3e6: {  	v20 =	vld.idx.msk [tilespmem:v60+s0+$0x0], $0xffff  }
0x3e7: {  	v1 =	vadd.f32 v1, v10;
	v10 =	vld [tilespmem:$0x1F3A0]  }
0x3e8: {  	v60 =	vld [tilespmem:$0x1F360];
	v26 =	vimm.s32 $0x141  }
0x3e9: {  	v15 =	vld [tilespmem:$0x1F450]  }
0x3ea: {  	v49 =	vld.idx.msk [tilespmem:v54+s0+$0x0], $0xffff  }
0x3eb: {  	[tilespmem:$0x1F030] =	vst v4;
	v4 =	vld.idx.msk [tilespmem:v41+s11+$0x0], $0xffff  }
0x3ec: {  	v41 =	vld [tilespmem:$0x1F3F0]  }
0x3ed: {  	v0 =	vadd.f32 v36, v0;
	v63 =	vadd.f32 v29, v27;
	v36 =	vld.idx.msk [tilespmem:v26+s0+$0x0], $0xffff  }
0x3ee: {  	v54 =	vld [tilespmem:$0x1F440]  }
0x3ef: {  	[tilespmem:$0x1F040] =	vst v2;
	v2 =	vld.idx.msk [tilespmem:v10+s11+$0x0], $0xffff;
	v10 =	vmul.f32 v63, v5;
	v63 =	vimm.s32 $0x6A  }
0x3f0: {  	v26 =	vld [tilespmem:$0x1F470]  }
0x3f1: {  	v53 =	vmul.f32 v51, v41;
	v51 =	vld.idx.msk [tilespmem:v60+s11+$0x0], $0xffff  }
0x3f2: {  	v22 =	vmul.f32 v35, v62;
	v62 =	vimm.s32 $0x69;
	v15 =	vmul.f32 v15, v42;
	v60 =	vld [tilespmem:$0x1F490]  }
0x3f3: {  	v35 =	vadd.f32 v53, v21;
	v21 =	vmul.f32 v30, v25;
	v30 =	vld [tilespmem:$0x1F6D0]  }
0x3f4: {  	v15 =	vadd.f32 v15, v54;
	v54 =	vld.idx.msk [tilespmem:v63+s0+$0x0], $0xffff  }
0x3f5: {  	v0 =	vadd.f32 v22, v0;
	v22 =	vadd.f32 v21, v43;
	v21 =	vld [tilespmem:$0x1F700]  }
0x3f6: {  	v29 =	vimm.s32 $0x142;
	v63 =	vld [tilespmem:$0x1F730]  }
0x3f7: {  	v53 =	vld.idx.msk [tilespmem:v62+s0+$0x0], $0xffff  }
0x3f8: {  	[tilespmem:$0x1F050] =	vst v25;
	v1 =	vadd.f32 v10, v1;
	v25 =	vld [tilespmem:$0x1F4D0];
	v10 =	vmul.f32 v22, v31;
	v35 =	vmul.f32 v35, v30  }
0x3f9: {  	v34 =	vmul.f32 v34, v50;
	v30 =	vld [tilespmem:$0x1F480]  }
0x3fa: {  	v1 =	vadd.f32 v10, v1;
	v10 =	vld [tilespmem:$0x1F500];
	v0 =	vadd.f32 v35, v0;
	v15 =	vmul.f32 v15, v21  }
0x3fb: {  	v43 =	vmul.f32 v46, v3;
	v62 =	vmul.f32 v60, v26;
	v35 =	vld.idx.msk [tilespmem:v29+s0+$0x0], $0xffff  }
0x3fc: {  	v60 =	vimm.s32 $0x6B;
	v29 =	vld [tilespmem:$0x1F4E0];
	v0 =	vadd.f32 v15, v0;
	v15 =	vadd.f32 v34, v52;
	_ =	sdelay $0x1  }
0x3fd: {  	v15 =	vmul.f32 v15, v18;
	v18 =	vadd.f32 v43, v32;
	v32 =	vld [tilespmem:$0x1F770]  }
0x3fe: {  	v31 =	vld [tilespmem:$0x1F3E0];
	v27 =	vadd.f32 v62, v30;
	v10 =	vmul.f32 v10, v25  }
0x3ff: {  	[tilespmem:$0x1F060] =	vst v3;
	v20 =	vmul.f32 v20, v4;
	v3 =	vld [tilespmem:$0x1F890]  }
0x400: {  	v21 =	vimm.s32 $0x143;
	v46 =	vld.idx.msk [tilespmem:v60+s0+$0x0], $0xffff;
	v27 =	vmul.f32 v27, v63;
	v10 =	vadd.f32 v10, v29  }
0x401: {  	v60 =	vld.idx.msk [tilespmem:v24+s11+$0x0], $0xffff;
	v1 =	vadd.f32 v15, v1;
	v15 =	vmul.f32 v18, v17;
	v17 =	vadd.f32 v20, v49  }
0x402: {  	v24 =	vld [tilespmem:$0x1F6C0];
	v49 =	vmul.f32 v36, v51;
	v0 =	vadd.f32 v27, v0;
	v10 =	vmul.f32 v10, v32  }
0x403: {  	v34 =	vld [tilespmem:$0x1F540];
	v1 =	vadd.f32 v15, v1;
	v15 =	vmul.f32 v17, v61  }
0x404: {  	v30 =	vld [tilespmem:$0x1F560];
	v0 =	vadd.f32 v10, v0;
	v10 =	vadd.f32 v49, v53;
	v49 =	vmul.f32 v35, v2  }
0x405: {  	v43 =	vld [tilespmem:$0x1F530]  }
0x406: {  	v62 =	vld.idx.msk [tilespmem:v31+s11+$0x0], $0xffff;
	v1 =	vadd.f32 v15, v1;
	v10 =	vmul.f32 v10, v11;
	v11 =	vadd.f32 v49, v54  }
0x407: {  	v52 =	vld.idx.msk [tilespmem:v21+s0+$0x0], $0xffff  }
0x408: {  	v1 =	vadd.f32 v10, v1;
	v10 =	vmul.f32 v11, v45;
	v11 =	vld [tilespmem:$0x1F520]  }
0x409: {  	v31 =	vimm.s32 $0x6C;
	v21 =	vld [tilespmem:$0x1F5B0]  }
0x40a: {  	v29 =	vld [tilespmem:$0x1F590]  }
0x40b: {  	v17 =	vld [tilespmem:$0x1F5E0]  }
0x40c: {  	v61 =	vld [tilespmem:$0x1F790]  }
0x40d: {  	v22 =	vmul.f32 v30, v43;
	v15 =	vld [tilespmem:$0x1F4C0]  }
0x40e: {  	v30 =	vimm.s32 $0x6E;
	v27 =	vld.idx.msk [tilespmem:v31+s0+$0x0], $0xffff;
	v35 =	vmul.f32 v52, v62  }
0x40f: {  	v20 =	vadd.f32 v22, v34;
	v34 =	vld [tilespmem:$0x1F460]  }
0x410: {  	v52 =	vld.idx.msk [tilespmem:v11+s11+$0x0], $0xffff;
	v11 =	vadd.f32 v35, v46  }
0x411: {  	v31 =	vld [tilespmem:$0x1F800]  }
0x412: {  	v54 =	vimm.s32 $0x146;
	v11 =	vmul.f32 v11, v9;
	v9 =	vld [tilespmem:$0x1F580]  }
0x413: {  	v22 =	vld.idx.msk [tilespmem:v30+s0+$0x0], $0xffff  }
0x414: {  	v1 =	vadd.f32 v10, v1;
	v10 =	vld [tilespmem:$0x1F720]  }
0x415: {  	v17 =	vmul.f32 v17, v29;
	v20 =	vmul.f32 v20, v61;
	v61 =	vld.idx.msk [tilespmem:v15+s11+$0x0], $0xffff  }
0x416: {  	v15 =	vld [tilespmem:$0x1F680]  }
0x417: {  	v17 =	vadd.f32 v17, v21;
	v49 =	vld.idx.msk [tilespmem:v54+s0+$0x0], $0xffff  }
0x418: {  	v63 =	vld.idx.msk [tilespmem:v34+s11+$0x0], $0xffff  }
0x419: {  	v17 =	vmul.f32 v17, v31;
	v31 =	vimm.s32 $0x147;
	v34 =	vld [tilespmem:$0x1F630]  }
0x41a: {  	v54 =	vld.idx.msk [tilespmem:v9+s11+$0x0], $0xffff  }
0x41b: {  	v9 =	vld [tilespmem:$0x1F6F0]  }
0x41c: {  	v21 =	vld [tilespmem:$0x1F650]  }
0x41d: {  	v30 =	vld [tilespmem:$0x1F840]  }
0x41e: {  	v0 =	vadd.f32 v20, v0;
	v10 =	vmul.f32 v10, v24;
	v20 =	vld.idx.msk [tilespmem:v31+s0+$0x0], $0xffff  }
0x41f: {  	v31 =	vld [tilespmem:$0x1F760];
	v15 =	vmul.f32 v15, v34  }
0x420: {  	v10 =	vadd.f32 v10, v9;
	v9 =	vld [tilespmem:$0x1F7A0]  }
0x421: {  	v18 =	vimm.s32 $0x144;
	v15 =	vadd.f32 v15, v21  }
0x422: {  	v10 =	vmul.f32 v10, v3;
	v3 =	vld [tilespmem:$0x1F780]  }
0x423: {  	v36 =	vimm.s32 $0x6D;
	v0 =	vadd.f32 v17, v0;
	v15 =	vmul.f32 v15, v30  }
0x424: {  	v53 =	vimm.s32 $0x145  }
0x425: {  	v0 =	vadd.f32 v15, v0;
	v15 =	vmul.f32 v9, v31  }
0x426: {  	v18 =	vld.idx.msk [tilespmem:v18+s0+$0x0], $0xffff  }
0x427: {  	v15 =	vadd.f32 v15, v3;
	v3 =	vld [tilespmem:$0x1F620]  }
0x428: {  	v32 =	vld.idx.msk [tilespmem:v36+s0+$0x0], $0xffff  }
0x429: {  	v36 =	vld.idx.msk [tilespmem:v53+s0+$0x0], $0xffff  }
0x42a: {  	[tilespmem:$0x1F080] =	vst v2;
	v2 =	vld [tilespmem:$0x1EEC0]  }
0x42b: {  	v17 =	vmul.f32 v18, v60;
	_ =	sdelay $0x1  }
0x42c: {  	v17 =	vadd.f32 v17, v27  }
0x42d: {  	v35 =	vmul.f32 v36, v63;
	v36 =	vimm.s32 $0x70  }
0x42e: {  	v1 =	vadd.f32 v11, v1;
	v11 =	vmul.f32 v17, v2;
	v2 =	vld.idx.msk [tilespmem:v3+s11+$0x0], $0xffff  }
0x42f: {  	v3 =	vld [tilespmem:$0x1EED0];
	_ =	sdelay $0x2  }
0x430: {  	v17 =	vadd.f32 v35, v32;
	v46 =	vld.idx.msk [tilespmem:v36+s0+$0x0], $0xffff  }
0x431: {  	v36 =	vld [tilespmem:$0x1F7D0]  }
0x432: {  	v1 =	vadd.f32 v11, v1;
	v11 =	vmul.f32 v17, v3;
	v3 =	vld [tilespmem:$0x1F830];
	_ =	sdelay $0x4  }
0x433: {  	v17 =	vmul.f32 v3, v36;
	v3 =	vld [tilespmem:$0x1F8C0];
	_ =	sdelay $0x4  }
0x434: {  	v15 =	vmul.f32 v15, v3;
	v3 =	vld [tilespmem:$0x1F7F0];
	_ =	sdelay $0x1  }
0x435: {  	v53 =	vimm.s32 $0x148;
	_ =	sdelay $0x2  }
0x436: {  	v17 =	vadd.f32 v17, v3;
	v3 =	vld [tilespmem:$0x1F6B0];
	_ =	sdelay $0x1  }
0x437: {  	v27 =	vld.idx.msk [tilespmem:v53+s0+$0x0], $0xffff;
	v53 =	vimm.s32 $0x149;
	_ =	sdelay $0x2  }
0x438: {  	v21 =	vmul.f32 v49, v61;
	_ =	sdelay $0x1  }
0x439: {  	v18 =	vimm.s32 $0x6F;
	v0 =	vadd.f32 v10, v0;
	v10 =	vadd.f32 v21, v22;
	v22 =	vld.idx.msk [tilespmem:v53+s0+$0x0], $0xffff  }
0x43a: {  	v53 =	vld.idx.msk [tilespmem:v3+s11+$0x0], $0xffff  }
0x43b: {  	v3 =	vld [tilespmem:$0x1EEE0];
	_ =	sdelay $0x2  }
0x43c: {  	v18 =	vld.idx.msk [tilespmem:v18+s0+$0x0], $0xffff  }
0x43d: {  	v35 =	vld [tilespmem:$0x1F880]  }
0x43e: {  	v10 =	vmul.f32 v10, v3;
	v3 =	vld [tilespmem:$0x1F8F0];
	_ =	sdelay $0x2  }
0x43f: {  	v20 =	vmul.f32 v20, v52;
	_ =	sdelay $0x1  }
0x440: {  	v1 =	vadd.f32 v11, v1;
	v11 =	vadd.f32 v20, v18;
	v18 =	vmul.f32 v3, v35;
	v3 =	vld [tilespmem:$0x1F900];
	_ =	sdelay $0x4  }
0x441: {  	v0 =	vadd.f32 v15, v0;
	v15 =	vmul.f32 v17, v3;
	v3 =	vld [tilespmem:$0x1F8B0];
	_ =	sdelay $0x4  }
0x442: {  	v18 =	vadd.f32 v18, v3;
	v3 =	vld [tilespmem:$0x1EEF0];
	_ =	sdelay $0x4  }
0x443: {  	v1 =	vadd.f32 v10, v1;
	v10 =	vmul.f32 v11, v3;
	v3 =	vld [tilespmem:$0x1F750];
	_ =	sdelay $0x7  }
0x444: {  	[tilespmem:$0x1F070] =	vst v4;
	v4 =	vld.idx.msk [tilespmem:v3+s11+$0x0], $0xffff  }
0x445: {  	v3 =	vld [tilespmem:$0x1F950];
	_ =	sdelay $0x1  }
0x446: {  	v17 =	vmul.f32 v27, v54;
	_ =	sdelay $0x1  }
0x447: {  	v49 =	vimm.s32 $0x71;
	v11 =	vadd.f32 v17, v46;
	v46 =	vld [tilespmem:$0x1F940]  }
0x448: {  	v18 =	vmul.f32 v18, v3;
	v3 =	vld [tilespmem:$0x1F9B0];
	_ =	sdelay $0x3  }
0x449: {  	v49 =	vld.idx.msk [tilespmem:v49+s0+$0x0], $0xffff  }
0x44a: {  	v1 =	vadd.f32 v10, v1;
	v10 =	vmul.f32 v3, v46;
	v3 =	vld [tilespmem:$0x1F980];
	_ =	sdelay $0x1  }
0x44b: {  	v0 =	vadd.f32 v15, v0;
	v15 =	vmul.f32 v22, v2;
	_ =	sdelay $0x1  }
0x44c: {  	v15 =	vadd.f32 v15, v49;
	v49 =	vld [tilespmem:$0x1FA00]  }
0x44d: {  	v10 =	vadd.f32 v10, v3;
	v3 =	vld [tilespmem:$0x1FA70];
	_ =	sdelay $0x4  }
0x44e: {  	v0 =	vadd.f32 v18, v0;
	v18 =	vmul.f32 v3, v49;
	v3 =	vld [tilespmem:$0x1FC20];
	_ =	sdelay $0x7  }
0x44f: {  	v30 =	vimm.s32 $0x14A;
	v21 =	vld.idx.msk [tilespmem:v3+s11+$0x0], $0xffff  }
0x450: {  	v3 =	vld [tilespmem:$0x1F990]  }
0x451: {  	v32 =	vimm.s32 $0x72  }
0x452: {  	v45 =	vimm.s32 $0x73  }
0x453: {  	[tilespmem:$0x1F090] =	vst v2;
	v2 =	vld [tilespmem:$0x1EF00]  }
0x454: {  	v20 =	vld.idx.msk [tilespmem:v30+s0+$0x0], $0xffff  }
0x455: {  	v10 =	vmul.f32 v10, v3;
	v3 =	vld [tilespmem:$0x1FA40]  }
0x456: {  	v27 =	vld.idx.msk [tilespmem:v32+s0+$0x0], $0xffff  }
0x457: {  	v22 =	vld.idx.msk [tilespmem:v45+s0+$0x0], $0xffff  }
0x458: {  	v11 =	vmul.f32 v11, v2;
	v2 =	vld [tilespmem:$0x1EF10]  }
0x459: {  	v45 =	vld [tilespmem:$0x1FAC0]  }
0x45a: {  	v18 =	vadd.f32 v18, v3;
	v3 =	vld [tilespmem:$0x1FB10]  }
0x45b: {  	v20 =	vmul.f32 v20, v53  }
0x45c: {  	v9 =	vimm.s32 $0x14C  }
0x45d: {  	v1 =	vadd.f32 v11, v1;
	v11 =	vadd.f32 v20, v27;
	v5 =	vmul.f32 v15, v2  }
0x45e: {  	v17 =	vimm.s32 $0x14B  }
0x45f: {  	v1 =	vadd.f32 v5, v1;
	v5 =	vmul.f32 v11, v12;
	v11 =	vmul.f32 v3, v45;
	v3 =	vld [tilespmem:$0x1F9A0]  }
0x460: {  	v27 =	vimm.s32 $0x14D  }
0x461: {  	v30 =	vimm.s32 $0x75  }
0x462: {  	v32 =	vld.idx.msk [tilespmem:v9+s0+$0x0], $0xffff  }
0x463: {  	v17 =	vld.idx.msk [tilespmem:v17+s0+$0x0], $0xffff;
	v15 =	vimm.s32 $0x74  }
0x464: {  	v18 =	vmul.f32 v18, v3;
	v3 =	vld [tilespmem:$0x1FAF0]  }
0x465: {  	v20 =	vld.idx.msk [tilespmem:v27+s0+$0x0], $0xffff  }
0x466: {  	v27 =	vld.idx.msk [tilespmem:v30+s0+$0x0], $0xffff  }
0x467: {  	v30 =	vld [tilespmem:$0x1FB50]  }
0x468: {  	v15 =	vld.idx.msk [tilespmem:v15+s0+$0x0], $0xffff  }
0x469: {  	v11 =	vadd.f32 v11, v3;
	v3 =	vld [tilespmem:$0x1FB80]  }
0x46a: {  	v17 =	vmul.f32 v17, v4;
	_ =	sdelay $0x1  }
0x46b: {  	v0 =	vadd.f32 v10, v0;
	v10 =	vadd.f32 v17, v22;
	v17 =	vmul.f32 v32, v28;
	_ =	sdelay $0x1  }
0x46c: {  	v15 =	vadd.f32 v17, v15;
	v17 =	vmul.f32 v3, v30;
	v3 =	vld [tilespmem:$0x1F9C0];
	_ =	sdelay $0x4  }
0x46d: {  	v11 =	vmul.f32 v11, v3;
	v3 =	vld [tilespmem:$0x1FC80];
	_ =	sdelay $0x6  }
0x46e: {  	v2 =	vld [tilespmem:$0x1EF20];
	v12 =	vimm.s32 $0x14E  }
0x46f: {  	v28 =	vld.idx.msk [tilespmem:v3+s11+$0x0], $0xffff  }
0x470: {  	v3 =	vld [tilespmem:$0x1FB60];
	_ =	sdelay $0x2  }
0x471: {  	v22 =	vld.idx.msk [tilespmem:v12+s0+$0x0], $0xffff  }
0x472: {  	v12 =	vmul.f32 v10, v2;
	v2 =	vld [tilespmem:$0x1EF30]  }
0x473: {  	v17 =	vadd.f32 v17, v3;
	v3 =	vld [tilespmem:$0x1F9D0];
	_ =	sdelay $0x2  }
0x474: {  	v1 =	vadd.f32 v5, v1;
	_ =	sdelay $0x1  }
0x475: {  	v1 =	vadd.f32 v12, v1;
	v2 =	vmul.f32 v15, v2;
	v17 =	vmul.f32 v17, v3;
	v3 =	vld [tilespmem:$0x1EF40]  }
0x476: {  	v0 =	vadd.f32 v18, v0;
	v18 =	vmul.f32 v20, v57  }
0x477: {  	v9 =	vld [tilespmem:$0x1FBC0];
	v1 =	vadd.f32 v2, v1  }
0x478: {  	v2 =	vld [tilespmem:$0x1FC00];
	v0 =	vadd.f32 v11, v0;
	v11 =	vadd.f32 v18, v27;
	_ =	sdelay $0x1  }
0x479: {  	v11 =	vmul.f32 v11, v3;
	v3 =	vld [tilespmem:$0x1FBE0];
	_ =	sdelay $0x2  }
0x47a: {  	v2 =	vmul.f32 v2, v9  }
0x47b: {  	v12 =	vld [tilespmem:$0x1FC30]  }
0x47c: {  	v2 =	vadd.f32 v2, v3;
	v3 =	vld [tilespmem:$0x1FC60];
	_ =	sdelay $0x4  }
0x47d: {  	v5 =	vimm.s32 $0x76;
	v0 =	vadd.f32 v17, v0;
	v17 =	vmul.f32 v3, v12;
	v3 =	vld [tilespmem:$0x1FD00]  }
0x47e: {  	v10 =	vimm.s32 $0x14F  }
0x47f: {  	v20 =	vimm.s32 $0x77;
	_ =	sdelay $0x1  }
0x480: {  	[tilespmem:$0x1EFE0] =	vst v6;
	v6 =	vld [tilespmem:$0x1FA50]  }
0x481: {  	v5 =	vld.idx.msk [tilespmem:v5+s0+$0x0], $0xffff  }
0x482: {  	v32 =	vld.idx.msk [tilespmem:v10+s0+$0x0], $0xffff  }
0x483: {  	v15 =	vld.idx.msk [tilespmem:v20+s0+$0x0], $0xffff  }
0x484: {  	[tilespmem:$0x1F0A0] =	vst v4;
	v4 =	vld.idx.msk [tilespmem:v3+s11+$0x0], $0xffff  }
0x485: {  	v2 =	vmul.f32 v2, v6;
	v3 =	vld [tilespmem:$0x1EF50]  }
0x486: {  	v57 =	vmul.f32 v22, v7;
	v27 =	vimm.s32 $0x78  }
0x487: {  	v2 =	vadd.f32 v2, v0;
	v0 =	vimm.s32 $0x153  }
0x488: {  	v5 =	vadd.f32 v57, v5;
	v57 =	vmul.f32 v32, v33  }
0x489: {  	v6 =	vld [tilespmem:$0x1FC50]  }
0x48a: {  	v10 =	vld [tilespmem:$0x1FC90];
	v3 =	vmul.f32 v5, v3;
	v5 =	vadd.f32 v57, v15;
	v57 =	vimm.s32 $0x7A  }
0x48b: {  	v20 =	vld.idx.msk [tilespmem:v27+s0+$0x0], $0xffff  }
0x48c: {  	v27 =	vld.idx.msk [tilespmem:v0+s0+$0x0], $0xffff  }
0x48d: {  	v0 =	vld [tilespmem:$0x1FA90]  }
0x48e: {  	v15 =	vadd.f32 v17, v6;
	v6 =	vld [tilespmem:$0x1FD60]  }
0x48f: {  	v1 =	vadd.f32 v11, v1;
	v22 =	vld.idx.msk [tilespmem:v57+s0+$0x0], $0xffff  }
0x490: {  	v57 =	vld [tilespmem:$0x1FD10]  }
0x491: {  	v1 =	vadd.f32 v3, v1;
	v3 =	vmul.f32 v5, v16;
	v5 =	vld [tilespmem:$0x1FCE0];
	_ =	sdelay $0x1  }
0x492: {  	v18 =	vimm.s32 $0x150;
	v15 =	vmul.f32 v15, v0;
	v0 =	vld [tilespmem:$0x1FCC0]  }
0x493: {  	v32 =	vimm.s32 $0x151  }
0x494: {  	v16 =	vmul.f32 v6, v57;
	v6 =	vld [tilespmem:$0x1FAA0]  }
0x495: {  	v11 =	vimm.s32 $0x79;
	v5 =	vmul.f32 v5, v10;
	_ =	sdelay $0x1  }
0x496: {  	v18 =	vld.idx.msk [tilespmem:v18+s0+$0x0], $0xffff;
	v5 =	vadd.f32 v5, v0  }
0x497: {  	v33 =	vld.idx.msk [tilespmem:v32+s0+$0x0], $0xffff  }
0x498: {  	v5 =	vmul.f32 v5, v6;
	v6 =	vld [tilespmem:$0x1FD30]  }
0x499: {  	v11 =	vld.idx.msk [tilespmem:v11+s0+$0x0], $0xffff  }
0x49a: {  	v1 =	vadd.f32 v3, v1;
	v3 =	vld [tilespmem:$0x1EF60]  }
0x49b: {  	v17 =	vmul.f32 v18, v38;
	v18 =	vimm.s32 $0x152;
	_ =	sdelay $0x1  }
0x49c: {  	v32 =	vmul.f32 v33, v44;
	v17 =	vadd.f32 v17, v20;
	v16 =	vadd.f32 v16, v6;
	v6 =	vld [tilespmem:$0x1FE00];
	_ =	sdelay $0x1  }
0x49d: {  	v11 =	vadd.f32 v32, v11;
	v3 =	vmul.f32 v17, v3;
	v17 =	vimm.s32 $0x7B  }
0x49e: {  	v18 =	vld.idx.msk [tilespmem:v18+s0+$0x0], $0xffff  }
0x49f: {  	v1 =	vadd.f32 v3, v1;
	v3 =	vmul.f32 v11, v13;
	_ =	sdelay $0x1  }
0x4a0: {  	v1 =	vadd.f32 v3, v1;
	v3 =	vld [tilespmem:$0x1EF70]  }
0x4a1: {  	v17 =	vld.idx.msk [tilespmem:v17+s0+$0x0], $0xffff  }
0x4a2: {  	v2 =	vadd.f32 v15, v2;
	v15 =	vmul.f32 v18, v56;
	v32 =	vld.idx.msk [tilespmem:v6+s11+$0x0], $0xffff  }
0x4a3: {  	v33 =	vmul.f32 v27, v21;
	v27 =	vimm.s32 $0x7C;
	v6 =	vld [tilespmem:$0x1F8D0]  }
0x4a4: {  	v18 =	vimm.s32 $0x154;
	v11 =	vadd.f32 v15, v22;
	_ =	sdelay $0x1  }
0x4a5: {  	v7 =	vld [tilespmem:$0x1EFA0];
	v3 =	vmul.f32 v11, v3;
	v11 =	vadd.f32 v33, v17;
	v33 =	vimm.s32 $0x7D  }
0x4a6: {  	v0 =	vld [tilespmem:$0x1FD80]  }
0x4a7: {  	v22 =	vld.idx.msk [tilespmem:v27+s0+$0x0], $0xffff;
	v15 =	vmax.f32 v6, $1.000000000e+00  }
0x4a8: {  	v18 =	vld.idx.msk [tilespmem:v18+s0+$0x0], $0xffff;
	(erf) = vrcp.f32 v15;
	v15 =	vimm.s32 $0x155  }
0x4a9: {  	v2 =	vadd.f32 v5, v2;
	v5 =	vld [tilespmem:$0x1FAD0]  }
0x4aa: {  	v13 =	vld.idx.msk [tilespmem:v33+s0+$0x0], $0xffff  }
0x4ab: {  	v33 =	vld [tilespmem:$0x1EF80]  }
0x4ac: {  	v6 =	vld [tilespmem:$0x1FDF0]  }
0x4ad: {  	v15 =	vld.idx.msk [tilespmem:v15+s0+$0x0], $0xffff  }
0x4ae: {  	v27 =	vld [tilespmem:$0x1FD90]  }
0x4af: {  	v1 =	vadd.f32 v3, v1;
	v3 =	vld [tilespmem:$0x1FDE0]  }
0x4b0: {  	[tilespmem:$0x1EFC0] =	vst v8;
	v8 =	vld [tilespmem:$0x1FDC0];
	v20 =	vimm.s32 $0x157;
	v17 =	vmul.f32 v18, v28  }
0x4b1: {  	v5 =	vmul.f32 v16, v5;
	v16 =	vadd.f32 v33, v6;
	v6 =	vld [tilespmem:$0x1EF90]  }
0x4b2: {  	v17 =	vadd.f32 v17, v22;
	v22 =	vmov v4;
	v15 =	vmul.f32 v15, v4;
	v4 =	vld [tilespmem:$0x1EFB0]  }
0x4b3: {  	v11 =	vmul.f32 v11, v7  }
0x4b4: {  	v3 =	vmul.f32 v3, v27  }
0x4b5: {  	v20 =	vld.idx.msk [tilespmem:v20+s0+$0x0], $0xffff;
	v1 =	vadd.f32 v11, v1  }
0x4b6: {  	v0 =	vld.idx.msk [tilespmem:v0+s11+$0x0], $0xffff;
	v18 =	vimm.s32 $0x156;
	v2 =	vadd.f32 v5, v2;
	v3 =	vadd.f32 v3, v8  }
0x4b7: {  	v8 =	vld [tilespmem:$0x1FE30];
	v16 =	vmax.f32 v16, $1.000000000e+00;
	v6 =	vmax.f32 v6, $9.999999970e-07;
	v4 =	vmul.f32 v17, v4  }
0x4b8: {  	(erf) = vrcp.f32 v6;
	v6 =	vimm.s32 $0x7E;
	v5 =	vadd.f32 v15, v13;
	v15 =	vld [tilespmem:$0x1FB00]  }
0x4b9: {  	(erf) = vrcp.f32 v16;
	v16 =	vimm.s32 $0x7F;
	v1 =	vadd.f32 v4, v1;
	v4 =	vld [tilespmem:$0x1EFC0]  }
0x4ba: {  	v17 =	vld [tilespmem:$0x1FE10]  }
0x4bb: {  	v18 =	vld.idx.msk [tilespmem:v18+s0+$0x0], $0xffff  }
0x4bc: {  	v7 =	vld [tilespmem:$0x1EFD0]  }
0x4bd: {  	v6 =	vld.idx.msk [tilespmem:v6+s0+$0x0], $0xffff  }
0x4be: {  	v16 =	vld.idx.msk [tilespmem:v16+s0+$0x0], $0xffff;
	v4 =	vmul.f32 v5, v4  }
0x4bf: {  	v3 =	vmul.f32 v3, v15;
	v11 =	vmul.f32 v8, v17;
	v8 =	vld [tilespmem:$0x1FE20]  }
0x4c0: {  	v13 =	vmul.f32 v18, v0;
	v1 =	vadd.f32 v4, v1;
	v4 =	vld [tilespmem:$0x1EFE0]  }
0x4c1: {  	v2 =	vadd.f32 v3, v2;
	v3 =	vld [tilespmem:$0x1F4A0]  }
0x4c2: {  	v5 =	vadd.f32 v13, v6;
	v6 =	vmul.f32 v20, v32;
	v20 =	vld [tilespmem:$0x1FB30];
	_ =	sdelay $0x1  }
0x4c3: {  	v11 =	vadd.f32 v11, v8  }
0x4c4: {  	v4 =	vmul.f32 v5, v4;
	v5 =	vadd.f32 v6, v16;
	v16 =	vld [tilespmem:$0x1F850];
	_ =	sdelay $0x1  }
0x4c5: {  	v13 =	vadd.f32 v7, v20;
	v3 =	vmul.f32 v11, v3;
	v7 =	vld [tilespmem:$0x1EFF0]  }
0x4c6: {  	v11 =	vpop (erf)  }
0x4c7: {  	v2 =	vadd.f32 v3, v2;
	v6 =	vpop (erf);
	v3 =	vmul.f32 v5, v13;
	v5 =	vld [tilespmem:$0x1FDA0]  }
0x4c8: {  	v6 =	vmul.f32 v6, v16;
	v16 =	vimm.s32 $0x81  }
0x4c9: {  	v2 =	vmul.f32 v2, v11;
	v11 =	vld [tilespmem:$0x1FE40]  }
0x4ca: {  	v15 =	vmul.f32 v33, v7  }
0x4cb: {  	v1 =	vadd.f32 v4, v1  }
0x4cc: {  	v4 =	vimm.s32 $0x118;
	v20 =	vpop (erf);
	v5 =	vadd.f32 v15, v5  }
0x4cd: {  	v1 =	vadd.f32 v3, v1;
	v3 =	vpop (erf);
	v16 =	vld.idx.msk [tilespmem:v16+s0+$0x0], $0xffff  }
0x4ce: {  	v6 =	vmul.f32 v11, v6;
	v3 =	vmul.f32 v3, v5;
	v5 =	vimm.s32 $0x178  }
0x4cf: {  	v15 =	vld [tilespmem:$0x1FF70]  }
0x4d0: {  	v2 =	vadd.f32 v2, v6;
	v6 =	vimm.s32 $0x20  }
0x4d1: {  	v4 =	vld.idx.msk [tilespmem:v4+s0+$0x0], $0xffff  }
0x4d2: {  	v1 =	vmul.f32 v1, v20;
	v11 =	vld.msk [tilespmem:s0+$0x0], $0xffff;
	v3 =	vmul.f32 v16, v3  }
0x4d3: {  	v5 =	vld.idx.msk [tilespmem:v5+s0+$0x0], $0xffff  }
0x4d4: {  	v33 =	vimm.s32 $0x119;
	v2 =	vadd.f32 v2, v15;
	v16 =	vld [tilespmem:$0x1FF40];
	v1 =	vadd.f32 v1, v3  }
0x4d5: {  	v6 =	vld.idx.msk [tilespmem:v6+s0+$0x0], $0xffff  }
0x4d6: {  	v15 =	vimm.s32 $0x1;
	v1 =	vadd.f32 v1, v2;
	v2 =	vld [tilespmem:$0x1F000]  }
0x4d7: {  	v4 =	vmul.f32 v4, v37;
	_ =	sdelay $0x1  }
0x4d8: {  	v13 =	vld.idx.msk [tilespmem:v33+s0+$0x0], $0xffff;
	v3 =	vadd.f32 v4, v11;
	v4 =	vimm.s32 $0x179;
	v5 =	vmul.f32 v5, v16;
	_ =	sdelay $0x1  }
0x4d9: {  	v15 =	vld.idx.msk [tilespmem:v15+s0+$0x0], $0xffff;
	v5 =	vadd.f32 v5, v6;
	v2 =	vmul.f32 v3, v2;
	v3 =	vimm.s32 $0x21  }
0x4da: {  	v11 =	vimm.s32 $0x11A  }
0x4db: {  	v5 =	vmul.f32 v5, v37;
	v37 =	vimm.s32 $0x17A;
	v1 =	vadd.f32 v1, v2  }
0x4dc: {  	v4 =	vld.idx.msk [tilespmem:v4+s0+$0x0], $0xffff;
	v6 =	vmul.f32 v13, v39;
	v2 =	vimm.s32 $0x2  }
0x4dd: {  	v1 =	vadd.f32 v5, v1;
	v5 =	vld [tilespmem:$0x1F010]  }
0x4de: {  	v6 =	vadd.f32 v6, v15;
	v15 =	vimm.s32 $0x22;
	v3 =	vld.idx.msk [tilespmem:v3+s0+$0x0], $0xffff  }
0x4df: {  	v11 =	vld.idx.msk [tilespmem:v11+s0+$0x0], $0xffff  }
0x4e0: {  	v13 =	vld.idx.msk [tilespmem:v37+s0+$0x0], $0xffff  }
0x4e1: {  	v4 =	vmul.f32 v4, v16;
	v2 =	vld.idx.msk [tilespmem:v2+s0+$0x0], $0xffff  }
0x4e2: {  	v7 =	vld [tilespmem:$0x1F020]  }
0x4e3: {  	v15 =	vld.idx.msk [tilespmem:v15+s0+$0x0], $0xffff;
	v5 =	vmul.f32 v6, v5;
	v3 =	vadd.f32 v4, v3  }
0x4e4: {  	v6 =	vmul.f32 v11, v55;
	v4 =	vimm.s32 $0x11B  }
0x4e5: {  	v11 =	vimm.s32 $0x17B;
	v1 =	vadd.f32 v5, v1;
	v3 =	vmul.f32 v3, v39  }
0x4e6: {  	v5 =	vimm.s32 $0x3;
	v2 =	vadd.f32 v6, v2;
	v6 =	vmul.f32 v13, v16  }
0x4e7: {  	v1 =	vadd.f32 v3, v1  }
0x4e8: {  	v3 =	vimm.s32 $0x23;
	v2 =	vmul.f32 v2, v7;
	v6 =	vadd.f32 v6, v15  }
0x4e9: {  	v4 =	vld.idx.msk [tilespmem:v4+s0+$0x0], $0xffff  }
0x4ea: {  	v11 =	vld.idx.msk [tilespmem:v11+s0+$0x0], $0xffff;
	v1 =	vadd.f32 v2, v1;
	v2 =	vmul.f32 v6, v55  }
0x4eb: {  	v5 =	vld.idx.msk [tilespmem:v5+s0+$0x0], $0xffff  }
0x4ec: {  	v1 =	vadd.f32 v2, v1;
	v2 =	vld [tilespmem:$0x1F030]  }
0x4ed: {  	v3 =	vld.idx.msk [tilespmem:v3+s0+$0x0], $0xffff  }
0x4ee: {  	v20 =	vimm.s32 $0x11C;
	v4 =	vmul.f32 v4, v58  }
0x4ef: {  	v15 =	vimm.s32 $0x4  }
0x4f0: {  	v6 =	vmul.f32 v11, v16;
	v4 =	vadd.f32 v4, v5;
	v5 =	vimm.s32 $0x17C;
	_ =	sdelay $0x1  }
0x4f1: {  	v2 =	vmul.f32 v4, v2;
	v4 =	vimm.s32 $0x24;
	v3 =	vadd.f32 v6, v3  }
0x4f2: {  	v13 =	vld.idx.msk [tilespmem:v20+s0+$0x0], $0xffff;
	v11 =	vimm.s32 $0x11D  }
0x4f3: {  	v15 =	vld.idx.msk [tilespmem:v15+s0+$0x0], $0xffff;
	v1 =	vadd.f32 v2, v1;
	v3 =	vmul.f32 v3, v58  }
0x4f4: {  	v5 =	vld.idx.msk [tilespmem:v5+s0+$0x0], $0xffff  }
0x4f5: {  	v1 =	vadd.f32 v3, v1;
	v3 =	vld [tilespmem:$0x1F040]  }
0x4f6: {  	v4 =	vld.idx.msk [tilespmem:v4+s0+$0x0], $0xffff  }
0x4f7: {  	v33 =	vimm.s32 $0x17D;
	v6 =	vmul.f32 v13, v59;
	v11 =	vld.idx.msk [tilespmem:v11+s0+$0x0], $0xffff  }
0x4f8: {  	v2 =	vimm.s32 $0x5  }
0x4f9: {  	v6 =	vadd.f32 v6, v15;
	v5 =	vmul.f32 v5, v16  }
0x4fa: {  	v15 =	vimm.s32 $0x25  }
0x4fb: {  	v3 =	vmul.f32 v6, v3;
	v4 =	vadd.f32 v5, v4;
	v5 =	vimm.s32 $0x11E  }
0x4fc: {  	v13 =	vld.idx.msk [tilespmem:v33+s0+$0x0], $0xffff;
	v6 =	vmul.f32 v11, v19;
	v11 =	vimm.s32 $0x17E  }
0x4fd: {  	v2 =	vld.idx.msk [tilespmem:v2+s0+$0x0], $0xffff;
	v1 =	vadd.f32 v3, v1;
	v3 =	vmul.f32 v4, v59;
	v4 =	vimm.s32 $0x6  }
0x4fe: {  	v7 =	vld [tilespmem:$0x1F050]  }
0x4ff: {  	v15 =	vld.idx.msk [tilespmem:v15+s0+$0x0], $0xffff;
	v1 =	vadd.f32 v3, v1;
	v3 =	vimm.s32 $0x26  }
0x500: {  	v5 =	vld.idx.msk [tilespmem:v5+s0+$0x0], $0xffff  }
0x501: {  	v11 =	vld.idx.msk [tilespmem:v11+s0+$0x0], $0xffff  }
0x502: {  	v2 =	vadd.f32 v6, v2;
	v6 =	vmul.f32 v13, v16;
	v4 =	vld.idx.msk [tilespmem:v4+s0+$0x0], $0xffff;
	_ =	sdelay $0x1  }
0x503: {  	v2 =	vmul.f32 v2, v7;
	v6 =	vadd.f32 v6, v15;
	v3 =	vld.idx.msk [tilespmem:v3+s0+$0x0], $0xffff  }
0x504: {  	v37 =	vimm.s32 $0x11F;
	v5 =	vmul.f32 v5, v40  }
0x505: {  	v15 =	vimm.s32 $0x7;
	v1 =	vadd.f32 v2, v1;
	v2 =	vmul.f32 v6, v19  }
0x506: {  	v6 =	vmul.f32 v11, v16;
	v4 =	vadd.f32 v5, v4;
	v5 =	vimm.s32 $0x17F  }
0x507: {  	v1 =	vadd.f32 v2, v1  }
0x508: {  	v2 =	vmul.f32 v4, v50;
	v4 =	vimm.s32 $0x27;
	v3 =	vadd.f32 v6, v3  }
0x509: {  	v13 =	vld.idx.msk [tilespmem:v37+s0+$0x0], $0xffff;
	v11 =	vimm.s32 $0x120  }
0x50a: {  	v15 =	vld.idx.msk [tilespmem:v15+s0+$0x0], $0xffff;
	v1 =	vadd.f32 v2, v1;
	v3 =	vmul.f32 v3, v40  }
0x50b: {  	v5 =	vld.idx.msk [tilespmem:v5+s0+$0x0], $0xffff  }
0x50c: {  	v1 =	vadd.f32 v3, v1;
	v3 =	vld [tilespmem:$0x1F060]  }
0x50d: {  	v4 =	vld.idx.msk [tilespmem:v4+s0+$0x0], $0xffff  }
0x50e: {  	v39 =	vimm.s32 $0x180;
	v6 =	vmul.f32 v13, v23;
	v11 =	vld.idx.msk [tilespmem:v11+s0+$0x0], $0xffff  }
0x50f: {  	v2 =	vimm.s32 $0x8  }
0x510: {  	v6 =	vadd.f32 v6, v15;
	v5 =	vmul.f32 v5, v16  }
0x511: {  	v15 =	vimm.s32 $0x28  }
0x512: {  	v3 =	vmul.f32 v6, v3;
	v4 =	vadd.f32 v5, v4;
	v5 =	vimm.s32 $0x121  }
0x513: {  	v13 =	vld.idx.msk [tilespmem:v39+s0+$0x0], $0xffff;
	v6 =	vmul.f32 v11, v47;
	v11 =	vimm.s32 $0x181  }
0x514: {  	v2 =	vld.idx.msk [tilespmem:v2+s0+$0x0], $0xffff;
	v1 =	vadd.f32 v3, v1;
	v3 =	vmul.f32 v4, v23;
	v4 =	vimm.s32 $0x9  }
0x515: {  	v7 =	vld [tilespmem:$0x1F070]  }
0x516: {  	v15 =	vld.idx.msk [tilespmem:v15+s0+$0x0], $0xffff;
	v1 =	vadd.f32 v3, v1;
	v3 =	vimm.s32 $0x29  }
0x517: {  	v5 =	vld.idx.msk [tilespmem:v5+s0+$0x0], $0xffff  }
0x518: {  	v11 =	vld.idx.msk [tilespmem:v11+s0+$0x0], $0xffff  }
0x519: {  	v2 =	vadd.f32 v6, v2;
	v6 =	vmul.f32 v13, v16;
	v4 =	vld.idx.msk [tilespmem:v4+s0+$0x0], $0xffff;
	_ =	sdelay $0x1  }
0x51a: {  	v2 =	vmul.f32 v2, v7;
	v6 =	vadd.f32 v6, v15;
	v3 =	vld.idx.msk [tilespmem:v3+s0+$0x0], $0xffff  }
0x51b: {  	v40 =	vimm.s32 $0x122;
	v5 =	vmul.f32 v5, v48  }
0x51c: {  	v15 =	vimm.s32 $0xA;
	v1 =	vadd.f32 v2, v1;
	v2 =	vmul.f32 v6, v47  }
0x51d: {  	v6 =	vmul.f32 v11, v16;
	v4 =	vadd.f32 v5, v4;
	v5 =	vimm.s32 $0x182  }
0x51e: {  	v1 =	vadd.f32 v2, v1  }
0x51f: {  	v2 =	vmul.f32 v4, v51;
	v4 =	vimm.s32 $0x2A;
	v3 =	vadd.f32 v6, v3  }
0x520: {  	v13 =	vld.idx.msk [tilespmem:v40+s0+$0x0], $0xffff  }
0x521: {  	v15 =	vld.idx.msk [tilespmem:v15+s0+$0x0], $0xffff;
	v1 =	vadd.f32 v2, v1;
	v3 =	vmul.f32 v3, v48  }
0x522: {  	v5 =	vld.idx.msk [tilespmem:v5+s0+$0x0], $0xffff  }
0x523: {  	v1 =	vadd.f32 v3, v1;
	v3 =	vld [tilespmem:$0x1F080]  }
0x524: {  	v11 =	vimm.s32 $0x123;
	v4 =	vld.idx.msk [tilespmem:v4+s0+$0x0], $0xffff  }
0x525: {  	v6 =	vmul.f32 v13, v14  }
0x526: {  	v2 =	vimm.s32 $0xB  }
0x527: {  	v50 =	vimm.s32 $0x183;
	v6 =	vadd.f32 v6, v15;
	v5 =	vmul.f32 v5, v16  }
0x528: {  	v15 =	vimm.s32 $0x2B  }
0x529: {  	v11 =	vld.idx.msk [tilespmem:v11+s0+$0x0], $0xffff;
	v3 =	vmul.f32 v6, v3;
	v4 =	vadd.f32 v5, v4;
	v5 =	vimm.s32 $0x124;
	_ =	sdelay $0x1  }
0x52a: {  	v2 =	vld.idx.msk [tilespmem:v2+s0+$0x0], $0xffff;
	v1 =	vadd.f32 v3, v1;
	v3 =	vmul.f32 v4, v14;
	v4 =	vimm.s32 $0xC  }
0x52b: {  	v13 =	vld.idx.msk [tilespmem:v50+s0+$0x0], $0xffff  }
0x52c: {  	v15 =	vld.idx.msk [tilespmem:v15+s0+$0x0], $0xffff  }
0x52d: {  	v6 =	vmul.f32 v11, v41;
	v5 =	vld.idx.msk [tilespmem:v5+s0+$0x0], $0xffff;
	_ =	sdelay $0x1  }
0x52e: {  	v11 =	vimm.s32 $0x184;
	v2 =	vadd.f32 v6, v2;
	v4 =	vld.idx.msk [tilespmem:v4+s0+$0x0], $0xffff  }
0x52f: {  	v6 =	vmul.f32 v13, v16  }
0x530: {  	v1 =	vadd.f32 v3, v1;
	v3 =	vimm.s32 $0x2C;
	v2 =	vmul.f32 v2, v62  }
0x531: {  	v51 =	vimm.s32 $0x125;
	v6 =	vadd.f32 v6, v15;
	v5 =	vmul.f32 v5, v42  }
0x532: {  	v15 =	vimm.s32 $0xD;
	v1 =	vadd.f32 v2, v1  }
0x533: {  	v11 =	vld.idx.msk [tilespmem:v11+s0+$0x0], $0xffff;
	v2 =	vmul.f32 v6, v41;
	v4 =	vadd.f32 v5, v4;
	v5 =	vimm.s32 $0x185;
	_ =	sdelay $0x1  }
0x534: {  	v1 =	vadd.f32 v2, v1;
	v3 =	vld.idx.msk [tilespmem:v3+s0+$0x0], $0xffff;
	v2 =	vmul.f32 v4, v60;
	v4 =	vimm.s32 $0x2D  }
0x535: {  	v13 =	vld.idx.msk [tilespmem:v51+s0+$0x0], $0xffff  }
0x536: {  	v15 =	vld.idx.msk [tilespmem:v15+s0+$0x0], $0xffff  }
0x537: {  	v6 =	vmul.f32 v11, v16;
	v5 =	vld.idx.msk [tilespmem:v5+s0+$0x0], $0xffff;
	_ =	sdelay $0x1  }
0x538: {  	v11 =	vimm.s32 $0x126;
	v3 =	vadd.f32 v6, v3;
	v4 =	vld.idx.msk [tilespmem:v4+s0+$0x0], $0xffff  }
0x539: {  	v6 =	vmul.f32 v13, v26  }
0x53a: {  	v1 =	vadd.f32 v2, v1;
	v2 =	vimm.s32 $0xE;
	v3 =	vmul.f32 v3, v42  }
0x53b: {  	v55 =	vimm.s32 $0x186;
	v6 =	vadd.f32 v6, v15;
	v5 =	vmul.f32 v5, v16  }
0x53c: {  	v15 =	vimm.s32 $0x2E;
	v1 =	vadd.f32 v3, v1  }
0x53d: {  	v11 =	vld.idx.msk [tilespmem:v11+s0+$0x0], $0xffff;
	v3 =	vmul.f32 v6, v63;
	v4 =	vadd.f32 v5, v4;
	v5 =	vimm.s32 $0x127;
	_ =	sdelay $0x1  }
0x53e: {  	v1 =	vadd.f32 v3, v1;
	v2 =	vld.idx.msk [tilespmem:v2+s0+$0x0], $0xffff;
	v3 =	vmul.f32 v4, v26;
	v4 =	vimm.s32 $0xF  }
0x53f: {  	v13 =	vld.idx.msk [tilespmem:v55+s0+$0x0], $0xffff  }
0x540: {  	v15 =	vld.idx.msk [tilespmem:v15+s0+$0x0], $0xffff  }
0x541: {  	v6 =	vmul.f32 v11, v25;
	v11 =	vimm.s32 $0x187;
	v5 =	vld.idx.msk [tilespmem:v5+s0+$0x0], $0xffff;
	_ =	sdelay $0x1  }
0x542: {  	v2 =	vadd.f32 v6, v2;
	v4 =	vld.idx.msk [tilespmem:v4+s0+$0x0], $0xffff  }
0x543: {  	v6 =	vmul.f32 v13, v16  }
0x544: {  	v1 =	vadd.f32 v3, v1;
	v3 =	vimm.s32 $0x2F;
	v2 =	vmul.f32 v2, v61  }
0x545: {  	v58 =	vimm.s32 $0x128;
	v11 =	vld.idx.msk [tilespmem:v11+s0+$0x0], $0xffff;
	v6 =	vadd.f32 v6, v15;
	v5 =	vmul.f32 v5, v43  }
0x546: {  	v15 =	vimm.s32 $0x10;
	v1 =	vadd.f32 v2, v1  }
0x547: {  	v2 =	vmul.f32 v6, v25;
	v4 =	vadd.f32 v5, v4;
	v5 =	vimm.s32 $0x188;
	_ =	sdelay $0x1  }
0x548: {  	v1 =	vadd.f32 v2, v1;
	v3 =	vld.idx.msk [tilespmem:v3+s0+$0x0], $0xffff;
	v2 =	vmul.f32 v4, v52;
	v4 =	vimm.s32 $0x30  }
0x549: {  	v13 =	vld.idx.msk [tilespmem:v58+s0+$0x0], $0xffff;
	v6 =	vmul.f32 v11, v16;
	v11 =	vimm.s32 $0x129  }
0x54a: {  	v15 =	vld.idx.msk [tilespmem:v15+s0+$0x0], $0xffff  }
0x54b: {  	v5 =	vld.idx.msk [tilespmem:v5+s0+$0x0], $0xffff;
	_ =	sdelay $0x1  }
0x54c: {  	v3 =	vadd.f32 v6, v3;
	v4 =	vld.idx.msk [tilespmem:v4+s0+$0x0], $0xffff  }
0x54d: {  	v59 =	vimm.s32 $0x189;
	v11 =	vld.idx.msk [tilespmem:v11+s0+$0x0], $0xffff;
	v6 =	vmul.f32 v13, v29  }
0x54e: {  	v1 =	vadd.f32 v2, v1;
	v2 =	vimm.s32 $0x11;
	v3 =	vmul.f32 v3, v43  }
0x54f: {  	v6 =	vadd.f32 v6, v15;
	v5 =	vmul.f32 v5, v16  }
0x550: {  	v15 =	vimm.s32 $0x31;
	v1 =	vadd.f32 v3, v1  }
0x551: {  	v3 =	vmul.f32 v6, v54;
	v4 =	vadd.f32 v5, v4;
	v5 =	vimm.s32 $0x12A  }
0x552: {  	v13 =	vld.idx.msk [tilespmem:v59+s0+$0x0], $0xffff;
	v6 =	vmul.f32 v11, v34;
	v11 =	vimm.s32 $0x18A  }
0x553: {  	v1 =	vadd.f32 v3, v1;
	v2 =	vld.idx.msk [tilespmem:v2+s0+$0x0], $0xffff;
	v3 =	vmul.f32 v4, v29;
	v4 =	vimm.s32 $0x12  }
0x554: {  	v7 =	vld [tilespmem:$0x1F090]  }
0x555: {  	v15 =	vld.idx.msk [tilespmem:v15+s0+$0x0], $0xffff;
	v1 =	vadd.f32 v3, v1;
	v3 =	vimm.s32 $0x32  }
0x556: {  	v5 =	vld.idx.msk [tilespmem:v5+s0+$0x0], $0xffff  }
0x557: {  	v11 =	vld.idx.msk [tilespmem:v11+s0+$0x0], $0xffff  }
0x558: {  	v60 =	vimm.s32 $0x12B;
	v2 =	vadd.f32 v6, v2;
	v6 =	vmul.f32 v13, v16;
	v4 =	vld.idx.msk [tilespmem:v4+s0+$0x0], $0xffff;
	_ =	sdelay $0x1  }
0x559: {  	v2 =	vmul.f32 v2, v7;
	v6 =	vadd.f32 v6, v15;
	v15 =	vimm.s32 $0x13;
	v3 =	vld.idx.msk [tilespmem:v3+s0+$0x0], $0xffff  }
0x55a: {  	v5 =	vmul.f32 v5, v24  }
0x55b: {  	v1 =	vadd.f32 v2, v1;
	v2 =	vmul.f32 v6, v34  }
0x55c: {  	v13 =	vld.idx.msk [tilespmem:v60+s0+$0x0], $0xffff;
	v6 =	vmul.f32 v11, v16;
	v4 =	vadd.f32 v5, v4;
	v5 =	vimm.s32 $0x18B  }
0x55d: {  	v1 =	vadd.f32 v2, v1  }
0x55e: {  	v15 =	vld.idx.msk [tilespmem:v15+s0+$0x0], $0xffff;
	v2 =	vmul.f32 v4, v53;
	v4 =	vimm.s32 $0x33;
	v3 =	vadd.f32 v6, v3  }
0x55f: {  	v11 =	vimm.s32 $0x12C  }
0x560: {  	v61 =	vimm.s32 $0x18C;
	v1 =	vadd.f32 v2, v1;
	v3 =	vmul.f32 v3, v24  }
0x561: {  	v6 =	vmul.f32 v13, v31;
	v2 =	vimm.s32 $0x14;
	v5 =	vld.idx.msk [tilespmem:v5+s0+$0x0], $0xffff  }
0x562: {  	v1 =	vadd.f32 v3, v1;
	v3 =	vld [tilespmem:$0x1F0A0]  }
0x563: {  	v6 =	vadd.f32 v6, v15;
	v15 =	vimm.s32 $0x34;
	v4 =	vld.idx.msk [tilespmem:v4+s0+$0x0], $0xffff  }
0x564: {  	v11 =	vld.idx.msk [tilespmem:v11+s0+$0x0], $0xffff  }
0x565: {  	v13 =	vld.idx.msk [tilespmem:v61+s0+$0x0], $0xffff  }
0x566: {  	v2 =	vld.idx.msk [tilespmem:v2+s0+$0x0], $0xffff;
	v5 =	vmul.f32 v5, v16  }
0x567: {  	v7 =	vld [tilespmem:$0x1F0B0]  }
0x568: {  	v15 =	vld.idx.msk [tilespmem:v15+s0+$0x0], $0xffff;
	v3 =	vmul.f32 v6, v3;
	v4 =	vadd.f32 v5, v4  }
0x569: {  	v6 =	vmul.f32 v11, v36;
	v5 =	vimm.s32 $0x12D  }
0x56a: {  	v11 =	vimm.s32 $0x18D;
	v1 =	vadd.f32 v3, v1;
	v3 =	vmul.f32 v4, v31  }
0x56b: {  	v4 =	vimm.s32 $0x15;
	v2 =	vadd.f32 v6, v2;
	v6 =	vmul.f32 v13, v16  }
0x56c: {  	v1 =	vadd.f32 v3, v1  }
0x56d: {  	v3 =	vimm.s32 $0x35;
	v2 =	vmul.f32 v2, v7;
	v6 =	vadd.f32 v6, v15  }
0x56e: {  	v5 =	vld.idx.msk [tilespmem:v5+s0+$0x0], $0xffff  }
0x56f: {  	v11 =	vld.idx.msk [tilespmem:v11+s0+$0x0], $0xffff;
	v1 =	vadd.f32 v2, v1;
	v2 =	vmul.f32 v6, v36  }
0x570: {  	v4 =	vld.idx.msk [tilespmem:v4+s0+$0x0], $0xffff  }
0x571: {  	v1 =	vadd.f32 v2, v1;
	v2 =	vld [tilespmem:$0x1F0C0]  }
0x572: {  	v3 =	vld.idx.msk [tilespmem:v3+s0+$0x0], $0xffff  }
0x573: {  	v62 =	vimm.s32 $0x12E;
	v5 =	vmul.f32 v5, v35  }
0x574: {  	v15 =	vimm.s32 $0x16  }
0x575: {  	v6 =	vmul.f32 v11, v16;
	v4 =	vadd.f32 v5, v4;
	v5 =	vimm.s32 $0x18E;
	_ =	sdelay $0x1  }
0x576: {  	v2 =	vmul.f32 v4, v2;
	v4 =	vimm.s32 $0x36;
	v3 =	vadd.f32 v6, v3  }
0x577: {  	v13 =	vld.idx.msk [tilespmem:v62+s0+$0x0], $0xffff  }
0x578: {  	v15 =	vld.idx.msk [tilespmem:v15+s0+$0x0], $0xffff;
	v1 =	vadd.f32 v2, v1;
	v3 =	vmul.f32 v3, v35  }
0x579: {  	v5 =	vld.idx.msk [tilespmem:v5+s0+$0x0], $0xffff  }
0x57a: {  	v1 =	vadd.f32 v3, v1;
	v3 =	vld [tilespmem:$0x1F0D0]  }
0x57b: {  	v11 =	vimm.s32 $0x12F;
	v4 =	vld.idx.msk [tilespmem:v4+s0+$0x0], $0xffff  }
0x57c: {  	v6 =	vmul.f32 v13, v46  }
0x57d: {  	v2 =	vimm.s32 $0x17  }
0x57e: {  	v63 =	vimm.s32 $0x18F;
	v6 =	vadd.f32 v6, v15;
	v5 =	vmul.f32 v5, v16  }
0x57f: {  	v15 =	vimm.s32 $0x37  }
0x580: {  	v11 =	vld.idx.msk [tilespmem:v11+s0+$0x0], $0xffff;
	v3 =	vmul.f32 v6, v3;
	v4 =	vadd.f32 v5, v4;
	v5 =	vimm.s32 $0x130  }
0x581: {  	v8 =	vld [tilespmem:$0x1F0E0]  }
0x582: {  	v2 =	vld.idx.msk [tilespmem:v2+s0+$0x0], $0xffff;
	v1 =	vadd.f32 v3, v1;
	v3 =	vmul.f32 v4, v46;
	v4 =	vimm.s32 $0x18  }
0x583: {  	v13 =	vld.idx.msk [tilespmem:v63+s0+$0x0], $0xffff  }
0x584: {  	v15 =	vld.idx.msk [tilespmem:v15+s0+$0x0], $0xffff  }
0x585: {  	v6 =	vmul.f32 v11, v49;
	v5 =	vld.idx.msk [tilespmem:v5+s0+$0x0], $0xffff;
	_ =	sdelay $0x1  }
0x586: {  	v7 =	vimm.s32 $0x190;
	v2 =	vadd.f32 v6, v2;
	v4 =	vld.idx.msk [tilespmem:v4+s0+$0x0], $0xffff  }
0x587: {  	v6 =	vmul.f32 v13, v16  }
0x588: {  	v1 =	vadd.f32 v3, v1;
	v3 =	vimm.s32 $0x38;
	v2 =	vmul.f32 v2, v8  }
0x589: {  	v6 =	vadd.f32 v6, v15;
	v8 =	vimm.s32 $0x131;
	v5 =	vmul.f32 v5, v45  }
0x58a: {  	v11 =	vimm.s32 $0x19;
	v1 =	vadd.f32 v2, v1  }
0x58b: {  	v7 =	vld.idx.msk [tilespmem:v7+s0+$0x0], $0xffff;
	v2 =	vmul.f32 v6, v49;
	v4 =	vadd.f32 v5, v4;
	v5 =	vimm.s32 $0x191;
	_ =	sdelay $0x1  }
0x58c: {  	v1 =	vadd.f32 v2, v1;
	v3 =	vld.idx.msk [tilespmem:v3+s0+$0x0], $0xffff;
	v2 =	vmul.f32 v4, v38;
	v4 =	vimm.s32 $0x39  }
0x58d: {  	v8 =	vld.idx.msk [tilespmem:v8+s0+$0x0], $0xffff  }
0x58e: {  	v11 =	vld.idx.msk [tilespmem:v11+s0+$0x0], $0xffff  }
0x58f: {  	v6 =	vmul.f32 v7, v16;
	v5 =	vld.idx.msk [tilespmem:v5+s0+$0x0], $0xffff;
	_ =	sdelay $0x1  }
0x590: {  	v7 =	vimm.s32 $0x132;
	v3 =	vadd.f32 v6, v3;
	v4 =	vld.idx.msk [tilespmem:v4+s0+$0x0], $0xffff  }
0x591: {  	v6 =	vmul.f32 v8, v30  }
0x592: {  	v1 =	vadd.f32 v2, v1;
	v2 =	vimm.s32 $0x1A;
	v3 =	vmul.f32 v3, v45  }
0x593: {  	v8 =	vimm.s32 $0x192;
	v6 =	vadd.f32 v6, v11;
	v5 =	vmul.f32 v5, v16  }
0x594: {  	v11 =	vimm.s32 $0x3A;
	v1 =	vadd.f32 v3, v1  }
0x595: {  	v7 =	vld.idx.msk [tilespmem:v7+s0+$0x0], $0xffff;
	v3 =	vmul.f32 v6, v44;
	v4 =	vadd.f32 v5, v4;
	v5 =	vimm.s32 $0x133;
	_ =	sdelay $0x1  }
0x596: {  	v1 =	vadd.f32 v3, v1;
	v2 =	vld.idx.msk [tilespmem:v2+s0+$0x0], $0xffff;
	v3 =	vmul.f32 v4, v30;
	v4 =	vimm.s32 $0x1B  }
0x597: {  	v8 =	vld.idx.msk [tilespmem:v8+s0+$0x0], $0xffff  }
0x598: {  	v11 =	vld.idx.msk [tilespmem:v11+s0+$0x0], $0xffff  }
0x599: {  	v6 =	vmul.f32 v7, v9;
	v5 =	vld.idx.msk [tilespmem:v5+s0+$0x0], $0xffff;
	_ =	sdelay $0x1  }
0x59a: {  	v7 =	vimm.s32 $0x193;
	v2 =	vadd.f32 v6, v2;
	v4 =	vld.idx.msk [tilespmem:v4+s0+$0x0], $0xffff  }
0x59b: {  	v6 =	vmul.f32 v8, v16  }
0x59c: {  	v1 =	vadd.f32 v3, v1;
	v3 =	vimm.s32 $0x3B;
	v2 =	vmul.f32 v2, v56  }
0x59d: {  	v8 =	vimm.s32 $0x134;
	v6 =	vadd.f32 v6, v11;
	v5 =	vmul.f32 v5, v12  }
0x59e: {  	v11 =	vimm.s32 $0x1C;
	v1 =	vadd.f32 v2, v1  }
0x59f: {  	v7 =	vld.idx.msk [tilespmem:v7+s0+$0x0], $0xffff;
	v2 =	vmul.f32 v6, v9;
	v4 =	vadd.f32 v5, v4;
	v5 =	vimm.s32 $0x194;
	_ =	sdelay $0x1  }
0x5a0: {  	v1 =	vadd.f32 v2, v1;
	v3 =	vld.idx.msk [tilespmem:v3+s0+$0x0], $0xffff;
	v2 =	vmul.f32 v4, v21;
	v4 =	vimm.s32 $0x3C  }
0x5a1: {  	v8 =	vld.idx.msk [tilespmem:v8+s0+$0x0], $0xffff  }
0x5a2: {  	v11 =	vld.idx.msk [tilespmem:v11+s0+$0x0], $0xffff  }
0x5a3: {  	v6 =	vmul.f32 v7, v16;
	v5 =	vld.idx.msk [tilespmem:v5+s0+$0x0], $0xffff;
	_ =	sdelay $0x1  }
0x5a4: {  	v3 =	vadd.f32 v6, v3;
	v4 =	vld.idx.msk [tilespmem:v4+s0+$0x0], $0xffff  }
0x5a5: {  	v6 =	vmul.f32 v8, v10  }
0x5a6: {  	v7 =	vimm.s32 $0x135;
	v1 =	vadd.f32 v2, v1;
	v3 =	vmul.f32 v3, v12  }
0x5a7: {  	v8 =	vimm.s32 $0x195;
	v6 =	vadd.f32 v6, v11;
	v5 =	vmul.f32 v5, v16  }
0x5a8: {  	v2 =	vimm.s32 $0x1D;
	v1 =	vadd.f32 v3, v1  }
0x5a9: {  	v3 =	vmul.f32 v6, v28;
	v4 =	vadd.f32 v5, v4;
	v5 =	vimm.s32 $0x136  }
0x5aa: {  	v9 =	vimm.s32 $0x3D  }
0x5ab: {  	v7 =	vld.idx.msk [tilespmem:v7+s0+$0x0], $0xffff;
	v1 =	vadd.f32 v3, v1;
	v3 =	vmul.f32 v4, v10;
	v4 =	vimm.s32 $0x1E  }
0x5ac: {  	v8 =	vld.idx.msk [tilespmem:v8+s0+$0x0], $0xffff  }
0x5ad: {  	v2 =	vld.idx.msk [tilespmem:v2+s0+$0x0], $0xffff  }
0x5ae: {  	v5 =	vld.idx.msk [tilespmem:v5+s0+$0x0], $0xffff  }
0x5af: {  	v9 =	vld.idx.msk [tilespmem:v9+s0+$0x0], $0xffff  }
0x5b0: {  	v6 =	vmul.f32 v7, v57;
	v4 =	vld.idx.msk [tilespmem:v4+s0+$0x0], $0xffff  }
0x5b1: {  	v7 =	vimm.s32 $0x196  }
0x5b2: {  	v2 =	vadd.f32 v6, v2;
	v6 =	vmul.f32 v8, v16;
	v8 =	vimm.s32 $0x137  }
0x5b3: {  	v1 =	vadd.f32 v3, v1;
	v3 =	vimm.s32 $0x3E;
	v5 =	vmul.f32 v5, v27  }
0x5b4: {  	v6 =	vadd.f32 v6, v9;
	v9 =	vimm.s32 $0x1F  }
0x5b5: {  	v4 =	vadd.f32 v5, v4;
	v5 =	vimm.s32 $0x197  }
0x5b6: {  	v7 =	vld.idx.msk [tilespmem:v7+s0+$0x0], $0xffff  }
0x5b7: {  	v8 =	vld.idx.msk [tilespmem:v8+s0+$0x0], $0xffff  }
0x5b8: {  	v2 =	vmul.f32 v2, v22;
	v3 =	vld.idx.msk [tilespmem:v3+s0+$0x0], $0xffff  }
0x5b9: {  	v9 =	vld.idx.msk [tilespmem:v9+s0+$0x0], $0xffff  }
0x5ba: {  	v1 =	vadd.f32 v2, v1;
	v2 =	vmul.f32 v6, v57;
	v5 =	vld.idx.msk [tilespmem:v5+s0+$0x0], $0xffff  }
0x5bb: {  	v6 =	vmul.f32 v7, v16  }
0x5bc: {  	v1 =	vadd.f32 v2, v1;
	v0 =	vmul.f32 v4, v0  }
0x5bd: {  	v2 =	vimm.s32 $0x3F;
	v3 =	vadd.f32 v6, v3;
	v4 =	vmul.f32 v8, v17  }
0x5be: {  	v0 =	vadd.f32 v0, v1  }
0x5bf: {  	v1 =	vmul.f32 v3, v27;
	v3 =	vadd.f32 v4, v9;
	v4 =	vmul.f32 v5, v16;
	v5 =	vld [tilespmem:$0x1FFD0];
	_ =	sdelay $0x1  }
0x5c0: {  	v6 =	vimm.s32 $0x82  }
0x5c1: {  	v2 =	vld.idx.msk [tilespmem:v2+s0+$0x0], $0xffff  }
0x5c2: {  	v0 =	vadd.f32 v1, v0;
	v1 =	vmul.f32 v3, v32;
	v3 =	vld [tilespmem:$0x1FF80];
	_ =	sdelay $0x2  }
0x5c3: {  	v6 =	vld.idx.msk [tilespmem:v6+s0+$0x0], $0xffff  }
0x5c4: {  	v2 =	vadd.f32 v4, v2;
	v5 =	vld.idx.msk [tilespmem:v5+s17+$0x0], $0xffff  }
0x5c5: {  	v4 =	vimm.s32 $0x83  }
0x5c6: {  	v0 =	vadd.f32 v1, v0;
	v1 =	vmul.f32 v2, v17;
	v2 =	vld [tilespmem:$0x1FF90];
	_ =	sdelay $0x1  }
0x5c7: {  	v7 =	vimm.s32 $0x84;
	v3 =	vld.idx.msk [tilespmem:v3+s17+$0x0], $0xffff  }
0x5c8: {  	v0 =	vadd.f32 v1, v0;
	v1 =	vmul.f32 v6, v5;
	v5 =	vld [tilespmem:$0x1FFA0]  }
0x5c9: {  	v4 =	vld.idx.msk [tilespmem:v4+s0+$0x0], $0xffff  }
0x5ca: {  	v6 =	vimm.s32 $0x85;
	_ =	sdelay $0x1  }
0x5cb: {  	v7 =	vld.idx.msk [tilespmem:v7+s0+$0x0], $0xffff  }
0x5cc: {  	v2 =	vld.idx.msk [tilespmem:v2+s17+$0x0], $0xffff  }
0x5cd: {  	v0 =	vadd.f32 v0, v1;
	v1 =	vmul.f32 v4, v3;
	v3 =	vld [tilespmem:$0x1FFB0]  }
0x5ce: {  	v4 =	vimm.s32 $0x86;
	v6 =	vld.idx.msk [tilespmem:v6+s0+$0x0], $0xffff  }
0x5cf: {  	v5 =	vld.idx.msk [tilespmem:v5+s17+$0x0], $0xffff;
	_ =	sdelay $0x1  }
0x5d0: {  	v0 =	vadd.f32 v1, v0;
	v1 =	vmul.f32 v7, v2;
	v2 =	vld [tilespmem:$0x1FFC0];
	_ =	sdelay $0x1  }
0x5d1: {  	v7 =	vimm.s32 $0x87;
	v4 =	vld.idx.msk [tilespmem:v4+s0+$0x0], $0xffff  }
0x5d2: {  	v0 =	vadd.f32 v1, v0;
	v1 =	vmul.f32 v6, v5;
	v5 =	vld [tilespmem:$0x1FFE0]  }
0x5d3: {  	v3 =	vld.idx.msk [tilespmem:v3+s17+$0x0], $0xffff  }
0x5d4: {  	v6 =	vimm.s32 $0x88;
	_ =	sdelay $0x1  }
0x5d5: {  	v7 =	vld.idx.msk [tilespmem:v7+s0+$0x0], $0xffff  }
0x5d6: {  	v2 =	vld.idx.msk [tilespmem:v2+s17+$0x0], $0xffff  }
0x5d7: {  	v0 =	vadd.f32 v1, v0;
	v1 =	vmul.f32 v4, v3;
	v3 =	vld [tilespmem:$0x1F2E0]  }
0x5d8: {  	v4 =	vimm.s32 $0x89;
	v6 =	vld.idx.msk [tilespmem:v6+s0+$0x0], $0xffff  }
0x5d9: {  	v5 =	vld.idx.msk [tilespmem:v5+s17+$0x0], $0xffff;
	_ =	sdelay $0x1  }
0x5da: {  	v0 =	vadd.f32 v1, v0;
	v1 =	vmul.f32 v7, v2;
	v2 =	vld [tilespmem:$0x1F320];
	_ =	sdelay $0x1  }
0x5db: {  	v7 =	vimm.s32 $0x8A;
	v4 =	vld.idx.msk [tilespmem:v4+s0+$0x0], $0xffff  }
0x5dc: {  	v0 =	vadd.f32 v1, v0;
	v1 =	vmul.f32 v6, v5;
	v5 =	vld [tilespmem:$0x1F360]  }
0x5dd: {  	v3 =	vld.idx.msk [tilespmem:v3+s17+$0x0], $0xffff  }
0x5de: {  	v6 =	vimm.s32 $0x8B;
	_ =	sdelay $0x1  }
0x5df: {  	v7 =	vld.idx.msk [tilespmem:v7+s0+$0x0], $0xffff  }
0x5e0: {  	v2 =	vld.idx.msk [tilespmem:v2+s17+$0x0], $0xffff  }
0x5e1: {  	v0 =	vadd.f32 v1, v0;
	v1 =	vmul.f32 v4, v3;
	v3 =	vld [tilespmem:$0x1F3A0]  }
0x5e2: {  	v4 =	vimm.s32 $0x8C;
	v6 =	vld.idx.msk [tilespmem:v6+s0+$0x0], $0xffff  }
0x5e3: {  	v5 =	vld.idx.msk [tilespmem:v5+s17+$0x0], $0xffff;
	_ =	sdelay $0x1  }
0x5e4: {  	v0 =	vadd.f32 v1, v0;
	v1 =	vmul.f32 v7, v2;
	v2 =	vld [tilespmem:$0x1F3E0];
	_ =	sdelay $0x1  }
0x5e5: {  	v7 =	vimm.s32 $0x8D;
	v4 =	vld.idx.msk [tilespmem:v4+s0+$0x0], $0xffff  }
0x5e6: {  	v0 =	vadd.f32 v1, v0;
	v1 =	vmul.f32 v6, v5;
	v5 =	vld [tilespmem:$0x1F420]  }
0x5e7: {  	v3 =	vld.idx.msk [tilespmem:v3+s17+$0x0], $0xffff  }
0x5e8: {  	v6 =	vimm.s32 $0x8E;
	_ =	sdelay $0x1  }
0x5e9: {  	v7 =	vld.idx.msk [tilespmem:v7+s0+$0x0], $0xffff  }
0x5ea: {  	v2 =	vld.idx.msk [tilespmem:v2+s17+$0x0], $0xffff  }
0x5eb: {  	v0 =	vadd.f32 v1, v0;
	v1 =	vmul.f32 v4, v3;
	v3 =	vld [tilespmem:$0x1F460]  }
0x5ec: {  	v4 =	vimm.s32 $0x8F;
	v6 =	vld.idx.msk [tilespmem:v6+s0+$0x0], $0xffff  }
0x5ed: {  	v5 =	vld.idx.msk [tilespmem:v5+s17+$0x0], $0xffff;
	_ =	sdelay $0x1  }
0x5ee: {  	v0 =	vadd.f32 v1, v0;
	v1 =	vmul.f32 v7, v2;
	v2 =	vld [tilespmem:$0x1F4C0];
	_ =	sdelay $0x1  }
0x5ef: {  	v7 =	vimm.s32 $0x90;
	v4 =	vld.idx.msk [tilespmem:v4+s0+$0x0], $0xffff  }
0x5f0: {  	v0 =	vadd.f32 v1, v0;
	v1 =	vmul.f32 v6, v5;
	v5 =	vld [tilespmem:$0x1F520]  }
0x5f1: {  	v3 =	vld.idx.msk [tilespmem:v3+s17+$0x0], $0xffff  }
0x5f2: {  	v6 =	vimm.s32 $0x91;
	_ =	sdelay $0x1  }
0x5f3: {  	v7 =	vld.idx.msk [tilespmem:v7+s0+$0x0], $0xffff  }
0x5f4: {  	v2 =	vld.idx.msk [tilespmem:v2+s17+$0x0], $0xffff  }
0x5f5: {  	v0 =	vadd.f32 v1, v0;
	v1 =	vmul.f32 v4, v3;
	v3 =	vld [tilespmem:$0x1F580]  }
0x5f6: {  	v6 =	vld.idx.msk [tilespmem:v6+s0+$0x0], $0xffff  }
0x5f7: {  	v5 =	vld.idx.msk [tilespmem:v5+s17+$0x0], $0xffff  }
0x5f8: {  	v4 =	vimm.s32 $0x92;
	_ =	sdelay $0x1  }
0x5f9: {  	v0 =	vadd.f32 v1, v0;
	v1 =	vmul.f32 v7, v2;
	_ =	sdelay $0x1  }
0x5fa: {  	v0 =	vadd.f32 v1, v0;
	v1 =	vmul.f32 v6, v5  }
0x5fb: {  	v4 =	vld.idx.msk [tilespmem:v4+s0+$0x0], $0xffff  }
0x5fc: {  	v3 =	vld.idx.msk [tilespmem:v3+s17+$0x0], $0xffff;
	v1 =	vadd.f32 v1, v0;
	v0 =	vimm.s32 $0x94;
	_ =	sdelay $0x1  }
0x5fd: {  	v2 =	vld [tilespmem:$0x1F620];
	_ =	sdelay $0x1  }
0x5fe: {  	v6 =	vld [tilespmem:$0x1F6B0]  }
0x5ff: {  	v3 =	vmul.f32 v4, v3;
	v4 =	vld.idx.msk [tilespmem:v0+s0+$0x0], $0xffff  }
0x600: {  	v5 =	vimm.s32 $0x93;
	v0 =	vld [tilespmem:$0x1F750];
	_ =	sdelay $0x3  }
0x601: {  	v2 =	vld.idx.msk [tilespmem:v2+s17+$0x0], $0xffff;
	v1 =	vadd.f32 v3, v1;
	v3 =	vimm.s32 $0x95  }
0x602: {  	v5 =	vld.idx.msk [tilespmem:v5+s0+$0x0], $0xffff;
	_ =	sdelay $0x1  }
0x603: {  	v9 =	vlaneseq.u32;
	v6 =	vld.idx.msk [tilespmem:v6+s17+$0x0], $0xffff  }
0x604: {  	s29 =	simm.s32 $0x0;
	v7 =	vld.idx.msk [tilespmem:v0+s17+$0x0], $0xffff;
	v0 =	vmul.u32 $0x80, v9  }
0x605: {  	v8 =	vmov s29;
	v3 =	vld.idx.msk [tilespmem:v3+s0+$0x0], $0xffff  }
0x606: {  	v8 =	vand.u32 $0x7F, v8;
	v2 =	vmul.f32 v5, v2;
	v5 =	vor.u32 s29, v0  }
0x607: {  	v8 =	vadd.s32 $0x98, v8  }
0x608: {  	v1 =	vadd.f32 v2, v1;
	v2 =	vmul.f32 v4, v6  }
0x609: {  	s4 =	simm.s32 $0x1  }
0x60a: {  	v1 =	vadd.f32 v2, v1;
	v2 =	vmul.f32 v3, v7;
	v3 =	vmov s4  }
0x60b: {  	v7 =	vor.u32 s4, v0;
	v3 =	vand.u32 $0x7F, v3;
	v5 =	vld.idx.msk [tilespmem:v5+s18+$0x0], $0xffff  }
0x60c: {  	v6 =	vld.idx.msk [tilespmem:v8+s0+$0x0], $0xffff;
	v8 =	vadd.s32 $0x98, v3  }
0x60d: {  	s29 =	simm.s32 $0x2;
	v4 =	vadd.f32 v2, v1  }
.LBB2_7:
0x60e: {  	p0 =	sne.s32 s29, $0x7F  }
.Ltmp2:
0x60f: {  	s4 =	smov.u32 s29;
	(pc) =	sbr.rel @p0 .LBB2_7-.Ltmp2, $4  }
0x610: {  	s29 =	sadd.s32 $0x1, s29;
	v1 =	vmov s4;
	v2 =	vmov v5;
	v5 =	vld.idx.msk [tilespmem:v7+s18+$0x0], $0xffff  }
0x611: {  	v7 =	vor.u32 s4, v0;
	v1 =	vand.u32 $0x7F, v1;
	v2 =	vmul.f32 v6, v2;
	v6 =	vld.idx.msk [tilespmem:v8+s0+$0x0], $0xffff  }
0x612: {  	v8 =	vadd.s32 $0x98, v1  }
0x613: {  	v4 =	vadd.f32 v2, v4  }
0x614: {  	_ = 	snop  }
0x615: {  	v0 =	vmul.u32 $0x10, v9;
	v3 =	vimm.s32 $0x96;
	_ =	sdelay $0x2  }
0x616: {  	v1 =	vld.idx.msk [tilespmem:v7+s18+$0x0], $0xffff;
	v62 =	vimm.s32 $0x97  }
0x617: {  	v2 =	vld.idx.msk [tilespmem:v8+s0+$0x0], $0xffff  }
0x618: {  	v3 =	vld.idx.msk [tilespmem:v3+s0+$0x0], $0xffff  }
0x619: {  	v0 =	vld.idx.msk [tilespmem:v0+s19+$0x0], $0xffff  }
0x61a: {  	v5 =	vmul.f32 v6, v5  }
0x61b: {  	v6 =	vld.idx.msk [tilespmem:v62+s0+$0x0], $0xffff  }
0x61c: {  	v4 =	vadd.f32 v5, v4;
	v1 =	vmul.f32 v2, v1;
	_ =	sdelay $0x1  }
0x61d: {  	v1 =	vadd.f32 v1, v4;
	v0 =	vmul.f32 v3, v0;
	_ =	sdelay $0x1  }
0x61e: {  	v63 =	vmul.f32 v6, v16;
	v0 =	vadd.f32 v0, v1;
	_ =	sdelay $0x1  }
0x61f: {  	v0 =	vadd.f32 v63, v0;
	_ =	sdelay $0x1  }
0x620: {  	v0 =	vsub.f32 $0.0e+00, v0;
	_ =	sdelay $0x1  }
0x621: {  	v0 =	vmul.f32 $1.442695020e+00, v0;
	_ =	sdelay $0x1  }
0x622: {  	(erf) = vpow2.f32 v0;
	_ =	sdelay $0x8  }
0x623: {  	v0 =	vpop (erf)  }
0x624: {  	v0 =	vadd.f32 $1.000000000e+00, v0;
	_ =	sdelay $0x1  }
0x625: {  	(erf) = vrcp.f32 v0;
	_ =	sdelay $0x3  }
0x626: {  	s23 =	sadd.s32 $0x1, s23  }
0x627: {  	p0 =	sne.s32 s23, $0x20  }
.Ltmp3:
0x628: {  	_ = 	snop;
	(pc) =	sbr.rel @p0 .LBB2_2-.Ltmp3, $3  }
0x629: {  	_ =	sdelay $0x1  }
0x62a: {  	v0 =	vpop (erf)  }
0x62b: {  	v48 =	vld [tilespmem:$0x1FFF0];
	v49 =	vimm.f32 $1.000000000e+00;
	[tilespmem:s26+$0x7A8] =	vst v0  }
0x62c: {  	s23 =	simm.s32 $0x0;
	s4 =	rddreg [dreg:$0xa];
	s26 =	simm.s32 $0x7A8  }
0x62d: {  	[hbm4b:s4+s23] =	stream.linear.scatter [tilespmem:s26], [sflag:$0x3], $0x200, $0x38;
	[tilespmem:$0x128A8] =	vst v63  }
0x62e: {  	s26 =	simm.s32 $0x3  }
0x62f: {  	_ =	swait.ge [sflag:s26], $0x200  }
0x630: {  	s29 =	rddreg [dreg:$0xe]  }
0x631: {  	s4 =	rddreg [dreg:$0xd];
	s29 =	sadd.s32 $0x1, s29  }
0x632: {  	p0 =	sne.s32 s29, s4  }
.Ltmp4:
0x633: {  	_ = 	snop;
	(pc) =	sbr.rel @p0 .LBB2_1-.Ltmp4, $3  }
0x634: {  	_ =	sdelay $0x1  }
0x635: {  	[sflag:s26] =	ssyncset.done $0x0  }
0x636: {  	[sflag:s26] =	ssyncadd.s32 $0xFFFFFE00  }
0x637: {  	_ =	sfence.sel $0x180000  }
0x638: {  	[bflag:$0x0] =	sbarrier.arrive $0xFFFF  }
0x639: {  	_ =	strace $0x90000047  }
0x63a: {  	s0 =	stileid.u32;
	[bflag:$0x2] =	sbarrier.arrive $0xFFFF  }
0x63b: {  	p0 =	sne.s32 s0, $0x0;
	s0 =	rddreg [dreg:$0x7]  }
0x63c: {  	s0 =	sadd.s32 @!p0 $0x100000, s0  }
0x63d: {  	[sflag:s0] =	ssyncadd.tile.s32 @!p0 $0x1;
	_ =	shalt  }
.Lfunc_end2:
_tile_overlayer_lowered:
.L_overlay_start_2:
0x63e: {  	(tag) =	ssettag $0x2  }
0x63f: {  	s0 =	rddreg [dreg:$0x0];
	s2 =	stileid.u32  }
0x640: {  	s1 =	rddreg [dreg:$0x1];
	p0 =	sne.s32 s2, $0x0  }
0x641: {  	s3 =	rddreg [dreg:$0x2];
	[bflag:$0x3] =	sbarrier.arrive $0xFFFF;
	s2 =	simm.s32 @!p0 $0x1C03  }
0x642: {  	[timem:s3], [sflag:s2] =	dma.local @!p0 [hbm:s0], s1  }
0x643: {  	s0 =	simm.s32 @!p0 $0x3  }
0x644: {  	_ =	swait.ge @!p0 [sflag:s0], s1  }
0x645: {  	s1 =	ssub.s32 @!p0 $0x0, s1;
	[sflag:s0] =	ssyncset.done @!p0 $0x0  }
0x646: {  	[sflag:s0] =	ssyncadd.s32 @!p0 s1  }
0x647: {  	[bflag:$0x3] =	sbarrier.arrive $0xFFFF  }
0x648: {  	_ =	shalt  }

</sc_bundles>
